<compile_context>
chip_gen: v7x
topology: tpu7x:2x2x1
jax: 0.10.2.dev20260603
libtpu: 0.0.44.dev20260713+nightly
codegen_flags: <defaults>
</compile_context>

<pallas_src>
import functools

import jax
import jax.numpy as jnp
from jax.experimental import pallas as pl

_N = 10000
_BLK = 1000


def _dense_body(h_ref, w_ref, asrc_ref, adst_ref, b_ref, xw_ref, as_ref, ad_ref,
                *, heads, out_ch, elu_in):
    h = h_ref[...]
    if elu_in:
        h = h + b_ref[...][None, :]
        h = jnp.where(h > 0, h, jnp.exp(jnp.minimum(h, 0.0)) - 1.0)
    xw = jnp.dot(h, w_ref[...], preferred_element_type=jnp.float32)
    xw_ref[...] = xw
    xwr = xw.reshape(xw.shape[0], heads, out_ch)
    as_ref[...] = (xwr * asrc_ref[...][None]).sum(-1)
    ad_ref[...] = (xwr * adst_ref[...][None]).sum(-1)


def _dense_stage(h, W, a_src, a_dst, b_prev, heads, out_ch, elu_in):
    n, f = h.shape
    o = W.shape[1]
    grid = n // _BLK
    body = functools.partial(_dense_body, heads=heads, out_ch=out_ch,
                             elu_in=elu_in)
    return pl.pallas_call(
        body,
        grid=(grid,),
        in_specs=[
            pl.BlockSpec((_BLK, f), lambda i: (i, 0)),
            pl.BlockSpec((f, o), lambda i: (0, 0)),
            pl.BlockSpec((heads, out_ch), lambda i: (0, 0)),
            pl.BlockSpec((heads, out_ch), lambda i: (0, 0)),
            pl.BlockSpec((f,), lambda i: (0,)),
        ],
        out_specs=[
            pl.BlockSpec((_BLK, o), lambda i: (i, 0)),
            pl.BlockSpec((_BLK, heads), lambda i: (i, 0)),
            pl.BlockSpec((_BLK, heads), lambda i: (i, 0)),
        ],
        out_shape=[
            jax.ShapeDtypeStruct((n, o), jnp.float32),
            jax.ShapeDtypeStruct((n, heads), jnp.float32),
            jax.ShapeDtypeStruct((n, heads), jnp.float32),
        ],
    )(h, W, a_src.reshape(heads, out_ch), a_dst.reshape(heads, out_ch),
      b_prev)


_BM = 1000
_BK = 1024
_NPAD = 10240


def _agg_body(m_ref, v_ref, o_ref):
    k = pl.program_id(2)

    @pl.when(k == 0)
    def _():
        o_ref[...] = jnp.zeros_like(o_ref)

    o_ref[0] += jnp.dot(m_ref[0], v_ref[0],
                        preferred_element_type=jnp.float32)


def _agg_matmul(M, v):
    h, n, npad = M.shape
    c = v.shape[2]
    return pl.pallas_call(
        _agg_body,
        grid=(h, n // _BM, npad // _BK),
        in_specs=[
            pl.BlockSpec((1, _BM, _BK), lambda a, i, k: (a, i, k)),
            pl.BlockSpec((1, _BK, c), lambda a, i, k: (a, k, 0)),
        ],
        out_specs=pl.BlockSpec((1, _BM, c), lambda a, i, k: (a, i, 0)),
        out_shape=jax.ShapeDtypeStruct((h, n, c), jnp.float32),
    )(M, v)


def _edge_stage(xw, a_s, a_d, src, dst, heads, out_ch, n):
    alpha = a_s[src] + a_d[dst]
    alpha = jnp.where(alpha > 0, alpha, 0.2 * alpha)
    ex = jnp.exp(alpha)
    denom = jax.ops.segment_sum(ex, dst, num_segments=n)
    M = jnp.stack([
        jnp.zeros((n, _NPAD), jnp.float32).at[dst, src].add(ex[:, h])
        for h in range(heads)
    ])
    v = xw.reshape(n, heads, out_ch).transpose(1, 0, 2)
    v = jnp.pad(v, ((0, 0), (0, _NPAD - n), (0, 0)))
    agg = _agg_matmul(M, v).transpose(1, 0, 2)
    out = agg / (denom[:, :, None] + 1e-16)
    return out.reshape(n, heads * out_ch)


def kernel(x, edge_index, W1, a_src1, a_dst1, b1, W2, a_src2, a_dst2, b2):
    n = x.shape[0]
    loop = jnp.arange(n, dtype=jnp.int32)
    src = jnp.concatenate([edge_index[0].astype(jnp.int32), loop])
    dst = jnp.concatenate([edge_index[1].astype(jnp.int32), loop])

    heads1 = a_src1.shape[1]
    c1 = a_src1.shape[2]
    xw1, as1, ad1 = _dense_stage(x, W1, a_src1, a_dst1,
                                 jnp.zeros((x.shape[1],), jnp.float32),
                                 heads1, c1, elu_in=False)
    agg1 = _edge_stage(xw1, as1, ad1, src, dst, heads1, c1, n)

    heads2 = a_src2.shape[1]
    c2 = a_src2.shape[2]
    xw2, as2, ad2 = _dense_stage(agg1, W2, a_src2, a_dst2, b1,
                                 heads2, c2, elu_in=True)
    agg2 = _edge_stage(xw2, as2, ad2, src, dst, heads2, c2, n)
    return agg2.reshape(n, heads2, c2).mean(axis=1) + b2[None, :]

# --- scband reference (transcript-rebuilt; emitter-appended) ---
"""Pipeline reference for scband-gat-9998683865368 (READ-ONLY COPY).

The authoritative reference and input builder live on the scoring server;
editing this copy changes nothing except your own understanding.
"""

import jax, jax.numpy as jnp
import numpy as np

N = 10000
E = 160000
IN_CH = 256
HIDDEN = 256
HEADS = 4
OUT_CH = 256
OUT_HEADS = 1


def setup_inputs(seed: int = 0) -> dict:
    key = jax.random.key(seed)
    ks = jax.random.split(key, 12)
    x = jax.random.normal(ks[0], (N, IN_CH), dtype=jnp.float32)
    edge_index = jax.random.randint(ks[1], (2, E), 0, N, dtype=jnp.int64)
    W1 = jax.random.normal(ks[2], (IN_CH, HEADS * HIDDEN), dtype=jnp.float32) * 0.05
    a_src1 = jax.random.normal(ks[3], (1, HEADS, HIDDEN), dtype=jnp.float32) * 0.05
    a_dst1 = jax.random.normal(ks[4], (1, HEADS, HIDDEN), dtype=jnp.float32) * 0.05
    b1 = jnp.zeros((HEADS * HIDDEN,), dtype=jnp.float32)
    W2 = jax.random.normal(ks[5], (HEADS * HIDDEN, OUT_HEADS * OUT_CH), dtype=jnp.float32) * 0.05
    a_src2 = jax.random.normal(ks[6], (1, OUT_HEADS, OUT_CH), dtype=jnp.float32) * 0.05
    a_dst2 = jax.random.normal(ks[7], (1, OUT_HEADS, OUT_CH), dtype=jnp.float32) * 0.05
    b2 = jnp.zeros((OUT_CH,), dtype=jnp.float32)
    return {"x": x, "edge_index": edge_index, "W1": W1, "a_src1": a_src1, "a_dst1": a_dst1, "b1": b1, "W2": W2, "a_src2": a_src2, "a_dst2": a_dst2, "b2": b2}


def gat_conv(x, src, dst, W, a_src, a_dst, bias, heads, out_ch, concat, n):
    xw = (x @ W).reshape(-1, heads, out_ch)  # [N, H, C]
    alpha_src = (xw * a_src).sum(-1)  # [N, H]
    alpha_dst = (xw * a_dst).sum(-1)  # [N, H]
    alpha = alpha_src[src] + alpha_dst[dst]  # [E', H]
    alpha = jax.nn.leaky_relu(alpha, negative_slope=0.2)
    # segment softmax over destination nodes
    amax = jax.ops.segment_max(alpha, dst, num_segments=n)
    amax = jnp.where(jnp.isfinite(amax), amax, 0.0)
    ex = jnp.exp(alpha - amax[dst])
    denom = jax.ops.segment_sum(ex, dst, num_segments=n)
    attn = ex / (denom[dst] + 1e-16)
    # dropout p=0.0 / eval mode -> identity
    msg = xw[src] * attn[:, :, None]  # [E', H, C]
    out = jax.ops.segment_sum(msg, dst, num_segments=n)  # [N, H, C]
    if concat:
        out = out.reshape(n, heads * out_ch)
    else:
        out = out.mean(axis=1)
    return out + bias


def reference(x, edge_index, W1, a_src1, a_dst1, b1, W2, a_src2, a_dst2, b2):
    n = x.shape[0]
    # PyG GATConv adds self-loops by default
    loop = jnp.arange(n, dtype=edge_index.dtype)
    src = jnp.concatenate([edge_index[0], loop])
    dst = jnp.concatenate([edge_index[1], loop])
    # dropout(p=0.0) on features -> identity
    h = gat_conv(x, src, dst, W1, a_src1, a_dst1, b1, HEADS, HIDDEN, True, n)
    h = jax.nn.elu(h)
    out = gat_conv(h, src, dst, W2, a_src2, a_dst2, b2, OUT_HEADS, OUT_CH, False, n)
    return out

if __name__ == "__main__":
    import jax
    _d = setup_inputs()
    print(jax.jit(kernel)(*tuple(_d.values())))

</pallas_src>

<mosaic_0001>
module attributes {stable_mosaic.version = 14 : i64} {
  func.func @_dense_body(%arg0: i32, %arg1: memref<1000x256xf32, #tpu.memory_space<vmem>>, %arg2: memref<256x1024xf32, #tpu.memory_space<vmem>>, %arg3: memref<4x256xf32, #tpu.memory_space<vmem>>, %arg4: memref<4x256xf32, #tpu.memory_space<vmem>>, %arg5: memref<256xf32, #tpu.memory_space<vmem>>, %arg6: memref<1000x1024xf32, #tpu.memory_space<vmem>>, %arg7: memref<1000x4xf32, #tpu.memory_space<vmem>>, %arg8: memref<1000x4xf32, #tpu.memory_space<vmem>>) attributes {dimension_semantics = [#tpu.dimension_semantics<arbitrary>], iteration_bounds = array<i64: 10>, scalar_prefetch = 0 : i64, scratch_operands = 0 : i64, tpu.core_type = #tpu.core_type<tc>, window_params = [{transform_indices = @transform_0, window_bounds = array<i64: 1000, 256>}, {pipeline_mode = #tpu.pipeline_mode<synchronous>, transform_indices = @transform_1, window_bounds = array<i64: 256, 1024>}, {pipeline_mode = #tpu.pipeline_mode<synchronous>, transform_indices = @transform_2, window_bounds = array<i64: 4, 256>}, {pipeline_mode = #tpu.pipeline_mode<synchronous>, transform_indices = @transform_3, window_bounds = array<i64: 4, 256>}, {pipeline_mode = #tpu.pipeline_mode<synchronous>, transform_indices = @transform_4, window_bounds = array<i64: 256>}, {transform_indices = @transform_5, window_bounds = array<i64: 1000, 1024>}, {transform_indices = @transform_6, window_bounds = array<i64: 1000, 4>}, {transform_indices = @transform_7, window_bounds = array<i64: 1000, 4>}]} {
    %get3A = arith.constant 0 : index
    %get3A_0 = arith.constant 0 : index
    %get3A_1 = vector.load %arg1[%get3A, %get3A_0] : memref<1000x256xf32, #tpu.memory_space<vmem>>, vector<1000x256xf32>
    %get3A_2 = arith.constant 0 : index
    %get3A_3 = arith.constant 0 : index
    %get3A_4 = vector.load %arg2[%get3A_2, %get3A_3] : memref<256x1024xf32, #tpu.memory_space<vmem>>, vector<256x1024xf32>
    %dot_general3A = arith.constant dense<0.000000e+00> : vector<1000x1024xf32>
    %dot_general3A_5 = tpu.matmul %get3A_1, %get3A_4, %dot_general3A {dimension_numbers = #tpu.dot_dimension_numbers<[1], [0], [0], [1], [0, 0, 1, 1], [], []>, transpose_lhs_hint = false} : vector<1000x256xf32>, vector<256x1024xf32>, vector<1000x1024xf32> -> vector<1000x1024xf32>
    %swap3A = arith.constant 0 : index
    %swap3A_6 = arith.constant 0 : index
    %swap3A_7 = vector.load %arg6[%swap3A, %swap3A_6] : memref<1000x1024xf32, #tpu.memory_space<vmem>>, vector<1000x1024xf32>
    tpu.vector_store %arg6[%swap3A, %swap3A_6], %dot_general3A_5 {strides = array<i32>} : memref<1000x1024xf32, #tpu.memory_space<vmem>>, vector<1000x1024xf32>,
    %reshape3A = vector.shape_cast %dot_general3A_5 : vector<1000x1024xf32> to vector<1000x4x256xf32>
    %get3A_8 = arith.constant 0 : index
    %get3A_9 = arith.constant 0 : index
    %get3A_10 = vector.load %arg3[%get3A_8, %get3A_9] : memref<4x256xf32, #tpu.memory_space<vmem>>, vector<4x256xf32>
    %broadcast_in_dim3A = vector.shape_cast %get3A_10 : vector<4x256xf32> to vector<1x4x256xf32>
    %mul3A = vector.broadcast %broadcast_in_dim3A : vector<1x4x256xf32> to vector<1000x4x256xf32>
    %mul3A_11 = arith.mulf %reshape3A, %mul3A : vector<1000x4x256xf32>
    %reduce_sum3A = arith.constant dense<0.000000e+00> : vector<1000x4xf32>
    %reduce_sum3A_12 = vector.multi_reduction <add>, %mul3A_11, %reduce_sum3A [2] : vector<1000x4x256xf32> to vector<1000x4xf32>
    %swap3A_13 = arith.constant 0 : index
    %swap3A_14 = arith.constant 0 : index
    %swap3A_15 = vector.load %arg7[%swap3A_13, %swap3A_14] : memref<1000x4xf32, #tpu.memory_space<vmem>>, vector<1000x4xf32>
    tpu.vector_store %arg7[%swap3A_13, %swap3A_14], %reduce_sum3A_12 {strides = array<i32>} : memref<1000x4xf32, #tpu.memory_space<vmem>>, vector<1000x4xf32>,
    %get3A_16 = arith.constant 0 : index
    %get3A_17 = arith.constant 0 : index
    %get3A_18 = vector.load %arg4[%get3A_16, %get3A_17] : memref<4x256xf32, #tpu.memory_space<vmem>>, vector<4x256xf32>
    %broadcast_in_dim3A_19 = vector.shape_cast %get3A_18 : vector<4x256xf32> to vector<1x4x256xf32>
    %mul3A_20 = vector.broadcast %broadcast_in_dim3A_19 : vector<1x4x256xf32> to vector<1000x4x256xf32>
    %mul3A_21 = arith.mulf %reshape3A, %mul3A_20 : vector<1000x4x256xf32>
    %reduce_sum3A_22 = arith.constant dense<0.000000e+00> : vector<1000x4xf32>
    %reduce_sum3A_23 = vector.multi_reduction <add>, %mul3A_21, %reduce_sum3A_22 [2] : vector<1000x4x256xf32> to vector<1000x4xf32>
    %swap3A_24 = arith.constant 0 : index
    %swap3A_25 = arith.constant 0 : index
    %swap3A_26 = vector.load %arg8[%swap3A_24, %swap3A_25] : memref<1000x4xf32, #tpu.memory_space<vmem>>, vector<1000x4xf32>
    tpu.vector_store %arg8[%swap3A_24, %swap3A_25], %reduce_sum3A_23 {strides = array<i32>} : memref<1000x4xf32, #tpu.memory_space<vmem>>, vector<1000x4xf32>,
    return
  }
  func.func @transform_0(%arg0: i32) -> (i32, i32) {
    %c0_i32 = arith.constant 0 : i32
    %c0_i32_0 = arith.constant 0 : i32
    return %arg0, %c0_i32 : i32, i32
  }
  func.func @transform_1(%arg0: i32) -> (i32, i32) {
    %c0_i32 = arith.constant 0 : i32
    %c0_i32_0 = arith.constant 0 : i32
    %c0_i32_1 = arith.constant 0 : i32
    return %c0_i32, %c0_i32_0 : i32, i32
  }
  func.func @transform_2(%arg0: i32) -> (i32, i32) {
    %c0_i32 = arith.constant 0 : i32
    %c0_i32_0 = arith.constant 0 : i32
    %c0_i32_1 = arith.constant 0 : i32
    return %c0_i32, %c0_i32_0 : i32, i32
  }
  func.func @transform_3(%arg0: i32) -> (i32, i32) {
    %c0_i32 = arith.constant 0 : i32
    %c0_i32_0 = arith.constant 0 : i32
    %c0_i32_1 = arith.constant 0 : i32
    return %c0_i32, %c0_i32_0 : i32, i32
  }
  func.func @transform_4(%arg0: i32) -> i32 {
    %c0_i32 = arith.constant 0 : i32
    %c0_i32_0 = arith.constant 0 : i32
    return %c0_i32 : i32
  }
  func.func @transform_5(%arg0: i32) -> (i32, i32) {
    %c0_i32 = arith.constant 0 : i32
    %c0_i32_0 = arith.constant 0 : i32
    return %arg0, %c0_i32 : i32, i32
  }
  func.func @transform_6(%arg0: i32) -> (i32, i32) {
    %c0_i32 = arith.constant 0 : i32
    %c0_i32_0 = arith.constant 0 : i32
    return %arg0, %c0_i32 : i32, i32
  }
  func.func @transform_7(%arg0: i32) -> (i32, i32) {
    %c0_i32 = arith.constant 0 : i32
    %c0_i32_0 = arith.constant 0 : i32
    return %arg0, %c0_i32 : i32, i32
  }
}

module attributes {stable_mosaic.version = 14 : i64} {
  func.func @_agg_body(%arg0: i32, %arg1: i32, %arg2: i32, %arg3: memref<1x1000x1024xf32, #tpu.memory_space<vmem>>, %arg4: memref<1x1024x256xf32, #tpu.memory_space<vmem>>, %arg5: memref<1x1000x256xf32, #tpu.memory_space<vmem>>) attributes {dimension_semantics = [#tpu.dimension_semantics<arbitrary>, #tpu.dimension_semantics<arbitrary>, #tpu.dimension_semantics<arbitrary>], iteration_bounds = array<i64: 4, 10, 10>, scalar_prefetch = 0 : i64, scratch_operands = 0 : i64, tpu.core_type = #tpu.core_type<tc>, window_params = [{transform_indices = @transform_0, window_bounds = array<i64: 1, 1000, 1024>}, {transform_indices = @transform_1, window_bounds = array<i64: 1, 1024, 256>}, {transform_indices = @transform_2, window_bounds = array<i64: 1, 1000, 256>}]} {
    %eq3A = arith.constant 0 : i32
    %eq3A_0 = arith.cmpi eq, %arg2, %eq3A : i32
    %convert_element_type3A = arith.extui %eq3A_0 : i1 to i32
    %cond3A = arith.constant 0 : i32
    %cond3A_1 = arith.cmpi ne, %convert_element_type3A, %cond3A : i32
    scf.if %cond3A_1 {
      %broadcast_in_dim3A = arith.constant 0.000000e+00 : f32
      %broadcast_in_dim3A_22 = vector.broadcast %broadcast_in_dim3A : f32 to vector<1x1000x256xf32>
      %swap3A_23 = arith.constant 0 : index
      %swap3A_24 = arith.constant 0 : index
      %swap3A_25 = arith.constant 0 : index
      %swap3A_26 = vector.load %arg5[%swap3A_23, %swap3A_24, %swap3A_25] : memref<1x1000x256xf32, #tpu.memory_space<vmem>>, vector<1x1000x256xf32>
      tpu.vector_store %arg5[%swap3A_23, %swap3A_24, %swap3A_25], %broadcast_in_dim3A_22 {strides = array<i32>} : memref<1x1000x256xf32, #tpu.memory_space<vmem>>, vector<1x1000x256xf32>,
    } else {
    }
    %get3A = arith.constant 0 : index
    %get3A_2 = arith.constant 0 : index
    %get3A_3 = arith.constant 0 : index
    %get3A_4 = vector.load %arg5[%get3A, %get3A_2, %get3A_3] : memref<1x1000x256xf32, #tpu.memory_space<vmem>>, vector<1x1000x256xf32>
    %get3A_5 = vector.shape_cast %get3A_4 : vector<1x1000x256xf32> to vector<1000x256xf32>
    %get3A_6 = arith.constant 0 : index
    %get3A_7 = arith.constant 0 : index
    %get3A_8 = arith.constant 0 : index
    %get3A_9 = vector.load %arg3[%get3A_6, %get3A_7, %get3A_8] : memref<1x1000x1024xf32, #tpu.memory_space<vmem>>, vector<1x1000x1024xf32>
    %get3A_10 = vector.shape_cast %get3A_9 : vector<1x1000x1024xf32> to vector<1000x1024xf32>
    %get3A_11 = arith.constant 0 : index
    %get3A_12 = arith.constant 0 : index
    %get3A_13 = arith.constant 0 : index
    %get3A_14 = vector.load %arg4[%get3A_11, %get3A_12, %get3A_13] : memref<1x1024x256xf32, #tpu.memory_space<vmem>>, vector<1x1024x256xf32>
    %get3A_15 = vector.shape_cast %get3A_14 : vector<1x1024x256xf32> to vector<1024x256xf32>
    %dot_general3A = arith.constant dense<0.000000e+00> : vector<1000x256xf32>
    %dot_general3A_16 = tpu.matmul %get3A_10, %get3A_15, %dot_general3A {dimension_numbers = #tpu.dot_dimension_numbers<[1], [0], [0], [1], [0, 0, 1, 1], [], []>, transpose_lhs_hint = false} : vector<1000x1024xf32>, vector<1024x256xf32>, vector<1000x256xf32> -> vector<1000x256xf32>
    %add3A = arith.addf %get3A_5, %dot_general3A_16 : vector<1000x256xf32>
    %swap3A = arith.constant 0 : index
    %swap3A_17 = arith.constant 0 : index
    %swap3A_18 = arith.constant 0 : index
    %swap3A_19 = vector.load %arg5[%swap3A, %swap3A_17, %swap3A_18] : memref<1x1000x256xf32, #tpu.memory_space<vmem>>, vector<1x1000x256xf32>
    %swap3A_20 = vector.shape_cast %swap3A_19 : vector<1x1000x256xf32> to vector<1000x256xf32>
    %swap3A_21 = vector.shape_cast %add3A : vector<1000x256xf32> to vector<1x1000x256xf32>
    tpu.vector_store %arg5[%swap3A, %swap3A_17, %swap3A_18], %swap3A_21 {strides = array<i32>} : memref<1x1000x256xf32, #tpu.memory_space<vmem>>, vector<1x1000x256xf32>,
    return
  }
  func.func @transform_0(%arg0: i32, %arg1: i32, %arg2: i32) -> (i32, i32, i32) {
    %c0_i32 = arith.constant 0 : i32
    return %arg0, %arg1, %arg2 : i32, i32, i32
  }
  func.func @transform_1(%arg0: i32, %arg1: i32, %arg2: i32) -> (i32, i32, i32) {
    %c0_i32 = arith.constant 0 : i32
    %c0_i32_0 = arith.constant 0 : i32
    return %arg0, %arg2, %c0_i32 : i32, i32, i32
  }
  func.func @transform_2(%arg0: i32, %arg1: i32, %arg2: i32) -> (i32, i32, i32) {
    %c0_i32 = arith.constant 0 : i32
    %c0_i32_0 = arith.constant 0 : i32
    return %arg0, %arg1, %c0_i32 : i32, i32, i32
  }
}

module attributes {stable_mosaic.version = 14 : i64} {
  func.func @_dense_body(%arg0: i32, %arg1: memref<1000x1024xf32, #tpu.memory_space<vmem>>, %arg2: memref<1024x256xf32, #tpu.memory_space<vmem>>, %arg3: memref<1x256xf32, #tpu.memory_space<vmem>>, %arg4: memref<1x256xf32, #tpu.memory_space<vmem>>, %arg5: memref<1024xf32, #tpu.memory_space<vmem>>, %arg6: memref<1000x256xf32, #tpu.memory_space<vmem>>, %arg7: memref<1000x1xf32, #tpu.memory_space<vmem>>, %arg8: memref<1000x1xf32, #tpu.memory_space<vmem>>) attributes {dimension_semantics = [#tpu.dimension_semantics<arbitrary>], iteration_bounds = array<i64: 10>, scalar_prefetch = 0 : i64, scratch_operands = 0 : i64, tpu.core_type = #tpu.core_type<tc>, window_params = [{transform_indices = @transform_0, window_bounds = array<i64: 1000, 1024>}, {pipeline_mode = #tpu.pipeline_mode<synchronous>, transform_indices = @transform_1, window_bounds = array<i64: 1024, 256>}, {pipeline_mode = #tpu.pipeline_mode<synchronous>, transform_indices = @transform_2, window_bounds = array<i64: 1, 256>}, {pipeline_mode = #tpu.pipeline_mode<synchronous>, transform_indices = @transform_3, window_bounds = array<i64: 1, 256>}, {pipeline_mode = #tpu.pipeline_mode<synchronous>, transform_indices = @transform_4, window_bounds = array<i64: 1024>}, {transform_indices = @transform_5, window_bounds = array<i64: 1000, 256>}, {transform_indices = @transform_6, window_bounds = array<i64: 1000, 1>}, {transform_indices = @transform_7, window_bounds = array<i64: 1000, 1>}]} {
    %get3A = arith.constant 0 : index
    %get3A_0 = arith.constant 0 : index
    %get3A_1 = vector.load %arg1[%get3A, %get3A_0] : memref<1000x1024xf32, #tpu.memory_space<vmem>>, vector<1000x1024xf32>
    %get3A_2 = arith.constant 0 : index
    %get3A_3 = vector.load %arg5[%get3A_2] : memref<1024xf32, #tpu.memory_space<vmem>>, vector<1024xf32>
    %broadcast_in_dim3A = vector.shape_cast %get3A_3 : vector<1024xf32> to vector<1x1024xf32>
    %add3A = vector.broadcast %broadcast_in_dim3A : vector<1x1024xf32> to vector<1000x1024xf32>
    %add3A_4 = arith.addf %get3A_1, %add3A : vector<1000x1024xf32>
    %gt3A = arith.constant 0.000000e+00 : f32
    %gt3A_5 = vector.broadcast %gt3A : f32 to vector<1000x1024xf32>
    %gt3A_6 = arith.cmpf ogt, %add3A_4, %gt3A_5 : vector<1000x1024xf32>
    %min3A = arith.constant 0.000000e+00 : f32
    %min3A_7 = vector.broadcast %min3A : f32 to vector<1000x1024xf32>
    %min3A_8 = arith.minimumf %add3A_4, %min3A_7 : vector<1000x1024xf32>
    %exp3A = math.exp %min3A_8 : vector<1000x1024xf32>
    %sub3A = arith.constant 1.000000e+00 : f32
    %sub3A_9 = vector.broadcast %sub3A : f32 to vector<1000x1024xf32>
    %sub3A_10 = arith.subf %exp3A, %sub3A_9 : vector<1000x1024xf32>
    %select_n3A = arith.select %gt3A_6, %add3A_4, %sub3A_10 : vector<1000x1024xi1>, vector<1000x1024xf32>
    %get3A_11 = arith.constant 0 : index
    %get3A_12 = arith.constant 0 : index
    %get3A_13 = vector.load %arg2[%get3A_11, %get3A_12] : memref<1024x256xf32, #tpu.memory_space<vmem>>, vector<1024x256xf32>
    %dot_general3A = arith.constant dense<0.000000e+00> : vector<1000x256xf32>
    %dot_general3A_14 = tpu.matmul %select_n3A, %get3A_13, %dot_general3A {dimension_numbers = #tpu.dot_dimension_numbers<[1], [0], [0], [1], [0, 0, 1, 1], [], []>, transpose_lhs_hint = false} : vector<1000x1024xf32>, vector<1024x256xf32>, vector<1000x256xf32> -> vector<1000x256xf32>
    %swap3A = arith.constant 0 : index
    %swap3A_15 = arith.constant 0 : index
    %swap3A_16 = vector.load %arg6[%swap3A, %swap3A_15] : memref<1000x256xf32, #tpu.memory_space<vmem>>, vector<1000x256xf32>
    tpu.vector_store %arg6[%swap3A, %swap3A_15], %dot_general3A_14 {strides = array<i32>} : memref<1000x256xf32, #tpu.memory_space<vmem>>, vector<1000x256xf32>,
    %reshape3A = vector.shape_cast %dot_general3A_14 : vector<1000x256xf32> to vector<1000x1x256xf32>
    %get3A_17 = arith.constant 0 : index
    %get3A_18 = arith.constant 0 : index
    %get3A_19 = vector.load %arg3[%get3A_17, %get3A_18] : memref<1x256xf32, #tpu.memory_space<vmem>>, vector<1x256xf32>
    %broadcast_in_dim3A_20 = vector.shape_cast %get3A_19 : vector<1x256xf32> to vector<1x1x256xf32>
    %mul3A = vector.broadcast %broadcast_in_dim3A_20 : vector<1x1x256xf32> to vector<1000x1x256xf32>
    %mul3A_21 = arith.mulf %reshape3A, %mul3A : vector<1000x1x256xf32>
    %reduce_sum3A = arith.constant dense<0.000000e+00> : vector<1000x1xf32>
    %reduce_sum3A_22 = vector.multi_reduction <add>, %mul3A_21, %reduce_sum3A [2] : vector<1000x1x256xf32> to vector<1000x1xf32>
    %swap3A_23 = arith.constant 0 : index
    %swap3A_24 = arith.constant 0 : index
    %swap3A_25 = vector.load %arg7[%swap3A_23, %swap3A_24] : memref<1000x1xf32, #tpu.memory_space<vmem>>, vector<1000x1xf32>
    tpu.vector_store %arg7[%swap3A_23, %swap3A_24], %reduce_sum3A_22 {strides = array<i32>} : memref<1000x1xf32, #tpu.memory_space<vmem>>, vector<1000x1xf32>,
    %get3A_26 = arith.constant 0 : index
    %get3A_27 = arith.constant 0 : index
    %get3A_28 = vector.load %arg4[%get3A_26, %get3A_27] : memref<1x256xf32, #tpu.memory_space<vmem>>, vector<1x256xf32>
    %broadcast_in_dim3A_29 = vector.shape_cast %get3A_28 : vector<1x256xf32> to vector<1x1x256xf32>
    %mul3A_30 = vector.broadcast %broadcast_in_dim3A_29 : vector<1x1x256xf32> to vector<1000x1x256xf32>
    %mul3A_31 = arith.mulf %reshape3A, %mul3A_30 : vector<1000x1x256xf32>
    %reduce_sum3A_32 = arith.constant dense<0.000000e+00> : vector<1000x1xf32>
    %reduce_sum3A_33 = vector.multi_reduction <add>, %mul3A_31, %reduce_sum3A_32 [2] : vector<1000x1x256xf32> to vector<1000x1xf32>
    %swap3A_34 = arith.constant 0 : index
    %swap3A_35 = arith.constant 0 : index
    %swap3A_36 = vector.load %arg8[%swap3A_34, %swap3A_35] : memref<1000x1xf32, #tpu.memory_space<vmem>>, vector<1000x1xf32>
    tpu.vector_store %arg8[%swap3A_34, %swap3A_35], %reduce_sum3A_33 {strides = array<i32>} : memref<1000x1xf32, #tpu.memory_space<vmem>>, vector<1000x1xf32>,
    return
  }
  func.func @transform_0(%arg0: i32) -> (i32, i32) {
    %c0_i32 = arith.constant 0 : i32
    %c0_i32_0 = arith.constant 0 : i32
    return %arg0, %c0_i32 : i32, i32
  }
  func.func @transform_1(%arg0: i32) -> (i32, i32) {
    %c0_i32 = arith.constant 0 : i32
    %c0_i32_0 = arith.constant 0 : i32
    %c0_i32_1 = arith.constant 0 : i32
    return %c0_i32, %c0_i32_0 : i32, i32
  }
  func.func @transform_2(%arg0: i32) -> (i32, i32) {
    %c0_i32 = arith.constant 0 : i32
    %c0_i32_0 = arith.constant 0 : i32
    %c0_i32_1 = arith.constant 0 : i32
    return %c0_i32, %c0_i32_0 : i32, i32
  }
  func.func @transform_3(%arg0: i32) -> (i32, i32) {
    %c0_i32 = arith.constant 0 : i32
    %c0_i32_0 = arith.constant 0 : i32
    %c0_i32_1 = arith.constant 0 : i32
    return %c0_i32, %c0_i32_0 : i32, i32
  }
  func.func @transform_4(%arg0: i32) -> i32 {
    %c0_i32 = arith.constant 0 : i32
    %c0_i32_0 = arith.constant 0 : i32
    return %c0_i32 : i32
  }
  func.func @transform_5(%arg0: i32) -> (i32, i32) {
    %c0_i32 = arith.constant 0 : i32
    %c0_i32_0 = arith.constant 0 : i32
    return %arg0, %c0_i32 : i32, i32
  }
  func.func @transform_6(%arg0: i32) -> (i32, i32) {
    %c0_i32 = arith.constant 0 : i32
    %c0_i32_0 = arith.constant 0 : i32
    return %arg0, %c0_i32 : i32, i32
  }
  func.func @transform_7(%arg0: i32) -> (i32, i32) {
    %c0_i32 = arith.constant 0 : i32
    %c0_i32_0 = arith.constant 0 : i32
    return %arg0, %c0_i32 : i32, i32
  }
}

module attributes {stable_mosaic.version = 14 : i64} {
  func.func @_agg_body(%arg0: i32, %arg1: i32, %arg2: i32, %arg3: memref<1x1000x1024xf32, #tpu.memory_space<vmem>>, %arg4: memref<1x1024x256xf32, #tpu.memory_space<vmem>>, %arg5: memref<1x1000x256xf32, #tpu.memory_space<vmem>>) attributes {dimension_semantics = [#tpu.dimension_semantics<arbitrary>, #tpu.dimension_semantics<arbitrary>, #tpu.dimension_semantics<arbitrary>], iteration_bounds = array<i64: 1, 10, 10>, scalar_prefetch = 0 : i64, scratch_operands = 0 : i64, tpu.core_type = #tpu.core_type<tc>, window_params = [{transform_indices = @transform_0, window_bounds = array<i64: 1, 1000, 1024>}, {transform_indices = @transform_1, window_bounds = array<i64: 1, 1024, 256>}, {transform_indices = @transform_2, window_bounds = array<i64: 1, 1000, 256>}]} {
    %eq3A = arith.constant 0 : i32
    %eq3A_0 = arith.cmpi eq, %arg2, %eq3A : i32
    %convert_element_type3A = arith.extui %eq3A_0 : i1 to i32
    %cond3A = arith.constant 0 : i32
    %cond3A_1 = arith.cmpi ne, %convert_element_type3A, %cond3A : i32
    scf.if %cond3A_1 {
      %broadcast_in_dim3A = arith.constant 0.000000e+00 : f32
      %broadcast_in_dim3A_22 = vector.broadcast %broadcast_in_dim3A : f32 to vector<1x1000x256xf32>
      %swap3A_23 = arith.constant 0 : index
      %swap3A_24 = arith.constant 0 : index
      %swap3A_25 = arith.constant 0 : index
      %swap3A_26 = vector.load %arg5[%swap3A_23, %swap3A_24, %swap3A_25] : memref<1x1000x256xf32, #tpu.memory_space<vmem>>, vector<1x1000x256xf32>
      tpu.vector_store %arg5[%swap3A_23, %swap3A_24, %swap3A_25], %broadcast_in_dim3A_22 {strides = array<i32>} : memref<1x1000x256xf32, #tpu.memory_space<vmem>>, vector<1x1000x256xf32>,
    } else {
    }
    %get3A = arith.constant 0 : index
    %get3A_2 = arith.constant 0 : index
    %get3A_3 = arith.constant 0 : index
    %get3A_4 = vector.load %arg5[%get3A, %get3A_2, %get3A_3] : memref<1x1000x256xf32, #tpu.memory_space<vmem>>, vector<1x1000x256xf32>
    %get3A_5 = vector.shape_cast %get3A_4 : vector<1x1000x256xf32> to vector<1000x256xf32>
    %get3A_6 = arith.constant 0 : index
    %get3A_7 = arith.constant 0 : index
    %get3A_8 = arith.constant 0 : index
    %get3A_9 = vector.load %arg3[%get3A_6, %get3A_7, %get3A_8] : memref<1x1000x1024xf32, #tpu.memory_space<vmem>>, vector<1x1000x1024xf32>
    %get3A_10 = vector.shape_cast %get3A_9 : vector<1x1000x1024xf32> to vector<1000x1024xf32>
    %get3A_11 = arith.constant 0 : index
    %get3A_12 = arith.constant 0 : index
    %get3A_13 = arith.constant 0 : index
    %get3A_14 = vector.load %arg4[%get3A_11, %get3A_12, %get3A_13] : memref<1x1024x256xf32, #tpu.memory_space<vmem>>, vector<1x1024x256xf32>
    %get3A_15 = vector.shape_cast %get3A_14 : vector<1x1024x256xf32> to vector<1024x256xf32>
    %dot_general3A = arith.constant dense<0.000000e+00> : vector<1000x256xf32>
    %dot_general3A_16 = tpu.matmul %get3A_10, %get3A_15, %dot_general3A {dimension_numbers = #tpu.dot_dimension_numbers<[1], [0], [0], [1], [0, 0, 1, 1], [], []>, transpose_lhs_hint = false} : vector<1000x1024xf32>, vector<1024x256xf32>, vector<1000x256xf32> -> vector<1000x256xf32>
    %add3A = arith.addf %get3A_5, %dot_general3A_16 : vector<1000x256xf32>
    %swap3A = arith.constant 0 : index
    %swap3A_17 = arith.constant 0 : index
    %swap3A_18 = arith.constant 0 : index
    %swap3A_19 = vector.load %arg5[%swap3A, %swap3A_17, %swap3A_18] : memref<1x1000x256xf32, #tpu.memory_space<vmem>>, vector<1x1000x256xf32>
    %swap3A_20 = vector.shape_cast %swap3A_19 : vector<1x1000x256xf32> to vector<1000x256xf32>
    %swap3A_21 = vector.shape_cast %add3A : vector<1000x256xf32> to vector<1x1000x256xf32>
    tpu.vector_store %arg5[%swap3A, %swap3A_17, %swap3A_18], %swap3A_21 {strides = array<i32>} : memref<1x1000x256xf32, #tpu.memory_space<vmem>>, vector<1x1000x256xf32>,
    return
  }
  func.func @transform_0(%arg0: i32, %arg1: i32, %arg2: i32) -> (i32, i32, i32) {
    %c0_i32 = arith.constant 0 : i32
    return %arg0, %arg1, %arg2 : i32, i32, i32
  }
  func.func @transform_1(%arg0: i32, %arg1: i32, %arg2: i32) -> (i32, i32, i32) {
    %c0_i32 = arith.constant 0 : i32
    %c0_i32_0 = arith.constant 0 : i32
    return %arg0, %arg2, %c0_i32 : i32, i32, i32
  }
  func.func @transform_2(%arg0: i32, %arg1: i32, %arg2: i32) -> (i32, i32, i32) {
    %c0_i32 = arith.constant 0 : i32
    %c0_i32_0 = arith.constant 0 : i32
    return %arg0, %arg1, %c0_i32 : i32, i32, i32
  }
}

</mosaic_0001>

<sc_bundles>
// kernel: scatter_offload_async_start.1
scs
__scs_entry_jumppad:
0x0: {  	(pc) =	sbr.rel $0x88, $3  }
0x1: {  	(tag) =	ssettag $0x0;
	lr =	simm.s32 $0x1  }
0x2: {  	[smem:$0x3F97] =	sst lr;
	_ =	strace $0xD0000000  }
0x3: {  	_ = 	snop  }
0x4: {  	_ = 	snop  }
0x5: {  	_ = 	snop  }
0x6: {  	_ = 	snop  }
0x7: {  	_ = 	snop  }
__scs_overlays_trampoline_lowered:
0x8: {  	[smem:$0x3FA6] =	sst s0  }
0x9: {  	[smem:$0x3FA7] =	sst s1  }
0xa: {  	[smem:$0x3FA8] =	sst s2  }
0xb: {  	[smem:$0x3FA9] =	sst s3  }
0xc: {  	[smem:$0x3FAA] =	sst s4  }
0xd: {  	[smem:$0x3FAB] =	sst s5  }
0xe: {  	[smem:$0x3FAC] =	sst s6  }
0xf: {  	[smem:$0x3FAD] =	sst s7  }
0x10: {  	[smem:$0x3FAE] =	sst s8  }
0x11: {  	[smem:$0x3FAF] =	sst s9;
	s0 =	simm.s32 @!p0 $0x0  }
0x12: {  	s1 =	sld [smem:$0x3F95];
	s0 =	simm.s32 @p0 $0x1  }
0x13: {  	[smem:$0x3FB0] =	sst s0;
	s0 =	simm.s32 @!p1 $0x0  }
0x14: {  	s2 =	sld [smem:$0x3F94];
	s0 =	simm.s32 @p1 $0x1  }
0x15: {  	[smem:$0x3FB1] =	sst s0;
	s0 =	simm.s32 @!p2 $0x0  }
0x16: {  	s3 =	sld [smem:$0x3FDB];
	s0 =	simm.s32 @p2 $0x1  }
0x17: {  	s4 =	simm.s32 $0x1BF5;
	[smem:$0x3FB3] =	sst s0  }
0x18: {  	s0 =	sld [smem:$0x3F96];
	_ =	swait.ge [sflag:s4], $0x0  }
0x19: {  	s7 =	sld [smem:$0x3F97]  }
0x1a: {  	s8 =	sadd.s32 $0xFFFFE003, lr  }
0x1b: {  	s9 =	sadd.s32 $0xFFFFFEF7, lr;
	s5 =	simm.s32 $0xFFFFFFFF;
	p2 =	slt.u32 s8, $0xFFFFF086  }
0x1c: {  	p1 =	slt.u32 s9, $0xF7A;
	s5 =	simm.s32 @!p2 $0x0  }
0x1d: {  	s5 =	simm.s32 @p1 $0x1;
	p0 =	seq.s32 s7, s2  }
0x1e: {  	s7 =	smul.u32 @!p0 $0xF7A, s2;
	p2 =	seq.s32 @!p0 s5, $0x0  }
0x1f: {  	s9 =	smul.u32 $0xF7A, s1;
	s8 =	simm.s32 @!p0 $0x1BF5;
	p2 =	por !p2, p0  }
0x20: {  	[sflag:s8] =	ssyncset.s32 @!p0 $0xFFFFF086;
	s6 =	sadd.s32 @!p0 s3, s7;
	s7 =	simm.s32 @!p0 $0x108  }
0x21: {  	s3 =	sadd.s32 s3, s9;
	s6 =	sadd.s32 @!p0 $0x88, s6;
	s7 =	simm.s32 @p2 $0x1082  }
0x22: {  	[simem:s7], [sflag:s8] =	dma.local @!p0 [hbm:s6], $0xF7A  }
0x23: {  	s9 =	sor.u32 $0xD0000000, s2;
	s6 =	simm.s32 $0x108;
	_ =	swait.ge @!p0 [sflag:s8], $0x0  }
0x24: {  	s3 =	sadd.s32 $0x88, s3;
	s6 =	simm.s32 @!p1 $0x1082;
	[sflag:s4] =	ssyncset.s32 $0xFFFFF086  }
0x25: {  	[simem:s6], [sflag:s4] =	dma.local [hbm:s3], $0xF7A  }
0x26: {  	[smem:$0x3F97] =	sst s1;
	(tag) =	ssettag s2;
	_ =	strace s9  }
0x27: {  	s1 =	sld [smem:$0x3FA7]  }
0x28: {  	s2 =	sld [smem:$0x3FA8]  }
0x29: {  	s4 =	sld [smem:$0x3FAA]  }
0x2a: {  	p0 =	seq.s32 s5, $0x0;
	s5 =	sld [smem:$0x3FAB]  }
0x2b: {  	s6 =	sld [smem:$0x3FAC]  }
0x2c: {  	s7 =	sld [smem:$0x3FAD]  }
0x2d: {  	s3 =	simm.s32 $0x108;
	s8 =	sld [smem:$0x3FAE]  }
0x2e: {  	s3 =	simm.s32 @!p0 $0x1082;
	s9 =	sld [smem:$0x3FAF]  }
0x2f: {  	lr =	sadd.s32 s0, s3;
	s0 =	sld [smem:$0x3FA6]  }
0x30: {  	s3 =	sld [smem:$0x3FA9]  }
0x31: {  	[smem:$0x3FB2] =	sst s10  }
0x32: {  	s10 =	sld [smem:$0x3FB0];
	_ =	sdelay $0x3  }
0x33: {  	p0 =	seq.s32 s10, $0x1;
	s10 =	sld [smem:$0x3FB2];
	_ =	sdelay $0x3  }
0x34: {  	[smem:$0x3FB2] =	sst s10  }
0x35: {  	s10 =	sld [smem:$0x3FB1];
	_ =	sdelay $0x3  }
0x36: {  	p1 =	seq.s32 s10, $0x1;
	s10 =	sld [smem:$0x3FB2];
	_ =	sdelay $0x3  }
0x37: {  	[smem:$0x3FB2] =	sst s10  }
0x38: {  	s10 =	sld [smem:$0x3FB3]  }
0x39: {  	_ = 	snop;
	(pc) =	sbr.ind lr, $3  }
0x3a: {  	_ = 	snop  }
0x3b: {  	_ = 	snop  }
0x3c: {  	p2 =	seq.s32 s10, $0x1;
	s10 =	sld [smem:$0x3FB2]  }
0x3d: {  	_ =	shalt  }
0x3e: {  	_ =	shalt  }
0x3f: {  	_ =	shalt  }
0x40: {  	_ =	shalt  }
0x41: {  	_ =	shalt  }
0x42: {  	_ =	shalt  }
0x43: {  	_ =	shalt  }
0x44: {  	_ =	shalt  }
0x45: {  	_ =	shalt  }
0x46: {  	_ =	shalt  }
0x47: {  	_ =	shalt  }
0x48: {  	_ =	shalt  }
0x49: {  	_ =	shalt  }
0x4a: {  	_ =	shalt  }
0x4b: {  	_ =	shalt  }
0x4c: {  	_ =	shalt  }
0x4d: {  	_ =	shalt  }
0x4e: {  	_ =	shalt  }
0x4f: {  	_ =	shalt  }
0x50: {  	_ =	shalt  }
0x51: {  	_ =	shalt  }
0x52: {  	_ =	shalt  }
0x53: {  	_ =	shalt  }
0x54: {  	_ =	shalt  }
0x55: {  	_ =	shalt  }
0x56: {  	_ =	shalt  }
0x57: {  	_ =	shalt  }
0x58: {  	_ =	shalt  }
0x59: {  	_ =	shalt  }
0x5a: {  	_ =	shalt  }
0x5b: {  	_ =	shalt  }
0x5c: {  	_ =	shalt  }
0x5d: {  	_ =	shalt  }
0x5e: {  	_ =	shalt  }
0x5f: {  	_ =	shalt  }
0x60: {  	_ =	shalt  }
0x61: {  	_ =	shalt  }
0x62: {  	_ =	shalt  }
0x63: {  	_ =	shalt  }
0x64: {  	_ =	shalt  }
0x65: {  	_ =	shalt  }
0x66: {  	_ =	shalt  }
0x67: {  	_ =	shalt  }
0x68: {  	_ =	shalt  }
0x69: {  	_ =	shalt  }
0x6a: {  	_ =	shalt  }
0x6b: {  	_ =	shalt  }
0x6c: {  	_ =	shalt  }
0x6d: {  	_ =	shalt  }
0x6e: {  	_ =	shalt  }
0x6f: {  	_ =	shalt  }
0x70: {  	_ =	shalt  }
0x71: {  	_ =	shalt  }
0x72: {  	_ =	shalt  }
0x73: {  	_ =	shalt  }
0x74: {  	_ =	shalt  }
0x75: {  	_ =	shalt  }
0x76: {  	_ =	shalt  }
0x77: {  	_ =	shalt  }
0x78: {  	_ =	shalt  }
0x79: {  	_ =	shalt  }
0x7a: {  	_ =	shalt  }
0x7b: {  	_ =	shalt  }
0x7c: {  	_ =	shalt  }
0x7d: {  	_ =	shalt  }
0x7e: {  	_ =	shalt  }
0x7f: {  	_ =	shalt  }
0x80: {  	_ =	shalt  }
0x81: {  	_ =	shalt  }
0x82: {  	_ =	shalt  }
0x83: {  	_ =	shalt  }
0x84: {  	_ =	shalt  }
0x85: {  	_ =	shalt  }
0x86: {  	_ =	shalt  }
0x87: {  	_ =	shalt  }
.Lfunc_end0:
.L_simem_size_0:
called_computation.1_lowered:
.L_overlay_start_0:
0x88: {  	s0 =	sld [smem:$0x3FD9]  }
0x89: {  	s1 =	sld [smem:$0x3FFE];
	_ =	sdelay $0x3  }
0x8a: {  	s0 =	sadd.s32 s1, s0  }
0x8b: {  	[smem:$0x3FBE] =	sst s0  }
0x8c: {  	_ = 	snop  }
0x8d: {  	(tm) =	ssettm $0x1  }
0x8e: {  	s15 =	sld [smem:$0x3FFB];
	_ =	sdelay $0x3  }
0x8f: {  	_ =	strace s15  }
0x90: {  	s0 =	sld [smem:$0x3FFC];
	_ =	sdelay $0x3  }
0x91: {  	_ =	strace s0  }
0x92: {  	s0 =	sld [smem:$0x3FFD];
	_ =	sdelay $0x3  }
0x93: {  	_ =	strace s0  }
0x94: {  	_ =	strace $0x8FFFFFFF  }
0x95: {  	s16 =	sld [smem:$0x3FDB];
	_ =	sdelay $0x1  }
0x96: {  	s17 =	simm.s32 $_scs_section_size  }
0x97: {  	s2 =	simm.s32 $_size__tile_overlayer_lowered;
	s3 =	simm.s32 $_tile_overlayer_lowered  }
0x98: {  	s20 =	simm.s32 $0x1BFF;
	s19 =	sshll.u32 s3, $0x1;
	s0 =	sadd.s32 s17, s16  }
0x99: {  	s4 =	simm.s32 $0x0;
	s18 =	sshll.u32 s2, $0x1;
	s2 =	sadd.s32 s19, s0  }
0x9a: {  	[timem:s4], [sflag:s20] =	dma.local [hbm:s2], s18  }
0x9b: {  	_ =	swait.ge [sflag:s20], s18  }
0x9c: {  	s1 =	ssub.s32 $0x0, s18;
	[sflag:s20] =	ssyncset.done $0x0  }
0x9d: {  	[sflag:s20] =	ssyncadd.s32 s1;
	_ =	sdelay $0x1  }
0x9e: {  	s21 =	simm.s32 $0x1B8B  }
0x9f: {  	_ =	swait.ge [sflag:s21], $0x1  }
0xa0: {  	[sflag:s21] =	ssyncset.done $0x0  }
0xa1: {  	s23 =	simm.s32 $0x1B8E;
	s22 =	sld [smem:$0x3FFE];
	[sflag:s21] =	ssyncadd.s32 $0xFFFFFFFF  }
0xa2: {  	s24 =	simm.s32 $execute0_lowered;
	[smem:$0x3FD2] =	sst s23  }
0xa3: {  	s2 =	sshll.u32 s24, $0x1;
	_ =	strace $0x8000006A;
	[dreg:$0x1] =	wrdreg $0xFFFFFFFF  }
0xa4: {  	s25 =	simm.s32 $_size_execute0_lowered;
	s0 =	sadd.s32 s0, s2;
	[dreg:$0x0] =	wrdreg $0x0  }
0xa5: {  	s2 =	sshll.u32 s25, $0x1;
	[dreg:$0x2] =	wrdreg s0  }
0xa6: {  	[dreg:$0x3] =	wrdreg s2  }
0xa7: {  	[dreg:$0x4] =	wrdreg $0xC0  }
0xa8: {  	_ =	task [dreg:s4], $0x5FFFF  }
0xa9: {  	[dreg:$0x1] =	wrdreg $0xFFFFFFFF  }
0xaa: {  	[dreg:$0x0] =	wrdreg $0x60  }
0xab: {  	[dreg:$0x2] =	wrdreg s22  }
0xac: {  	[dreg:$0x3] =	wrdreg $0x9  }
0xad: {  	_ =	task.clear_ibuf [dreg:s4], $0x4FFFF;
	_ =	strace $0x9000006A  }
0xae: {  	s26 =	simm.s32 $0x9;
	_ =	strace $0x8000006C  }
0xaf: {  	_ =	swait.ge [sflag:s26], $0x1  }
0xb0: {  	[sflag:s26] =	ssyncadd.s32 $0xFFFFFFFF  }
0xb1: {  	_ =	strace $0x9000006C  }
0xb2: {  	_ =	sfence  }
0xb3: {  	s28 =	sld [smem:$0x0];
	_ =	sdelay $0x1  }
0xb4: {  	s29 =	srdreg.scid  }
0xb5: {  	s30 =	sshll.u32 s29, $0xD;
	s31 =	sshrl.u32 s29, $0x2  }
0xb6: {  	s1 =	sand.u32 $0x1, s29;
	s2 =	sand.u32 $0x4000, s30;
	s0 =	sadd.s32 s31, s28  }
0xb7: {  	s1 =	sor.u32 s2, s1;
	s0 =	sshll.u32 s0, $0x11  }
0xb8: {  	s0 =	sor.u32 s0, s1  }
0xb9: {  	s0 =	sadd.s32 $0x8F2B, s0  }
0xba: {  	[sflag:s0] =	ssyncadd.remote.s32 $0x1  }
0xbb: {  	_ =	sfence.sel $0xFFFF  }
0xbc: {  	[dreg:$0x0] =	wrdreg $0xFFFFFFFF;
	(pc) =	sbr.abs _section_cstart, $3  }
0xbd: {  	[dreg:$0x1] =	wrdreg $0xFFFFFFFF  }
0xbe: {  	_ =	task.clear_ibuf [dreg:s4], $0x2FFFF;
	_ =	strace $0x9FFFFFFF  }
0xbf: {  	(tm) =	ssettm $0x7FFFFFFF  }
tec
execute0_lowered:
.L_overlay_start_1:
0x0: {  	(tag) =	ssettag $0x1  }
0x1: {  	s0 =	rddreg [dreg:$0x0]  }
0x2: {  	s6 =	stileid.u32;
	_ =	strace $0x8000006B;
	s2 =	simm.s32 $0x1  }
0x3: {  	v1 =	vimm.s32 $0xFFFFFFFF;
	s1 =	smin.u32 s6, $0x9;
	[sflag:s2] =	ssyncpa.u1 $0x0  }
0x4: {  	s1 =	sadd.s32 s6, s1;
	[tilespmem:$0x10] =	vst v1  }
0x5: {  	v0 =	vimm.f32 $0.0e+00;
	p0 =	slt.u32 s6, $0x9;
	[tilespmem:$0x20] =	vst v1;
	s3 =	smul.u32 $0x1A90, s1;
	s1 =	simm.s32 $0x3520  }
0x6: {  	[tilespmem:$0x30] =	vst v0;
	s1 =	simm.s32 @!p0 $0x1A90  }
0x7: {  	[tilespmem:$0x40] =	vst v0;
	s1 =	sadd.s32 s1, s3  }
0x8: {  	[tilespmem:$0x50] =	vst v0;
	s4 =	smin.u32 s1, $0x29810  }
0x9: {  	s7 =	simm.s32 $0x2;
	[tilespmem:$0x60] =	vst v1;
	s9 =	ssub.s32 s4, s3  }
0xa: {  	s8 =	simm.s32 $0x8;
	s31 =	simm.s32 $0x9;
	[tilespmem:$0x70] =	vst v1;
	p0 =	sgt.s32 s9, $0x0  }
0xb: {  	s16 =	simm.s32 $0x0;
	s17 =	simm.s32 $0xF0;
	[tilespmem:$0x80] =	vst v1;
	s9 =	simm.s32 @!p0 $0x0  }
0xc: {  	s18 =	simm.s32 $0xFFFFFFFF;
	s19 =	simm.s32 $0xFFFFCBE0;
	v1 =	vimm.s32 $0x0;
	[tilespmem:$0xB0] =	vst v0;
	s5 =	smulhi.u32 $0x134679AD, s9  }
0xd: {  	s20 =	simm.s32 $0xFFFFFFFE;
	s21 =	simm.s32 $0xF;
	s25 =	simm.s32 $0x0;
	[tilespmem:$0x90] =	vst v1  }
0xe: {  	[tilespmem:$0xA0] =	vst v1;
	[sflag:s7] =	ssyncpa.u1 $0x0;
	s7 =	simm.s32 $0x7;
	s10 =	sshrl.u32 s5, $0x9  }
0xf: {  	s24 =	simm.s32 $0x0;
	[sflag:s7] =	ssyncpa.u1 $0x0;
	s11 =	smul.u32 $0x1A90, s10  }
0x10: {  	s14 =	sshllo.u32 s6, $0x1;
	[sflag:s8] =	ssyncpa.u1 $0x0;
	s23 =	smov.u32 s3  }
.Ltmp0:
0x11: {  	s1 =	sadd.s32 $0x50000, s0;
	p0 =	sne.s32 s9, s11;
	(pc) =	sbr.rel .LBB2_1-.Ltmp0, $4  }
0x12: {  	s5 =	sadd.s32 $0x536600, s0;
	s0 =	sadd.s32 $0x53BA00, s0;
	s2 =	simm.s32 @!p0 $0x0  }
0x13: {  	[sflag:s31] =	ssyncpa.u1 $0x0;
	[dreg:$0x2] =	wrdreg s0;
	s9 =	sadd.s32 s2, s10  }
0x14: {  	vm0 =	vmmov $0xffff;
	v2 =	vlaneseq.u32;
	p0 =	por $0x0, $0x0;
	s10 =	sshll.u32 s6, $0x1;
	s11 =	sadd.s32 $0x1, s9  }
0x15: {  	vm1 =	vmxor vm1, vm1;
	vm2 =	vmmov $0x1;
	vm3 =	vcmask $0x3F3C;
	s12 =	sadd.s32 $0x2, s9;
	s13 =	sor.u32 $0x81, s10;
	s15 =	sor.u32 $0x80, s10  }
.LBB2_9:
0x16: {  	p1 =	slt.u32 s24, $0x3  }
0x17: {  	s0 =	simm.s32 @!p1 $0x2  }
0x18: {  	_ =	swait.ge @!p1 [sflag:s0], $0x1A90  }
0x19: {  	[sflag:s0] =	ssyncset.done @!p1 $0x0  }
0x1a: {  	[sflag:s0] =	ssyncadd.s32 @!p1 $0xFFFFE570;
	s0 =	simm.s32 @!p1 $0x9  }
0x1b: {  	_ =	swait.ge @!p1 [sflag:s0], $0x10  }
0x1c: {  	[sflag:s0] =	ssyncset.done @!p1 $0x0  }
0x1d: {  	[sflag:s0] =	ssyncadd.s32 @!p1 $0xFFFFFFF0;
	p1 =	sne.s32 s24, s12  }
.Ltmp1:
0x1e: {  	s2 =	sadd.s32 $0x1A90, s23;
	(pc) =	sbr.rel @!p1 .LBB2_10-.Ltmp1, $4  }
0x1f: {  	s6 =	smov.u32 s3;
	s31 =	sadd.s32 $0x1, s24;
	s17 =	sadd.s32 $0x1A90, s17  }
0x20: {  	s18 =	sadd.s32 $0x1, s18;
	s25 =	smov.u32 s23;
	p2 =	slt.s32 s2, s4  }
0x21: {  	p0 =	por !p0, !p0;
	s19 =	sadd.s32 $0x1A90, s19;
	s6 =	smov.u32 @p2 s2  }
0x22: {  	s20 =	sadd.s32 $0x1, s20;
	s23 =	smov.u32 s6;
	s24 =	smov.u32 s31  }
.LBB2_1:
0x23: {  	p1 =	sge.u32 s24, s9  }
0x24: {  	s0 =	smulhi.u32 @!p1 $0xAAAAAAAB, s24;
	_ =	sdelay $0x1  }
0x25: {  	s0 =	sshrl.u32 @!p1 s0, $0x1  }
0x26: {  	s0 =	smul.u32 @!p1 $0x3, s0;
	_ =	sdelay $0x1  }
0x27: {  	s0 =	ssub.s32 @!p1 s24, s0  }
0x28: {  	s0 =	smul.u32 @!p1 $0x6A40, s0;
	_ =	sdelay $0x1  }
0x29: {  	s2 =	sshrl.u32 @!p1 s23, $0x3;
	s0 =	sshrl.u32 @!p1 s0, $0x2  }
0x2a: {  	s22 =	sand.u32 @!p1 $0x7, s23;
	s2 =	sadd.s32 @!p1 s5, s2;
	s0 =	sadd.s32 @!p1 $0x100, s0  }
0x2b: {  	[tilespmem:s0], [sflag:$0x7] =	stream.linear.gather @!p1 [hbm4b:s2+s22], $0x1A90, $0x38;
	[tilespmem:$0xF030] =	vst v63  }
0x2c: {  	s0 =	sadd.s32 $0xFFFFFFFF, s24  }
0x2d: {  	p1 =	sge.u32 s0, s9  }
.Ltmp2:
0x2e: {  	_ = 	snop;
	(pc) =	sbr.rel @p1 .LBB2_5-.Ltmp2, $1  }
0x2f: {  	_ =	sdelay $0x3  }
0x30: {  	s2 =	smulhi.u32 $0xAAAAAAAB, s0;
	_ =	sdelay $0x1  }
0x31: {  	s2 =	sshrl.u32 s2, $0x1  }
0x32: {  	s2 =	smul.u32 $0x3, s2;
	_ =	sdelay $0x1  }
0x33: {  	s2 =	ssub.s32 s0, s2  }
0x34: {  	s2 =	smul.u32 $0x6A40, s2  }
0x35: {  	_ =	swait.ge [sflag:s7], $0x1A90  }
0x36: {  	[sflag:s7] =	ssyncset.done $0x0;
	s2 =	sshrl.u32 s2, $0x2  }
0x37: {  	[sflag:s7] =	ssyncadd.s32 $0xFFFFE570;
	(ifvalue) =	ssetifvalue $0xFFFFFFFF;
	v3 =	vld.msk [tilespmem:s2+$0x100 ss:$0x1], $0xffff;
	_ =	sdelay $0x2  }
0x38: {  	s30 =	smulhi.u32 $0xAAAAAAAB, s18;
	p1 =	sne.s32 s24, $0x1  }
0x39: {  	v4 =	vimm.s32 @!p1 $0x0  }
0x3a: {  	s2 =	sshrl.u32 s30, $0x1;
	v4 =	vperm.xlane @!p1 v3, v4  }
0x3b: {  	s22 =	sshll.u32 s24, $0x4;
	s2 =	smul.u32 $0xFFFEC140, s2;
	vm4 =	vlt.u32 v3, $0x2800  }
0x3c: {  	s22 =	sand.u32 $0x10, s22;
	v3 =	vnsel vm4, $0xFFFFFFFE, v3;
	vm4 =	vlt.u32 @!p1 v4, $0x2800  }
0x3d: {  	s2 =	sshra.s32 s2, $0x2;
	[tilespmem:s22+$0x60] =	vst v3;
	v3 =	vnsel @!p1 vm4, $0xFFFFFFFE, v4  }
0x3e: {  	s28 =	sadd.s32 s2, s17;
	[tilespmem:$0x80] =	vst @!p1 v3  }
0x3f: {  	v3 =	vld.msk [tilespmem:s28+$0x0 ss:$0x1], $0xffff;
	_ =	sdelay $0x4  }
0x40: {  	(xrf1) =	vunique.msk.u32 $0xffff, v3;
	_ =	sdelay $0xd  }
0x41: {  	v4 =	vimm.s32 $0xFFFFFFFF;
	v5, _, _ =	vpop (xrf1)  }
0x42: {  	vm5 =	vne.s32 v3, v4;
	vm4 =	veq.s32 v5, v2  }
0x43: {  	vm6 =	vlt.u32 v3, $0x2800;
	vm4 =	vmand vm5, vm4  }
0x44: {  	vm4 =	vmand vm6, vm4  }
0x45: {  	v4 =	vnsel vm4, $0xFFFFFFFF, v3  }
0x46: {  	s31 =	sand.u32 $0x1, s0  }
0x47: {  	s0 =	simm.s32 $0x1A90;
	p1 =	seq.s32 s31, $0x1  }
0x48: {  	s0 =	simm.s32 @!p1 $0x0  }
0x49: {  	s26 =	sadd.s32 $0x6B30, s0;
	(ifvalue) =	ssetifvalue $0xFFFFFFFF  }
0x4a: {  	v3 =	vperm.xlane v3, v1;
	[tilespmem:s26], [sflag:$0x8] =	stream.indirect_vreg.gather [hbm4b:s1+s16], $0x1, v4, vm0, $0x4038;
	v4 =	vnsel vm6, $0xFFFFFFFE, v4;
	[tilespmem:$0xF030] =	vst v63  }
0x4b: {  	s2 =	simm.s32 $0x0;
	s22 =	sadd.s32 $0xFFFFFFF0, s28;
	[tilespmem:s28+$0x0] =	vst v4  }
.LBB2_3:
0x4c: {  	v4 =	vld.msk [tilespmem:s22+$0x0 ss:$0x1], $0xffff;
	s2 =	sadd.s32 $0x10, s2;
	v5 =	vmov v3;
	s28 =	smov.u32 s22  }
0x4d: {  	p1 =	slt.u32 s2, $0x1A80;
	_ =	sdelay $0x4  }
0x4e: {  	v3 =	vperm.xlane v4, v1;
	(xrf1) =	vunique.msk.u32 $0xffff, v4;
	_ =	sdelay $0xd  }
0x4f: {  	v6, _, _ =	vpop (xrf1)  }
0x50: {  	vm5 =	vne.s32 v4, v5;
	vm4 =	veq.s32 v6, v2  }
0x51: {  	vm6 =	vlt.u32 v4, $0x2800;
	vm4 =	vmand vm5, vm4  }
0x52: {  	vm4 =	vmand vm6, vm4  }
0x53: {  	v4 =	vnsel vm4, $0xFFFFFFFF, v4  }
.Ltmp3:
0x54: {  	v5 =	vnsel vm6, $0xFFFFFFFE, v4;
	(pc) =	sbr.rel @p1 .LBB2_3-.Ltmp3, $3  }
0x55: {  	_ =	sdelay $0x1  }
0x56: {  	s22 =	sadd.s32 $0xFFFFFFF0, s22;
	s26 =	sadd.s32 $0xFFFFFFF0, s26;
	(ifvalue) =	ssetifvalue $0xFFFFFFFF  }
0x57: {  	[tilespmem:s26], [sflag:$0x8] =	stream.indirect_vreg.gather [hbm4b:s1+s16], $0x1, v4, vm0, $0x4038;
	[tilespmem:s28+$0x0] =	vst v5  }
0x58: {  	s2 =	sshrl.u32 s25, $0x3;
	s6 =	rddreg [dreg:$0x2]  }
0x59: {  	s0 =	sadd.s32 $0x85D0, s0;
	s2 =	sadd.s32 s6, s2  }
0x5a: {  	[tilespmem:s0], [sflag:$0x8] =	stream.linear.gather [hbm:s2], $0x1A90, $0x38;
	[tilespmem:$0xF030] =	vst v63  }
.LBB2_5:
0x5b: {  	p1 =	slt.u32 s24, $0x2  }
0x5c: {  	p2 =	sge.u32 @!p1 s24, s12  }
0x5d: {  	p1 =	por p1, p2  }
.Ltmp4:
0x5e: {  	_ = 	snop;
	(pc) =	sbr.rel @p1 .LBB2_9-.Ltmp4, $1  }
0x5f: {  	_ =	sdelay $0x3  }
0x60: {  	s0 =	sadd.s32 $0xFFFFFFFE, s24  }
0x61: {  	s2 =	smulhi.u32 $0xAAAAAAAB, s0;
	_ =	sdelay $0x1  }
0x62: {  	s2 =	sshrl.u32 s2, $0x1  }
0x63: {  	s2 =	smul.u32 $0x3, s2;
	_ =	sdelay $0x1  }
0x64: {  	s0 =	ssub.s32 s0, s2  }
0x65: {  	_ =	swait.ge [sflag:s8], $0x3520;
	s0 =	smul.u32 $0x1A90, s0  }
0x66: {  	p1 =	sne.s32 s24, s11;
	[sflag:s8] =	ssyncset.done $0x0  }
0x67: {  	[sflag:s8] =	ssyncadd.s32 $0xFFFFCAE0;
	s2 =	sadd.s32 @!p1 $0x1B8F, s0  }
0x68: {  	[spmem:s13] =	stream.linear.scatter @!p1 [tilespmem:s2], [sflag:$0x1], $0x1, $0x38;
	[tilespmem:$0xF030] =	vst v63  }
0x69: {  	s2 =	simm.s32 @!p1 $0x1  }
0x6a: {  	_ =	swait.ge @!p1 [sflag:s2], $0x1  }
0x6b: {  	s22 =	sshll.u32 s24, $0x4;
	[sflag:s2] =	ssyncset.done @!p1 $0x0  }
0x6c: {  	s25 =	sand.u32 $0x10, s22;
	[sflag:s2] =	ssyncadd.s32 @!p1 $0xFFFFFFFF  }
0x6d: {  	s2 =	sxor.u32 $0x10, s25;
	v4 =	vld [tilespmem:s25+$0x10]  }
0x6e: {  	v5 =	vld [tilespmem:s2+$0x60]  }
0x6f: {  	v3 =	vld [tilespmem:$0x80];
	_ =	sdelay $0x2  }
0x70: {  	(v2sf) =	vpush v4, $0x0  }
0x71: {  	(v2sf) =	vpush v5, $0x0  }
0x72: {  	(v2sf) =	vpush v3, $0x0;
	_ =	sdelay $0xc  }
0x73: {  	s6 =	spop (v2sf)  }
0x74: {  	s28 =	spop (v2sf)  }
0x75: {  	s26 =	spop (v2sf)  }
0x76: {  	p2 =	seq.s32 s6, s28;
	p3 =	seq.s32 s26, s6  }
0x77: {  	p3 =	por p2, p3  }
0x78: {  	s6 =	sand.u32 $0x1, s24;
	v4 =	vpsel p3, $0xFFFFFFFF, v4  }
0x79: {  	s28 =	smul.u32 $0x1A90, s6;
	[tilespmem:s25+$0x10] =	vst.msk $0x1, v4  }
0x7a: {  	v4 =	vld [tilespmem:$0x30]  }
0x7b: {  	v5 =	vld [tilespmem:s28+$0x85D0]  }
0x7c: {  	v6 =	vld [tilespmem:s25+$0x40];
	_ =	sdelay $0x3  }
0x7d: {  	vm4 =	vmmov vm1;
	v5 =	vadd.f32 v5, v4  }
0x7e: {  	vm5 =	vmmov vm2;
	vm4 =	vmmov @p2 vm2;
	v4 =	vadd.f32 v6, v4  }
0x7f: {  	s22 =	sshll.u32 s6, $0x4;
	vm5 =	vmmov @p3 vm1;
	[tilespmem:s28+$0x85D0] =	vst.msk vm4, v5  }
0x80: {  	[tilespmem:s22+$0xF010] =	vst.msk vm5, v4  }
0x81: {  	v4 =	vld [tilespmem:s28+$0x6B30];
	_ =	sdelay $0x3  }
0x82: {  	v5 =	vimm.f32 $0.0e+00  }
0x83: {  	v4 =	vshift.insert v4, v5, s21  }
0x84: {  	s29 =	sor.u32 $0x40, s2  }
0x85: {  	[tilespmem:s29+$0x0] =	vst.msk $0x1, v4  }
0x86: {  	[tilespmem:s28+$0x6B3F] =	vst.msk $0x1, v5  }
0x87: {  	v4 =	vld [tilespmem:s0+$0x1B80];
	_ =	sdelay $0x1  }
0x88: {  	s29 =	smulhi.u32 $0xAAAAAAAB, s20;
	s0 =	simm.s32 $0x1  }
0x89: {  	s0 =	simm.s32 @!p0 $0x0  }
0x8a: {  	s29 =	sshrl.u32 s29, $0x1;
	s0 =	smul.u32 $0x6A40, s0  }
0x8b: {  	s29 =	smul.u32 $0xFFFEC140, s29;
	v4 =	vshift.insert v4, v1, s21  }
0x8c: {  	s0 =	sshrl.u32 s0, $0x2  }
0x8d: {  	s29 =	sshra.s32 s29, $0x2;
	s30 =	sadd.s32 $0x85D0, s0;
	[tilespmem:s2+$0x10] =	vst.msk $0x1, v4  }
0x8e: {  	s6 =	sadd.s32 s29, s19;
	v6 =	vld [tilespmem:s30+$0x0]  }
0x8f: {  	v7 =	vld [tilespmem:s6+$0x0];
	_ =	sdelay $0x3  }
0x90: {  	v5 =	vadd.f32 v6, v5  }
0x91: {  	vm4 =	vne.s32 v7, $0xFFFFFFFF  }
0x92: {  	(xrf2) =	vadd.seg.scan.f32 vm4, v5;
	_ =	sdelay $0x3  }
0x93: {  	s31 =	sadd.s32 $0x50B0, s0;
	v5 =	vperm.xlane v4, v1  }
0x94: {  	v6 =	vld [tilespmem:s31+$0x0]  }
0x95: {  	vm5 =	veq.s32 v7, v3;
	vm6 =	veq.s32 v7, v5  }
0x96: {  	vm7 =	vgt.u32 v7, $0xFFFFFFFD;
	vm6 =	vmor vm6, vm5  }
0x97: {  	vm6 =	vmor vm6, vm7  }
0x98: {  	v9 =	vld [tilespmem:$0xA0];
	v7 =	vsel vm6, $0xFFFFFFFF, v7  }
0x99: {  	v10 =	vld [tilespmem:$0x90];
	v6 =	vsel vm5, $0x0, v6;
	v8, _, _ =	vpop (xrf2)  }
0x9a: {  	v6 =	vadd.f32 v8, v6  }
0x9b: {  	s0 =	sadd.s32 $0xBAF0, s0  }
0x9c: {  	vm4 =	vmand vm4, vm3;
	[tilespmem:s0+$0x0] =	vst v6;
	(ifvalue) =	ssetifvalue $0xFFFFFFFF  }
0x9d: {  	vm6 =	veq.s32 v9, $0x1;
	[hbm4b:s1+s16] =	stream.indirect_vreg.scatter [tilespmem:s0], [sflag:$0x2], $0x1, v7, vm0, $0x4038;
	v7 =	vsel vm4, $0x0, v8;
	[tilespmem:$0xF030] =	vst v63  }
0x9e: {  	s29 =	sadd.s32 $0xF010, s22;
	s22 =	sadd.s32 $0x10, s6;
	s2 =	simm.s32 $0x0;
	vm4 =	vmor vm6, vm5;
	v6 =	vsel vm5, v8, v10;
	v7 =	vshift.insert v7, v0, s21  }
.LBB2_7:
0x9f: {  	v8 =	vld [tilespmem:s22+$0x0];
	s30 =	sadd.s32 $0x10, s30  }
0xa0: {  	s31 =	sadd.s32 $0x10, s31;
	v9 =	vld [tilespmem:s30+$0x0]  }
0xa1: {  	s2 =	sadd.s32 $0x10, s2;
	v10 =	vld [tilespmem:s31+$0x0]  }
0xa2: {  	p2 =	slt.u32 s2, $0x1A80;
	_ =	sdelay $0x2  }
0xa3: {  	v7 =	vadd.f32 v9, v7  }
0xa4: {  	vm5 =	vne.s32 v8, $0xFFFFFFFF  }
0xa5: {  	vm6 =	vmand vm5, vm3;
	(xrf2) =	vadd.seg.scan.f32 vm5, v7;
	_ =	sdelay $0x5  }
0xa6: {  	vm7 =	veq.s32 v8, v5;
	vm5 =	veq.s32 v8, v3  }
0xa7: {  	vm8 =	vgt.u32 v8, $0xFFFFFFFD;
	vm4 =	vmor vm4, vm5;
	vm7 =	vmor vm7, vm5  }
0xa8: {  	vm7 =	vmor vm7, vm8  }
0xa9: {  	v8 =	vsel vm7, $0xFFFFFFFF, v8  }
.Ltmp5:
0xaa: {  	v7 =	vsel vm5, $0x0, v10;
	v9, _, _ =	vpop (xrf2);
	(pc) =	sbr.rel @p2 .LBB2_7-.Ltmp5, $4  }
0xab: {  	v6 =	vsel vm5, v9, v6;
	v10 =	vadd.f32 v9, v7;
	v7 =	vsel vm6, $0x0, v9  }
0xac: {  	s0 =	sadd.s32 $0x10, s0;
	v7 =	vshift.insert v7, v0, s21  }
0xad: {  	s22 =	sadd.s32 $0x10, s22;
	[tilespmem:s0+$0x0] =	vst v10;
	(ifvalue) =	ssetifvalue $0xFFFFFFFF  }
0xae: {  	[hbm4b:s1+s16] =	stream.indirect_vreg.scatter [tilespmem:s0], [sflag:$0x2], $0x1, v8, vm0, $0x4038;
	[tilespmem:$0xF030] =	vst v63  }
0xaf: {  	v3 =	vld [tilespmem:s28+$0xD570];
	_ =	sdelay $0x4  }
0xb0: {  	v3 =	vshift.insert v3, v0, s21  }
0xb1: {  	s0 =	simm.s32 $0x30  }
0xb2: {  	[tilespmem:s0+$0x0] =	vst.msk $0x1, v3  }
0xb3: {  	v3 =	vsel vm4, $0x1, v1;
	[tilespmem:$0x90] =	vst v6  }
0xb4: {  	s0 =	sadd.s32 @!p1 $0xD57F, s28;
	[tilespmem:$0xA0] =	vst v3  }
0xb5: {  	[spmem:s14] =	stream.linear.scatter @!p1 [tilespmem:s0], [sflag:$0x1], $0x1, $0x38;
	[tilespmem:$0xF030] =	vst v63  }
0xb6: {  	s0 =	simm.s32 @!p1 $0x1  }
0xb7: {  	v3 =	vmctz.xlane @!p1 vm4;
	_ =	swait.ge @!p1 [sflag:s0], $0x1  }
0xb8: {  	(v2sf) =	vpush @!p1 v4, $0x0  }
0xb9: {  	(v2sf) =	vpush @!p1 v3, $0x0;
	_ =	sdelay $0xd  }
0xba: {  	s2 =	spop @!p1 (v2sf)  }
0xbb: {  	s6 =	spop @!p1 (v2sf)  }
0xbc: {  	p2 =	sne.s32 @!p1 s26, s2;
	p3 =	slt.s32 @!p1 s6, $0xF  }
0xbd: {  	[sflag:s0] =	ssyncset.done @!p1 $0x0;
	p2 =	por p2, p1;
	p3 =	por !p3, p1  }
0xbe: {  	[sflag:s0] =	ssyncadd.s32 @!p1 $0xFFFFFFFF;
	v3 =	vimm.s32 @!p2 $0xFFFFFFFF;
	s6 =	simm.s32 @p3 $0xF  }
0xbf: {  	[tilespmem:$0x80] =	vst @!p2 v3;
	s2 =	sadd.s32 @!p1 $0x90, s6  }
0xc0: {  	[spmem:s10] =	stream.linear.scatter @!p1 [tilespmem:s2], [sflag:$0x1], $0x1, $0x38;
	[tilespmem:$0xF030] =	vst v63  }
0xc1: {  	_ =	swait.ge @!p1 [sflag:s0], $0x1  }
0xc2: {  	[sflag:s0] =	ssyncset.done @!p1 $0x0  }
0xc3: {  	s2 =	simm.s32 @!p1 $0x80;
	[sflag:s0] =	ssyncadd.s32 @!p1 $0xFFFFFFFF  }
0xc4: {  	[spmem:s15] =	stream.linear.scatter @!p1 [tilespmem:s2], [sflag:$0x1], $0x1, $0x38;
	[tilespmem:$0xF030] =	vst v63  }
0xc5: {  	_ =	swait.ge @!p1 [sflag:s0], $0x1  }
0xc6: {  	[sflag:s0] =	ssyncset.done @!p1 $0x0  }
0xc7: {  	[sflag:s0] =	ssyncadd.s32 @!p1 $0xFFFFFFFF;
	(ifvalue) =	ssetifvalue $0xFFFFFFFF;
	v3 =	vld [tilespmem:s25+$0x10];
	_ =	sdelay $0x3  }
.Ltmp6:
0xc8: {  	_ = 	snop;
	(pc) =	sbr.rel .LBB2_9-.Ltmp6, $3  }
0xc9: {  	_ =	sdelay $0x1  }
0xca: {  	(ifvalue) =	ssetifvalue $0xFFFFFFFF  }
0xcb: {  	[hbm4b:s1+s16] =	stream.indirect_vreg.scatter [tilespmem:s29], [sflag:$0x9], $0x1, v3, vm0, $0x4038;
	[tilespmem:$0xF030] =	vst v63  }
.LBB2_10:
0xcc: {  	_ =	sfence.sel $0x180000  }
0xcd: {  	s0 =	simm.s32 $0x7;
	[bflag:$0x0] =	sbarrier.arrive $0xFFFF  }
0xce: {  	s26 =	simm.s32 $0x8;
	[sflag:s0] =	ssyncpa.u1 $0x1  }
0xcf: {  	s28 =	simm.s32 $0x9;
	[sflag:s26] =	ssyncpa.u1 $0x1  }
0xd0: {  	[sflag:s28] =	ssyncpa.u1 $0x1  }
0xd1: {  	_ =	sfence.stream.spmem  }
0xd2: {  	s29 =	simm.s32 $0x3;
	[bflag:$0x0] =	sbarrier.arrive $0xFFFF  }
0xd3: {  	s30 =	simm.s32 $0x4;
	[sflag:s29] =	ssyncpa.u1 $0x1  }
0xd4: {  	s31 =	simm.s32 $0x3C;
	s2 =	stileid.u32;
	[sflag:s30] =	ssyncpa.u1 $0x1  }
0xd5: {  	p0 =	sne.s32 s2, $0x0;
	[sflag:s31] =	ssyncpa.u1 $0x1  }
0xd6: {  	s0 =	simm.s32 @p0 $0x1;
	_ =	sfence @p0  }
0xd7: {  	[sflag:s0] =	ssyncpa.u1 @p0 $0x1;
	s0 =	simm.s32 @p0 $0x2  }
0xd8: {  	[sflag:s0] =	ssyncpa.u1 @p0 $0x1  }
0xd9: {  	_ =	strace @p0 $0x9000006B  }
0xda: {  	[bflag:$0x2] =	sbarrier.arrive @p0 $0xFFFF  }
0xdb: {  	_ =	shalt @p0  }
.LBB2_11:
0xdc: {  	_ =	sfence.stream.spmem;
	s0 =	simm.s32 $0x5  }
0xdd: {  	s2 =	simm.s32 $0x80;
	s3 =	simm.s32 $0xC0;
	[sflag:s0] =	ssyncpa.u1 $0x0  }
0xde: {  	[tilespmem:s3], [sflag:$0x5] =	stream.linear.gather [spmem:s2], $0x20, $0x38;
	[tilespmem:$0xF030] =	vst v63  }
0xdf: {  	s2 =	simm.s32 $0x0;
	s3 =	simm.s32 $0xE0  }
0xe0: {  	[tilespmem:s3], [sflag:$0x5] =	stream.linear.gather [spmem:s2], $0x20, $0x38;
	[tilespmem:$0xF030] =	vst v63  }
.Ltmp7:
0xe1: {  	_ = 	snop;
	(pc) =	sbr.rel .LBB2_12-.Ltmp7, $4  }
0xe2: {  	_ =	swait.ge [sflag:s0], $0x40  }
0xe3: {  	[sflag:s0] =	ssyncset.done $0x0  }
0xe4: {  	s31 =	simm.s32 $0x6;
	[sflag:s0] =	ssyncadd.s32 $0xFFFFFFC0  }
0xe5: {  	s4 =	simm.s32 $0x0;
	[sflag:s31] =	ssyncpa.u1 $0x0  }
.LBB2_17:
0xe6: {  	p0 =	sgt.u32 s5, $0x27FF  }
0xe7: {  	s0 =	sshrl.u32 @!p0 s5, $0x3  }
0xe8: {  	s5 =	sand.u32 @!p0 $0x7, s5;
	s6 =	simm.s32 @!p0 $0xB0;
	s0 =	sadd.s32 @!p0 s1, s0  }
0xe9: {  	[tilespmem:s6], [sflag:$0x6] =	stream.linear.gather @!p0 [hbm4b:s0+s5], $0x1, $0x38;
	[tilespmem:$0xF030] =	vst v63  }
0xea: {  	s0 =	simm.s32 @!p0 $0x6  }
0xeb: {  	_ =	swait.ge @!p0 [sflag:s0], $0x1  }
0xec: {  	[sflag:s0] =	ssyncset.done @!p0 $0x0  }
0xed: {  	[sflag:s0] =	ssyncadd.s32 @!p0 $0xFFFFFFFF  }
0xee: {  	v2 =	vmov @!p0 s4;
	v1 =	vld.msk @!p0 [tilespmem:$0xB0], $0x1;
	_ =	sdelay $0x3  }
0xef: {  	s0 =	simm.s32 @!p0 $0xE0  }
0xf0: {  	[tilespmem:v2+s0+$0x0], v1 =	vst.idx.ret.add.f32.msk @!p0 $0x1, v1  }
0xf1: {  	[tilespmem:s2+$0xC0] =	vst.msk $0x1, v0  }
0xf2: {  	v0 =	vld.msk [tilespmem:s4+$0xE0], $0x1;
	_ =	sdelay $0x4  }
0xf3: {  	[tilespmem:s2+$0xE0] =	vst.msk $0x1, v0;
	s2 =	sadd.s32 $0x1, s2  }
.LBB2_19:
0xf4: {  	s4 =	sadd.s32 $0x1, s4  }
0xf5: {  	p0 =	sne.s32 s4, $0x20  }
.Ltmp8:
0xf6: {  	_ = 	snop;
	(pc) =	sbr.rel @!p0 .LBB2_20-.Ltmp8, $1  }
0xf7: {  	_ =	sdelay $0x3  }
.LBB2_12:
0xf8: {  	v0 =	vld.msk [tilespmem:s4+$0xC0], $0x1;
	_ =	sdelay $0x4  }
0xf9: {  	(v2sf) =	vpush v0, $0x0;
	_ =	sdelay $0xe  }
0xfa: {  	s5 =	spop (v2sf)  }
0xfb: {  	p0 =	seq.s32 s5, $0xFFFFFFFF  }
.Ltmp9:
0xfc: {  	_ = 	snop;
	(pc) =	sbr.rel @p0 .LBB2_19-.Ltmp9, $1  }
0xfd: {  	_ =	sdelay $0x3  }
0xfe: {  	p0 =	slt.s32 s2, $0x1  }
.Ltmp10:
0xff: {  	_ = 	snop;
	(pc) =	sbr.rel @p0 .LBB2_17-.Ltmp10, $1  }
0x100: {  	_ =	sdelay $0x3  }
0x101: {  	s0 =	simm.s32 $0xC0;
	p0 =	por $0x0, $0x0  }
0x102: {  	v1 =	vld.msk @!p0 [tilespmem:s0+$0x0], $0x1;
	_ =	sdelay $0x4  }
0x103: {  	(v2sf) =	vpush @!p0 v1, $0x0;
	_ =	sdelay $0xd  }
0x104: {  	p2 =	sne.s32 s2, $0x1  }
.Ltmp11:
0x105: {  	s6 =	spop @!p0 (v2sf);
	(pc) =	sbr.rel @!p2 .LBB2_16-.Ltmp11, $4  }
0x106: {  	p1 =	seq.s32 @!p0 s5, s6  }
0x107: {  	s6 =	simm.s32 $0x0;
	p1 =	por !p1, p0  }
0x108: {  	s8 =	simm.s32 $0xFFFFFFFF;
	s6 =	simm.s32 @p1 $0xFFFFFFFF  }
0x109: {  	s7 =	simm.s32 $0x1;
	s6 =	smov.u32 @p0 s8  }
.LBB2_15:
0x10a: {  	s8 =	smov.u32 s6;
	p0 =	sne.s32 s6, $0xFFFFFFFF  }
0x10b: {  	s0 =	sadd.s32 $0x1, s0;
	s6 =	smov.u32 s7;
	s7 =	sadd.s32 $0x1, s7  }
0x10c: {  	p1 =	sne.s32 s2, s7;
	v1 =	vld.msk @!p0 [tilespmem:s0+$0x0], $0x1;
	_ =	sdelay $0x4  }
0x10d: {  	(v2sf) =	vpush @!p0 v1, $0x0;
	_ =	sdelay $0xe  }
.Ltmp12:
0x10e: {  	s9 =	spop @!p0 (v2sf);
	(pc) =	sbr.rel @p1 .LBB2_15-.Ltmp12, $4  }
0x10f: {  	p2 =	seq.s32 @!p0 s5, s9  }
0x110: {  	p2 =	por !p2, p0  }
0x111: {  	s6 =	simm.s32 @p2 $0xFFFFFFFF  }
0x112: {  	s6 =	smov.u32 @p0 s8  }
.LBB2_16:
0x113: {  	p0 =	sne.s32 s6, $0xFFFFFFFF  }
.Ltmp13:
0x114: {  	_ = 	snop;
	(pc) =	sbr.rel @!p0 .LBB2_17-.Ltmp13, $1  }
0x115: {  	_ =	sdelay $0x3  }
0x116: {  	v0 =	vld.msk [tilespmem:s4+$0xE0], $0x1;
	v1 =	vmov s6  }
.Ltmp14:
0x117: {  	_ = 	snop;
	(pc) =	sbr.rel .LBB2_19-.Ltmp14, $2  }
0x118: {  	_ =	sdelay $0x2  }
0x119: {  	[tilespmem:v1+s3+$0x0], v0 =	vst.idx.ret.add.f32.msk $0x1, v0  }
.LBB2_20:
0x11a: {  	p0 =	slt.s32 s2, $0x1  }
.Ltmp15:
0x11b: {  	_ = 	snop;
	(pc) =	sbr.rel @p0 .LBB2_24-.Ltmp15, $3  }
0x11c: {  	_ =	sdelay $0x1  }
0x11d: {  	s0 =	simm.s32 $0x6  }
0x11e: {  	s3 =	simm.s32 $0x0;
	[sflag:s0] =	ssyncpa.u1 $0x1  }
0x11f: {  	s0 =	simm.s32 $0xC0  }
0x120: {  	v0 =	vld.msk [tilespmem:s0+$0x0], $0x1;
	_ =	sdelay $0x4  }
0x121: {  	(v2sf) =	vpush v0, $0x0;
	_ =	sdelay $0xe  }
0x122: {  	s2 =	sadd.s32 $0xFFFFFFFF, s2;
	s4 =	spop (v2sf)  }
0x123: {  	p1 =	sne.s32 s2, $0x0;
	p0 =	sgt.u32 s4, $0x27FF  }
.Ltmp16:
0x124: {  	s5 =	sshrl.u32 @!p0 s4, $0x3;
	(pc) =	sbr.rel @!p1 .LBB2_23-.Ltmp16, $4  }
0x125: {  	s0 =	simm.s32 $0xE0;
	s4 =	sand.u32 @!p0 $0x7, s4;
	s5 =	sadd.s32 @!p0 s1, s5  }
0x126: {  	[hbm4b:s5+s4] =	stream.linear.scatter @!p0 [tilespmem:s0], [sflag:$0x5], $0x1, $0x38;
	[tilespmem:$0xF030] =	vst v63  }
0x127: {  	s5 =	simm.s32 $0x0  }
0x128: {  	s4 =	simm.s32 $0xC1;
	s5 =	simm.s32 @!p0 $0x4  }
.LBB2_22:
0x129: {  	v0 =	vld.msk [tilespmem:s4+$0x0], $0x1;
	s2 =	sadd.s32 $0xFFFFFFFF, s2;
	s3 =	sadd.s32 s3, s5  }
0x12a: {  	p0 =	sne.s32 s2, $0x0;
	_ =	sdelay $0x3  }
0x12b: {  	(v2sf) =	vpush v0, $0x0;
	_ =	sdelay $0xe  }
.Ltmp17:
0x12c: {  	s6 =	spop (v2sf);
	(pc) =	sbr.rel @p0 .LBB2_22-.Ltmp17, $4  }
0x12d: {  	s5 =	simm.s32 $0x0;
	p1 =	sgt.u32 s6, $0x27FF  }
0x12e: {  	s0 =	sadd.s32 $0x1, s0;
	s5 =	simm.s32 @!p1 $0x4;
	s7 =	sshrl.u32 @!p1 s6, $0x3  }
0x12f: {  	s4 =	sadd.s32 $0x1, s4;
	s6 =	sand.u32 @!p1 $0x7, s6;
	s7 =	sadd.s32 @!p1 s1, s7  }
0x130: {  	[hbm4b:s7+s6] =	stream.linear.scatter @!p1 [tilespmem:s0], [sflag:$0x5], $0x1, $0x38;
	[tilespmem:$0xF030] =	vst v63  }
.LBB2_23:
0x131: {  	s0 =	sadd.s32 s3, s5  }
0x132: {  	s3 =	sshrl.u32 s0, $0x2  }
.LBB2_24:
0x133: {  	s0 =	simm.s32 $0x5  }
0x134: {  	_ =	swait.ge [sflag:s0], s3  }
0x135: {  	s1 =	ssub.s32 $0x0, s3;
	[sflag:s0] =	ssyncset.done $0x0  }
0x136: {  	[sflag:s0] =	ssyncadd.s32 s1  }
0x137: {  	[sflag:s0] =	ssyncpa.u1 $0x1  }
0x138: {  	s29 =	simm.s32 $0x1;
	_ =	sfence  }
0x139: {  	s30 =	simm.s32 $0x2;
	[sflag:s29] =	ssyncpa.u1 $0x1  }
0x13a: {  	[sflag:s30] =	ssyncpa.u1 $0x1  }
0x13b: {  	_ =	strace $0x9000006B  }
0x13c: {  	[bflag:$0x2] =	sbarrier.arrive $0xFFFF  }
0x13d: {  	s31 =	rddreg [dreg:$0x1]  }
0x13e: {  	s0 =	sadd.s32 $0x100000, s31  }
0x13f: {  	[sflag:s0] =	ssyncadd.tile.s32 $0x1;
	_ =	shalt  }
.Lfunc_end2:
_tile_overlayer_lowered:
.L_overlay_start_2:
0x140: {  	(tag) =	ssettag $0x2  }
0x141: {  	s0 =	rddreg [dreg:$0x0];
	s2 =	stileid.u32  }
0x142: {  	s1 =	rddreg [dreg:$0x1];
	p0 =	sne.s32 s2, $0x0  }
0x143: {  	s3 =	rddreg [dreg:$0x2];
	[bflag:$0x3] =	sbarrier.arrive $0xFFFF;
	s2 =	simm.s32 @!p0 $0x1C01  }
0x144: {  	[timem:s3], [sflag:s2] =	dma.local @!p0 [hbm:s0], s1  }
0x145: {  	s0 =	simm.s32 @!p0 $0x1  }
0x146: {  	_ =	swait.ge @!p0 [sflag:s0], s1  }
0x147: {  	s1 =	ssub.s32 @!p0 $0x0, s1;
	[sflag:s0] =	ssyncset.done @!p0 $0x0  }
0x148: {  	[sflag:s0] =	ssyncadd.s32 @!p0 s1  }
0x149: {  	[bflag:$0x3] =	sbarrier.arrive $0xFFFF  }
0x14a: {  	_ =	shalt  }

// kernel: scatter_offload_async_start.2
scs
__scs_entry_jumppad:
0x0: {  	(pc) =	sbr.rel $0x88, $3  }
0x1: {  	(tag) =	ssettag $0x0;
	lr =	simm.s32 $0x1  }
0x2: {  	[smem:$0x3F97] =	sst lr;
	_ =	strace $0xD0000000  }
0x3: {  	_ = 	snop  }
0x4: {  	_ = 	snop  }
0x5: {  	_ = 	snop  }
0x6: {  	_ = 	snop  }
0x7: {  	_ = 	snop  }
__scs_overlays_trampoline_lowered:
0x8: {  	[smem:$0x3FA6] =	sst s0  }
0x9: {  	[smem:$0x3FA7] =	sst s1  }
0xa: {  	[smem:$0x3FA8] =	sst s2  }
0xb: {  	[smem:$0x3FA9] =	sst s3  }
0xc: {  	[smem:$0x3FAA] =	sst s4  }
0xd: {  	[smem:$0x3FAB] =	sst s5  }
0xe: {  	[smem:$0x3FAC] =	sst s6  }
0xf: {  	[smem:$0x3FAD] =	sst s7  }
0x10: {  	[smem:$0x3FAE] =	sst s8  }
0x11: {  	[smem:$0x3FAF] =	sst s9;
	s0 =	simm.s32 @!p0 $0x0  }
0x12: {  	s1 =	sld [smem:$0x3F95];
	s0 =	simm.s32 @p0 $0x1  }
0x13: {  	[smem:$0x3FB0] =	sst s0;
	s0 =	simm.s32 @!p1 $0x0  }
0x14: {  	s2 =	sld [smem:$0x3F94];
	s0 =	simm.s32 @p1 $0x1  }
0x15: {  	[smem:$0x3FB1] =	sst s0;
	s0 =	simm.s32 @!p2 $0x0  }
0x16: {  	s3 =	sld [smem:$0x3FDB];
	s0 =	simm.s32 @p2 $0x1  }
0x17: {  	s4 =	simm.s32 $0x1BF5;
	[smem:$0x3FB3] =	sst s0  }
0x18: {  	s0 =	sld [smem:$0x3F96];
	_ =	swait.ge [sflag:s4], $0x0  }
0x19: {  	s7 =	sld [smem:$0x3F97]  }
0x1a: {  	s8 =	sadd.s32 $0xFFFFE003, lr  }
0x1b: {  	s9 =	sadd.s32 $0xFFFFFEF7, lr;
	s5 =	simm.s32 $0xFFFFFFFF;
	p2 =	slt.u32 s8, $0xFFFFF086  }
0x1c: {  	p1 =	slt.u32 s9, $0xF7A;
	s5 =	simm.s32 @!p2 $0x0  }
0x1d: {  	s5 =	simm.s32 @p1 $0x1;
	p0 =	seq.s32 s7, s2  }
0x1e: {  	s7 =	smul.u32 @!p0 $0xF7A, s2;
	p2 =	seq.s32 @!p0 s5, $0x0  }
0x1f: {  	s9 =	smul.u32 $0xF7A, s1;
	s8 =	simm.s32 @!p0 $0x1BF5;
	p2 =	por !p2, p0  }
0x20: {  	[sflag:s8] =	ssyncset.s32 @!p0 $0xFFFFF086;
	s6 =	sadd.s32 @!p0 s3, s7;
	s7 =	simm.s32 @!p0 $0x108  }
0x21: {  	s3 =	sadd.s32 s3, s9;
	s6 =	sadd.s32 @!p0 $0x88, s6;
	s7 =	simm.s32 @p2 $0x1082  }
0x22: {  	[simem:s7], [sflag:s8] =	dma.local @!p0 [hbm:s6], $0xF7A  }
0x23: {  	s9 =	sor.u32 $0xD0000000, s2;
	s6 =	simm.s32 $0x108;
	_ =	swait.ge @!p0 [sflag:s8], $0x0  }
0x24: {  	s3 =	sadd.s32 $0x88, s3;
	s6 =	simm.s32 @!p1 $0x1082;
	[sflag:s4] =	ssyncset.s32 $0xFFFFF086  }
0x25: {  	[simem:s6], [sflag:s4] =	dma.local [hbm:s3], $0xF7A  }
0x26: {  	[smem:$0x3F97] =	sst s1;
	(tag) =	ssettag s2;
	_ =	strace s9  }
0x27: {  	s1 =	sld [smem:$0x3FA7]  }
0x28: {  	s2 =	sld [smem:$0x3FA8]  }
0x29: {  	s4 =	sld [smem:$0x3FAA]  }
0x2a: {  	p0 =	seq.s32 s5, $0x0;
	s5 =	sld [smem:$0x3FAB]  }
0x2b: {  	s6 =	sld [smem:$0x3FAC]  }
0x2c: {  	s7 =	sld [smem:$0x3FAD]  }
0x2d: {  	s3 =	simm.s32 $0x108;
	s8 =	sld [smem:$0x3FAE]  }
0x2e: {  	s3 =	simm.s32 @!p0 $0x1082;
	s9 =	sld [smem:$0x3FAF]  }
0x2f: {  	lr =	sadd.s32 s0, s3;
	s0 =	sld [smem:$0x3FA6]  }
0x30: {  	s3 =	sld [smem:$0x3FA9]  }
0x31: {  	[smem:$0x3FB2] =	sst s10  }
0x32: {  	s10 =	sld [smem:$0x3FB0];
	_ =	sdelay $0x3  }
0x33: {  	p0 =	seq.s32 s10, $0x1;
	s10 =	sld [smem:$0x3FB2];
	_ =	sdelay $0x3  }
0x34: {  	[smem:$0x3FB2] =	sst s10  }
0x35: {  	s10 =	sld [smem:$0x3FB1];
	_ =	sdelay $0x3  }
0x36: {  	p1 =	seq.s32 s10, $0x1;
	s10 =	sld [smem:$0x3FB2];
	_ =	sdelay $0x3  }
0x37: {  	[smem:$0x3FB2] =	sst s10  }
0x38: {  	s10 =	sld [smem:$0x3FB3]  }
0x39: {  	_ = 	snop;
	(pc) =	sbr.ind lr, $3  }
0x3a: {  	_ = 	snop  }
0x3b: {  	_ = 	snop  }
0x3c: {  	p2 =	seq.s32 s10, $0x1;
	s10 =	sld [smem:$0x3FB2]  }
0x3d: {  	_ =	shalt  }
0x3e: {  	_ =	shalt  }
0x3f: {  	_ =	shalt  }
0x40: {  	_ =	shalt  }
0x41: {  	_ =	shalt  }
0x42: {  	_ =	shalt  }
0x43: {  	_ =	shalt  }
0x44: {  	_ =	shalt  }
0x45: {  	_ =	shalt  }
0x46: {  	_ =	shalt  }
0x47: {  	_ =	shalt  }
0x48: {  	_ =	shalt  }
0x49: {  	_ =	shalt  }
0x4a: {  	_ =	shalt  }
0x4b: {  	_ =	shalt  }
0x4c: {  	_ =	shalt  }
0x4d: {  	_ =	shalt  }
0x4e: {  	_ =	shalt  }
0x4f: {  	_ =	shalt  }
0x50: {  	_ =	shalt  }
0x51: {  	_ =	shalt  }
0x52: {  	_ =	shalt  }
0x53: {  	_ =	shalt  }
0x54: {  	_ =	shalt  }
0x55: {  	_ =	shalt  }
0x56: {  	_ =	shalt  }
0x57: {  	_ =	shalt  }
0x58: {  	_ =	shalt  }
0x59: {  	_ =	shalt  }
0x5a: {  	_ =	shalt  }
0x5b: {  	_ =	shalt  }
0x5c: {  	_ =	shalt  }
0x5d: {  	_ =	shalt  }
0x5e: {  	_ =	shalt  }
0x5f: {  	_ =	shalt  }
0x60: {  	_ =	shalt  }
0x61: {  	_ =	shalt  }
0x62: {  	_ =	shalt  }
0x63: {  	_ =	shalt  }
0x64: {  	_ =	shalt  }
0x65: {  	_ =	shalt  }
0x66: {  	_ =	shalt  }
0x67: {  	_ =	shalt  }
0x68: {  	_ =	shalt  }
0x69: {  	_ =	shalt  }
0x6a: {  	_ =	shalt  }
0x6b: {  	_ =	shalt  }
0x6c: {  	_ =	shalt  }
0x6d: {  	_ =	shalt  }
0x6e: {  	_ =	shalt  }
0x6f: {  	_ =	shalt  }
0x70: {  	_ =	shalt  }
0x71: {  	_ =	shalt  }
0x72: {  	_ =	shalt  }
0x73: {  	_ =	shalt  }
0x74: {  	_ =	shalt  }
0x75: {  	_ =	shalt  }
0x76: {  	_ =	shalt  }
0x77: {  	_ =	shalt  }
0x78: {  	_ =	shalt  }
0x79: {  	_ =	shalt  }
0x7a: {  	_ =	shalt  }
0x7b: {  	_ =	shalt  }
0x7c: {  	_ =	shalt  }
0x7d: {  	_ =	shalt  }
0x7e: {  	_ =	shalt  }
0x7f: {  	_ =	shalt  }
0x80: {  	_ =	shalt  }
0x81: {  	_ =	shalt  }
0x82: {  	_ =	shalt  }
0x83: {  	_ =	shalt  }
0x84: {  	_ =	shalt  }
0x85: {  	_ =	shalt  }
0x86: {  	_ =	shalt  }
0x87: {  	_ =	shalt  }
.Lfunc_end0:
.L_simem_size_0:
called_computation.2_lowered:
.L_overlay_start_0:
0x88: {  	s0 =	sld [smem:$0x3FD9]  }
0x89: {  	s1 =	sld [smem:$0x3FFE];
	_ =	sdelay $0x3  }
0x8a: {  	s0 =	sadd.s32 s1, s0  }
0x8b: {  	[smem:$0x3FBE] =	sst s0  }
0x8c: {  	_ = 	snop  }
0x8d: {  	(tm) =	ssettm $0x1  }
0x8e: {  	s14 =	sld [smem:$0x3FFB];
	_ =	sdelay $0x3  }
0x8f: {  	_ =	strace s14  }
0x90: {  	s0 =	sld [smem:$0x3FFC];
	_ =	sdelay $0x3  }
0x91: {  	_ =	strace s0  }
0x92: {  	s0 =	sld [smem:$0x3FFD];
	_ =	sdelay $0x3  }
0x93: {  	_ =	strace s0  }
0x94: {  	_ =	strace $0x8FFFFFFF  }
0x95: {  	s15 =	sld [smem:$0x3FDB];
	_ =	sdelay $0x1  }
0x96: {  	s16 =	simm.s32 $_scs_section_size  }
0x97: {  	s2 =	simm.s32 $_size__tile_overlayer_lowered;
	s3 =	simm.s32 $_tile_overlayer_lowered  }
0x98: {  	s4 =	simm.s32 $0x1BFF;
	s17 =	sshll.u32 s3, $0x1;
	s1 =	sadd.s32 s16, s15  }
0x99: {  	s18 =	simm.s32 $0x0;
	s2 =	sshll.u32 s2, $0x1;
	s3 =	sadd.s32 s17, s1  }
0x9a: {  	[timem:s18], [sflag:s4] =	dma.local [hbm:s3], s2  }
0x9b: {  	_ =	swait.ge [sflag:s4], s2  }
0x9c: {  	s2 =	ssub.s32 $0x0, s2;
	[sflag:s4] =	ssyncset.done $0x0  }
0x9d: {  	[sflag:s4] =	ssyncadd.s32 s2;
	_ =	sdelay $0x1  }
0x9e: {  	s19 =	simm.s32 $0x1B8B  }
0x9f: {  	_ =	swait.ge [sflag:s19], $0x1  }
0xa0: {  	[sflag:s19] =	ssyncset.done $0x0  }
0xa1: {  	s21 =	simm.s32 $0x1B8E;
	s20 =	sld [smem:$0x3FFE];
	[sflag:s19] =	ssyncadd.s32 $0xFFFFFFFF  }
0xa2: {  	s22 =	simm.s32 $execute0_lowered;
	[smem:$0x3FD2] =	sst s21  }
0xa3: {  	s3 =	sshll.u32 s22, $0x1;
	_ =	strace $0x8000005E;
	[dreg:$0x1] =	wrdreg $0xFFFFFFFF  }
0xa4: {  	s23 =	simm.s32 $_size_execute0_lowered;
	s3 =	sadd.s32 s1, s3;
	[dreg:$0x0] =	wrdreg $0x0  }
0xa5: {  	s4 =	sshll.u32 s23, $0x1;
	[dreg:$0x2] =	wrdreg s3  }
0xa6: {  	[dreg:$0x3] =	wrdreg s4  }
0xa7: {  	[dreg:$0x4] =	wrdreg $0xC0  }
0xa8: {  	s24 =	simm.s32 $execute1_lowered;
	_ =	task [dreg:s18], $0x5FFFF  }
0xa9: {  	s3 =	sshll.u32 s24, $0x1;
	[dreg:$0x1] =	wrdreg $0xFFFFFFFF  }
0xaa: {  	s1 =	sadd.s32 s1, s3;
	[dreg:$0x0] =	wrdreg $0x60  }
0xab: {  	[dreg:$0x2] =	wrdreg s1  }
0xac: {  	[dreg:$0x3] =	wrdreg s20  }
0xad: {  	[dreg:$0x4] =	wrdreg $0xA  }
0xae: {  	_ =	task.clear_ibuf [dreg:s18], $0x5FFFF;
	_ =	strace $0x9000005E  }
0xaf: {  	s25 =	simm.s32 $0xA;
	_ =	strace $0x80000060  }
0xb0: {  	_ =	swait.ge [sflag:s25], $0x1  }
0xb1: {  	[sflag:s25] =	ssyncadd.s32 $0xFFFFFFFF  }
0xb2: {  	_ =	strace $0x90000060  }
0xb3: {  	_ =	strace $0x80000061;
	[dreg:$0x1] =	wrdreg $0xFFFFFFFF  }
0xb4: {  	[dreg:$0x0] =	wrdreg $0x2030  }
0xb5: {  	[dreg:$0x2] =	wrdreg s20  }
0xb6: {  	[dreg:$0x3] =	wrdreg $0xB  }
0xb7: {  	_ =	task.clear_ibuf [dreg:s18], $0x4FFFF;
	_ =	strace $0x90000061  }
0xb8: {  	s26 =	simm.s32 $0xB;
	_ =	strace $0x80000063  }
0xb9: {  	_ =	swait.ge [sflag:s26], $0x1  }
0xba: {  	[sflag:s26] =	ssyncadd.s32 $0xFFFFFFFF  }
0xbb: {  	_ =	strace $0x90000063  }
0xbc: {  	_ =	sfence  }
0xbd: {  	s28 =	sld [smem:$0x0];
	_ =	sdelay $0x1  }
0xbe: {  	s29 =	srdreg.scid  }
0xbf: {  	s30 =	sshll.u32 s29, $0xD;
	s31 =	sshrl.u32 s29, $0x2  }
0xc0: {  	s2 =	sand.u32 $0x1, s29;
	s3 =	sand.u32 $0x4000, s30;
	s1 =	sadd.s32 s31, s28  }
0xc1: {  	s2 =	sor.u32 s3, s2;
	s1 =	sshll.u32 s1, $0x11  }
0xc2: {  	s1 =	sor.u32 s1, s2  }
0xc3: {  	s1 =	sadd.s32 $0x8F2B, s1  }
0xc4: {  	[sflag:s1] =	ssyncadd.remote.s32 $0x1  }
0xc5: {  	_ =	sfence.sel $0xFFFF  }
0xc6: {  	[dreg:$0x0] =	wrdreg $0xFFFFFFFF;
	(pc) =	sbr.abs _section_cstart, $3  }
0xc7: {  	[dreg:$0x1] =	wrdreg $0xFFFFFFFF  }
0xc8: {  	_ =	task.clear_ibuf [dreg:s18], $0x2FFFF;
	_ =	strace $0x9FFFFFFF  }
0xc9: {  	(tm) =	ssettm $0x7FFFFFFF  }
tec
execute0_lowered:
.L_overlay_start_1:
0x0: {  	(tag) =	ssettag $0x1  }
0x1: {  	s3 =	rddreg [dreg:$0x0];
	s4 =	stileid.u32  }
0x2: {  	s5 =	rddreg [dreg:$0x1];
	s2 =	smul.u32 $0x3E80, s4  }
0x3: {  	s0 =	rddreg [dreg:$0x2];
	[bflag:$0x3] =	sbarrier.arrive $0xFFFF;
	s1 =	simm.s32 $_size_execute1_lowered  }
0x4: {  	s1 =	sshll.u32 s1, $0x1;
	p0 =	sne.s32 s4, $0x0;
	s6 =	ssub.s32 $0x61A8000, s2  }
0x5: {  	s4 =	simm.s32 @!p0 $0x1C3F;
	s7 =	simm.s32 @!p0 $0x4060;
	s8 =	smulhi.u32 $0x4189375, s6  }
0x6: {  	[timem:s7], [sflag:s4] =	dma.local @!p0 [hbm:s3], s1  }
0x7: {  	s30 =	sshrl.u32 s8, $0xC  }
0x8: {  	s31 =	simm.s32 $0x2;
	s8 =	smul.u32 $0x3E800, s30  }
.Ltmp0:
0x9: {  	s10 =	simm.s32 $0x0;
	s9 =	simm.s32 $0x0;
	(pc) =	sbr.rel .LBB2_1-.Ltmp0, $4  }
0xa: {  	s3 =	sadd.s32 $0x54B600, s5;
	p1 =	sne.s32 s6, s8;
	s6 =	simm.s32 $0x1  }
0xb: {  	s4 =	simm.s32 $0x1;
	_ =	strace $0x8000005F;
	s6 =	simm.s32 @!p1 $0x0  }
0xc: {  	s5 =	sadd.s32 $0x362F200, s5;
	[sflag:s4] =	ssyncpa.u1 $0x0;
	s6 =	sadd.s32 s6, s30  }
0xd: {  	[sflag:s31] =	ssyncpa.u1 $0x0;
	s8 =	smov.u32 s2;
	s7 =	sadd.s32 $0x1, s6  }
.LBB2_7:
0xe: {  	s12 =	sadd.s32 $0x3E800, s8  }
0xf: {  	p2 =	sgt.s32 s12, $0x61A7FFF  }
0x10: {  	s12 =	smov.u32 @p2 s2;
	p2 =	sne.s32 s9, s7  }
.Ltmp1:
0x11: {  	p1 =	slt.u32 s9, $0x2;
	(pc) =	sbr.rel @!p2 .LBB2_8-.Ltmp1, $4  }
0x12: {  	s11 =	simm.s32 @!p1 $0x2  }
0x13: {  	_ =	swait.ge @!p1 [sflag:s11], $0x3E80  }
0x14: {  	s13 =	sadd.s32 $0x1, s9;
	s10 =	smov.u32 s8;
	[sflag:s11] =	ssyncset.done @!p1 $0x0  }
0x15: {  	s9 =	smov.u32 s13;
	s8 =	smov.u32 s12;
	[sflag:s11] =	ssyncadd.s32 @!p1 $0xFFFFC180  }
.LBB2_1:
0x16: {  	p1 =	sge.u32 s9, s6  }
0x17: {  	s11 =	sxor.u32 @!p1 $0xFFFFFFFF, s9  }
0x18: {  	s11 =	sand.u32 @!p1 $0x1, s11  }
0x19: {  	s11 =	smul.u32 @!p1 $0xFA00, s11  }
0x1a: {  	s31 =	sadd.s32 $0xFFFFFFFF, s9;
	s12 =	sshrl.u32 @!p1 s8, $0x3  }
0x1b: {  	s13 =	sand.u32 @!p1 $0x7, s8;
	s12 =	sadd.s32 @!p1 s3, s12;
	s11 =	sshrl.u32 @!p1 s11, $0x2  }
0x1c: {  	[tilespmem:s11], [sflag:$0x1] =	stream.linear.gather @!p1 [hbm4b:s12+s13], $0x3E80, $0x38;
	[tilespmem:$0xFA00] =	vst v63  }
0x1d: {  	p1 =	sge.u32 s31, s6  }
.Ltmp2:
0x1e: {  	_ = 	snop;
	(pc) =	sbr.rel @p1 .LBB2_7-.Ltmp2, $1  }
0x1f: {  	_ =	sdelay $0x3  }
0x20: {  	s11 =	sand.u32 $0x1, s9  }
0x21: {  	_ =	swait.ge [sflag:s4], $0x3E80;
	s13 =	simm.s32 $0x3E80;
	p1 =	seq.s32 s11, $0x1  }
0x22: {  	[sflag:s4] =	ssyncset.done $0x0;
	s13 =	simm.s32 @!p1 $0x0  }
0x23: {  	[sflag:s4] =	ssyncadd.s32 $0xFFFFC180;
	s15 =	sadd.s32 $0x80, s13  }
0x24: {  	v0 =	vld [tilespmem:s15+$0x70]  }
0x25: {  	v1 =	vld [tilespmem:s15+$0xFFFFFF90]  }
0x26: {  	v2 =	vld [tilespmem:s15+$0xFFFFFFA0]  }
0x27: {  	v3 =	vld [tilespmem:s15+$0xFFFFFFB0]  }
0x28: {  	s11 =	sadd.s32 $0x7D80, s13;
	v4 =	vld [tilespmem:s15+$0xFFFFFFC0]  }
0x29: {  	v5 =	vld [tilespmem:s15+$0xFFFFFFD0];
	[tilespmem:s11+$0x70] =	vst v0  }
0x2a: {  	[tilespmem:s11+$0xFFFFFF90] =	vst v1;
	v0 =	vld [tilespmem:s15+$0xFFFFFFE0]  }
0x2b: {  	[tilespmem:s11+$0xFFFFFFA0] =	vst v2;
	v1 =	vld [tilespmem:s15+$0xFFFFFFF0]  }
0x2c: {  	[tilespmem:s11+$0xFFFFFFB0] =	vst v3;
	v2 =	vld [tilespmem:s15+$0x0]  }
0x2d: {  	[tilespmem:s11+$0xFFFFFFC0] =	vst v4;
	v3 =	vld [tilespmem:s15+$0x10]  }
0x2e: {  	[tilespmem:s11+$0xFFFFFFD0] =	vst v5;
	v5 =	vld [tilespmem:s15+$0x20]  }
0x2f: {  	[tilespmem:s11+$0xFFFFFFE0] =	vst v0;
	v0 =	vld [tilespmem:s15+$0x30]  }
0x30: {  	[tilespmem:s11+$0xFFFFFFF0] =	vst v1;
	v1 =	vld [tilespmem:s15+$0x40]  }
0x31: {  	[tilespmem:s11+$0x0] =	vst v2;
	v2 =	vld [tilespmem:s15+$0x50]  }
0x32: {  	s14 =	simm.s32 $0x0;
	[tilespmem:s11+$0x10] =	vst v3;
	v3 =	vld [tilespmem:s15+$0x60]  }
0x33: {  	s12 =	sadd.s32 $0x7D00, s13;
	s13 =	sshll.u32 s13, $0x2;
	v4 =	vld [tilespmem:s15+$0xFFFFFF80];
	[tilespmem:s11+$0x20] =	vst v5;
	s15 =	sadd.s32 $0x100, s15  }
.LBB2_3:
0x34: {  	v5 =	vld [tilespmem:s15+$0x70];
	s14 =	sadd.s32 $0x100, s14;
	[tilespmem:s11+$0x30] =	vst v0  }
0x35: {  	v0 =	vld [tilespmem:s15+$0xFFFFFF90];
	p1 =	slt.u32 s14, $0x3D00;
	[tilespmem:s11+$0x40] =	vst v1  }
0x36: {  	v1 =	vld [tilespmem:s15+$0xFFFFFFA0];
	[tilespmem:s11+$0x50] =	vst v2  }
0x37: {  	v2 =	vld [tilespmem:s15+$0xFFFFFFB0];
	[tilespmem:s11+$0x60] =	vst v3  }
0x38: {  	v3 =	vld [tilespmem:s15+$0xFFFFFFC0];
	[tilespmem:s11+$0xFFFFFF80] =	vst v4;
	s11 =	sadd.s32 $0x100, s11  }
0x39: {  	v4 =	vld [tilespmem:s15+$0xFFFFFFD0];
	[tilespmem:s11+$0x70] =	vst v5  }
0x3a: {  	[tilespmem:s11+$0xFFFFFF90] =	vst v0;
	v0 =	vld [tilespmem:s15+$0xFFFFFFE0]  }
0x3b: {  	[tilespmem:s11+$0xFFFFFFA0] =	vst v1;
	v1 =	vld [tilespmem:s15+$0xFFFFFFF0]  }
0x3c: {  	[tilespmem:s11+$0xFFFFFFB0] =	vst v2;
	v2 =	vld [tilespmem:s15+$0x0]  }
0x3d: {  	[tilespmem:s11+$0xFFFFFFC0] =	vst v3;
	v3 =	vld [tilespmem:s15+$0x10]  }
0x3e: {  	[tilespmem:s11+$0xFFFFFFD0] =	vst v4;
	v5 =	vld [tilespmem:s15+$0x20]  }
.Ltmp3:
0x3f: {  	[tilespmem:s11+$0xFFFFFFE0] =	vst v0;
	v0 =	vld [tilespmem:s15+$0x30];
	(pc) =	sbr.rel @p1 .LBB2_3-.Ltmp3, $4  }
0x40: {  	[tilespmem:s11+$0xFFFFFFF0] =	vst v1;
	v1 =	vld [tilespmem:s15+$0x40]  }
0x41: {  	[tilespmem:s11+$0x0] =	vst v2;
	v2 =	vld [tilespmem:s15+$0x50]  }
0x42: {  	[tilespmem:s11+$0x10] =	vst v3;
	v3 =	vld [tilespmem:s15+$0x60]  }
0x43: {  	v4 =	vld [tilespmem:s15+$0xFFFFFF80];
	[tilespmem:s11+$0x20] =	vst v5;
	s15 =	sadd.s32 $0x100, s15  }
0x44: {  	[tilespmem:s11+$0x30] =	vst v0  }
0x45: {  	[tilespmem:s11+$0x40] =	vst v1  }
0x46: {  	[tilespmem:s11+$0x50] =	vst v2  }
0x47: {  	s13 =	sshrl.u32 s13, $0x2;
	[tilespmem:s11+$0x60] =	vst v3  }
0x48: {  	s14 =	simm.s32 $0x3DF0;
	[tilespmem:s11+$0xFFFFFF80] =	vst v4;
	s11 =	sadd.s32 $0xBB00, s13;
	s13 =	sadd.s32 $0x3E00, s13  }
.LBB2_5:
0x49: {  	s14 =	sadd.s32 $0x10, s14  }
0x4a: {  	v0 =	vld [tilespmem:s13+$0x0];
	p1 =	slt.u32 s14, $0x3E70  }
.Ltmp4:
0x4b: {  	_ = 	snop;
	(pc) =	sbr.rel @p1 .LBB2_5-.Ltmp4, $2  }
0x4c: {  	_ =	sdelay $0x2  }
0x4d: {  	s13 =	sadd.s32 $0x10, s13;
	[tilespmem:s11+$0x0] =	vst v0;
	s11 =	sadd.s32 $0x10, s11  }
.Ltmp5:
0x4e: {  	(pc) =	sbr.rel .LBB2_7-.Ltmp5, $4  }
0x4f: {  	_ = 	snop  }
0x50: {  	s11 =	sshrl.u32 s10, $0x3  }
0x51: {  	s31 =	sand.u32 $0x7, s10;
	s11 =	sadd.s32 s5, s11  }
0x52: {  	[hbm4b:s11+s31] =	stream.linear.scatter [tilespmem:s12], [sflag:$0x2], $0x3E80, $0x38;
	[tilespmem:$0xFA00] =	vst v63  }
.LBB2_8:
0x53: {  	_ =	sfence.sel $0x180000  }
0x54: {  	s2 =	simm.s32 $0x1;
	[bflag:$0x0] =	sbarrier.arrive $0xFFFF  }
0x55: {  	s31 =	simm.s32 $0x2;
	[sflag:s2] =	ssyncpa.u1 $0x1  }
0x56: {  	[sflag:s31] =	ssyncpa.u1 $0x1  }
0x57: {  	_ =	strace $0x9000005F  }
0x58: {  	s0 =	sadd.s32 @!p0 $0x100000, s0;
	[bflag:$0x2] =	sbarrier.arrive $0xFFFF  }
0x59: {  	[sflag:s0] =	ssyncadd.tile.s32 @!p0 $0x1;
	s0 =	simm.s32 @!p0 $0x3F  }
0x5a: {  	_ =	swait.ge @!p0 [sflag:s0], s1  }
0x5b: {  	s1 =	ssub.s32 @!p0 $0x0, s1;
	[sflag:s0] =	ssyncset.done @!p0 $0x0  }
0x5c: {  	[sflag:s0] =	ssyncadd.s32 @!p0 s1  }
0x5d: {  	[bflag:$0x3] =	sbarrier.arrive $0xFFFF  }
0x5e: {  	_ =	shalt  }
.Lfunc_end2:
execute1_lowered:
.L_overlay_start_2:
0x5f: {  	(tag) =	ssettag $0x2  }
0x60: {  	s0 =	rddreg [dreg:$0x0]  }
0x61: {  	s6 =	stileid.u32;
	_ =	strace $0x80000062;
	s2 =	simm.s32 $0x1  }
0x62: {  	v1 =	vimm.s32 $0xFFFFFFFF;
	s1 =	smin.u32 s6, $0x9;
	[sflag:s2] =	ssyncpa.u1 $0x0  }
0x63: {  	s1 =	sadd.s32 s6, s1;
	[tilespmem:$0x10] =	vst v1  }
0x64: {  	v0 =	vimm.f32 $0.0e+00;
	p0 =	slt.u32 s6, $0x9;
	[tilespmem:$0x20] =	vst v1;
	s3 =	smul.u32 $0x1A90, s1;
	s1 =	simm.s32 $0x3520  }
0x65: {  	[tilespmem:$0x30] =	vst v0;
	s1 =	simm.s32 @!p0 $0x1A90  }
0x66: {  	[tilespmem:$0x40] =	vst v0;
	s1 =	sadd.s32 s1, s3  }
0x67: {  	[tilespmem:$0x50] =	vst v0;
	s4 =	smin.u32 s1, $0x29810  }
0x68: {  	s7 =	simm.s32 $0x2;
	[tilespmem:$0x60] =	vst v1;
	s9 =	ssub.s32 s4, s3  }
0x69: {  	s8 =	simm.s32 $0x8;
	s31 =	simm.s32 $0x9;
	[tilespmem:$0x70] =	vst v1;
	p0 =	sgt.s32 s9, $0x0  }
0x6a: {  	s16 =	simm.s32 $0x0;
	s17 =	simm.s32 $0xF0;
	[tilespmem:$0x80] =	vst v1;
	s9 =	simm.s32 @!p0 $0x0  }
0x6b: {  	s18 =	simm.s32 $0xFFFFFFFF;
	s19 =	simm.s32 $0xFFFFCBE0;
	v1 =	vimm.s32 $0x0;
	[tilespmem:$0xB0] =	vst v0;
	s5 =	smulhi.u32 $0x134679AD, s9  }
0x6c: {  	s20 =	simm.s32 $0xFFFFFFFE;
	s21 =	simm.s32 $0xF;
	s25 =	simm.s32 $0x0;
	[tilespmem:$0x90] =	vst v1  }
0x6d: {  	[tilespmem:$0xA0] =	vst v1;
	[sflag:s7] =	ssyncpa.u1 $0x0;
	s7 =	simm.s32 $0x7;
	s10 =	sshrl.u32 s5, $0x9  }
0x6e: {  	s24 =	simm.s32 $0x0;
	[sflag:s7] =	ssyncpa.u1 $0x0;
	s11 =	smul.u32 $0x1A90, s10  }
0x6f: {  	s14 =	sshllo.u32 s6, $0x1;
	[sflag:s8] =	ssyncpa.u1 $0x0;
	s23 =	smov.u32 s3  }
.Ltmp6:
0x70: {  	s1 =	sadd.s32 $0x362F200, s0;
	p0 =	sne.s32 s9, s11;
	(pc) =	sbr.rel .LBB3_1-.Ltmp6, $4  }
0x71: {  	s5 =	sadd.s32 $0x53BA00, s0;
	s0 =	sadd.s32 $0x3629E00, s0;
	s2 =	simm.s32 @!p0 $0x0  }
0x72: {  	[sflag:s31] =	ssyncpa.u1 $0x0;
	[dreg:$0x2] =	wrdreg s0;
	s9 =	sadd.s32 s2, s10  }
0x73: {  	vm0 =	vmmov $0xffff;
	v2 =	vlaneseq.u32;
	p0 =	por $0x0, $0x0;
	s10 =	sshll.u32 s6, $0x1;
	s11 =	sadd.s32 $0x1, s9  }
0x74: {  	vm1 =	vmxor vm1, vm1;
	vm2 =	vmmov $0x1;
	vm3 =	vcmask $0x3F3C;
	s12 =	sadd.s32 $0x2, s9;
	s13 =	sor.u32 $0x81, s10;
	s15 =	sor.u32 $0x80, s10  }
.LBB3_9:
0x75: {  	p1 =	slt.u32 s24, $0x3  }
0x76: {  	s0 =	simm.s32 @!p1 $0x2  }
0x77: {  	_ =	swait.ge @!p1 [sflag:s0], $0x1A90  }
0x78: {  	[sflag:s0] =	ssyncset.done @!p1 $0x0  }
0x79: {  	[sflag:s0] =	ssyncadd.s32 @!p1 $0xFFFFE570;
	s0 =	simm.s32 @!p1 $0x9  }
0x7a: {  	_ =	swait.ge @!p1 [sflag:s0], $0x10  }
0x7b: {  	[sflag:s0] =	ssyncset.done @!p1 $0x0  }
0x7c: {  	[sflag:s0] =	ssyncadd.s32 @!p1 $0xFFFFFFF0;
	p1 =	sne.s32 s24, s12  }
.Ltmp7:
0x7d: {  	s2 =	sadd.s32 $0x1A90, s23;
	(pc) =	sbr.rel @!p1 .LBB3_10-.Ltmp7, $4  }
0x7e: {  	s6 =	smov.u32 s3;
	s31 =	sadd.s32 $0x1, s24;
	s17 =	sadd.s32 $0x1A90, s17  }
0x7f: {  	s18 =	sadd.s32 $0x1, s18;
	s25 =	smov.u32 s23;
	p2 =	slt.s32 s2, s4  }
0x80: {  	p0 =	por !p0, !p0;
	s19 =	sadd.s32 $0x1A90, s19;
	s6 =	smov.u32 @p2 s2  }
0x81: {  	s20 =	sadd.s32 $0x1, s20;
	s23 =	smov.u32 s6;
	s24 =	smov.u32 s31  }
.LBB3_1:
0x82: {  	p1 =	sge.u32 s24, s9  }
0x83: {  	s0 =	smulhi.u32 @!p1 $0xAAAAAAAB, s24;
	_ =	sdelay $0x1  }
0x84: {  	s0 =	sshrl.u32 @!p1 s0, $0x1  }
0x85: {  	s0 =	smul.u32 @!p1 $0x3, s0;
	_ =	sdelay $0x1  }
0x86: {  	s0 =	ssub.s32 @!p1 s24, s0  }
0x87: {  	s0 =	smul.u32 @!p1 $0x6A40, s0;
	_ =	sdelay $0x1  }
0x88: {  	s2 =	sshrl.u32 @!p1 s23, $0x3;
	s0 =	sshrl.u32 @!p1 s0, $0x2  }
0x89: {  	s22 =	sand.u32 @!p1 $0x7, s23;
	s2 =	sadd.s32 @!p1 s5, s2;
	s0 =	sadd.s32 @!p1 $0x100, s0  }
0x8a: {  	[tilespmem:s0], [sflag:$0x7] =	stream.linear.gather @!p1 [hbm4b:s2+s22], $0x1A90, $0x38;
	[tilespmem:$0xF030] =	vst v63  }
0x8b: {  	s0 =	sadd.s32 $0xFFFFFFFF, s24  }
0x8c: {  	p1 =	sge.u32 s0, s9  }
.Ltmp8:
0x8d: {  	_ = 	snop;
	(pc) =	sbr.rel @p1 .LBB3_5-.Ltmp8, $1  }
0x8e: {  	_ =	sdelay $0x3  }
0x8f: {  	s2 =	smulhi.u32 $0xAAAAAAAB, s0;
	_ =	sdelay $0x1  }
0x90: {  	s2 =	sshrl.u32 s2, $0x1  }
0x91: {  	s2 =	smul.u32 $0x3, s2;
	_ =	sdelay $0x1  }
0x92: {  	s2 =	ssub.s32 s0, s2  }
0x93: {  	s2 =	smul.u32 $0x6A40, s2  }
0x94: {  	_ =	swait.ge [sflag:s7], $0x1A90  }
0x95: {  	[sflag:s7] =	ssyncset.done $0x0;
	s2 =	sshrl.u32 s2, $0x2  }
0x96: {  	[sflag:s7] =	ssyncadd.s32 $0xFFFFE570;
	(ifvalue) =	ssetifvalue $0xFFFFFFFF;
	v3 =	vld.msk [tilespmem:s2+$0x100 ss:$0x1], $0xffff;
	_ =	sdelay $0x2  }
0x97: {  	s30 =	smulhi.u32 $0xAAAAAAAB, s18;
	p1 =	sne.s32 s24, $0x1  }
0x98: {  	v4 =	vimm.s32 @!p1 $0x0  }
0x99: {  	s2 =	sshrl.u32 s30, $0x1;
	v4 =	vperm.xlane @!p1 v3, v4  }
0x9a: {  	s22 =	sshll.u32 s24, $0x4;
	s2 =	smul.u32 $0xFFFEC140, s2;
	vm4 =	vlt.u32 v3, $0x61A8000  }
0x9b: {  	s22 =	sand.u32 $0x10, s22;
	v3 =	vnsel vm4, $0xFFFFFFFE, v3;
	vm4 =	vlt.u32 @!p1 v4, $0x61A8000  }
0x9c: {  	s2 =	sshra.s32 s2, $0x2;
	[tilespmem:s22+$0x60] =	vst v3;
	v3 =	vnsel @!p1 vm4, $0xFFFFFFFE, v4  }
0x9d: {  	s28 =	sadd.s32 s2, s17;
	[tilespmem:$0x80] =	vst @!p1 v3  }
0x9e: {  	v3 =	vld.msk [tilespmem:s28+$0x0 ss:$0x1], $0xffff;
	_ =	sdelay $0x4  }
0x9f: {  	(xrf1) =	vunique.msk.u32 $0xffff, v3;
	_ =	sdelay $0xd  }
0xa0: {  	v4 =	vimm.s32 $0xFFFFFFFF;
	v5, _, _ =	vpop (xrf1)  }
0xa1: {  	vm5 =	vne.s32 v3, v4;
	vm4 =	veq.s32 v5, v2  }
0xa2: {  	vm6 =	vlt.u32 v3, $0x61A8000;
	vm4 =	vmand vm5, vm4  }
0xa3: {  	vm4 =	vmand vm6, vm4  }
0xa4: {  	v4 =	vnsel vm4, $0xFFFFFFFF, v3  }
0xa5: {  	s31 =	sand.u32 $0x1, s0  }
0xa6: {  	s0 =	simm.s32 $0x1A90;
	p1 =	seq.s32 s31, $0x1  }
0xa7: {  	s0 =	simm.s32 @!p1 $0x0  }
0xa8: {  	s26 =	sadd.s32 $0x6B30, s0;
	(ifvalue) =	ssetifvalue $0xFFFFFFFF  }
0xa9: {  	v3 =	vperm.xlane v3, v1;
	[tilespmem:s26], [sflag:$0x8] =	stream.indirect_vreg.gather [hbm4b:s1+s16], $0x1, v4, vm0, $0x4038;
	v4 =	vnsel vm6, $0xFFFFFFFE, v4;
	[tilespmem:$0xF030] =	vst v63  }
0xaa: {  	s2 =	simm.s32 $0x0;
	s22 =	sadd.s32 $0xFFFFFFF0, s28;
	[tilespmem:s28+$0x0] =	vst v4  }
.LBB3_3:
0xab: {  	v4 =	vld.msk [tilespmem:s22+$0x0 ss:$0x1], $0xffff;
	s2 =	sadd.s32 $0x10, s2;
	v5 =	vmov v3;
	s28 =	smov.u32 s22  }
0xac: {  	p1 =	slt.u32 s2, $0x1A80;
	_ =	sdelay $0x4  }
0xad: {  	v3 =	vperm.xlane v4, v1;
	(xrf1) =	vunique.msk.u32 $0xffff, v4;
	_ =	sdelay $0xd  }
0xae: {  	v6, _, _ =	vpop (xrf1)  }
0xaf: {  	vm5 =	vne.s32 v4, v5;
	vm4 =	veq.s32 v6, v2  }
0xb0: {  	vm6 =	vlt.u32 v4, $0x61A8000;
	vm4 =	vmand vm5, vm4  }
0xb1: {  	vm4 =	vmand vm6, vm4  }
0xb2: {  	v4 =	vnsel vm4, $0xFFFFFFFF, v4  }
.Ltmp9:
0xb3: {  	v5 =	vnsel vm6, $0xFFFFFFFE, v4;
	(pc) =	sbr.rel @p1 .LBB3_3-.Ltmp9, $3  }
0xb4: {  	_ =	sdelay $0x1  }
0xb5: {  	s22 =	sadd.s32 $0xFFFFFFF0, s22;
	s26 =	sadd.s32 $0xFFFFFFF0, s26;
	(ifvalue) =	ssetifvalue $0xFFFFFFFF  }
0xb6: {  	[tilespmem:s26], [sflag:$0x8] =	stream.indirect_vreg.gather [hbm4b:s1+s16], $0x1, v4, vm0, $0x4038;
	[tilespmem:s28+$0x0] =	vst v5  }
0xb7: {  	s2 =	sshrl.u32 s25, $0x3;
	s6 =	rddreg [dreg:$0x2]  }
0xb8: {  	s0 =	sadd.s32 $0x85D0, s0;
	s2 =	sadd.s32 s6, s2  }
0xb9: {  	[tilespmem:s0], [sflag:$0x8] =	stream.linear.gather [hbm:s2], $0x1A90, $0x38;
	[tilespmem:$0xF030] =	vst v63  }
.LBB3_5:
0xba: {  	p1 =	slt.u32 s24, $0x2  }
0xbb: {  	p2 =	sge.u32 @!p1 s24, s12  }
0xbc: {  	p1 =	por p1, p2  }
.Ltmp10:
0xbd: {  	_ = 	snop;
	(pc) =	sbr.rel @p1 .LBB3_9-.Ltmp10, $1  }
0xbe: {  	_ =	sdelay $0x3  }
0xbf: {  	s0 =	sadd.s32 $0xFFFFFFFE, s24  }
0xc0: {  	s2 =	smulhi.u32 $0xAAAAAAAB, s0;
	_ =	sdelay $0x1  }
0xc1: {  	s2 =	sshrl.u32 s2, $0x1  }
0xc2: {  	s2 =	smul.u32 $0x3, s2;
	_ =	sdelay $0x1  }
0xc3: {  	s0 =	ssub.s32 s0, s2  }
0xc4: {  	_ =	swait.ge [sflag:s8], $0x3520;
	s0 =	smul.u32 $0x1A90, s0  }
0xc5: {  	p1 =	sne.s32 s24, s11;
	[sflag:s8] =	ssyncset.done $0x0  }
0xc6: {  	[sflag:s8] =	ssyncadd.s32 $0xFFFFCAE0;
	s2 =	sadd.s32 @!p1 $0x1B8F, s0  }
0xc7: {  	[spmem:s13] =	stream.linear.scatter @!p1 [tilespmem:s2], [sflag:$0x1], $0x1, $0x38;
	[tilespmem:$0xF030] =	vst v63  }
0xc8: {  	s2 =	simm.s32 @!p1 $0x1  }
0xc9: {  	_ =	swait.ge @!p1 [sflag:s2], $0x1  }
0xca: {  	s22 =	sshll.u32 s24, $0x4;
	[sflag:s2] =	ssyncset.done @!p1 $0x0  }
0xcb: {  	s25 =	sand.u32 $0x10, s22;
	[sflag:s2] =	ssyncadd.s32 @!p1 $0xFFFFFFFF  }
0xcc: {  	s2 =	sxor.u32 $0x10, s25;
	v4 =	vld [tilespmem:s25+$0x10]  }
0xcd: {  	v5 =	vld [tilespmem:s2+$0x60]  }
0xce: {  	v3 =	vld [tilespmem:$0x80];
	_ =	sdelay $0x2  }
0xcf: {  	(v2sf) =	vpush v4, $0x0  }
0xd0: {  	(v2sf) =	vpush v5, $0x0  }
0xd1: {  	(v2sf) =	vpush v3, $0x0;
	_ =	sdelay $0xc  }
0xd2: {  	s6 =	spop (v2sf)  }
0xd3: {  	s28 =	spop (v2sf)  }
0xd4: {  	s26 =	spop (v2sf)  }
0xd5: {  	p2 =	seq.s32 s6, s28;
	p3 =	seq.s32 s26, s6  }
0xd6: {  	p3 =	por p2, p3  }
0xd7: {  	s6 =	sand.u32 $0x1, s24;
	v4 =	vpsel p3, $0xFFFFFFFF, v4  }
0xd8: {  	s28 =	smul.u32 $0x1A90, s6;
	[tilespmem:s25+$0x10] =	vst.msk $0x1, v4  }
0xd9: {  	v4 =	vld [tilespmem:$0x30]  }
0xda: {  	v5 =	vld [tilespmem:s28+$0x85D0]  }
0xdb: {  	v6 =	vld [tilespmem:s25+$0x40];
	_ =	sdelay $0x3  }
0xdc: {  	vm4 =	vmmov vm1;
	v5 =	vadd.f32 v5, v4  }
0xdd: {  	vm5 =	vmmov vm2;
	vm4 =	vmmov @p2 vm2;
	v4 =	vadd.f32 v6, v4  }
0xde: {  	s22 =	sshll.u32 s6, $0x4;
	vm5 =	vmmov @p3 vm1;
	[tilespmem:s28+$0x85D0] =	vst.msk vm4, v5  }
0xdf: {  	[tilespmem:s22+$0xF010] =	vst.msk vm5, v4  }
0xe0: {  	v4 =	vld [tilespmem:s28+$0x6B30];
	_ =	sdelay $0x3  }
0xe1: {  	v5 =	vimm.f32 $0.0e+00  }
0xe2: {  	v4 =	vshift.insert v4, v5, s21  }
0xe3: {  	s29 =	sor.u32 $0x40, s2  }
0xe4: {  	[tilespmem:s29+$0x0] =	vst.msk $0x1, v4  }
0xe5: {  	[tilespmem:s28+$0x6B3F] =	vst.msk $0x1, v5  }
0xe6: {  	v4 =	vld [tilespmem:s0+$0x1B80];
	_ =	sdelay $0x1  }
0xe7: {  	s29 =	smulhi.u32 $0xAAAAAAAB, s20;
	s0 =	simm.s32 $0x1  }
0xe8: {  	s0 =	simm.s32 @!p0 $0x0  }
0xe9: {  	s29 =	sshrl.u32 s29, $0x1;
	s0 =	smul.u32 $0x6A40, s0  }
0xea: {  	s29 =	smul.u32 $0xFFFEC140, s29;
	v4 =	vshift.insert v4, v1, s21  }
0xeb: {  	s0 =	sshrl.u32 s0, $0x2  }
0xec: {  	s29 =	sshra.s32 s29, $0x2;
	s30 =	sadd.s32 $0x85D0, s0;
	[tilespmem:s2+$0x10] =	vst.msk $0x1, v4  }
0xed: {  	s6 =	sadd.s32 s29, s19;
	v6 =	vld [tilespmem:s30+$0x0]  }
0xee: {  	v7 =	vld [tilespmem:s6+$0x0];
	_ =	sdelay $0x3  }
0xef: {  	v5 =	vadd.f32 v6, v5  }
0xf0: {  	vm4 =	vne.s32 v7, $0xFFFFFFFF  }
0xf1: {  	(xrf2) =	vadd.seg.scan.f32 vm4, v5;
	_ =	sdelay $0x3  }
0xf2: {  	s31 =	sadd.s32 $0x50B0, s0;
	v5 =	vperm.xlane v4, v1  }
0xf3: {  	v6 =	vld [tilespmem:s31+$0x0]  }
0xf4: {  	vm5 =	veq.s32 v7, v3;
	vm6 =	veq.s32 v7, v5  }
0xf5: {  	vm7 =	vgt.u32 v7, $0xFFFFFFFD;
	vm6 =	vmor vm6, vm5  }
0xf6: {  	vm6 =	vmor vm6, vm7  }
0xf7: {  	v9 =	vld [tilespmem:$0xA0];
	v7 =	vsel vm6, $0xFFFFFFFF, v7  }
0xf8: {  	v10 =	vld [tilespmem:$0x90];
	v6 =	vsel vm5, $0x0, v6;
	v8, _, _ =	vpop (xrf2)  }
0xf9: {  	v6 =	vadd.f32 v8, v6  }
0xfa: {  	s0 =	sadd.s32 $0xBAF0, s0  }
0xfb: {  	vm4 =	vmand vm4, vm3;
	[tilespmem:s0+$0x0] =	vst v6;
	(ifvalue) =	ssetifvalue $0xFFFFFFFF  }
0xfc: {  	vm6 =	veq.s32 v9, $0x1;
	[hbm4b:s1+s16] =	stream.indirect_vreg.scatter [tilespmem:s0], [sflag:$0x2], $0x1, v7, vm0, $0x4038;
	v7 =	vsel vm4, $0x0, v8;
	[tilespmem:$0xF030] =	vst v63  }
0xfd: {  	s29 =	sadd.s32 $0xF010, s22;
	s22 =	sadd.s32 $0x10, s6;
	s2 =	simm.s32 $0x0;
	vm4 =	vmor vm6, vm5;
	v6 =	vsel vm5, v8, v10;
	v7 =	vshift.insert v7, v0, s21  }
.LBB3_7:
0xfe: {  	v8 =	vld [tilespmem:s22+$0x0];
	s30 =	sadd.s32 $0x10, s30  }
0xff: {  	s31 =	sadd.s32 $0x10, s31;
	v9 =	vld [tilespmem:s30+$0x0]  }
0x100: {  	s2 =	sadd.s32 $0x10, s2;
	v10 =	vld [tilespmem:s31+$0x0]  }
0x101: {  	p2 =	slt.u32 s2, $0x1A80;
	_ =	sdelay $0x2  }
0x102: {  	v7 =	vadd.f32 v9, v7  }
0x103: {  	vm5 =	vne.s32 v8, $0xFFFFFFFF  }
0x104: {  	vm6 =	vmand vm5, vm3;
	(xrf2) =	vadd.seg.scan.f32 vm5, v7;
	_ =	sdelay $0x5  }
0x105: {  	vm7 =	veq.s32 v8, v5;
	vm5 =	veq.s32 v8, v3  }
0x106: {  	vm8 =	vgt.u32 v8, $0xFFFFFFFD;
	vm4 =	vmor vm4, vm5;
	vm7 =	vmor vm7, vm5  }
0x107: {  	vm7 =	vmor vm7, vm8  }
0x108: {  	v8 =	vsel vm7, $0xFFFFFFFF, v8  }
.Ltmp11:
0x109: {  	v7 =	vsel vm5, $0x0, v10;
	v9, _, _ =	vpop (xrf2);
	(pc) =	sbr.rel @p2 .LBB3_7-.Ltmp11, $4  }
0x10a: {  	v6 =	vsel vm5, v9, v6;
	v10 =	vadd.f32 v9, v7;
	v7 =	vsel vm6, $0x0, v9  }
0x10b: {  	s0 =	sadd.s32 $0x10, s0;
	v7 =	vshift.insert v7, v0, s21  }
0x10c: {  	s22 =	sadd.s32 $0x10, s22;
	[tilespmem:s0+$0x0] =	vst v10;
	(ifvalue) =	ssetifvalue $0xFFFFFFFF  }
0x10d: {  	[hbm4b:s1+s16] =	stream.indirect_vreg.scatter [tilespmem:s0], [sflag:$0x2], $0x1, v8, vm0, $0x4038;
	[tilespmem:$0xF030] =	vst v63  }
0x10e: {  	v3 =	vld [tilespmem:s28+$0xD570];
	_ =	sdelay $0x4  }
0x10f: {  	v3 =	vshift.insert v3, v0, s21  }
0x110: {  	s0 =	simm.s32 $0x30  }
0x111: {  	[tilespmem:s0+$0x0] =	vst.msk $0x1, v3  }
0x112: {  	v3 =	vsel vm4, $0x1, v1;
	[tilespmem:$0x90] =	vst v6  }
0x113: {  	s0 =	sadd.s32 @!p1 $0xD57F, s28;
	[tilespmem:$0xA0] =	vst v3  }
0x114: {  	[spmem:s14] =	stream.linear.scatter @!p1 [tilespmem:s0], [sflag:$0x1], $0x1, $0x38;
	[tilespmem:$0xF030] =	vst v63  }
0x115: {  	s0 =	simm.s32 @!p1 $0x1  }
0x116: {  	v3 =	vmctz.xlane @!p1 vm4;
	_ =	swait.ge @!p1 [sflag:s0], $0x1  }
0x117: {  	(v2sf) =	vpush @!p1 v4, $0x0  }
0x118: {  	(v2sf) =	vpush @!p1 v3, $0x0;
	_ =	sdelay $0xd  }
0x119: {  	s2 =	spop @!p1 (v2sf)  }
0x11a: {  	s6 =	spop @!p1 (v2sf)  }
0x11b: {  	p2 =	sne.s32 @!p1 s26, s2;
	p3 =	slt.s32 @!p1 s6, $0xF  }
0x11c: {  	[sflag:s0] =	ssyncset.done @!p1 $0x0;
	p2 =	por p2, p1;
	p3 =	por !p3, p1  }
0x11d: {  	[sflag:s0] =	ssyncadd.s32 @!p1 $0xFFFFFFFF;
	v3 =	vimm.s32 @!p2 $0xFFFFFFFF;
	s6 =	simm.s32 @p3 $0xF  }
0x11e: {  	[tilespmem:$0x80] =	vst @!p2 v3;
	s2 =	sadd.s32 @!p1 $0x90, s6  }
0x11f: {  	[spmem:s10] =	stream.linear.scatter @!p1 [tilespmem:s2], [sflag:$0x1], $0x1, $0x38;
	[tilespmem:$0xF030] =	vst v63  }
0x120: {  	_ =	swait.ge @!p1 [sflag:s0], $0x1  }
0x121: {  	[sflag:s0] =	ssyncset.done @!p1 $0x0  }
0x122: {  	s2 =	simm.s32 @!p1 $0x80;
	[sflag:s0] =	ssyncadd.s32 @!p1 $0xFFFFFFFF  }
0x123: {  	[spmem:s15] =	stream.linear.scatter @!p1 [tilespmem:s2], [sflag:$0x1], $0x1, $0x38;
	[tilespmem:$0xF030] =	vst v63  }
0x124: {  	_ =	swait.ge @!p1 [sflag:s0], $0x1  }
0x125: {  	[sflag:s0] =	ssyncset.done @!p1 $0x0  }
0x126: {  	[sflag:s0] =	ssyncadd.s32 @!p1 $0xFFFFFFFF;
	(ifvalue) =	ssetifvalue $0xFFFFFFFF;
	v3 =	vld [tilespmem:s25+$0x10];
	_ =	sdelay $0x3  }
.Ltmp12:
0x127: {  	_ = 	snop;
	(pc) =	sbr.rel .LBB3_9-.Ltmp12, $3  }
0x128: {  	_ =	sdelay $0x1  }
0x129: {  	(ifvalue) =	ssetifvalue $0xFFFFFFFF  }
0x12a: {  	[hbm4b:s1+s16] =	stream.indirect_vreg.scatter [tilespmem:s29], [sflag:$0x9], $0x1, v3, vm0, $0x4038;
	[tilespmem:$0xF030] =	vst v63  }
.LBB3_10:
0x12b: {  	_ =	sfence.sel $0x180000  }
0x12c: {  	s0 =	simm.s32 $0x7;
	[bflag:$0x0] =	sbarrier.arrive $0xFFFF  }
0x12d: {  	s26 =	simm.s32 $0x8;
	[sflag:s0] =	ssyncpa.u1 $0x1  }
0x12e: {  	s28 =	simm.s32 $0x9;
	[sflag:s26] =	ssyncpa.u1 $0x1  }
0x12f: {  	[sflag:s28] =	ssyncpa.u1 $0x1  }
0x130: {  	_ =	sfence.stream.spmem  }
0x131: {  	s29 =	simm.s32 $0x3;
	[bflag:$0x0] =	sbarrier.arrive $0xFFFF  }
0x132: {  	s30 =	simm.s32 $0x4;
	[sflag:s29] =	ssyncpa.u1 $0x1  }
0x133: {  	s31 =	simm.s32 $0x3C;
	s2 =	stileid.u32;
	[sflag:s30] =	ssyncpa.u1 $0x1  }
0x134: {  	p0 =	sne.s32 s2, $0x0;
	[sflag:s31] =	ssyncpa.u1 $0x1  }
0x135: {  	s0 =	simm.s32 @p0 $0x1;
	_ =	sfence @p0  }
0x136: {  	[sflag:s0] =	ssyncpa.u1 @p0 $0x1;
	s0 =	simm.s32 @p0 $0x2  }
0x137: {  	[sflag:s0] =	ssyncpa.u1 @p0 $0x1  }
0x138: {  	_ =	strace @p0 $0x90000062  }
0x139: {  	[bflag:$0x2] =	sbarrier.arrive @p0 $0xFFFF  }
0x13a: {  	_ =	shalt @p0  }
.LBB3_11:
0x13b: {  	_ =	sfence.stream.spmem;
	s0 =	simm.s32 $0x5  }
0x13c: {  	s2 =	simm.s32 $0x80;
	s3 =	simm.s32 $0xC0;
	[sflag:s0] =	ssyncpa.u1 $0x0  }
0x13d: {  	[tilespmem:s3], [sflag:$0x5] =	stream.linear.gather [spmem:s2], $0x20, $0x38;
	[tilespmem:$0xF030] =	vst v63  }
0x13e: {  	s2 =	simm.s32 $0x0;
	s3 =	simm.s32 $0xE0  }
0x13f: {  	[tilespmem:s3], [sflag:$0x5] =	stream.linear.gather [spmem:s2], $0x20, $0x38;
	[tilespmem:$0xF030] =	vst v63  }
.Ltmp13:
0x140: {  	_ = 	snop;
	(pc) =	sbr.rel .LBB3_12-.Ltmp13, $4  }
0x141: {  	_ =	swait.ge [sflag:s0], $0x40  }
0x142: {  	[sflag:s0] =	ssyncset.done $0x0  }
0x143: {  	s31 =	simm.s32 $0x6;
	[sflag:s0] =	ssyncadd.s32 $0xFFFFFFC0  }
0x144: {  	s4 =	simm.s32 $0x0;
	[sflag:s31] =	ssyncpa.u1 $0x0  }
.LBB3_17:
0x145: {  	p0 =	sgt.u32 s5, $0x61A7FFF  }
0x146: {  	s0 =	sshrl.u32 @!p0 s5, $0x3  }
0x147: {  	s5 =	sand.u32 @!p0 $0x7, s5;
	s6 =	simm.s32 @!p0 $0xB0;
	s0 =	sadd.s32 @!p0 s1, s0  }
0x148: {  	[tilespmem:s6], [sflag:$0x6] =	stream.linear.gather @!p0 [hbm4b:s0+s5], $0x1, $0x38;
	[tilespmem:$0xF030] =	vst v63  }
0x149: {  	s0 =	simm.s32 @!p0 $0x6  }
0x14a: {  	_ =	swait.ge @!p0 [sflag:s0], $0x1  }
0x14b: {  	[sflag:s0] =	ssyncset.done @!p0 $0x0  }
0x14c: {  	[sflag:s0] =	ssyncadd.s32 @!p0 $0xFFFFFFFF  }
0x14d: {  	v2 =	vmov @!p0 s4;
	v1 =	vld.msk @!p0 [tilespmem:$0xB0], $0x1;
	_ =	sdelay $0x3  }
0x14e: {  	s0 =	simm.s32 @!p0 $0xE0  }
0x14f: {  	[tilespmem:v2+s0+$0x0], v1 =	vst.idx.ret.add.f32.msk @!p0 $0x1, v1  }
0x150: {  	[tilespmem:s2+$0xC0] =	vst.msk $0x1, v0  }
0x151: {  	v0 =	vld.msk [tilespmem:s4+$0xE0], $0x1;
	_ =	sdelay $0x4  }
0x152: {  	[tilespmem:s2+$0xE0] =	vst.msk $0x1, v0;
	s2 =	sadd.s32 $0x1, s2  }
.LBB3_19:
0x153: {  	s4 =	sadd.s32 $0x1, s4  }
0x154: {  	p0 =	sne.s32 s4, $0x20  }
.Ltmp14:
0x155: {  	_ = 	snop;
	(pc) =	sbr.rel @!p0 .LBB3_20-.Ltmp14, $1  }
0x156: {  	_ =	sdelay $0x3  }
.LBB3_12:
0x157: {  	v0 =	vld.msk [tilespmem:s4+$0xC0], $0x1;
	_ =	sdelay $0x4  }
0x158: {  	(v2sf) =	vpush v0, $0x0;
	_ =	sdelay $0xe  }
0x159: {  	s5 =	spop (v2sf)  }
0x15a: {  	p0 =	seq.s32 s5, $0xFFFFFFFF  }
.Ltmp15:
0x15b: {  	_ = 	snop;
	(pc) =	sbr.rel @p0 .LBB3_19-.Ltmp15, $1  }
0x15c: {  	_ =	sdelay $0x3  }
0x15d: {  	p0 =	slt.s32 s2, $0x1  }
.Ltmp16:
0x15e: {  	_ = 	snop;
	(pc) =	sbr.rel @p0 .LBB3_17-.Ltmp16, $1  }
0x15f: {  	_ =	sdelay $0x3  }
0x160: {  	s0 =	simm.s32 $0xC0;
	p0 =	por $0x0, $0x0  }
0x161: {  	v1 =	vld.msk @!p0 [tilespmem:s0+$0x0], $0x1;
	_ =	sdelay $0x4  }
0x162: {  	(v2sf) =	vpush @!p0 v1, $0x0;
	_ =	sdelay $0xd  }
0x163: {  	p2 =	sne.s32 s2, $0x1  }
.Ltmp17:
0x164: {  	s6 =	spop @!p0 (v2sf);
	(pc) =	sbr.rel @!p2 .LBB3_16-.Ltmp17, $4  }
0x165: {  	p1 =	seq.s32 @!p0 s5, s6  }
0x166: {  	s6 =	simm.s32 $0x0;
	p1 =	por !p1, p0  }
0x167: {  	s8 =	simm.s32 $0xFFFFFFFF;
	s6 =	simm.s32 @p1 $0xFFFFFFFF  }
0x168: {  	s7 =	simm.s32 $0x1;
	s6 =	smov.u32 @p0 s8  }
.LBB3_15:
0x169: {  	s8 =	smov.u32 s6;
	p0 =	sne.s32 s6, $0xFFFFFFFF  }
0x16a: {  	s0 =	sadd.s32 $0x1, s0;
	s6 =	smov.u32 s7;
	s7 =	sadd.s32 $0x1, s7  }
0x16b: {  	p1 =	sne.s32 s2, s7;
	v1 =	vld.msk @!p0 [tilespmem:s0+$0x0], $0x1;
	_ =	sdelay $0x4  }
0x16c: {  	(v2sf) =	vpush @!p0 v1, $0x0;
	_ =	sdelay $0xe  }
.Ltmp18:
0x16d: {  	s9 =	spop @!p0 (v2sf);
	(pc) =	sbr.rel @p1 .LBB3_15-.Ltmp18, $4  }
0x16e: {  	p2 =	seq.s32 @!p0 s5, s9  }
0x16f: {  	p2 =	por !p2, p0  }
0x170: {  	s6 =	simm.s32 @p2 $0xFFFFFFFF  }
0x171: {  	s6 =	smov.u32 @p0 s8  }
.LBB3_16:
0x172: {  	p0 =	sne.s32 s6, $0xFFFFFFFF  }
.Ltmp19:
0x173: {  	_ = 	snop;
	(pc) =	sbr.rel @!p0 .LBB3_17-.Ltmp19, $1  }
0x174: {  	_ =	sdelay $0x3  }
0x175: {  	v0 =	vld.msk [tilespmem:s4+$0xE0], $0x1;
	v1 =	vmov s6  }
.Ltmp20:
0x176: {  	_ = 	snop;
	(pc) =	sbr.rel .LBB3_19-.Ltmp20, $2  }
0x177: {  	_ =	sdelay $0x2  }
0x178: {  	[tilespmem:v1+s3+$0x0], v0 =	vst.idx.ret.add.f32.msk $0x1, v0  }
.LBB3_20:
0x179: {  	p0 =	slt.s32 s2, $0x1  }
.Ltmp21:
0x17a: {  	_ = 	snop;
	(pc) =	sbr.rel @p0 .LBB3_24-.Ltmp21, $3  }
0x17b: {  	_ =	sdelay $0x1  }
0x17c: {  	s0 =	simm.s32 $0x6  }
0x17d: {  	s3 =	simm.s32 $0x0;
	[sflag:s0] =	ssyncpa.u1 $0x1  }
0x17e: {  	s0 =	simm.s32 $0xC0  }
0x17f: {  	v0 =	vld.msk [tilespmem:s0+$0x0], $0x1;
	_ =	sdelay $0x4  }
0x180: {  	(v2sf) =	vpush v0, $0x0;
	_ =	sdelay $0xe  }
0x181: {  	s2 =	sadd.s32 $0xFFFFFFFF, s2;
	s4 =	spop (v2sf)  }
0x182: {  	p1 =	sne.s32 s2, $0x0;
	p0 =	sgt.u32 s4, $0x61A7FFF  }
.Ltmp22:
0x183: {  	s5 =	sshrl.u32 @!p0 s4, $0x3;
	(pc) =	sbr.rel @!p1 .LBB3_23-.Ltmp22, $4  }
0x184: {  	s0 =	simm.s32 $0xE0;
	s4 =	sand.u32 @!p0 $0x7, s4;
	s5 =	sadd.s32 @!p0 s1, s5  }
0x185: {  	[hbm4b:s5+s4] =	stream.linear.scatter @!p0 [tilespmem:s0], [sflag:$0x5], $0x1, $0x38;
	[tilespmem:$0xF030] =	vst v63  }
0x186: {  	s5 =	simm.s32 $0x0  }
0x187: {  	s4 =	simm.s32 $0xC1;
	s5 =	simm.s32 @!p0 $0x4  }
.LBB3_22:
0x188: {  	v0 =	vld.msk [tilespmem:s4+$0x0], $0x1;
	s2 =	sadd.s32 $0xFFFFFFFF, s2;
	s3 =	sadd.s32 s3, s5  }
0x189: {  	p0 =	sne.s32 s2, $0x0;
	_ =	sdelay $0x3  }
0x18a: {  	(v2sf) =	vpush v0, $0x0;
	_ =	sdelay $0xe  }
.Ltmp23:
0x18b: {  	s6 =	spop (v2sf);
	(pc) =	sbr.rel @p0 .LBB3_22-.Ltmp23, $4  }
0x18c: {  	s5 =	simm.s32 $0x0;
	p1 =	sgt.u32 s6, $0x61A7FFF  }
0x18d: {  	s0 =	sadd.s32 $0x1, s0;
	s5 =	simm.s32 @!p1 $0x4;
	s7 =	sshrl.u32 @!p1 s6, $0x3  }
0x18e: {  	s4 =	sadd.s32 $0x1, s4;
	s6 =	sand.u32 @!p1 $0x7, s6;
	s7 =	sadd.s32 @!p1 s1, s7  }
0x18f: {  	[hbm4b:s7+s6] =	stream.linear.scatter @!p1 [tilespmem:s0], [sflag:$0x5], $0x1, $0x38;
	[tilespmem:$0xF030] =	vst v63  }
.LBB3_23:
0x190: {  	s0 =	sadd.s32 s3, s5  }
0x191: {  	s3 =	sshrl.u32 s0, $0x2  }
.LBB3_24:
0x192: {  	s0 =	simm.s32 $0x5  }
0x193: {  	_ =	swait.ge [sflag:s0], s3  }
0x194: {  	s1 =	ssub.s32 $0x0, s3;
	[sflag:s0] =	ssyncset.done $0x0  }
0x195: {  	[sflag:s0] =	ssyncadd.s32 s1  }
0x196: {  	[sflag:s0] =	ssyncpa.u1 $0x1  }
0x197: {  	s29 =	simm.s32 $0x1;
	_ =	sfence  }
0x198: {  	s30 =	simm.s32 $0x2;
	[sflag:s29] =	ssyncpa.u1 $0x1  }
0x199: {  	[sflag:s30] =	ssyncpa.u1 $0x1  }
0x19a: {  	_ =	strace $0x90000062  }
0x19b: {  	[bflag:$0x2] =	sbarrier.arrive $0xFFFF  }
0x19c: {  	s31 =	rddreg [dreg:$0x1]  }
0x19d: {  	s0 =	sadd.s32 $0x100000, s31  }
0x19e: {  	[sflag:s0] =	ssyncadd.tile.s32 $0x1;
	_ =	shalt  }
.Lfunc_end3:
_tile_overlayer_lowered:
.L_overlay_start_3:
0x19f: {  	(tag) =	ssettag $0x3  }
0x1a0: {  	s0 =	rddreg [dreg:$0x0];
	s2 =	stileid.u32  }
0x1a1: {  	s1 =	rddreg [dreg:$0x1];
	p0 =	sne.s32 s2, $0x0  }
0x1a2: {  	s3 =	rddreg [dreg:$0x2];
	[bflag:$0x3] =	sbarrier.arrive $0xFFFF;
	s2 =	simm.s32 @!p0 $0x1C01  }
0x1a3: {  	[timem:s3], [sflag:s2] =	dma.local @!p0 [hbm:s0], s1  }
0x1a4: {  	s0 =	simm.s32 @!p0 $0x1  }
0x1a5: {  	_ =	swait.ge @!p0 [sflag:s0], s1  }
0x1a6: {  	s1 =	ssub.s32 @!p0 $0x0, s1;
	[sflag:s0] =	ssyncset.done @!p0 $0x0  }
0x1a7: {  	[sflag:s0] =	ssyncadd.s32 @!p0 s1  }
0x1a8: {  	[bflag:$0x3] =	sbarrier.arrive $0xFFFF  }
0x1a9: {  	_ =	shalt  }

// kernel: scatter_offload_async_start.3
scs
__scs_entry_jumppad:
0x0: {  	(pc) =	sbr.rel $0x88, $3  }
0x1: {  	(tag) =	ssettag $0x0;
	lr =	simm.s32 $0x1  }
0x2: {  	[smem:$0x3F97] =	sst lr;
	_ =	strace $0xD0000000  }
0x3: {  	_ = 	snop  }
0x4: {  	_ = 	snop  }
0x5: {  	_ = 	snop  }
0x6: {  	_ = 	snop  }
0x7: {  	_ = 	snop  }
__scs_overlays_trampoline_lowered:
0x8: {  	[smem:$0x3FA6] =	sst s0  }
0x9: {  	[smem:$0x3FA7] =	sst s1  }
0xa: {  	[smem:$0x3FA8] =	sst s2  }
0xb: {  	[smem:$0x3FA9] =	sst s3  }
0xc: {  	[smem:$0x3FAA] =	sst s4  }
0xd: {  	[smem:$0x3FAB] =	sst s5  }
0xe: {  	[smem:$0x3FAC] =	sst s6  }
0xf: {  	[smem:$0x3FAD] =	sst s7  }
0x10: {  	[smem:$0x3FAE] =	sst s8  }
0x11: {  	[smem:$0x3FAF] =	sst s9;
	s0 =	simm.s32 @!p0 $0x0  }
0x12: {  	s1 =	sld [smem:$0x3F95];
	s0 =	simm.s32 @p0 $0x1  }
0x13: {  	[smem:$0x3FB0] =	sst s0;
	s0 =	simm.s32 @!p1 $0x0  }
0x14: {  	s2 =	sld [smem:$0x3F94];
	s0 =	simm.s32 @p1 $0x1  }
0x15: {  	[smem:$0x3FB1] =	sst s0;
	s0 =	simm.s32 @!p2 $0x0  }
0x16: {  	s3 =	sld [smem:$0x3FDB];
	s0 =	simm.s32 @p2 $0x1  }
0x17: {  	s4 =	simm.s32 $0x1BF5;
	[smem:$0x3FB3] =	sst s0  }
0x18: {  	s0 =	sld [smem:$0x3F96];
	_ =	swait.ge [sflag:s4], $0x0  }
0x19: {  	s7 =	sld [smem:$0x3F97]  }
0x1a: {  	s8 =	sadd.s32 $0xFFFFE003, lr  }
0x1b: {  	s9 =	sadd.s32 $0xFFFFFEF7, lr;
	s5 =	simm.s32 $0xFFFFFFFF;
	p2 =	slt.u32 s8, $0xFFFFF086  }
0x1c: {  	p1 =	slt.u32 s9, $0xF7A;
	s5 =	simm.s32 @!p2 $0x0  }
0x1d: {  	s5 =	simm.s32 @p1 $0x1;
	p0 =	seq.s32 s7, s2  }
0x1e: {  	s7 =	smul.u32 @!p0 $0xF7A, s2;
	p2 =	seq.s32 @!p0 s5, $0x0  }
0x1f: {  	s9 =	smul.u32 $0xF7A, s1;
	s8 =	simm.s32 @!p0 $0x1BF5;
	p2 =	por !p2, p0  }
0x20: {  	[sflag:s8] =	ssyncset.s32 @!p0 $0xFFFFF086;
	s6 =	sadd.s32 @!p0 s3, s7;
	s7 =	simm.s32 @!p0 $0x108  }
0x21: {  	s3 =	sadd.s32 s3, s9;
	s6 =	sadd.s32 @!p0 $0x88, s6;
	s7 =	simm.s32 @p2 $0x1082  }
0x22: {  	[simem:s7], [sflag:s8] =	dma.local @!p0 [hbm:s6], $0xF7A  }
0x23: {  	s9 =	sor.u32 $0xD0000000, s2;
	s6 =	simm.s32 $0x108;
	_ =	swait.ge @!p0 [sflag:s8], $0x0  }
0x24: {  	s3 =	sadd.s32 $0x88, s3;
	s6 =	simm.s32 @!p1 $0x1082;
	[sflag:s4] =	ssyncset.s32 $0xFFFFF086  }
0x25: {  	[simem:s6], [sflag:s4] =	dma.local [hbm:s3], $0xF7A  }
0x26: {  	[smem:$0x3F97] =	sst s1;
	(tag) =	ssettag s2;
	_ =	strace s9  }
0x27: {  	s1 =	sld [smem:$0x3FA7]  }
0x28: {  	s2 =	sld [smem:$0x3FA8]  }
0x29: {  	s4 =	sld [smem:$0x3FAA]  }
0x2a: {  	p0 =	seq.s32 s5, $0x0;
	s5 =	sld [smem:$0x3FAB]  }
0x2b: {  	s6 =	sld [smem:$0x3FAC]  }
0x2c: {  	s7 =	sld [smem:$0x3FAD]  }
0x2d: {  	s3 =	simm.s32 $0x108;
	s8 =	sld [smem:$0x3FAE]  }
0x2e: {  	s3 =	simm.s32 @!p0 $0x1082;
	s9 =	sld [smem:$0x3FAF]  }
0x2f: {  	lr =	sadd.s32 s0, s3;
	s0 =	sld [smem:$0x3FA6]  }
0x30: {  	s3 =	sld [smem:$0x3FA9]  }
0x31: {  	[smem:$0x3FB2] =	sst s10  }
0x32: {  	s10 =	sld [smem:$0x3FB0];
	_ =	sdelay $0x3  }
0x33: {  	p0 =	seq.s32 s10, $0x1;
	s10 =	sld [smem:$0x3FB2];
	_ =	sdelay $0x3  }
0x34: {  	[smem:$0x3FB2] =	sst s10  }
0x35: {  	s10 =	sld [smem:$0x3FB1];
	_ =	sdelay $0x3  }
0x36: {  	p1 =	seq.s32 s10, $0x1;
	s10 =	sld [smem:$0x3FB2];
	_ =	sdelay $0x3  }
0x37: {  	[smem:$0x3FB2] =	sst s10  }
0x38: {  	s10 =	sld [smem:$0x3FB3]  }
0x39: {  	_ = 	snop;
	(pc) =	sbr.ind lr, $3  }
0x3a: {  	_ = 	snop  }
0x3b: {  	_ = 	snop  }
0x3c: {  	p2 =	seq.s32 s10, $0x1;
	s10 =	sld [smem:$0x3FB2]  }
0x3d: {  	_ =	shalt  }
0x3e: {  	_ =	shalt  }
0x3f: {  	_ =	shalt  }
0x40: {  	_ =	shalt  }
0x41: {  	_ =	shalt  }
0x42: {  	_ =	shalt  }
0x43: {  	_ =	shalt  }
0x44: {  	_ =	shalt  }
0x45: {  	_ =	shalt  }
0x46: {  	_ =	shalt  }
0x47: {  	_ =	shalt  }
0x48: {  	_ =	shalt  }
0x49: {  	_ =	shalt  }
0x4a: {  	_ =	shalt  }
0x4b: {  	_ =	shalt  }
0x4c: {  	_ =	shalt  }
0x4d: {  	_ =	shalt  }
0x4e: {  	_ =	shalt  }
0x4f: {  	_ =	shalt  }
0x50: {  	_ =	shalt  }
0x51: {  	_ =	shalt  }
0x52: {  	_ =	shalt  }
0x53: {  	_ =	shalt  }
0x54: {  	_ =	shalt  }
0x55: {  	_ =	shalt  }
0x56: {  	_ =	shalt  }
0x57: {  	_ =	shalt  }
0x58: {  	_ =	shalt  }
0x59: {  	_ =	shalt  }
0x5a: {  	_ =	shalt  }
0x5b: {  	_ =	shalt  }
0x5c: {  	_ =	shalt  }
0x5d: {  	_ =	shalt  }
0x5e: {  	_ =	shalt  }
0x5f: {  	_ =	shalt  }
0x60: {  	_ =	shalt  }
0x61: {  	_ =	shalt  }
0x62: {  	_ =	shalt  }
0x63: {  	_ =	shalt  }
0x64: {  	_ =	shalt  }
0x65: {  	_ =	shalt  }
0x66: {  	_ =	shalt  }
0x67: {  	_ =	shalt  }
0x68: {  	_ =	shalt  }
0x69: {  	_ =	shalt  }
0x6a: {  	_ =	shalt  }
0x6b: {  	_ =	shalt  }
0x6c: {  	_ =	shalt  }
0x6d: {  	_ =	shalt  }
0x6e: {  	_ =	shalt  }
0x6f: {  	_ =	shalt  }
0x70: {  	_ =	shalt  }
0x71: {  	_ =	shalt  }
0x72: {  	_ =	shalt  }
0x73: {  	_ =	shalt  }
0x74: {  	_ =	shalt  }
0x75: {  	_ =	shalt  }
0x76: {  	_ =	shalt  }
0x77: {  	_ =	shalt  }
0x78: {  	_ =	shalt  }
0x79: {  	_ =	shalt  }
0x7a: {  	_ =	shalt  }
0x7b: {  	_ =	shalt  }
0x7c: {  	_ =	shalt  }
0x7d: {  	_ =	shalt  }
0x7e: {  	_ =	shalt  }
0x7f: {  	_ =	shalt  }
0x80: {  	_ =	shalt  }
0x81: {  	_ =	shalt  }
0x82: {  	_ =	shalt  }
0x83: {  	_ =	shalt  }
0x84: {  	_ =	shalt  }
0x85: {  	_ =	shalt  }
0x86: {  	_ =	shalt  }
0x87: {  	_ =	shalt  }
.Lfunc_end0:
.L_simem_size_0:
called_computation.3_lowered:
.L_overlay_start_0:
0x88: {  	s0 =	sld [smem:$0x3FD9]  }
0x89: {  	s1 =	sld [smem:$0x3FFE];
	_ =	sdelay $0x3  }
0x8a: {  	s0 =	sadd.s32 s1, s0  }
0x8b: {  	[smem:$0x3FBE] =	sst s0  }
0x8c: {  	_ = 	snop  }
0x8d: {  	(tm) =	ssettm $0x1  }
0x8e: {  	s14 =	sld [smem:$0x3FFB];
	_ =	sdelay $0x3  }
0x8f: {  	_ =	strace s14  }
0x90: {  	s0 =	sld [smem:$0x3FFC];
	_ =	sdelay $0x3  }
0x91: {  	_ =	strace s0  }
0x92: {  	s0 =	sld [smem:$0x3FFD];
	_ =	sdelay $0x3  }
0x93: {  	_ =	strace s0  }
0x94: {  	_ =	strace $0x8FFFFFFF  }
0x95: {  	s15 =	sld [smem:$0x3FDB];
	_ =	sdelay $0x1  }
0x96: {  	s16 =	simm.s32 $_scs_section_size  }
0x97: {  	s2 =	simm.s32 $_size__tile_overlayer_lowered;
	s3 =	simm.s32 $_tile_overlayer_lowered  }
0x98: {  	s4 =	simm.s32 $0x1BFF;
	s17 =	sshll.u32 s3, $0x1;
	s1 =	sadd.s32 s16, s15  }
0x99: {  	s18 =	simm.s32 $0x0;
	s2 =	sshll.u32 s2, $0x1;
	s3 =	sadd.s32 s17, s1  }
0x9a: {  	[timem:s18], [sflag:s4] =	dma.local [hbm:s3], s2  }
0x9b: {  	_ =	swait.ge [sflag:s4], s2  }
0x9c: {  	s2 =	ssub.s32 $0x0, s2;
	[sflag:s4] =	ssyncset.done $0x0  }
0x9d: {  	[sflag:s4] =	ssyncadd.s32 s2;
	_ =	sdelay $0x1  }
0x9e: {  	s19 =	simm.s32 $0x1B8B  }
0x9f: {  	_ =	swait.ge [sflag:s19], $0x1  }
0xa0: {  	[sflag:s19] =	ssyncset.done $0x0  }
0xa1: {  	s21 =	simm.s32 $0x1B8E;
	s20 =	sld [smem:$0x3FFE];
	[sflag:s19] =	ssyncadd.s32 $0xFFFFFFFF  }
0xa2: {  	s22 =	simm.s32 $execute0_lowered;
	[smem:$0x3FD2] =	sst s21  }
0xa3: {  	s3 =	sshll.u32 s22, $0x1;
	_ =	strace $0x80000058;
	[dreg:$0x1] =	wrdreg $0xFFFFFFFF  }
0xa4: {  	s23 =	simm.s32 $_size_execute0_lowered;
	s3 =	sadd.s32 s1, s3;
	[dreg:$0x0] =	wrdreg $0x0  }
0xa5: {  	s4 =	sshll.u32 s23, $0x1;
	[dreg:$0x2] =	wrdreg s3  }
0xa6: {  	[dreg:$0x3] =	wrdreg s4  }
0xa7: {  	[dreg:$0x4] =	wrdreg $0xC0  }
0xa8: {  	s24 =	simm.s32 $execute1_lowered;
	_ =	task [dreg:s18], $0x5FFFF  }
0xa9: {  	s3 =	sshll.u32 s24, $0x1;
	[dreg:$0x1] =	wrdreg $0xFFFFFFFF  }
0xaa: {  	s1 =	sadd.s32 s1, s3;
	[dreg:$0x0] =	wrdreg $0x60  }
0xab: {  	[dreg:$0x2] =	wrdreg s1  }
0xac: {  	[dreg:$0x3] =	wrdreg s20  }
0xad: {  	[dreg:$0x4] =	wrdreg $0xC  }
0xae: {  	_ =	task.clear_ibuf [dreg:s18], $0x5FFFF;
	_ =	strace $0x90000058  }
0xaf: {  	s25 =	simm.s32 $0xC;
	_ =	strace $0x8000005A  }
0xb0: {  	_ =	swait.ge [sflag:s25], $0x1  }
0xb1: {  	[sflag:s25] =	ssyncadd.s32 $0xFFFFFFFF  }
0xb2: {  	_ =	strace $0x9000005A  }
0xb3: {  	_ =	strace $0x8000005B;
	[dreg:$0x1] =	wrdreg $0xFFFFFFFF  }
0xb4: {  	[dreg:$0x0] =	wrdreg $0x2030  }
0xb5: {  	[dreg:$0x2] =	wrdreg s20  }
0xb6: {  	[dreg:$0x3] =	wrdreg $0xD  }
0xb7: {  	_ =	task.clear_ibuf [dreg:s18], $0x4FFFF;
	_ =	strace $0x9000005B  }
0xb8: {  	s26 =	simm.s32 $0xD;
	_ =	strace $0x8000005D  }
0xb9: {  	_ =	swait.ge [sflag:s26], $0x1  }
0xba: {  	[sflag:s26] =	ssyncadd.s32 $0xFFFFFFFF  }
0xbb: {  	_ =	strace $0x9000005D  }
0xbc: {  	_ =	sfence  }
0xbd: {  	s28 =	sld [smem:$0x0];
	_ =	sdelay $0x1  }
0xbe: {  	s29 =	srdreg.scid  }
0xbf: {  	s30 =	sshll.u32 s29, $0xD;
	s31 =	sshrl.u32 s29, $0x2  }
0xc0: {  	s2 =	sand.u32 $0x1, s29;
	s3 =	sand.u32 $0x4000, s30;
	s1 =	sadd.s32 s31, s28  }
0xc1: {  	s2 =	sor.u32 s3, s2;
	s1 =	sshll.u32 s1, $0x11  }
0xc2: {  	s1 =	sor.u32 s1, s2  }
0xc3: {  	s1 =	sadd.s32 $0x8F2B, s1  }
0xc4: {  	[sflag:s1] =	ssyncadd.remote.s32 $0x1  }
0xc5: {  	_ =	sfence.sel $0xFFFF  }
0xc6: {  	[dreg:$0x0] =	wrdreg $0xFFFFFFFF;
	(pc) =	sbr.abs _section_cstart, $3  }
0xc7: {  	[dreg:$0x1] =	wrdreg $0xFFFFFFFF  }
0xc8: {  	_ =	task.clear_ibuf [dreg:s18], $0x2FFFF;
	_ =	strace $0x9FFFFFFF  }
0xc9: {  	(tm) =	ssettm $0x7FFFFFFF  }
tec
execute0_lowered:
.L_overlay_start_1:
0x0: {  	(tag) =	ssettag $0x1  }
0x1: {  	s3 =	rddreg [dreg:$0x0];
	s4 =	stileid.u32  }
0x2: {  	s5 =	rddreg [dreg:$0x1];
	s2 =	smul.u32 $0x3E80, s4  }
0x3: {  	s0 =	rddreg [dreg:$0x2];
	[bflag:$0x3] =	sbarrier.arrive $0xFFFF;
	s1 =	simm.s32 $_size_execute1_lowered  }
0x4: {  	s1 =	sshll.u32 s1, $0x1;
	p0 =	sne.s32 s4, $0x0;
	s6 =	ssub.s32 $0x61A8000, s2  }
0x5: {  	s4 =	simm.s32 @!p0 $0x1C3F;
	s7 =	simm.s32 @!p0 $0x4060;
	s8 =	smulhi.u32 $0x4189375, s6  }
0x6: {  	[timem:s7], [sflag:s4] =	dma.local @!p0 [hbm:s3], s1  }
0x7: {  	s30 =	sshrl.u32 s8, $0xC  }
0x8: {  	s31 =	simm.s32 $0x2;
	s8 =	smul.u32 $0x3E800, s30  }
.Ltmp0:
0x9: {  	s10 =	simm.s32 $0x0;
	s9 =	simm.s32 $0x0;
	(pc) =	sbr.rel .LBB2_1-.Ltmp0, $4  }
0xa: {  	s3 =	sadd.s32 $0x54B600, s5;
	p1 =	sne.s32 s6, s8;
	s6 =	simm.s32 $0x1  }
0xb: {  	s4 =	simm.s32 $0x1;
	_ =	strace $0x80000059;
	s6 =	simm.s32 @!p1 $0x0  }
0xc: {  	s5 =	sadd.s32 $0x29F4E00, s5;
	[sflag:s4] =	ssyncpa.u1 $0x0;
	s6 =	sadd.s32 s6, s30  }
0xd: {  	[sflag:s31] =	ssyncpa.u1 $0x0;
	s8 =	smov.u32 s2;
	s7 =	sadd.s32 $0x1, s6  }
.LBB2_7:
0xe: {  	s12 =	sadd.s32 $0x3E800, s8  }
0xf: {  	p2 =	sgt.s32 s12, $0x61A7FFF  }
0x10: {  	s12 =	smov.u32 @p2 s2;
	p2 =	sne.s32 s9, s7  }
.Ltmp1:
0x11: {  	p1 =	slt.u32 s9, $0x2;
	(pc) =	sbr.rel @!p2 .LBB2_8-.Ltmp1, $4  }
0x12: {  	s11 =	simm.s32 @!p1 $0x2  }
0x13: {  	_ =	swait.ge @!p1 [sflag:s11], $0x3E80  }
0x14: {  	s13 =	sadd.s32 $0x1, s9;
	s10 =	smov.u32 s8;
	[sflag:s11] =	ssyncset.done @!p1 $0x0  }
0x15: {  	s9 =	smov.u32 s13;
	s8 =	smov.u32 s12;
	[sflag:s11] =	ssyncadd.s32 @!p1 $0xFFFFC180  }
.LBB2_1:
0x16: {  	p1 =	sge.u32 s9, s6  }
0x17: {  	s11 =	sxor.u32 @!p1 $0xFFFFFFFF, s9  }
0x18: {  	s11 =	sand.u32 @!p1 $0x1, s11  }
0x19: {  	s11 =	smul.u32 @!p1 $0xFA00, s11  }
0x1a: {  	s31 =	sadd.s32 $0xFFFFFFFF, s9;
	s12 =	sshrl.u32 @!p1 s8, $0x3  }
0x1b: {  	s13 =	sand.u32 @!p1 $0x7, s8;
	s12 =	sadd.s32 @!p1 s3, s12;
	s11 =	sshrl.u32 @!p1 s11, $0x2  }
0x1c: {  	[tilespmem:s11], [sflag:$0x1] =	stream.linear.gather @!p1 [hbm4b:s12+s13], $0x3E80, $0x38;
	[tilespmem:$0xFA00] =	vst v63  }
0x1d: {  	p1 =	sge.u32 s31, s6  }
.Ltmp2:
0x1e: {  	_ = 	snop;
	(pc) =	sbr.rel @p1 .LBB2_7-.Ltmp2, $1  }
0x1f: {  	_ =	sdelay $0x3  }
0x20: {  	s11 =	sand.u32 $0x1, s9  }
0x21: {  	_ =	swait.ge [sflag:s4], $0x3E80;
	s13 =	simm.s32 $0x3E80;
	p1 =	seq.s32 s11, $0x1  }
0x22: {  	[sflag:s4] =	ssyncset.done $0x0;
	s13 =	simm.s32 @!p1 $0x0  }
0x23: {  	[sflag:s4] =	ssyncadd.s32 $0xFFFFC180;
	s15 =	sadd.s32 $0x80, s13  }
0x24: {  	v0 =	vld [tilespmem:s15+$0x70]  }
0x25: {  	v1 =	vld [tilespmem:s15+$0xFFFFFF90]  }
0x26: {  	v2 =	vld [tilespmem:s15+$0xFFFFFFA0]  }
0x27: {  	v3 =	vld [tilespmem:s15+$0xFFFFFFB0]  }
0x28: {  	s11 =	sadd.s32 $0x7D80, s13;
	v4 =	vld [tilespmem:s15+$0xFFFFFFC0]  }
0x29: {  	v5 =	vld [tilespmem:s15+$0xFFFFFFD0];
	[tilespmem:s11+$0x70] =	vst v0  }
0x2a: {  	[tilespmem:s11+$0xFFFFFF90] =	vst v1;
	v0 =	vld [tilespmem:s15+$0xFFFFFFE0]  }
0x2b: {  	[tilespmem:s11+$0xFFFFFFA0] =	vst v2;
	v1 =	vld [tilespmem:s15+$0xFFFFFFF0]  }
0x2c: {  	[tilespmem:s11+$0xFFFFFFB0] =	vst v3;
	v2 =	vld [tilespmem:s15+$0x0]  }
0x2d: {  	[tilespmem:s11+$0xFFFFFFC0] =	vst v4;
	v3 =	vld [tilespmem:s15+$0x10]  }
0x2e: {  	[tilespmem:s11+$0xFFFFFFD0] =	vst v5;
	v5 =	vld [tilespmem:s15+$0x20]  }
0x2f: {  	[tilespmem:s11+$0xFFFFFFE0] =	vst v0;
	v0 =	vld [tilespmem:s15+$0x30]  }
0x30: {  	[tilespmem:s11+$0xFFFFFFF0] =	vst v1;
	v1 =	vld [tilespmem:s15+$0x40]  }
0x31: {  	[tilespmem:s11+$0x0] =	vst v2;
	v2 =	vld [tilespmem:s15+$0x50]  }
0x32: {  	s14 =	simm.s32 $0x0;
	[tilespmem:s11+$0x10] =	vst v3;
	v3 =	vld [tilespmem:s15+$0x60]  }
0x33: {  	s12 =	sadd.s32 $0x7D00, s13;
	s13 =	sshll.u32 s13, $0x2;
	v4 =	vld [tilespmem:s15+$0xFFFFFF80];
	[tilespmem:s11+$0x20] =	vst v5;
	s15 =	sadd.s32 $0x100, s15  }
.LBB2_3:
0x34: {  	v5 =	vld [tilespmem:s15+$0x70];
	s14 =	sadd.s32 $0x100, s14;
	[tilespmem:s11+$0x30] =	vst v0  }
0x35: {  	v0 =	vld [tilespmem:s15+$0xFFFFFF90];
	p1 =	slt.u32 s14, $0x3D00;
	[tilespmem:s11+$0x40] =	vst v1  }
0x36: {  	v1 =	vld [tilespmem:s15+$0xFFFFFFA0];
	[tilespmem:s11+$0x50] =	vst v2  }
0x37: {  	v2 =	vld [tilespmem:s15+$0xFFFFFFB0];
	[tilespmem:s11+$0x60] =	vst v3  }
0x38: {  	v3 =	vld [tilespmem:s15+$0xFFFFFFC0];
	[tilespmem:s11+$0xFFFFFF80] =	vst v4;
	s11 =	sadd.s32 $0x100, s11  }
0x39: {  	v4 =	vld [tilespmem:s15+$0xFFFFFFD0];
	[tilespmem:s11+$0x70] =	vst v5  }
0x3a: {  	[tilespmem:s11+$0xFFFFFF90] =	vst v0;
	v0 =	vld [tilespmem:s15+$0xFFFFFFE0]  }
0x3b: {  	[tilespmem:s11+$0xFFFFFFA0] =	vst v1;
	v1 =	vld [tilespmem:s15+$0xFFFFFFF0]  }
0x3c: {  	[tilespmem:s11+$0xFFFFFFB0] =	vst v2;
	v2 =	vld [tilespmem:s15+$0x0]  }
0x3d: {  	[tilespmem:s11+$0xFFFFFFC0] =	vst v3;
	v3 =	vld [tilespmem:s15+$0x10]  }
0x3e: {  	[tilespmem:s11+$0xFFFFFFD0] =	vst v4;
	v5 =	vld [tilespmem:s15+$0x20]  }
.Ltmp3:
0x3f: {  	[tilespmem:s11+$0xFFFFFFE0] =	vst v0;
	v0 =	vld [tilespmem:s15+$0x30];
	(pc) =	sbr.rel @p1 .LBB2_3-.Ltmp3, $4  }
0x40: {  	[tilespmem:s11+$0xFFFFFFF0] =	vst v1;
	v1 =	vld [tilespmem:s15+$0x40]  }
0x41: {  	[tilespmem:s11+$0x0] =	vst v2;
	v2 =	vld [tilespmem:s15+$0x50]  }
0x42: {  	[tilespmem:s11+$0x10] =	vst v3;
	v3 =	vld [tilespmem:s15+$0x60]  }
0x43: {  	v4 =	vld [tilespmem:s15+$0xFFFFFF80];
	[tilespmem:s11+$0x20] =	vst v5;
	s15 =	sadd.s32 $0x100, s15  }
0x44: {  	[tilespmem:s11+$0x30] =	vst v0  }
0x45: {  	[tilespmem:s11+$0x40] =	vst v1  }
0x46: {  	[tilespmem:s11+$0x50] =	vst v2  }
0x47: {  	s13 =	sshrl.u32 s13, $0x2;
	[tilespmem:s11+$0x60] =	vst v3  }
0x48: {  	s14 =	simm.s32 $0x3DF0;
	[tilespmem:s11+$0xFFFFFF80] =	vst v4;
	s11 =	sadd.s32 $0xBB00, s13;
	s13 =	sadd.s32 $0x3E00, s13  }
.LBB2_5:
0x49: {  	s14 =	sadd.s32 $0x10, s14  }
0x4a: {  	v0 =	vld [tilespmem:s13+$0x0];
	p1 =	slt.u32 s14, $0x3E70  }
.Ltmp4:
0x4b: {  	_ = 	snop;
	(pc) =	sbr.rel @p1 .LBB2_5-.Ltmp4, $2  }
0x4c: {  	_ =	sdelay $0x2  }
0x4d: {  	s13 =	sadd.s32 $0x10, s13;
	[tilespmem:s11+$0x0] =	vst v0;
	s11 =	sadd.s32 $0x10, s11  }
.Ltmp5:
0x4e: {  	(pc) =	sbr.rel .LBB2_7-.Ltmp5, $4  }
0x4f: {  	_ = 	snop  }
0x50: {  	s11 =	sshrl.u32 s10, $0x3  }
0x51: {  	s31 =	sand.u32 $0x7, s10;
	s11 =	sadd.s32 s5, s11  }
0x52: {  	[hbm4b:s11+s31] =	stream.linear.scatter [tilespmem:s12], [sflag:$0x2], $0x3E80, $0x38;
	[tilespmem:$0xFA00] =	vst v63  }
.LBB2_8:
0x53: {  	_ =	sfence.sel $0x180000  }
0x54: {  	s2 =	simm.s32 $0x1;
	[bflag:$0x0] =	sbarrier.arrive $0xFFFF  }
0x55: {  	s31 =	simm.s32 $0x2;
	[sflag:s2] =	ssyncpa.u1 $0x1  }
0x56: {  	[sflag:s31] =	ssyncpa.u1 $0x1  }
0x57: {  	_ =	strace $0x90000059  }
0x58: {  	s0 =	sadd.s32 @!p0 $0x100000, s0;
	[bflag:$0x2] =	sbarrier.arrive $0xFFFF  }
0x59: {  	[sflag:s0] =	ssyncadd.tile.s32 @!p0 $0x1;
	s0 =	simm.s32 @!p0 $0x3F  }
0x5a: {  	_ =	swait.ge @!p0 [sflag:s0], s1  }
0x5b: {  	s1 =	ssub.s32 @!p0 $0x0, s1;
	[sflag:s0] =	ssyncset.done @!p0 $0x0  }
0x5c: {  	[sflag:s0] =	ssyncadd.s32 @!p0 s1  }
0x5d: {  	[bflag:$0x3] =	sbarrier.arrive $0xFFFF  }
0x5e: {  	_ =	shalt  }
.Lfunc_end2:
execute1_lowered:
.L_overlay_start_2:
0x5f: {  	(tag) =	ssettag $0x2  }
0x60: {  	s0 =	rddreg [dreg:$0x0]  }
0x61: {  	s6 =	stileid.u32;
	_ =	strace $0x8000005C;
	s2 =	simm.s32 $0x1  }
0x62: {  	v1 =	vimm.s32 $0xFFFFFFFF;
	s1 =	smin.u32 s6, $0x9;
	[sflag:s2] =	ssyncpa.u1 $0x0  }
0x63: {  	s1 =	sadd.s32 s6, s1;
	[tilespmem:$0x10] =	vst v1  }
0x64: {  	v0 =	vimm.f32 $0.0e+00;
	p0 =	slt.u32 s6, $0x9;
	[tilespmem:$0x20] =	vst v1;
	s3 =	smul.u32 $0x1A90, s1;
	s1 =	simm.s32 $0x3520  }
0x65: {  	[tilespmem:$0x30] =	vst v0;
	s1 =	simm.s32 @!p0 $0x1A90  }
0x66: {  	[tilespmem:$0x40] =	vst v0;
	s1 =	sadd.s32 s1, s3  }
0x67: {  	[tilespmem:$0x50] =	vst v0;
	s4 =	smin.u32 s1, $0x29810  }
0x68: {  	s7 =	simm.s32 $0x2;
	[tilespmem:$0x60] =	vst v1;
	s9 =	ssub.s32 s4, s3  }
0x69: {  	s8 =	simm.s32 $0x8;
	s31 =	simm.s32 $0x9;
	[tilespmem:$0x70] =	vst v1;
	p0 =	sgt.s32 s9, $0x0  }
0x6a: {  	s16 =	simm.s32 $0x0;
	s17 =	simm.s32 $0xF0;
	[tilespmem:$0x80] =	vst v1;
	s9 =	simm.s32 @!p0 $0x0  }
0x6b: {  	s18 =	simm.s32 $0xFFFFFFFF;
	s19 =	simm.s32 $0xFFFFCBE0;
	v1 =	vimm.s32 $0x0;
	[tilespmem:$0xB0] =	vst v0;
	s5 =	smulhi.u32 $0x134679AD, s9  }
0x6c: {  	s20 =	simm.s32 $0xFFFFFFFE;
	s21 =	simm.s32 $0xF;
	s25 =	simm.s32 $0x0;
	[tilespmem:$0x90] =	vst v1  }
0x6d: {  	[tilespmem:$0xA0] =	vst v1;
	[sflag:s7] =	ssyncpa.u1 $0x0;
	s7 =	simm.s32 $0x7;
	s10 =	sshrl.u32 s5, $0x9  }
0x6e: {  	s24 =	simm.s32 $0x0;
	[sflag:s7] =	ssyncpa.u1 $0x0;
	s11 =	smul.u32 $0x1A90, s10  }
0x6f: {  	s14 =	sshllo.u32 s6, $0x1;
	[sflag:s8] =	ssyncpa.u1 $0x0;
	s23 =	smov.u32 s3  }
.Ltmp6:
0x70: {  	s1 =	sadd.s32 $0x29F4E00, s0;
	p0 =	sne.s32 s9, s11;
	(pc) =	sbr.rel .LBB3_1-.Ltmp6, $4  }
0x71: {  	s5 =	sadd.s32 $0x536600, s0;
	s0 =	sadd.s32 $0x29EFA00, s0;
	s2 =	simm.s32 @!p0 $0x0  }
0x72: {  	[sflag:s31] =	ssyncpa.u1 $0x0;
	[dreg:$0x2] =	wrdreg s0;
	s9 =	sadd.s32 s2, s10  }
0x73: {  	vm0 =	vmmov $0xffff;
	v2 =	vlaneseq.u32;
	p0 =	por $0x0, $0x0;
	s10 =	sshll.u32 s6, $0x1;
	s11 =	sadd.s32 $0x1, s9  }
0x74: {  	vm1 =	vmxor vm1, vm1;
	vm2 =	vmmov $0x1;
	vm3 =	vcmask $0x3F3C;
	s12 =	sadd.s32 $0x2, s9;
	s13 =	sor.u32 $0x81, s10;
	s15 =	sor.u32 $0x80, s10  }
.LBB3_9:
0x75: {  	p1 =	slt.u32 s24, $0x3  }
0x76: {  	s0 =	simm.s32 @!p1 $0x2  }
0x77: {  	_ =	swait.ge @!p1 [sflag:s0], $0x1A90  }
0x78: {  	[sflag:s0] =	ssyncset.done @!p1 $0x0  }
0x79: {  	[sflag:s0] =	ssyncadd.s32 @!p1 $0xFFFFE570;
	s0 =	simm.s32 @!p1 $0x9  }
0x7a: {  	_ =	swait.ge @!p1 [sflag:s0], $0x10  }
0x7b: {  	[sflag:s0] =	ssyncset.done @!p1 $0x0  }
0x7c: {  	[sflag:s0] =	ssyncadd.s32 @!p1 $0xFFFFFFF0;
	p1 =	sne.s32 s24, s12  }
.Ltmp7:
0x7d: {  	s2 =	sadd.s32 $0x1A90, s23;
	(pc) =	sbr.rel @!p1 .LBB3_10-.Ltmp7, $4  }
0x7e: {  	s6 =	smov.u32 s3;
	s31 =	sadd.s32 $0x1, s24;
	s17 =	sadd.s32 $0x1A90, s17  }
0x7f: {  	s18 =	sadd.s32 $0x1, s18;
	s25 =	smov.u32 s23;
	p2 =	slt.s32 s2, s4  }
0x80: {  	p0 =	por !p0, !p0;
	s19 =	sadd.s32 $0x1A90, s19;
	s6 =	smov.u32 @p2 s2  }
0x81: {  	s20 =	sadd.s32 $0x1, s20;
	s23 =	smov.u32 s6;
	s24 =	smov.u32 s31  }
.LBB3_1:
0x82: {  	p1 =	sge.u32 s24, s9  }
0x83: {  	s0 =	smulhi.u32 @!p1 $0xAAAAAAAB, s24;
	_ =	sdelay $0x1  }
0x84: {  	s0 =	sshrl.u32 @!p1 s0, $0x1  }
0x85: {  	s0 =	smul.u32 @!p1 $0x3, s0;
	_ =	sdelay $0x1  }
0x86: {  	s0 =	ssub.s32 @!p1 s24, s0  }
0x87: {  	s0 =	smul.u32 @!p1 $0x6A40, s0;
	_ =	sdelay $0x1  }
0x88: {  	s2 =	sshrl.u32 @!p1 s23, $0x3;
	s0 =	sshrl.u32 @!p1 s0, $0x2  }
0x89: {  	s22 =	sand.u32 @!p1 $0x7, s23;
	s2 =	sadd.s32 @!p1 s5, s2;
	s0 =	sadd.s32 @!p1 $0x100, s0  }
0x8a: {  	[tilespmem:s0], [sflag:$0x7] =	stream.linear.gather @!p1 [hbm4b:s2+s22], $0x1A90, $0x38;
	[tilespmem:$0xF030] =	vst v63  }
0x8b: {  	s0 =	sadd.s32 $0xFFFFFFFF, s24  }
0x8c: {  	p1 =	sge.u32 s0, s9  }
.Ltmp8:
0x8d: {  	_ = 	snop;
	(pc) =	sbr.rel @p1 .LBB3_5-.Ltmp8, $1  }
0x8e: {  	_ =	sdelay $0x3  }
0x8f: {  	s2 =	smulhi.u32 $0xAAAAAAAB, s0;
	_ =	sdelay $0x1  }
0x90: {  	s2 =	sshrl.u32 s2, $0x1  }
0x91: {  	s2 =	smul.u32 $0x3, s2;
	_ =	sdelay $0x1  }
0x92: {  	s2 =	ssub.s32 s0, s2  }
0x93: {  	s2 =	smul.u32 $0x6A40, s2  }
0x94: {  	_ =	swait.ge [sflag:s7], $0x1A90  }
0x95: {  	[sflag:s7] =	ssyncset.done $0x0;
	s2 =	sshrl.u32 s2, $0x2  }
0x96: {  	[sflag:s7] =	ssyncadd.s32 $0xFFFFE570;
	(ifvalue) =	ssetifvalue $0xFFFFFFFF;
	v3 =	vld.msk [tilespmem:s2+$0x100 ss:$0x1], $0xffff;
	_ =	sdelay $0x2  }
0x97: {  	s30 =	smulhi.u32 $0xAAAAAAAB, s18;
	p1 =	sne.s32 s24, $0x1  }
0x98: {  	v4 =	vimm.s32 @!p1 $0x0  }
0x99: {  	s2 =	sshrl.u32 s30, $0x1;
	v4 =	vperm.xlane @!p1 v3, v4  }
0x9a: {  	s22 =	sshll.u32 s24, $0x4;
	s2 =	smul.u32 $0xFFFEC140, s2;
	vm4 =	vlt.u32 v3, $0x61A8000  }
0x9b: {  	s22 =	sand.u32 $0x10, s22;
	v3 =	vnsel vm4, $0xFFFFFFFE, v3;
	vm4 =	vlt.u32 @!p1 v4, $0x61A8000  }
0x9c: {  	s2 =	sshra.s32 s2, $0x2;
	[tilespmem:s22+$0x60] =	vst v3;
	v3 =	vnsel @!p1 vm4, $0xFFFFFFFE, v4  }
0x9d: {  	s28 =	sadd.s32 s2, s17;
	[tilespmem:$0x80] =	vst @!p1 v3  }
0x9e: {  	v3 =	vld.msk [tilespmem:s28+$0x0 ss:$0x1], $0xffff;
	_ =	sdelay $0x4  }
0x9f: {  	(xrf1) =	vunique.msk.u32 $0xffff, v3;
	_ =	sdelay $0xd  }
0xa0: {  	v4 =	vimm.s32 $0xFFFFFFFF;
	v5, _, _ =	vpop (xrf1)  }
0xa1: {  	vm5 =	vne.s32 v3, v4;
	vm4 =	veq.s32 v5, v2  }
0xa2: {  	vm6 =	vlt.u32 v3, $0x61A8000;
	vm4 =	vmand vm5, vm4  }
0xa3: {  	vm4 =	vmand vm6, vm4  }
0xa4: {  	v4 =	vnsel vm4, $0xFFFFFFFF, v3  }
0xa5: {  	s31 =	sand.u32 $0x1, s0  }
0xa6: {  	s0 =	simm.s32 $0x1A90;
	p1 =	seq.s32 s31, $0x1  }
0xa7: {  	s0 =	simm.s32 @!p1 $0x0  }
0xa8: {  	s26 =	sadd.s32 $0x6B30, s0;
	(ifvalue) =	ssetifvalue $0xFFFFFFFF  }
0xa9: {  	v3 =	vperm.xlane v3, v1;
	[tilespmem:s26], [sflag:$0x8] =	stream.indirect_vreg.gather [hbm4b:s1+s16], $0x1, v4, vm0, $0x4038;
	v4 =	vnsel vm6, $0xFFFFFFFE, v4;
	[tilespmem:$0xF030] =	vst v63  }
0xaa: {  	s2 =	simm.s32 $0x0;
	s22 =	sadd.s32 $0xFFFFFFF0, s28;
	[tilespmem:s28+$0x0] =	vst v4  }
.LBB3_3:
0xab: {  	v4 =	vld.msk [tilespmem:s22+$0x0 ss:$0x1], $0xffff;
	s2 =	sadd.s32 $0x10, s2;
	v5 =	vmov v3;
	s28 =	smov.u32 s22  }
0xac: {  	p1 =	slt.u32 s2, $0x1A80;
	_ =	sdelay $0x4  }
0xad: {  	v3 =	vperm.xlane v4, v1;
	(xrf1) =	vunique.msk.u32 $0xffff, v4;
	_ =	sdelay $0xd  }
0xae: {  	v6, _, _ =	vpop (xrf1)  }
0xaf: {  	vm5 =	vne.s32 v4, v5;
	vm4 =	veq.s32 v6, v2  }
0xb0: {  	vm6 =	vlt.u32 v4, $0x61A8000;
	vm4 =	vmand vm5, vm4  }
0xb1: {  	vm4 =	vmand vm6, vm4  }
0xb2: {  	v4 =	vnsel vm4, $0xFFFFFFFF, v4  }
.Ltmp9:
0xb3: {  	v5 =	vnsel vm6, $0xFFFFFFFE, v4;
	(pc) =	sbr.rel @p1 .LBB3_3-.Ltmp9, $3  }
0xb4: {  	_ =	sdelay $0x1  }
0xb5: {  	s22 =	sadd.s32 $0xFFFFFFF0, s22;
	s26 =	sadd.s32 $0xFFFFFFF0, s26;
	(ifvalue) =	ssetifvalue $0xFFFFFFFF  }
0xb6: {  	[tilespmem:s26], [sflag:$0x8] =	stream.indirect_vreg.gather [hbm4b:s1+s16], $0x1, v4, vm0, $0x4038;
	[tilespmem:s28+$0x0] =	vst v5  }
0xb7: {  	s2 =	sshrl.u32 s25, $0x3;
	s6 =	rddreg [dreg:$0x2]  }
0xb8: {  	s0 =	sadd.s32 $0x85D0, s0;
	s2 =	sadd.s32 s6, s2  }
0xb9: {  	[tilespmem:s0], [sflag:$0x8] =	stream.linear.gather [hbm:s2], $0x1A90, $0x38;
	[tilespmem:$0xF030] =	vst v63  }
.LBB3_5:
0xba: {  	p1 =	slt.u32 s24, $0x2  }
0xbb: {  	p2 =	sge.u32 @!p1 s24, s12  }
0xbc: {  	p1 =	por p1, p2  }
.Ltmp10:
0xbd: {  	_ = 	snop;
	(pc) =	sbr.rel @p1 .LBB3_9-.Ltmp10, $1  }
0xbe: {  	_ =	sdelay $0x3  }
0xbf: {  	s0 =	sadd.s32 $0xFFFFFFFE, s24  }
0xc0: {  	s2 =	smulhi.u32 $0xAAAAAAAB, s0;
	_ =	sdelay $0x1  }
0xc1: {  	s2 =	sshrl.u32 s2, $0x1  }
0xc2: {  	s2 =	smul.u32 $0x3, s2;
	_ =	sdelay $0x1  }
0xc3: {  	s0 =	ssub.s32 s0, s2  }
0xc4: {  	_ =	swait.ge [sflag:s8], $0x3520;
	s0 =	smul.u32 $0x1A90, s0  }
0xc5: {  	p1 =	sne.s32 s24, s11;
	[sflag:s8] =	ssyncset.done $0x0  }
0xc6: {  	[sflag:s8] =	ssyncadd.s32 $0xFFFFCAE0;
	s2 =	sadd.s32 @!p1 $0x1B8F, s0  }
0xc7: {  	[spmem:s13] =	stream.linear.scatter @!p1 [tilespmem:s2], [sflag:$0x1], $0x1, $0x38;
	[tilespmem:$0xF030] =	vst v63  }
0xc8: {  	s2 =	simm.s32 @!p1 $0x1  }
0xc9: {  	_ =	swait.ge @!p1 [sflag:s2], $0x1  }
0xca: {  	s22 =	sshll.u32 s24, $0x4;
	[sflag:s2] =	ssyncset.done @!p1 $0x0  }
0xcb: {  	s25 =	sand.u32 $0x10, s22;
	[sflag:s2] =	ssyncadd.s32 @!p1 $0xFFFFFFFF  }
0xcc: {  	s2 =	sxor.u32 $0x10, s25;
	v4 =	vld [tilespmem:s25+$0x10]  }
0xcd: {  	v5 =	vld [tilespmem:s2+$0x60]  }
0xce: {  	v3 =	vld [tilespmem:$0x80];
	_ =	sdelay $0x2  }
0xcf: {  	(v2sf) =	vpush v4, $0x0  }
0xd0: {  	(v2sf) =	vpush v5, $0x0  }
0xd1: {  	(v2sf) =	vpush v3, $0x0;
	_ =	sdelay $0xc  }
0xd2: {  	s6 =	spop (v2sf)  }
0xd3: {  	s28 =	spop (v2sf)  }
0xd4: {  	s26 =	spop (v2sf)  }
0xd5: {  	p2 =	seq.s32 s6, s28;
	p3 =	seq.s32 s26, s6  }
0xd6: {  	p3 =	por p2, p3  }
0xd7: {  	s6 =	sand.u32 $0x1, s24;
	v4 =	vpsel p3, $0xFFFFFFFF, v4  }
0xd8: {  	s28 =	smul.u32 $0x1A90, s6;
	[tilespmem:s25+$0x10] =	vst.msk $0x1, v4  }
0xd9: {  	v4 =	vld [tilespmem:$0x30]  }
0xda: {  	v5 =	vld [tilespmem:s28+$0x85D0]  }
0xdb: {  	v6 =	vld [tilespmem:s25+$0x40];
	_ =	sdelay $0x3  }
0xdc: {  	vm4 =	vmmov vm1;
	v5 =	vadd.f32 v5, v4  }
0xdd: {  	vm5 =	vmmov vm2;
	vm4 =	vmmov @p2 vm2;
	v4 =	vadd.f32 v6, v4  }
0xde: {  	s22 =	sshll.u32 s6, $0x4;
	vm5 =	vmmov @p3 vm1;
	[tilespmem:s28+$0x85D0] =	vst.msk vm4, v5  }
0xdf: {  	[tilespmem:s22+$0xF010] =	vst.msk vm5, v4  }
0xe0: {  	v4 =	vld [tilespmem:s28+$0x6B30];
	_ =	sdelay $0x3  }
0xe1: {  	v5 =	vimm.f32 $0.0e+00  }
0xe2: {  	v4 =	vshift.insert v4, v5, s21  }
0xe3: {  	s29 =	sor.u32 $0x40, s2  }
0xe4: {  	[tilespmem:s29+$0x0] =	vst.msk $0x1, v4  }
0xe5: {  	[tilespmem:s28+$0x6B3F] =	vst.msk $0x1, v5  }
0xe6: {  	v4 =	vld [tilespmem:s0+$0x1B80];
	_ =	sdelay $0x1  }
0xe7: {  	s29 =	smulhi.u32 $0xAAAAAAAB, s20;
	s0 =	simm.s32 $0x1  }
0xe8: {  	s0 =	simm.s32 @!p0 $0x0  }
0xe9: {  	s29 =	sshrl.u32 s29, $0x1;
	s0 =	smul.u32 $0x6A40, s0  }
0xea: {  	s29 =	smul.u32 $0xFFFEC140, s29;
	v4 =	vshift.insert v4, v1, s21  }
0xeb: {  	s0 =	sshrl.u32 s0, $0x2  }
0xec: {  	s29 =	sshra.s32 s29, $0x2;
	s30 =	sadd.s32 $0x85D0, s0;
	[tilespmem:s2+$0x10] =	vst.msk $0x1, v4  }
0xed: {  	s6 =	sadd.s32 s29, s19;
	v6 =	vld [tilespmem:s30+$0x0]  }
0xee: {  	v7 =	vld [tilespmem:s6+$0x0];
	_ =	sdelay $0x3  }
0xef: {  	v5 =	vadd.f32 v6, v5  }
0xf0: {  	vm4 =	vne.s32 v7, $0xFFFFFFFF  }
0xf1: {  	(xrf2) =	vadd.seg.scan.f32 vm4, v5;
	_ =	sdelay $0x3  }
0xf2: {  	s31 =	sadd.s32 $0x50B0, s0;
	v5 =	vperm.xlane v4, v1  }
0xf3: {  	v6 =	vld [tilespmem:s31+$0x0]  }
0xf4: {  	vm5 =	veq.s32 v7, v3;
	vm6 =	veq.s32 v7, v5  }
0xf5: {  	vm7 =	vgt.u32 v7, $0xFFFFFFFD;
	vm6 =	vmor vm6, vm5  }
0xf6: {  	vm6 =	vmor vm6, vm7  }
0xf7: {  	v9 =	vld [tilespmem:$0xA0];
	v7 =	vsel vm6, $0xFFFFFFFF, v7  }
0xf8: {  	v10 =	vld [tilespmem:$0x90];
	v6 =	vsel vm5, $0x0, v6;
	v8, _, _ =	vpop (xrf2)  }
0xf9: {  	v6 =	vadd.f32 v8, v6  }
0xfa: {  	s0 =	sadd.s32 $0xBAF0, s0  }
0xfb: {  	vm4 =	vmand vm4, vm3;
	[tilespmem:s0+$0x0] =	vst v6;
	(ifvalue) =	ssetifvalue $0xFFFFFFFF  }
0xfc: {  	vm6 =	veq.s32 v9, $0x1;
	[hbm4b:s1+s16] =	stream.indirect_vreg.scatter [tilespmem:s0], [sflag:$0x2], $0x1, v7, vm0, $0x4038;
	v7 =	vsel vm4, $0x0, v8;
	[tilespmem:$0xF030] =	vst v63  }
0xfd: {  	s29 =	sadd.s32 $0xF010, s22;
	s22 =	sadd.s32 $0x10, s6;
	s2 =	simm.s32 $0x0;
	vm4 =	vmor vm6, vm5;
	v6 =	vsel vm5, v8, v10;
	v7 =	vshift.insert v7, v0, s21  }
.LBB3_7:
0xfe: {  	v8 =	vld [tilespmem:s22+$0x0];
	s30 =	sadd.s32 $0x10, s30  }
0xff: {  	s31 =	sadd.s32 $0x10, s31;
	v9 =	vld [tilespmem:s30+$0x0]  }
0x100: {  	s2 =	sadd.s32 $0x10, s2;
	v10 =	vld [tilespmem:s31+$0x0]  }
0x101: {  	p2 =	slt.u32 s2, $0x1A80;
	_ =	sdelay $0x2  }
0x102: {  	v7 =	vadd.f32 v9, v7  }
0x103: {  	vm5 =	vne.s32 v8, $0xFFFFFFFF  }
0x104: {  	vm6 =	vmand vm5, vm3;
	(xrf2) =	vadd.seg.scan.f32 vm5, v7;
	_ =	sdelay $0x5  }
0x105: {  	vm7 =	veq.s32 v8, v5;
	vm5 =	veq.s32 v8, v3  }
0x106: {  	vm8 =	vgt.u32 v8, $0xFFFFFFFD;
	vm4 =	vmor vm4, vm5;
	vm7 =	vmor vm7, vm5  }
0x107: {  	vm7 =	vmor vm7, vm8  }
0x108: {  	v8 =	vsel vm7, $0xFFFFFFFF, v8  }
.Ltmp11:
0x109: {  	v7 =	vsel vm5, $0x0, v10;
	v9, _, _ =	vpop (xrf2);
	(pc) =	sbr.rel @p2 .LBB3_7-.Ltmp11, $4  }
0x10a: {  	v6 =	vsel vm5, v9, v6;
	v10 =	vadd.f32 v9, v7;
	v7 =	vsel vm6, $0x0, v9  }
0x10b: {  	s0 =	sadd.s32 $0x10, s0;
	v7 =	vshift.insert v7, v0, s21  }
0x10c: {  	s22 =	sadd.s32 $0x10, s22;
	[tilespmem:s0+$0x0] =	vst v10;
	(ifvalue) =	ssetifvalue $0xFFFFFFFF  }
0x10d: {  	[hbm4b:s1+s16] =	stream.indirect_vreg.scatter [tilespmem:s0], [sflag:$0x2], $0x1, v8, vm0, $0x4038;
	[tilespmem:$0xF030] =	vst v63  }
0x10e: {  	v3 =	vld [tilespmem:s28+$0xD570];
	_ =	sdelay $0x4  }
0x10f: {  	v3 =	vshift.insert v3, v0, s21  }
0x110: {  	s0 =	simm.s32 $0x30  }
0x111: {  	[tilespmem:s0+$0x0] =	vst.msk $0x1, v3  }
0x112: {  	v3 =	vsel vm4, $0x1, v1;
	[tilespmem:$0x90] =	vst v6  }
0x113: {  	s0 =	sadd.s32 @!p1 $0xD57F, s28;
	[tilespmem:$0xA0] =	vst v3  }
0x114: {  	[spmem:s14] =	stream.linear.scatter @!p1 [tilespmem:s0], [sflag:$0x1], $0x1, $0x38;
	[tilespmem:$0xF030] =	vst v63  }
0x115: {  	s0 =	simm.s32 @!p1 $0x1  }
0x116: {  	v3 =	vmctz.xlane @!p1 vm4;
	_ =	swait.ge @!p1 [sflag:s0], $0x1  }
0x117: {  	(v2sf) =	vpush @!p1 v4, $0x0  }
0x118: {  	(v2sf) =	vpush @!p1 v3, $0x0;
	_ =	sdelay $0xd  }
0x119: {  	s2 =	spop @!p1 (v2sf)  }
0x11a: {  	s6 =	spop @!p1 (v2sf)  }
0x11b: {  	p2 =	sne.s32 @!p1 s26, s2;
	p3 =	slt.s32 @!p1 s6, $0xF  }
0x11c: {  	[sflag:s0] =	ssyncset.done @!p1 $0x0;
	p2 =	por p2, p1;
	p3 =	por !p3, p1  }
0x11d: {  	[sflag:s0] =	ssyncadd.s32 @!p1 $0xFFFFFFFF;
	v3 =	vimm.s32 @!p2 $0xFFFFFFFF;
	s6 =	simm.s32 @p3 $0xF  }
0x11e: {  	[tilespmem:$0x80] =	vst @!p2 v3;
	s2 =	sadd.s32 @!p1 $0x90, s6  }
0x11f: {  	[spmem:s10] =	stream.linear.scatter @!p1 [tilespmem:s2], [sflag:$0x1], $0x1, $0x38;
	[tilespmem:$0xF030] =	vst v63  }
0x120: {  	_ =	swait.ge @!p1 [sflag:s0], $0x1  }
0x121: {  	[sflag:s0] =	ssyncset.done @!p1 $0x0  }
0x122: {  	s2 =	simm.s32 @!p1 $0x80;
	[sflag:s0] =	ssyncadd.s32 @!p1 $0xFFFFFFFF  }
0x123: {  	[spmem:s15] =	stream.linear.scatter @!p1 [tilespmem:s2], [sflag:$0x1], $0x1, $0x38;
	[tilespmem:$0xF030] =	vst v63  }
0x124: {  	_ =	swait.ge @!p1 [sflag:s0], $0x1  }
0x125: {  	[sflag:s0] =	ssyncset.done @!p1 $0x0  }
0x126: {  	[sflag:s0] =	ssyncadd.s32 @!p1 $0xFFFFFFFF;
	(ifvalue) =	ssetifvalue $0xFFFFFFFF;
	v3 =	vld [tilespmem:s25+$0x10];
	_ =	sdelay $0x3  }
.Ltmp12:
0x127: {  	_ = 	snop;
	(pc) =	sbr.rel .LBB3_9-.Ltmp12, $3  }
0x128: {  	_ =	sdelay $0x1  }
0x129: {  	(ifvalue) =	ssetifvalue $0xFFFFFFFF  }
0x12a: {  	[hbm4b:s1+s16] =	stream.indirect_vreg.scatter [tilespmem:s29], [sflag:$0x9], $0x1, v3, vm0, $0x4038;
	[tilespmem:$0xF030] =	vst v63  }
.LBB3_10:
0x12b: {  	_ =	sfence.sel $0x180000  }
0x12c: {  	s0 =	simm.s32 $0x7;
	[bflag:$0x0] =	sbarrier.arrive $0xFFFF  }
0x12d: {  	s26 =	simm.s32 $0x8;
	[sflag:s0] =	ssyncpa.u1 $0x1  }
0x12e: {  	s28 =	simm.s32 $0x9;
	[sflag:s26] =	ssyncpa.u1 $0x1  }
0x12f: {  	[sflag:s28] =	ssyncpa.u1 $0x1  }
0x130: {  	_ =	sfence.stream.spmem  }
0x131: {  	s29 =	simm.s32 $0x3;
	[bflag:$0x0] =	sbarrier.arrive $0xFFFF  }
0x132: {  	s30 =	simm.s32 $0x4;
	[sflag:s29] =	ssyncpa.u1 $0x1  }
0x133: {  	s31 =	simm.s32 $0x3C;
	s2 =	stileid.u32;
	[sflag:s30] =	ssyncpa.u1 $0x1  }
0x134: {  	p0 =	sne.s32 s2, $0x0;
	[sflag:s31] =	ssyncpa.u1 $0x1  }
0x135: {  	s0 =	simm.s32 @p0 $0x1;
	_ =	sfence @p0  }
0x136: {  	[sflag:s0] =	ssyncpa.u1 @p0 $0x1;
	s0 =	simm.s32 @p0 $0x2  }
0x137: {  	[sflag:s0] =	ssyncpa.u1 @p0 $0x1  }
0x138: {  	_ =	strace @p0 $0x9000005C  }
0x139: {  	[bflag:$0x2] =	sbarrier.arrive @p0 $0xFFFF  }
0x13a: {  	_ =	shalt @p0  }
.LBB3_11:
0x13b: {  	_ =	sfence.stream.spmem;
	s0 =	simm.s32 $0x5  }
0x13c: {  	s2 =	simm.s32 $0x80;
	s3 =	simm.s32 $0xC0;
	[sflag:s0] =	ssyncpa.u1 $0x0  }
0x13d: {  	[tilespmem:s3], [sflag:$0x5] =	stream.linear.gather [spmem:s2], $0x20, $0x38;
	[tilespmem:$0xF030] =	vst v63  }
0x13e: {  	s2 =	simm.s32 $0x0;
	s3 =	simm.s32 $0xE0  }
0x13f: {  	[tilespmem:s3], [sflag:$0x5] =	stream.linear.gather [spmem:s2], $0x20, $0x38;
	[tilespmem:$0xF030] =	vst v63  }
.Ltmp13:
0x140: {  	_ = 	snop;
	(pc) =	sbr.rel .LBB3_12-.Ltmp13, $4  }
0x141: {  	_ =	swait.ge [sflag:s0], $0x40  }
0x142: {  	[sflag:s0] =	ssyncset.done $0x0  }
0x143: {  	s31 =	simm.s32 $0x6;
	[sflag:s0] =	ssyncadd.s32 $0xFFFFFFC0  }
0x144: {  	s4 =	simm.s32 $0x0;
	[sflag:s31] =	ssyncpa.u1 $0x0  }
.LBB3_17:
0x145: {  	p0 =	sgt.u32 s5, $0x61A7FFF  }
0x146: {  	s0 =	sshrl.u32 @!p0 s5, $0x3  }
0x147: {  	s5 =	sand.u32 @!p0 $0x7, s5;
	s6 =	simm.s32 @!p0 $0xB0;
	s0 =	sadd.s32 @!p0 s1, s0  }
0x148: {  	[tilespmem:s6], [sflag:$0x6] =	stream.linear.gather @!p0 [hbm4b:s0+s5], $0x1, $0x38;
	[tilespmem:$0xF030] =	vst v63  }
0x149: {  	s0 =	simm.s32 @!p0 $0x6  }
0x14a: {  	_ =	swait.ge @!p0 [sflag:s0], $0x1  }
0x14b: {  	[sflag:s0] =	ssyncset.done @!p0 $0x0  }
0x14c: {  	[sflag:s0] =	ssyncadd.s32 @!p0 $0xFFFFFFFF  }
0x14d: {  	v2 =	vmov @!p0 s4;
	v1 =	vld.msk @!p0 [tilespmem:$0xB0], $0x1;
	_ =	sdelay $0x3  }
0x14e: {  	s0 =	simm.s32 @!p0 $0xE0  }
0x14f: {  	[tilespmem:v2+s0+$0x0], v1 =	vst.idx.ret.add.f32.msk @!p0 $0x1, v1  }
0x150: {  	[tilespmem:s2+$0xC0] =	vst.msk $0x1, v0  }
0x151: {  	v0 =	vld.msk [tilespmem:s4+$0xE0], $0x1;
	_ =	sdelay $0x4  }
0x152: {  	[tilespmem:s2+$0xE0] =	vst.msk $0x1, v0;
	s2 =	sadd.s32 $0x1, s2  }
.LBB3_19:
0x153: {  	s4 =	sadd.s32 $0x1, s4  }
0x154: {  	p0 =	sne.s32 s4, $0x20  }
.Ltmp14:
0x155: {  	_ = 	snop;
	(pc) =	sbr.rel @!p0 .LBB3_20-.Ltmp14, $1  }
0x156: {  	_ =	sdelay $0x3  }
.LBB3_12:
0x157: {  	v0 =	vld.msk [tilespmem:s4+$0xC0], $0x1;
	_ =	sdelay $0x4  }
0x158: {  	(v2sf) =	vpush v0, $0x0;
	_ =	sdelay $0xe  }
0x159: {  	s5 =	spop (v2sf)  }
0x15a: {  	p0 =	seq.s32 s5, $0xFFFFFFFF  }
.Ltmp15:
0x15b: {  	_ = 	snop;
	(pc) =	sbr.rel @p0 .LBB3_19-.Ltmp15, $1  }
0x15c: {  	_ =	sdelay $0x3  }
0x15d: {  	p0 =	slt.s32 s2, $0x1  }
.Ltmp16:
0x15e: {  	_ = 	snop;
	(pc) =	sbr.rel @p0 .LBB3_17-.Ltmp16, $1  }
0x15f: {  	_ =	sdelay $0x3  }
0x160: {  	s0 =	simm.s32 $0xC0;
	p0 =	por $0x0, $0x0  }
0x161: {  	v1 =	vld.msk @!p0 [tilespmem:s0+$0x0], $0x1;
	_ =	sdelay $0x4  }
0x162: {  	(v2sf) =	vpush @!p0 v1, $0x0;
	_ =	sdelay $0xd  }
0x163: {  	p2 =	sne.s32 s2, $0x1  }
.Ltmp17:
0x164: {  	s6 =	spop @!p0 (v2sf);
	(pc) =	sbr.rel @!p2 .LBB3_16-.Ltmp17, $4  }
0x165: {  	p1 =	seq.s32 @!p0 s5, s6  }
0x166: {  	s6 =	simm.s32 $0x0;
	p1 =	por !p1, p0  }
0x167: {  	s8 =	simm.s32 $0xFFFFFFFF;
	s6 =	simm.s32 @p1 $0xFFFFFFFF  }
0x168: {  	s7 =	simm.s32 $0x1;
	s6 =	smov.u32 @p0 s8  }
.LBB3_15:
0x169: {  	s8 =	smov.u32 s6;
	p0 =	sne.s32 s6, $0xFFFFFFFF  }
0x16a: {  	s0 =	sadd.s32 $0x1, s0;
	s6 =	smov.u32 s7;
	s7 =	sadd.s32 $0x1, s7  }
0x16b: {  	p1 =	sne.s32 s2, s7;
	v1 =	vld.msk @!p0 [tilespmem:s0+$0x0], $0x1;
	_ =	sdelay $0x4  }
0x16c: {  	(v2sf) =	vpush @!p0 v1, $0x0;
	_ =	sdelay $0xe  }
.Ltmp18:
0x16d: {  	s9 =	spop @!p0 (v2sf);
	(pc) =	sbr.rel @p1 .LBB3_15-.Ltmp18, $4  }
0x16e: {  	p2 =	seq.s32 @!p0 s5, s9  }
0x16f: {  	p2 =	por !p2, p0  }
0x170: {  	s6 =	simm.s32 @p2 $0xFFFFFFFF  }
0x171: {  	s6 =	smov.u32 @p0 s8  }
.LBB3_16:
0x172: {  	p0 =	sne.s32 s6, $0xFFFFFFFF  }
.Ltmp19:
0x173: {  	_ = 	snop;
	(pc) =	sbr.rel @!p0 .LBB3_17-.Ltmp19, $1  }
0x174: {  	_ =	sdelay $0x3  }
0x175: {  	v0 =	vld.msk [tilespmem:s4+$0xE0], $0x1;
	v1 =	vmov s6  }
.Ltmp20:
0x176: {  	_ = 	snop;
	(pc) =	sbr.rel .LBB3_19-.Ltmp20, $2  }
0x177: {  	_ =	sdelay $0x2  }
0x178: {  	[tilespmem:v1+s3+$0x0], v0 =	vst.idx.ret.add.f32.msk $0x1, v0  }
.LBB3_20:
0x179: {  	p0 =	slt.s32 s2, $0x1  }
.Ltmp21:
0x17a: {  	_ = 	snop;
	(pc) =	sbr.rel @p0 .LBB3_24-.Ltmp21, $3  }
0x17b: {  	_ =	sdelay $0x1  }
0x17c: {  	s0 =	simm.s32 $0x6  }
0x17d: {  	s3 =	simm.s32 $0x0;
	[sflag:s0] =	ssyncpa.u1 $0x1  }
0x17e: {  	s0 =	simm.s32 $0xC0  }
0x17f: {  	v0 =	vld.msk [tilespmem:s0+$0x0], $0x1;
	_ =	sdelay $0x4  }
0x180: {  	(v2sf) =	vpush v0, $0x0;
	_ =	sdelay $0xe  }
0x181: {  	s2 =	sadd.s32 $0xFFFFFFFF, s2;
	s4 =	spop (v2sf)  }
0x182: {  	p1 =	sne.s32 s2, $0x0;
	p0 =	sgt.u32 s4, $0x61A7FFF  }
.Ltmp22:
0x183: {  	s5 =	sshrl.u32 @!p0 s4, $0x3;
	(pc) =	sbr.rel @!p1 .LBB3_23-.Ltmp22, $4  }
0x184: {  	s0 =	simm.s32 $0xE0;
	s4 =	sand.u32 @!p0 $0x7, s4;
	s5 =	sadd.s32 @!p0 s1, s5  }
0x185: {  	[hbm4b:s5+s4] =	stream.linear.scatter @!p0 [tilespmem:s0], [sflag:$0x5], $0x1, $0x38;
	[tilespmem:$0xF030] =	vst v63  }
0x186: {  	s5 =	simm.s32 $0x0  }
0x187: {  	s4 =	simm.s32 $0xC1;
	s5 =	simm.s32 @!p0 $0x4  }
.LBB3_22:
0x188: {  	v0 =	vld.msk [tilespmem:s4+$0x0], $0x1;
	s2 =	sadd.s32 $0xFFFFFFFF, s2;
	s3 =	sadd.s32 s3, s5  }
0x189: {  	p0 =	sne.s32 s2, $0x0;
	_ =	sdelay $0x3  }
0x18a: {  	(v2sf) =	vpush v0, $0x0;
	_ =	sdelay $0xe  }
.Ltmp23:
0x18b: {  	s6 =	spop (v2sf);
	(pc) =	sbr.rel @p0 .LBB3_22-.Ltmp23, $4  }
0x18c: {  	s5 =	simm.s32 $0x0;
	p1 =	sgt.u32 s6, $0x61A7FFF  }
0x18d: {  	s0 =	sadd.s32 $0x1, s0;
	s5 =	simm.s32 @!p1 $0x4;
	s7 =	sshrl.u32 @!p1 s6, $0x3  }
0x18e: {  	s4 =	sadd.s32 $0x1, s4;
	s6 =	sand.u32 @!p1 $0x7, s6;
	s7 =	sadd.s32 @!p1 s1, s7  }
0x18f: {  	[hbm4b:s7+s6] =	stream.linear.scatter @!p1 [tilespmem:s0], [sflag:$0x5], $0x1, $0x38;
	[tilespmem:$0xF030] =	vst v63  }
.LBB3_23:
0x190: {  	s0 =	sadd.s32 s3, s5  }
0x191: {  	s3 =	sshrl.u32 s0, $0x2  }
.LBB3_24:
0x192: {  	s0 =	simm.s32 $0x5  }
0x193: {  	_ =	swait.ge [sflag:s0], s3  }
0x194: {  	s1 =	ssub.s32 $0x0, s3;
	[sflag:s0] =	ssyncset.done $0x0  }
0x195: {  	[sflag:s0] =	ssyncadd.s32 s1  }
0x196: {  	[sflag:s0] =	ssyncpa.u1 $0x1  }
0x197: {  	s29 =	simm.s32 $0x1;
	_ =	sfence  }
0x198: {  	s30 =	simm.s32 $0x2;
	[sflag:s29] =	ssyncpa.u1 $0x1  }
0x199: {  	[sflag:s30] =	ssyncpa.u1 $0x1  }
0x19a: {  	_ =	strace $0x9000005C  }
0x19b: {  	[bflag:$0x2] =	sbarrier.arrive $0xFFFF  }
0x19c: {  	s31 =	rddreg [dreg:$0x1]  }
0x19d: {  	s0 =	sadd.s32 $0x100000, s31  }
0x19e: {  	[sflag:s0] =	ssyncadd.tile.s32 $0x1;
	_ =	shalt  }
.Lfunc_end3:
_tile_overlayer_lowered:
.L_overlay_start_3:
0x19f: {  	(tag) =	ssettag $0x3  }
0x1a0: {  	s0 =	rddreg [dreg:$0x0];
	s2 =	stileid.u32  }
0x1a1: {  	s1 =	rddreg [dreg:$0x1];
	p0 =	sne.s32 s2, $0x0  }
0x1a2: {  	s3 =	rddreg [dreg:$0x2];
	[bflag:$0x3] =	sbarrier.arrive $0xFFFF;
	s2 =	simm.s32 @!p0 $0x1C01  }
0x1a3: {  	[timem:s3], [sflag:s2] =	dma.local @!p0 [hbm:s0], s1  }
0x1a4: {  	s0 =	simm.s32 @!p0 $0x1  }
0x1a5: {  	_ =	swait.ge @!p0 [sflag:s0], s1  }
0x1a6: {  	s1 =	ssub.s32 @!p0 $0x0, s1;
	[sflag:s0] =	ssyncset.done @!p0 $0x0  }
0x1a7: {  	[sflag:s0] =	ssyncadd.s32 @!p0 s1  }
0x1a8: {  	[bflag:$0x3] =	sbarrier.arrive $0xFFFF  }
0x1a9: {  	_ =	shalt  }

// kernel: scatter_offload_async_start.4
scs
__scs_entry_jumppad:
0x0: {  	(pc) =	sbr.rel $0x88, $3  }
0x1: {  	(tag) =	ssettag $0x0;
	lr =	simm.s32 $0x1  }
0x2: {  	[smem:$0x3F97] =	sst lr;
	_ =	strace $0xD0000000  }
0x3: {  	_ = 	snop  }
0x4: {  	_ = 	snop  }
0x5: {  	_ = 	snop  }
0x6: {  	_ = 	snop  }
0x7: {  	_ = 	snop  }
__scs_overlays_trampoline_lowered:
0x8: {  	[smem:$0x3FA6] =	sst s0  }
0x9: {  	[smem:$0x3FA7] =	sst s1  }
0xa: {  	[smem:$0x3FA8] =	sst s2  }
0xb: {  	[smem:$0x3FA9] =	sst s3  }
0xc: {  	[smem:$0x3FAA] =	sst s4  }
0xd: {  	[smem:$0x3FAB] =	sst s5  }
0xe: {  	[smem:$0x3FAC] =	sst s6  }
0xf: {  	[smem:$0x3FAD] =	sst s7  }
0x10: {  	[smem:$0x3FAE] =	sst s8  }
0x11: {  	[smem:$0x3FAF] =	sst s9;
	s0 =	simm.s32 @!p0 $0x0  }
0x12: {  	s1 =	sld [smem:$0x3F95];
	s0 =	simm.s32 @p0 $0x1  }
0x13: {  	[smem:$0x3FB0] =	sst s0;
	s0 =	simm.s32 @!p1 $0x0  }
0x14: {  	s2 =	sld [smem:$0x3F94];
	s0 =	simm.s32 @p1 $0x1  }
0x15: {  	[smem:$0x3FB1] =	sst s0;
	s0 =	simm.s32 @!p2 $0x0  }
0x16: {  	s3 =	sld [smem:$0x3FDB];
	s0 =	simm.s32 @p2 $0x1  }
0x17: {  	s4 =	simm.s32 $0x1BF5;
	[smem:$0x3FB3] =	sst s0  }
0x18: {  	s0 =	sld [smem:$0x3F96];
	_ =	swait.ge [sflag:s4], $0x0  }
0x19: {  	s7 =	sld [smem:$0x3F97]  }
0x1a: {  	s8 =	sadd.s32 $0xFFFFE003, lr  }
0x1b: {  	s9 =	sadd.s32 $0xFFFFFEF7, lr;
	s5 =	simm.s32 $0xFFFFFFFF;
	p2 =	slt.u32 s8, $0xFFFFF086  }
0x1c: {  	p1 =	slt.u32 s9, $0xF7A;
	s5 =	simm.s32 @!p2 $0x0  }
0x1d: {  	s5 =	simm.s32 @p1 $0x1;
	p0 =	seq.s32 s7, s2  }
0x1e: {  	s7 =	smul.u32 @!p0 $0xF7A, s2;
	p2 =	seq.s32 @!p0 s5, $0x0  }
0x1f: {  	s9 =	smul.u32 $0xF7A, s1;
	s8 =	simm.s32 @!p0 $0x1BF5;
	p2 =	por !p2, p0  }
0x20: {  	[sflag:s8] =	ssyncset.s32 @!p0 $0xFFFFF086;
	s6 =	sadd.s32 @!p0 s3, s7;
	s7 =	simm.s32 @!p0 $0x108  }
0x21: {  	s3 =	sadd.s32 s3, s9;
	s6 =	sadd.s32 @!p0 $0x88, s6;
	s7 =	simm.s32 @p2 $0x1082  }
0x22: {  	[simem:s7], [sflag:s8] =	dma.local @!p0 [hbm:s6], $0xF7A  }
0x23: {  	s9 =	sor.u32 $0xD0000000, s2;
	s6 =	simm.s32 $0x108;
	_ =	swait.ge @!p0 [sflag:s8], $0x0  }
0x24: {  	s3 =	sadd.s32 $0x88, s3;
	s6 =	simm.s32 @!p1 $0x1082;
	[sflag:s4] =	ssyncset.s32 $0xFFFFF086  }
0x25: {  	[simem:s6], [sflag:s4] =	dma.local [hbm:s3], $0xF7A  }
0x26: {  	[smem:$0x3F97] =	sst s1;
	(tag) =	ssettag s2;
	_ =	strace s9  }
0x27: {  	s1 =	sld [smem:$0x3FA7]  }
0x28: {  	s2 =	sld [smem:$0x3FA8]  }
0x29: {  	s4 =	sld [smem:$0x3FAA]  }
0x2a: {  	p0 =	seq.s32 s5, $0x0;
	s5 =	sld [smem:$0x3FAB]  }
0x2b: {  	s6 =	sld [smem:$0x3FAC]  }
0x2c: {  	s7 =	sld [smem:$0x3FAD]  }
0x2d: {  	s3 =	simm.s32 $0x108;
	s8 =	sld [smem:$0x3FAE]  }
0x2e: {  	s3 =	simm.s32 @!p0 $0x1082;
	s9 =	sld [smem:$0x3FAF]  }
0x2f: {  	lr =	sadd.s32 s0, s3;
	s0 =	sld [smem:$0x3FA6]  }
0x30: {  	s3 =	sld [smem:$0x3FA9]  }
0x31: {  	[smem:$0x3FB2] =	sst s10  }
0x32: {  	s10 =	sld [smem:$0x3FB0];
	_ =	sdelay $0x3  }
0x33: {  	p0 =	seq.s32 s10, $0x1;
	s10 =	sld [smem:$0x3FB2];
	_ =	sdelay $0x3  }
0x34: {  	[smem:$0x3FB2] =	sst s10  }
0x35: {  	s10 =	sld [smem:$0x3FB1];
	_ =	sdelay $0x3  }
0x36: {  	p1 =	seq.s32 s10, $0x1;
	s10 =	sld [smem:$0x3FB2];
	_ =	sdelay $0x3  }
0x37: {  	[smem:$0x3FB2] =	sst s10  }
0x38: {  	s10 =	sld [smem:$0x3FB3]  }
0x39: {  	_ = 	snop;
	(pc) =	sbr.ind lr, $3  }
0x3a: {  	_ = 	snop  }
0x3b: {  	_ = 	snop  }
0x3c: {  	p2 =	seq.s32 s10, $0x1;
	s10 =	sld [smem:$0x3FB2]  }
0x3d: {  	_ =	shalt  }
0x3e: {  	_ =	shalt  }
0x3f: {  	_ =	shalt  }
0x40: {  	_ =	shalt  }
0x41: {  	_ =	shalt  }
0x42: {  	_ =	shalt  }
0x43: {  	_ =	shalt  }
0x44: {  	_ =	shalt  }
0x45: {  	_ =	shalt  }
0x46: {  	_ =	shalt  }
0x47: {  	_ =	shalt  }
0x48: {  	_ =	shalt  }
0x49: {  	_ =	shalt  }
0x4a: {  	_ =	shalt  }
0x4b: {  	_ =	shalt  }
0x4c: {  	_ =	shalt  }
0x4d: {  	_ =	shalt  }
0x4e: {  	_ =	shalt  }
0x4f: {  	_ =	shalt  }
0x50: {  	_ =	shalt  }
0x51: {  	_ =	shalt  }
0x52: {  	_ =	shalt  }
0x53: {  	_ =	shalt  }
0x54: {  	_ =	shalt  }
0x55: {  	_ =	shalt  }
0x56: {  	_ =	shalt  }
0x57: {  	_ =	shalt  }
0x58: {  	_ =	shalt  }
0x59: {  	_ =	shalt  }
0x5a: {  	_ =	shalt  }
0x5b: {  	_ =	shalt  }
0x5c: {  	_ =	shalt  }
0x5d: {  	_ =	shalt  }
0x5e: {  	_ =	shalt  }
0x5f: {  	_ =	shalt  }
0x60: {  	_ =	shalt  }
0x61: {  	_ =	shalt  }
0x62: {  	_ =	shalt  }
0x63: {  	_ =	shalt  }
0x64: {  	_ =	shalt  }
0x65: {  	_ =	shalt  }
0x66: {  	_ =	shalt  }
0x67: {  	_ =	shalt  }
0x68: {  	_ =	shalt  }
0x69: {  	_ =	shalt  }
0x6a: {  	_ =	shalt  }
0x6b: {  	_ =	shalt  }
0x6c: {  	_ =	shalt  }
0x6d: {  	_ =	shalt  }
0x6e: {  	_ =	shalt  }
0x6f: {  	_ =	shalt  }
0x70: {  	_ =	shalt  }
0x71: {  	_ =	shalt  }
0x72: {  	_ =	shalt  }
0x73: {  	_ =	shalt  }
0x74: {  	_ =	shalt  }
0x75: {  	_ =	shalt  }
0x76: {  	_ =	shalt  }
0x77: {  	_ =	shalt  }
0x78: {  	_ =	shalt  }
0x79: {  	_ =	shalt  }
0x7a: {  	_ =	shalt  }
0x7b: {  	_ =	shalt  }
0x7c: {  	_ =	shalt  }
0x7d: {  	_ =	shalt  }
0x7e: {  	_ =	shalt  }
0x7f: {  	_ =	shalt  }
0x80: {  	_ =	shalt  }
0x81: {  	_ =	shalt  }
0x82: {  	_ =	shalt  }
0x83: {  	_ =	shalt  }
0x84: {  	_ =	shalt  }
0x85: {  	_ =	shalt  }
0x86: {  	_ =	shalt  }
0x87: {  	_ =	shalt  }
.Lfunc_end0:
.L_simem_size_0:
called_computation.4_lowered:
.L_overlay_start_0:
0x88: {  	s0 =	sld [smem:$0x3FD9]  }
0x89: {  	s1 =	sld [smem:$0x3FFE];
	_ =	sdelay $0x3  }
0x8a: {  	s0 =	sadd.s32 s1, s0  }
0x8b: {  	[smem:$0x3FBE] =	sst s0  }
0x8c: {  	_ = 	snop  }
0x8d: {  	(tm) =	ssettm $0x1  }
0x8e: {  	s14 =	sld [smem:$0x3FFB];
	_ =	sdelay $0x3  }
0x8f: {  	_ =	strace s14  }
0x90: {  	s0 =	sld [smem:$0x3FFC];
	_ =	sdelay $0x3  }
0x91: {  	_ =	strace s0  }
0x92: {  	s0 =	sld [smem:$0x3FFD];
	_ =	sdelay $0x3  }
0x93: {  	_ =	strace s0  }
0x94: {  	_ =	strace $0x8FFFFFFF  }
0x95: {  	s15 =	sld [smem:$0x3FDB];
	_ =	sdelay $0x1  }
0x96: {  	s16 =	simm.s32 $_scs_section_size  }
0x97: {  	s2 =	simm.s32 $_size__tile_overlayer_lowered;
	s3 =	simm.s32 $_tile_overlayer_lowered  }
0x98: {  	s4 =	simm.s32 $0x1BFF;
	s17 =	sshll.u32 s3, $0x1;
	s1 =	sadd.s32 s16, s15  }
0x99: {  	s18 =	simm.s32 $0x0;
	s2 =	sshll.u32 s2, $0x1;
	s3 =	sadd.s32 s17, s1  }
0x9a: {  	[timem:s18], [sflag:s4] =	dma.local [hbm:s3], s2  }
0x9b: {  	_ =	swait.ge [sflag:s4], s2  }
0x9c: {  	s2 =	ssub.s32 $0x0, s2;
	[sflag:s4] =	ssyncset.done $0x0  }
0x9d: {  	[sflag:s4] =	ssyncadd.s32 s2;
	_ =	sdelay $0x1  }
0x9e: {  	s19 =	simm.s32 $0x1B8B  }
0x9f: {  	_ =	swait.ge [sflag:s19], $0x1  }
0xa0: {  	[sflag:s19] =	ssyncset.done $0x0  }
0xa1: {  	s21 =	simm.s32 $0x1B8E;
	s20 =	sld [smem:$0x3FFE];
	[sflag:s19] =	ssyncadd.s32 $0xFFFFFFFF  }
0xa2: {  	s22 =	simm.s32 $execute0_lowered;
	[smem:$0x3FD2] =	sst s21  }
0xa3: {  	s3 =	sshll.u32 s22, $0x1;
	_ =	strace $0x80000052;
	[dreg:$0x1] =	wrdreg $0xFFFFFFFF  }
0xa4: {  	s23 =	simm.s32 $_size_execute0_lowered;
	s3 =	sadd.s32 s1, s3;
	[dreg:$0x0] =	wrdreg $0x0  }
0xa5: {  	s4 =	sshll.u32 s23, $0x1;
	[dreg:$0x2] =	wrdreg s3  }
0xa6: {  	[dreg:$0x3] =	wrdreg s4  }
0xa7: {  	[dreg:$0x4] =	wrdreg $0xC0  }
0xa8: {  	s24 =	simm.s32 $execute1_lowered;
	_ =	task [dreg:s18], $0x5FFFF  }
0xa9: {  	s3 =	sshll.u32 s24, $0x1;
	[dreg:$0x1] =	wrdreg $0xFFFFFFFF  }
0xaa: {  	s1 =	sadd.s32 s1, s3;
	[dreg:$0x0] =	wrdreg $0x60  }
0xab: {  	[dreg:$0x2] =	wrdreg s1  }
0xac: {  	[dreg:$0x3] =	wrdreg s20  }
0xad: {  	[dreg:$0x4] =	wrdreg $0xE  }
0xae: {  	_ =	task.clear_ibuf [dreg:s18], $0x5FFFF;
	_ =	strace $0x90000052  }
0xaf: {  	s25 =	simm.s32 $0xE;
	_ =	strace $0x80000054  }
0xb0: {  	_ =	swait.ge [sflag:s25], $0x1  }
0xb1: {  	[sflag:s25] =	ssyncadd.s32 $0xFFFFFFFF  }
0xb2: {  	_ =	strace $0x90000054  }
0xb3: {  	_ =	strace $0x80000055;
	[dreg:$0x1] =	wrdreg $0xFFFFFFFF  }
0xb4: {  	[dreg:$0x0] =	wrdreg $0x2030  }
0xb5: {  	[dreg:$0x2] =	wrdreg s20  }
0xb6: {  	[dreg:$0x3] =	wrdreg $0xF  }
0xb7: {  	_ =	task.clear_ibuf [dreg:s18], $0x4FFFF;
	_ =	strace $0x90000055  }
0xb8: {  	s26 =	simm.s32 $0xF;
	_ =	strace $0x80000057  }
0xb9: {  	_ =	swait.ge [sflag:s26], $0x1  }
0xba: {  	[sflag:s26] =	ssyncadd.s32 $0xFFFFFFFF  }
0xbb: {  	_ =	strace $0x90000057  }
0xbc: {  	_ =	sfence  }
0xbd: {  	s28 =	sld [smem:$0x0];
	_ =	sdelay $0x1  }
0xbe: {  	s29 =	srdreg.scid  }
0xbf: {  	s30 =	sshll.u32 s29, $0xD;
	s31 =	sshrl.u32 s29, $0x2  }
0xc0: {  	s2 =	sand.u32 $0x1, s29;
	s3 =	sand.u32 $0x4000, s30;
	s1 =	sadd.s32 s31, s28  }
0xc1: {  	s2 =	sor.u32 s3, s2;
	s1 =	sshll.u32 s1, $0x11  }
0xc2: {  	s1 =	sor.u32 s1, s2  }
0xc3: {  	s1 =	sadd.s32 $0x8F2B, s1  }
0xc4: {  	[sflag:s1] =	ssyncadd.remote.s32 $0x1  }
0xc5: {  	_ =	sfence.sel $0xFFFF  }
0xc6: {  	[dreg:$0x0] =	wrdreg $0xFFFFFFFF;
	(pc) =	sbr.abs _section_cstart, $3  }
0xc7: {  	[dreg:$0x1] =	wrdreg $0xFFFFFFFF  }
0xc8: {  	_ =	task.clear_ibuf [dreg:s18], $0x2FFFF;
	_ =	strace $0x9FFFFFFF  }
0xc9: {  	(tm) =	ssettm $0x7FFFFFFF  }
tec
execute0_lowered:
.L_overlay_start_1:
0x0: {  	(tag) =	ssettag $0x1  }
0x1: {  	s3 =	rddreg [dreg:$0x0];
	s4 =	stileid.u32  }
0x2: {  	s5 =	rddreg [dreg:$0x1];
	s2 =	smul.u32 $0x3E80, s4  }
0x3: {  	s0 =	rddreg [dreg:$0x2];
	[bflag:$0x3] =	sbarrier.arrive $0xFFFF;
	s1 =	simm.s32 $_size_execute1_lowered  }
0x4: {  	s1 =	sshll.u32 s1, $0x1;
	p0 =	sne.s32 s4, $0x0;
	s6 =	ssub.s32 $0x61A8000, s2  }
0x5: {  	s4 =	simm.s32 @!p0 $0x1C3F;
	s7 =	simm.s32 @!p0 $0x4060;
	s8 =	smulhi.u32 $0x4189375, s6  }
0x6: {  	[timem:s7], [sflag:s4] =	dma.local @!p0 [hbm:s3], s1  }
0x7: {  	s30 =	sshrl.u32 s8, $0xC  }
0x8: {  	s31 =	simm.s32 $0x2;
	s8 =	smul.u32 $0x3E800, s30  }
.Ltmp0:
0x9: {  	s10 =	simm.s32 $0x0;
	s9 =	simm.s32 $0x0;
	(pc) =	sbr.rel .LBB2_1-.Ltmp0, $4  }
0xa: {  	s3 =	sadd.s32 $0x54B600, s5;
	p1 =	sne.s32 s6, s8;
	s6 =	simm.s32 $0x1  }
0xb: {  	s4 =	simm.s32 $0x1;
	_ =	strace $0x80000053;
	s6 =	simm.s32 @!p1 $0x0  }
0xc: {  	s5 =	sadd.s32 $0x1DBAA00, s5;
	[sflag:s4] =	ssyncpa.u1 $0x0;
	s6 =	sadd.s32 s6, s30  }
0xd: {  	[sflag:s31] =	ssyncpa.u1 $0x0;
	s8 =	smov.u32 s2;
	s7 =	sadd.s32 $0x1, s6  }
.LBB2_7:
0xe: {  	s12 =	sadd.s32 $0x3E800, s8  }
0xf: {  	p2 =	sgt.s32 s12, $0x61A7FFF  }
0x10: {  	s12 =	smov.u32 @p2 s2;
	p2 =	sne.s32 s9, s7  }
.Ltmp1:
0x11: {  	p1 =	slt.u32 s9, $0x2;
	(pc) =	sbr.rel @!p2 .LBB2_8-.Ltmp1, $4  }
0x12: {  	s11 =	simm.s32 @!p1 $0x2  }
0x13: {  	_ =	swait.ge @!p1 [sflag:s11], $0x3E80  }
0x14: {  	s13 =	sadd.s32 $0x1, s9;
	s10 =	smov.u32 s8;
	[sflag:s11] =	ssyncset.done @!p1 $0x0  }
0x15: {  	s9 =	smov.u32 s13;
	s8 =	smov.u32 s12;
	[sflag:s11] =	ssyncadd.s32 @!p1 $0xFFFFC180  }
.LBB2_1:
0x16: {  	p1 =	sge.u32 s9, s6  }
0x17: {  	s11 =	sxor.u32 @!p1 $0xFFFFFFFF, s9  }
0x18: {  	s11 =	sand.u32 @!p1 $0x1, s11  }
0x19: {  	s11 =	smul.u32 @!p1 $0xFA00, s11  }
0x1a: {  	s31 =	sadd.s32 $0xFFFFFFFF, s9;
	s12 =	sshrl.u32 @!p1 s8, $0x3  }
0x1b: {  	s13 =	sand.u32 @!p1 $0x7, s8;
	s12 =	sadd.s32 @!p1 s3, s12;
	s11 =	sshrl.u32 @!p1 s11, $0x2  }
0x1c: {  	[tilespmem:s11], [sflag:$0x1] =	stream.linear.gather @!p1 [hbm4b:s12+s13], $0x3E80, $0x38;
	[tilespmem:$0xFA00] =	vst v63  }
0x1d: {  	p1 =	sge.u32 s31, s6  }
.Ltmp2:
0x1e: {  	_ = 	snop;
	(pc) =	sbr.rel @p1 .LBB2_7-.Ltmp2, $1  }
0x1f: {  	_ =	sdelay $0x3  }
0x20: {  	s11 =	sand.u32 $0x1, s9  }
0x21: {  	_ =	swait.ge [sflag:s4], $0x3E80;
	s13 =	simm.s32 $0x3E80;
	p1 =	seq.s32 s11, $0x1  }
0x22: {  	[sflag:s4] =	ssyncset.done $0x0;
	s13 =	simm.s32 @!p1 $0x0  }
0x23: {  	[sflag:s4] =	ssyncadd.s32 $0xFFFFC180;
	s15 =	sadd.s32 $0x80, s13  }
0x24: {  	v0 =	vld [tilespmem:s15+$0x70]  }
0x25: {  	v1 =	vld [tilespmem:s15+$0xFFFFFF90]  }
0x26: {  	v2 =	vld [tilespmem:s15+$0xFFFFFFA0]  }
0x27: {  	v3 =	vld [tilespmem:s15+$0xFFFFFFB0]  }
0x28: {  	s11 =	sadd.s32 $0x7D80, s13;
	v4 =	vld [tilespmem:s15+$0xFFFFFFC0]  }
0x29: {  	v5 =	vld [tilespmem:s15+$0xFFFFFFD0];
	[tilespmem:s11+$0x70] =	vst v0  }
0x2a: {  	[tilespmem:s11+$0xFFFFFF90] =	vst v1;
	v0 =	vld [tilespmem:s15+$0xFFFFFFE0]  }
0x2b: {  	[tilespmem:s11+$0xFFFFFFA0] =	vst v2;
	v1 =	vld [tilespmem:s15+$0xFFFFFFF0]  }
0x2c: {  	[tilespmem:s11+$0xFFFFFFB0] =	vst v3;
	v2 =	vld [tilespmem:s15+$0x0]  }
0x2d: {  	[tilespmem:s11+$0xFFFFFFC0] =	vst v4;
	v3 =	vld [tilespmem:s15+$0x10]  }
0x2e: {  	[tilespmem:s11+$0xFFFFFFD0] =	vst v5;
	v5 =	vld [tilespmem:s15+$0x20]  }
0x2f: {  	[tilespmem:s11+$0xFFFFFFE0] =	vst v0;
	v0 =	vld [tilespmem:s15+$0x30]  }
0x30: {  	[tilespmem:s11+$0xFFFFFFF0] =	vst v1;
	v1 =	vld [tilespmem:s15+$0x40]  }
0x31: {  	[tilespmem:s11+$0x0] =	vst v2;
	v2 =	vld [tilespmem:s15+$0x50]  }
0x32: {  	s14 =	simm.s32 $0x0;
	[tilespmem:s11+$0x10] =	vst v3;
	v3 =	vld [tilespmem:s15+$0x60]  }
0x33: {  	s12 =	sadd.s32 $0x7D00, s13;
	s13 =	sshll.u32 s13, $0x2;
	v4 =	vld [tilespmem:s15+$0xFFFFFF80];
	[tilespmem:s11+$0x20] =	vst v5;
	s15 =	sadd.s32 $0x100, s15  }
.LBB2_3:
0x34: {  	v5 =	vld [tilespmem:s15+$0x70];
	s14 =	sadd.s32 $0x100, s14;
	[tilespmem:s11+$0x30] =	vst v0  }
0x35: {  	v0 =	vld [tilespmem:s15+$0xFFFFFF90];
	p1 =	slt.u32 s14, $0x3D00;
	[tilespmem:s11+$0x40] =	vst v1  }
0x36: {  	v1 =	vld [tilespmem:s15+$0xFFFFFFA0];
	[tilespmem:s11+$0x50] =	vst v2  }
0x37: {  	v2 =	vld [tilespmem:s15+$0xFFFFFFB0];
	[tilespmem:s11+$0x60] =	vst v3  }
0x38: {  	v3 =	vld [tilespmem:s15+$0xFFFFFFC0];
	[tilespmem:s11+$0xFFFFFF80] =	vst v4;
	s11 =	sadd.s32 $0x100, s11  }
0x39: {  	v4 =	vld [tilespmem:s15+$0xFFFFFFD0];
	[tilespmem:s11+$0x70] =	vst v5  }
0x3a: {  	[tilespmem:s11+$0xFFFFFF90] =	vst v0;
	v0 =	vld [tilespmem:s15+$0xFFFFFFE0]  }
0x3b: {  	[tilespmem:s11+$0xFFFFFFA0] =	vst v1;
	v1 =	vld [tilespmem:s15+$0xFFFFFFF0]  }
0x3c: {  	[tilespmem:s11+$0xFFFFFFB0] =	vst v2;
	v2 =	vld [tilespmem:s15+$0x0]  }
0x3d: {  	[tilespmem:s11+$0xFFFFFFC0] =	vst v3;
	v3 =	vld [tilespmem:s15+$0x10]  }
0x3e: {  	[tilespmem:s11+$0xFFFFFFD0] =	vst v4;
	v5 =	vld [tilespmem:s15+$0x20]  }
.Ltmp3:
0x3f: {  	[tilespmem:s11+$0xFFFFFFE0] =	vst v0;
	v0 =	vld [tilespmem:s15+$0x30];
	(pc) =	sbr.rel @p1 .LBB2_3-.Ltmp3, $4  }
0x40: {  	[tilespmem:s11+$0xFFFFFFF0] =	vst v1;
	v1 =	vld [tilespmem:s15+$0x40]  }
0x41: {  	[tilespmem:s11+$0x0] =	vst v2;
	v2 =	vld [tilespmem:s15+$0x50]  }
0x42: {  	[tilespmem:s11+$0x10] =	vst v3;
	v3 =	vld [tilespmem:s15+$0x60]  }
0x43: {  	v4 =	vld [tilespmem:s15+$0xFFFFFF80];
	[tilespmem:s11+$0x20] =	vst v5;
	s15 =	sadd.s32 $0x100, s15  }
0x44: {  	[tilespmem:s11+$0x30] =	vst v0  }
0x45: {  	[tilespmem:s11+$0x40] =	vst v1  }
0x46: {  	[tilespmem:s11+$0x50] =	vst v2  }
0x47: {  	s13 =	sshrl.u32 s13, $0x2;
	[tilespmem:s11+$0x60] =	vst v3  }
0x48: {  	s14 =	simm.s32 $0x3DF0;
	[tilespmem:s11+$0xFFFFFF80] =	vst v4;
	s11 =	sadd.s32 $0xBB00, s13;
	s13 =	sadd.s32 $0x3E00, s13  }
.LBB2_5:
0x49: {  	s14 =	sadd.s32 $0x10, s14  }
0x4a: {  	v0 =	vld [tilespmem:s13+$0x0];
	p1 =	slt.u32 s14, $0x3E70  }
.Ltmp4:
0x4b: {  	_ = 	snop;
	(pc) =	sbr.rel @p1 .LBB2_5-.Ltmp4, $2  }
0x4c: {  	_ =	sdelay $0x2  }
0x4d: {  	s13 =	sadd.s32 $0x10, s13;
	[tilespmem:s11+$0x0] =	vst v0;
	s11 =	sadd.s32 $0x10, s11  }
.Ltmp5:
0x4e: {  	(pc) =	sbr.rel .LBB2_7-.Ltmp5, $4  }
0x4f: {  	_ = 	snop  }
0x50: {  	s11 =	sshrl.u32 s10, $0x3  }
0x51: {  	s31 =	sand.u32 $0x7, s10;
	s11 =	sadd.s32 s5, s11  }
0x52: {  	[hbm4b:s11+s31] =	stream.linear.scatter [tilespmem:s12], [sflag:$0x2], $0x3E80, $0x38;
	[tilespmem:$0xFA00] =	vst v63  }
.LBB2_8:
0x53: {  	_ =	sfence.sel $0x180000  }
0x54: {  	s2 =	simm.s32 $0x1;
	[bflag:$0x0] =	sbarrier.arrive $0xFFFF  }
0x55: {  	s31 =	simm.s32 $0x2;
	[sflag:s2] =	ssyncpa.u1 $0x1  }
0x56: {  	[sflag:s31] =	ssyncpa.u1 $0x1  }
0x57: {  	_ =	strace $0x90000053  }
0x58: {  	s0 =	sadd.s32 @!p0 $0x100000, s0;
	[bflag:$0x2] =	sbarrier.arrive $0xFFFF  }
0x59: {  	[sflag:s0] =	ssyncadd.tile.s32 @!p0 $0x1;
	s0 =	simm.s32 @!p0 $0x3F  }
0x5a: {  	_ =	swait.ge @!p0 [sflag:s0], s1  }
0x5b: {  	s1 =	ssub.s32 @!p0 $0x0, s1;
	[sflag:s0] =	ssyncset.done @!p0 $0x0  }
0x5c: {  	[sflag:s0] =	ssyncadd.s32 @!p0 s1  }
0x5d: {  	[bflag:$0x3] =	sbarrier.arrive $0xFFFF  }
0x5e: {  	_ =	shalt  }
.Lfunc_end2:
execute1_lowered:
.L_overlay_start_2:
0x5f: {  	(tag) =	ssettag $0x2  }
0x60: {  	s0 =	rddreg [dreg:$0x0]  }
0x61: {  	s6 =	stileid.u32;
	_ =	strace $0x80000056;
	s2 =	simm.s32 $0x1  }
0x62: {  	v1 =	vimm.s32 $0xFFFFFFFF;
	s1 =	smin.u32 s6, $0x9;
	[sflag:s2] =	ssyncpa.u1 $0x0  }
0x63: {  	s1 =	sadd.s32 s6, s1;
	[tilespmem:$0x10] =	vst v1  }
0x64: {  	v0 =	vimm.f32 $0.0e+00;
	p0 =	slt.u32 s6, $0x9;
	[tilespmem:$0x20] =	vst v1;
	s3 =	smul.u32 $0x1A90, s1;
	s1 =	simm.s32 $0x3520  }
0x65: {  	[tilespmem:$0x30] =	vst v0;
	s1 =	simm.s32 @!p0 $0x1A90  }
0x66: {  	[tilespmem:$0x40] =	vst v0;
	s1 =	sadd.s32 s1, s3  }
0x67: {  	[tilespmem:$0x50] =	vst v0;
	s4 =	smin.u32 s1, $0x29810  }
0x68: {  	s7 =	simm.s32 $0x2;
	[tilespmem:$0x60] =	vst v1;
	s9 =	ssub.s32 s4, s3  }
0x69: {  	s8 =	simm.s32 $0x8;
	s31 =	simm.s32 $0x9;
	[tilespmem:$0x70] =	vst v1;
	p0 =	sgt.s32 s9, $0x0  }
0x6a: {  	s16 =	simm.s32 $0x0;
	s17 =	simm.s32 $0xF0;
	[tilespmem:$0x80] =	vst v1;
	s9 =	simm.s32 @!p0 $0x0  }
0x6b: {  	s18 =	simm.s32 $0xFFFFFFFF;
	s19 =	simm.s32 $0xFFFFCBE0;
	v1 =	vimm.s32 $0x0;
	[tilespmem:$0xB0] =	vst v0;
	s5 =	smulhi.u32 $0x134679AD, s9  }
0x6c: {  	s20 =	simm.s32 $0xFFFFFFFE;
	s21 =	simm.s32 $0xF;
	s25 =	simm.s32 $0x0;
	[tilespmem:$0x90] =	vst v1  }
0x6d: {  	[tilespmem:$0xA0] =	vst v1;
	[sflag:s7] =	ssyncpa.u1 $0x0;
	s7 =	simm.s32 $0x7;
	s10 =	sshrl.u32 s5, $0x9  }
0x6e: {  	s24 =	simm.s32 $0x0;
	[sflag:s7] =	ssyncpa.u1 $0x0;
	s11 =	smul.u32 $0x1A90, s10  }
0x6f: {  	s14 =	sshllo.u32 s6, $0x1;
	[sflag:s8] =	ssyncpa.u1 $0x0;
	s23 =	smov.u32 s3  }
.Ltmp6:
0x70: {  	s1 =	sadd.s32 $0x1DBAA00, s0;
	p0 =	sne.s32 s9, s11;
	(pc) =	sbr.rel .LBB3_1-.Ltmp6, $4  }
0x71: {  	s5 =	sadd.s32 $0x279C00, s0;
	s0 =	sadd.s32 $0x1DB5600, s0;
	s2 =	simm.s32 @!p0 $0x0  }
0x72: {  	[sflag:s31] =	ssyncpa.u1 $0x0;
	[dreg:$0x2] =	wrdreg s0;
	s9 =	sadd.s32 s2, s10  }
0x73: {  	vm0 =	vmmov $0xffff;
	v2 =	vlaneseq.u32;
	p0 =	por $0x0, $0x0;
	s10 =	sshll.u32 s6, $0x1;
	s11 =	sadd.s32 $0x1, s9  }
0x74: {  	vm1 =	vmxor vm1, vm1;
	vm2 =	vmmov $0x1;
	vm3 =	vcmask $0x3F3C;
	s12 =	sadd.s32 $0x2, s9;
	s13 =	sor.u32 $0x81, s10;
	s15 =	sor.u32 $0x80, s10  }
.LBB3_9:
0x75: {  	p1 =	slt.u32 s24, $0x3  }
0x76: {  	s0 =	simm.s32 @!p1 $0x2  }
0x77: {  	_ =	swait.ge @!p1 [sflag:s0], $0x1A90  }
0x78: {  	[sflag:s0] =	ssyncset.done @!p1 $0x0  }
0x79: {  	[sflag:s0] =	ssyncadd.s32 @!p1 $0xFFFFE570;
	s0 =	simm.s32 @!p1 $0x9  }
0x7a: {  	_ =	swait.ge @!p1 [sflag:s0], $0x10  }
0x7b: {  	[sflag:s0] =	ssyncset.done @!p1 $0x0  }
0x7c: {  	[sflag:s0] =	ssyncadd.s32 @!p1 $0xFFFFFFF0;
	p1 =	sne.s32 s24, s12  }
.Ltmp7:
0x7d: {  	s2 =	sadd.s32 $0x1A90, s23;
	(pc) =	sbr.rel @!p1 .LBB3_10-.Ltmp7, $4  }
0x7e: {  	s6 =	smov.u32 s3;
	s31 =	sadd.s32 $0x1, s24;
	s17 =	sadd.s32 $0x1A90, s17  }
0x7f: {  	s18 =	sadd.s32 $0x1, s18;
	s25 =	smov.u32 s23;
	p2 =	slt.s32 s2, s4  }
0x80: {  	p0 =	por !p0, !p0;
	s19 =	sadd.s32 $0x1A90, s19;
	s6 =	smov.u32 @p2 s2  }
0x81: {  	s20 =	sadd.s32 $0x1, s20;
	s23 =	smov.u32 s6;
	s24 =	smov.u32 s31  }
.LBB3_1:
0x82: {  	p1 =	sge.u32 s24, s9  }
0x83: {  	s0 =	smulhi.u32 @!p1 $0xAAAAAAAB, s24;
	_ =	sdelay $0x1  }
0x84: {  	s0 =	sshrl.u32 @!p1 s0, $0x1  }
0x85: {  	s0 =	smul.u32 @!p1 $0x3, s0;
	_ =	sdelay $0x1  }
0x86: {  	s0 =	ssub.s32 @!p1 s24, s0  }
0x87: {  	s0 =	smul.u32 @!p1 $0x6A40, s0;
	_ =	sdelay $0x1  }
0x88: {  	s2 =	sshrl.u32 @!p1 s23, $0x3;
	s0 =	sshrl.u32 @!p1 s0, $0x2  }
0x89: {  	s22 =	sand.u32 @!p1 $0x7, s23;
	s2 =	sadd.s32 @!p1 s5, s2;
	s0 =	sadd.s32 @!p1 $0x100, s0  }
0x8a: {  	[tilespmem:s0], [sflag:$0x7] =	stream.linear.gather @!p1 [hbm4b:s2+s22], $0x1A90, $0x38;
	[tilespmem:$0xF030] =	vst v63  }
0x8b: {  	s0 =	sadd.s32 $0xFFFFFFFF, s24  }
0x8c: {  	p1 =	sge.u32 s0, s9  }
.Ltmp8:
0x8d: {  	_ = 	snop;
	(pc) =	sbr.rel @p1 .LBB3_5-.Ltmp8, $1  }
0x8e: {  	_ =	sdelay $0x3  }
0x8f: {  	s2 =	smulhi.u32 $0xAAAAAAAB, s0;
	_ =	sdelay $0x1  }
0x90: {  	s2 =	sshrl.u32 s2, $0x1  }
0x91: {  	s2 =	smul.u32 $0x3, s2;
	_ =	sdelay $0x1  }
0x92: {  	s2 =	ssub.s32 s0, s2  }
0x93: {  	s2 =	smul.u32 $0x6A40, s2  }
0x94: {  	_ =	swait.ge [sflag:s7], $0x1A90  }
0x95: {  	[sflag:s7] =	ssyncset.done $0x0;
	s2 =	sshrl.u32 s2, $0x2  }
0x96: {  	[sflag:s7] =	ssyncadd.s32 $0xFFFFE570;
	(ifvalue) =	ssetifvalue $0xFFFFFFFF;
	v3 =	vld.msk [tilespmem:s2+$0x100 ss:$0x1], $0xffff;
	_ =	sdelay $0x2  }
0x97: {  	s30 =	smulhi.u32 $0xAAAAAAAB, s18;
	p1 =	sne.s32 s24, $0x1  }
0x98: {  	v4 =	vimm.s32 @!p1 $0x0  }
0x99: {  	s2 =	sshrl.u32 s30, $0x1;
	v4 =	vperm.xlane @!p1 v3, v4  }
0x9a: {  	s22 =	sshll.u32 s24, $0x4;
	s2 =	smul.u32 $0xFFFEC140, s2;
	vm4 =	vlt.u32 v3, $0x61A8000  }
0x9b: {  	s22 =	sand.u32 $0x10, s22;
	v3 =	vnsel vm4, $0xFFFFFFFE, v3;
	vm4 =	vlt.u32 @!p1 v4, $0x61A8000  }
0x9c: {  	s2 =	sshra.s32 s2, $0x2;
	[tilespmem:s22+$0x60] =	vst v3;
	v3 =	vnsel @!p1 vm4, $0xFFFFFFFE, v4  }
0x9d: {  	s28 =	sadd.s32 s2, s17;
	[tilespmem:$0x80] =	vst @!p1 v3  }
0x9e: {  	v3 =	vld.msk [tilespmem:s28+$0x0 ss:$0x1], $0xffff;
	_ =	sdelay $0x4  }
0x9f: {  	(xrf1) =	vunique.msk.u32 $0xffff, v3;
	_ =	sdelay $0xd  }
0xa0: {  	v4 =	vimm.s32 $0xFFFFFFFF;
	v5, _, _ =	vpop (xrf1)  }
0xa1: {  	vm5 =	vne.s32 v3, v4;
	vm4 =	veq.s32 v5, v2  }
0xa2: {  	vm6 =	vlt.u32 v3, $0x61A8000;
	vm4 =	vmand vm5, vm4  }
0xa3: {  	vm4 =	vmand vm6, vm4  }
0xa4: {  	v4 =	vnsel vm4, $0xFFFFFFFF, v3  }
0xa5: {  	s31 =	sand.u32 $0x1, s0  }
0xa6: {  	s0 =	simm.s32 $0x1A90;
	p1 =	seq.s32 s31, $0x1  }
0xa7: {  	s0 =	simm.s32 @!p1 $0x0  }
0xa8: {  	s26 =	sadd.s32 $0x6B30, s0;
	(ifvalue) =	ssetifvalue $0xFFFFFFFF  }
0xa9: {  	v3 =	vperm.xlane v3, v1;
	[tilespmem:s26], [sflag:$0x8] =	stream.indirect_vreg.gather [hbm4b:s1+s16], $0x1, v4, vm0, $0x4038;
	v4 =	vnsel vm6, $0xFFFFFFFE, v4;
	[tilespmem:$0xF030] =	vst v63  }
0xaa: {  	s2 =	simm.s32 $0x0;
	s22 =	sadd.s32 $0xFFFFFFF0, s28;
	[tilespmem:s28+$0x0] =	vst v4  }
.LBB3_3:
0xab: {  	v4 =	vld.msk [tilespmem:s22+$0x0 ss:$0x1], $0xffff;
	s2 =	sadd.s32 $0x10, s2;
	v5 =	vmov v3;
	s28 =	smov.u32 s22  }
0xac: {  	p1 =	slt.u32 s2, $0x1A80;
	_ =	sdelay $0x4  }
0xad: {  	v3 =	vperm.xlane v4, v1;
	(xrf1) =	vunique.msk.u32 $0xffff, v4;
	_ =	sdelay $0xd  }
0xae: {  	v6, _, _ =	vpop (xrf1)  }
0xaf: {  	vm5 =	vne.s32 v4, v5;
	vm4 =	veq.s32 v6, v2  }
0xb0: {  	vm6 =	vlt.u32 v4, $0x61A8000;
	vm4 =	vmand vm5, vm4  }
0xb1: {  	vm4 =	vmand vm6, vm4  }
0xb2: {  	v4 =	vnsel vm4, $0xFFFFFFFF, v4  }
.Ltmp9:
0xb3: {  	v5 =	vnsel vm6, $0xFFFFFFFE, v4;
	(pc) =	sbr.rel @p1 .LBB3_3-.Ltmp9, $3  }
0xb4: {  	_ =	sdelay $0x1  }
0xb5: {  	s22 =	sadd.s32 $0xFFFFFFF0, s22;
	s26 =	sadd.s32 $0xFFFFFFF0, s26;
	(ifvalue) =	ssetifvalue $0xFFFFFFFF  }
0xb6: {  	[tilespmem:s26], [sflag:$0x8] =	stream.indirect_vreg.gather [hbm4b:s1+s16], $0x1, v4, vm0, $0x4038;
	[tilespmem:s28+$0x0] =	vst v5  }
0xb7: {  	s2 =	sshrl.u32 s25, $0x3;
	s6 =	rddreg [dreg:$0x2]  }
0xb8: {  	s0 =	sadd.s32 $0x85D0, s0;
	s2 =	sadd.s32 s6, s2  }
0xb9: {  	[tilespmem:s0], [sflag:$0x8] =	stream.linear.gather [hbm:s2], $0x1A90, $0x38;
	[tilespmem:$0xF030] =	vst v63  }
.LBB3_5:
0xba: {  	p1 =	slt.u32 s24, $0x2  }
0xbb: {  	p2 =	sge.u32 @!p1 s24, s12  }
0xbc: {  	p1 =	por p1, p2  }
.Ltmp10:
0xbd: {  	_ = 	snop;
	(pc) =	sbr.rel @p1 .LBB3_9-.Ltmp10, $1  }
0xbe: {  	_ =	sdelay $0x3  }
0xbf: {  	s0 =	sadd.s32 $0xFFFFFFFE, s24  }
0xc0: {  	s2 =	smulhi.u32 $0xAAAAAAAB, s0;
	_ =	sdelay $0x1  }
0xc1: {  	s2 =	sshrl.u32 s2, $0x1  }
0xc2: {  	s2 =	smul.u32 $0x3, s2;
	_ =	sdelay $0x1  }
0xc3: {  	s0 =	ssub.s32 s0, s2  }
0xc4: {  	_ =	swait.ge [sflag:s8], $0x3520;
	s0 =	smul.u32 $0x1A90, s0  }
0xc5: {  	p1 =	sne.s32 s24, s11;
	[sflag:s8] =	ssyncset.done $0x0  }
0xc6: {  	[sflag:s8] =	ssyncadd.s32 $0xFFFFCAE0;
	s2 =	sadd.s32 @!p1 $0x1B8F, s0  }
0xc7: {  	[spmem:s13] =	stream.linear.scatter @!p1 [tilespmem:s2], [sflag:$0x1], $0x1, $0x38;
	[tilespmem:$0xF030] =	vst v63  }
0xc8: {  	s2 =	simm.s32 @!p1 $0x1  }
0xc9: {  	_ =	swait.ge @!p1 [sflag:s2], $0x1  }
0xca: {  	s22 =	sshll.u32 s24, $0x4;
	[sflag:s2] =	ssyncset.done @!p1 $0x0  }
0xcb: {  	s25 =	sand.u32 $0x10, s22;
	[sflag:s2] =	ssyncadd.s32 @!p1 $0xFFFFFFFF  }
0xcc: {  	s2 =	sxor.u32 $0x10, s25;
	v4 =	vld [tilespmem:s25+$0x10]  }
0xcd: {  	v5 =	vld [tilespmem:s2+$0x60]  }
0xce: {  	v3 =	vld [tilespmem:$0x80];
	_ =	sdelay $0x2  }
0xcf: {  	(v2sf) =	vpush v4, $0x0  }
0xd0: {  	(v2sf) =	vpush v5, $0x0  }
0xd1: {  	(v2sf) =	vpush v3, $0x0;
	_ =	sdelay $0xc  }
0xd2: {  	s6 =	spop (v2sf)  }
0xd3: {  	s28 =	spop (v2sf)  }
0xd4: {  	s26 =	spop (v2sf)  }
0xd5: {  	p2 =	seq.s32 s6, s28;
	p3 =	seq.s32 s26, s6  }
0xd6: {  	p3 =	por p2, p3  }
0xd7: {  	s6 =	sand.u32 $0x1, s24;
	v4 =	vpsel p3, $0xFFFFFFFF, v4  }
0xd8: {  	s28 =	smul.u32 $0x1A90, s6;
	[tilespmem:s25+$0x10] =	vst.msk $0x1, v4  }
0xd9: {  	v4 =	vld [tilespmem:$0x30]  }
0xda: {  	v5 =	vld [tilespmem:s28+$0x85D0]  }
0xdb: {  	v6 =	vld [tilespmem:s25+$0x40];
	_ =	sdelay $0x3  }
0xdc: {  	vm4 =	vmmov vm1;
	v5 =	vadd.f32 v5, v4  }
0xdd: {  	vm5 =	vmmov vm2;
	vm4 =	vmmov @p2 vm2;
	v4 =	vadd.f32 v6, v4  }
0xde: {  	s22 =	sshll.u32 s6, $0x4;
	vm5 =	vmmov @p3 vm1;
	[tilespmem:s28+$0x85D0] =	vst.msk vm4, v5  }
0xdf: {  	[tilespmem:s22+$0xF010] =	vst.msk vm5, v4  }
0xe0: {  	v4 =	vld [tilespmem:s28+$0x6B30];
	_ =	sdelay $0x3  }
0xe1: {  	v5 =	vimm.f32 $0.0e+00  }
0xe2: {  	v4 =	vshift.insert v4, v5, s21  }
0xe3: {  	s29 =	sor.u32 $0x40, s2  }
0xe4: {  	[tilespmem:s29+$0x0] =	vst.msk $0x1, v4  }
0xe5: {  	[tilespmem:s28+$0x6B3F] =	vst.msk $0x1, v5  }
0xe6: {  	v4 =	vld [tilespmem:s0+$0x1B80];
	_ =	sdelay $0x1  }
0xe7: {  	s29 =	smulhi.u32 $0xAAAAAAAB, s20;
	s0 =	simm.s32 $0x1  }
0xe8: {  	s0 =	simm.s32 @!p0 $0x0  }
0xe9: {  	s29 =	sshrl.u32 s29, $0x1;
	s0 =	smul.u32 $0x6A40, s0  }
0xea: {  	s29 =	smul.u32 $0xFFFEC140, s29;
	v4 =	vshift.insert v4, v1, s21  }
0xeb: {  	s0 =	sshrl.u32 s0, $0x2  }
0xec: {  	s29 =	sshra.s32 s29, $0x2;
	s30 =	sadd.s32 $0x85D0, s0;
	[tilespmem:s2+$0x10] =	vst.msk $0x1, v4  }
0xed: {  	s6 =	sadd.s32 s29, s19;
	v6 =	vld [tilespmem:s30+$0x0]  }
0xee: {  	v7 =	vld [tilespmem:s6+$0x0];
	_ =	sdelay $0x3  }
0xef: {  	v5 =	vadd.f32 v6, v5  }
0xf0: {  	vm4 =	vne.s32 v7, $0xFFFFFFFF  }
0xf1: {  	(xrf2) =	vadd.seg.scan.f32 vm4, v5;
	_ =	sdelay $0x3  }
0xf2: {  	s31 =	sadd.s32 $0x50B0, s0;
	v5 =	vperm.xlane v4, v1  }
0xf3: {  	v6 =	vld [tilespmem:s31+$0x0]  }
0xf4: {  	vm5 =	veq.s32 v7, v3;
	vm6 =	veq.s32 v7, v5  }
0xf5: {  	vm7 =	vgt.u32 v7, $0xFFFFFFFD;
	vm6 =	vmor vm6, vm5  }
0xf6: {  	vm6 =	vmor vm6, vm7  }
0xf7: {  	v9 =	vld [tilespmem:$0xA0];
	v7 =	vsel vm6, $0xFFFFFFFF, v7  }
0xf8: {  	v10 =	vld [tilespmem:$0x90];
	v6 =	vsel vm5, $0x0, v6;
	v8, _, _ =	vpop (xrf2)  }
0xf9: {  	v6 =	vadd.f32 v8, v6  }
0xfa: {  	s0 =	sadd.s32 $0xBAF0, s0  }
0xfb: {  	vm4 =	vmand vm4, vm3;
	[tilespmem:s0+$0x0] =	vst v6;
	(ifvalue) =	ssetifvalue $0xFFFFFFFF  }
0xfc: {  	vm6 =	veq.s32 v9, $0x1;
	[hbm4b:s1+s16] =	stream.indirect_vreg.scatter [tilespmem:s0], [sflag:$0x2], $0x1, v7, vm0, $0x4038;
	v7 =	vsel vm4, $0x0, v8;
	[tilespmem:$0xF030] =	vst v63  }
0xfd: {  	s29 =	sadd.s32 $0xF010, s22;
	s22 =	sadd.s32 $0x10, s6;
	s2 =	simm.s32 $0x0;
	vm4 =	vmor vm6, vm5;
	v6 =	vsel vm5, v8, v10;
	v7 =	vshift.insert v7, v0, s21  }
.LBB3_7:
0xfe: {  	v8 =	vld [tilespmem:s22+$0x0];
	s30 =	sadd.s32 $0x10, s30  }
0xff: {  	s31 =	sadd.s32 $0x10, s31;
	v9 =	vld [tilespmem:s30+$0x0]  }
0x100: {  	s2 =	sadd.s32 $0x10, s2;
	v10 =	vld [tilespmem:s31+$0x0]  }
0x101: {  	p2 =	slt.u32 s2, $0x1A80;
	_ =	sdelay $0x2  }
0x102: {  	v7 =	vadd.f32 v9, v7  }
0x103: {  	vm5 =	vne.s32 v8, $0xFFFFFFFF  }
0x104: {  	vm6 =	vmand vm5, vm3;
	(xrf2) =	vadd.seg.scan.f32 vm5, v7;
	_ =	sdelay $0x5  }
0x105: {  	vm7 =	veq.s32 v8, v5;
	vm5 =	veq.s32 v8, v3  }
0x106: {  	vm8 =	vgt.u32 v8, $0xFFFFFFFD;
	vm4 =	vmor vm4, vm5;
	vm7 =	vmor vm7, vm5  }
0x107: {  	vm7 =	vmor vm7, vm8  }
0x108: {  	v8 =	vsel vm7, $0xFFFFFFFF, v8  }
.Ltmp11:
0x109: {  	v7 =	vsel vm5, $0x0, v10;
	v9, _, _ =	vpop (xrf2);
	(pc) =	sbr.rel @p2 .LBB3_7-.Ltmp11, $4  }
0x10a: {  	v6 =	vsel vm5, v9, v6;
	v10 =	vadd.f32 v9, v7;
	v7 =	vsel vm6, $0x0, v9  }
0x10b: {  	s0 =	sadd.s32 $0x10, s0;
	v7 =	vshift.insert v7, v0, s21  }
0x10c: {  	s22 =	sadd.s32 $0x10, s22;
	[tilespmem:s0+$0x0] =	vst v10;
	(ifvalue) =	ssetifvalue $0xFFFFFFFF  }
0x10d: {  	[hbm4b:s1+s16] =	stream.indirect_vreg.scatter [tilespmem:s0], [sflag:$0x2], $0x1, v8, vm0, $0x4038;
	[tilespmem:$0xF030] =	vst v63  }
0x10e: {  	v3 =	vld [tilespmem:s28+$0xD570];
	_ =	sdelay $0x4  }
0x10f: {  	v3 =	vshift.insert v3, v0, s21  }
0x110: {  	s0 =	simm.s32 $0x30  }
0x111: {  	[tilespmem:s0+$0x0] =	vst.msk $0x1, v3  }
0x112: {  	v3 =	vsel vm4, $0x1, v1;
	[tilespmem:$0x90] =	vst v6  }
0x113: {  	s0 =	sadd.s32 @!p1 $0xD57F, s28;
	[tilespmem:$0xA0] =	vst v3  }
0x114: {  	[spmem:s14] =	stream.linear.scatter @!p1 [tilespmem:s0], [sflag:$0x1], $0x1, $0x38;
	[tilespmem:$0xF030] =	vst v63  }
0x115: {  	s0 =	simm.s32 @!p1 $0x1  }
0x116: {  	v3 =	vmctz.xlane @!p1 vm4;
	_ =	swait.ge @!p1 [sflag:s0], $0x1  }
0x117: {  	(v2sf) =	vpush @!p1 v4, $0x0  }
0x118: {  	(v2sf) =	vpush @!p1 v3, $0x0;
	_ =	sdelay $0xd  }
0x119: {  	s2 =	spop @!p1 (v2sf)  }
0x11a: {  	s6 =	spop @!p1 (v2sf)  }
0x11b: {  	p2 =	sne.s32 @!p1 s26, s2;
	p3 =	slt.s32 @!p1 s6, $0xF  }
0x11c: {  	[sflag:s0] =	ssyncset.done @!p1 $0x0;
	p2 =	por p2, p1;
	p3 =	por !p3, p1  }
0x11d: {  	[sflag:s0] =	ssyncadd.s32 @!p1 $0xFFFFFFFF;
	v3 =	vimm.s32 @!p2 $0xFFFFFFFF;
	s6 =	simm.s32 @p3 $0xF  }
0x11e: {  	[tilespmem:$0x80] =	vst @!p2 v3;
	s2 =	sadd.s32 @!p1 $0x90, s6  }
0x11f: {  	[spmem:s10] =	stream.linear.scatter @!p1 [tilespmem:s2], [sflag:$0x1], $0x1, $0x38;
	[tilespmem:$0xF030] =	vst v63  }
0x120: {  	_ =	swait.ge @!p1 [sflag:s0], $0x1  }
0x121: {  	[sflag:s0] =	ssyncset.done @!p1 $0x0  }
0x122: {  	s2 =	simm.s32 @!p1 $0x80;
	[sflag:s0] =	ssyncadd.s32 @!p1 $0xFFFFFFFF  }
0x123: {  	[spmem:s15] =	stream.linear.scatter @!p1 [tilespmem:s2], [sflag:$0x1], $0x1, $0x38;
	[tilespmem:$0xF030] =	vst v63  }
0x124: {  	_ =	swait.ge @!p1 [sflag:s0], $0x1  }
0x125: {  	[sflag:s0] =	ssyncset.done @!p1 $0x0  }
0x126: {  	[sflag:s0] =	ssyncadd.s32 @!p1 $0xFFFFFFFF;
	(ifvalue) =	ssetifvalue $0xFFFFFFFF;
	v3 =	vld [tilespmem:s25+$0x10];
	_ =	sdelay $0x3  }
.Ltmp12:
0x127: {  	_ = 	snop;
	(pc) =	sbr.rel .LBB3_9-.Ltmp12, $3  }
0x128: {  	_ =	sdelay $0x1  }
0x129: {  	(ifvalue) =	ssetifvalue $0xFFFFFFFF  }
0x12a: {  	[hbm4b:s1+s16] =	stream.indirect_vreg.scatter [tilespmem:s29], [sflag:$0x9], $0x1, v3, vm0, $0x4038;
	[tilespmem:$0xF030] =	vst v63  }
.LBB3_10:
0x12b: {  	_ =	sfence.sel $0x180000  }
0x12c: {  	s0 =	simm.s32 $0x7;
	[bflag:$0x0] =	sbarrier.arrive $0xFFFF  }
0x12d: {  	s26 =	simm.s32 $0x8;
	[sflag:s0] =	ssyncpa.u1 $0x1  }
0x12e: {  	s28 =	simm.s32 $0x9;
	[sflag:s26] =	ssyncpa.u1 $0x1  }
0x12f: {  	[sflag:s28] =	ssyncpa.u1 $0x1  }
0x130: {  	_ =	sfence.stream.spmem  }
0x131: {  	s29 =	simm.s32 $0x3;
	[bflag:$0x0] =	sbarrier.arrive $0xFFFF  }
0x132: {  	s30 =	simm.s32 $0x4;
	[sflag:s29] =	ssyncpa.u1 $0x1  }
0x133: {  	s31 =	simm.s32 $0x3C;
	s2 =	stileid.u32;
	[sflag:s30] =	ssyncpa.u1 $0x1  }
0x134: {  	p0 =	sne.s32 s2, $0x0;
	[sflag:s31] =	ssyncpa.u1 $0x1  }
0x135: {  	s0 =	simm.s32 @p0 $0x1;
	_ =	sfence @p0  }
0x136: {  	[sflag:s0] =	ssyncpa.u1 @p0 $0x1;
	s0 =	simm.s32 @p0 $0x2  }
0x137: {  	[sflag:s0] =	ssyncpa.u1 @p0 $0x1  }
0x138: {  	_ =	strace @p0 $0x90000056  }
0x139: {  	[bflag:$0x2] =	sbarrier.arrive @p0 $0xFFFF  }
0x13a: {  	_ =	shalt @p0  }
.LBB3_11:
0x13b: {  	_ =	sfence.stream.spmem;
	s0 =	simm.s32 $0x5  }
0x13c: {  	s2 =	simm.s32 $0x80;
	s3 =	simm.s32 $0xC0;
	[sflag:s0] =	ssyncpa.u1 $0x0  }
0x13d: {  	[tilespmem:s3], [sflag:$0x5] =	stream.linear.gather [spmem:s2], $0x20, $0x38;
	[tilespmem:$0xF030] =	vst v63  }
0x13e: {  	s2 =	simm.s32 $0x0;
	s3 =	simm.s32 $0xE0  }
0x13f: {  	[tilespmem:s3], [sflag:$0x5] =	stream.linear.gather [spmem:s2], $0x20, $0x38;
	[tilespmem:$0xF030] =	vst v63  }
.Ltmp13:
0x140: {  	_ = 	snop;
	(pc) =	sbr.rel .LBB3_12-.Ltmp13, $4  }
0x141: {  	_ =	swait.ge [sflag:s0], $0x40  }
0x142: {  	[sflag:s0] =	ssyncset.done $0x0  }
0x143: {  	s31 =	simm.s32 $0x6;
	[sflag:s0] =	ssyncadd.s32 $0xFFFFFFC0  }
0x144: {  	s4 =	simm.s32 $0x0;
	[sflag:s31] =	ssyncpa.u1 $0x0  }
.LBB3_17:
0x145: {  	p0 =	sgt.u32 s5, $0x61A7FFF  }
0x146: {  	s0 =	sshrl.u32 @!p0 s5, $0x3  }
0x147: {  	s5 =	sand.u32 @!p0 $0x7, s5;
	s6 =	simm.s32 @!p0 $0xB0;
	s0 =	sadd.s32 @!p0 s1, s0  }
0x148: {  	[tilespmem:s6], [sflag:$0x6] =	stream.linear.gather @!p0 [hbm4b:s0+s5], $0x1, $0x38;
	[tilespmem:$0xF030] =	vst v63  }
0x149: {  	s0 =	simm.s32 @!p0 $0x6  }
0x14a: {  	_ =	swait.ge @!p0 [sflag:s0], $0x1  }
0x14b: {  	[sflag:s0] =	ssyncset.done @!p0 $0x0  }
0x14c: {  	[sflag:s0] =	ssyncadd.s32 @!p0 $0xFFFFFFFF  }
0x14d: {  	v2 =	vmov @!p0 s4;
	v1 =	vld.msk @!p0 [tilespmem:$0xB0], $0x1;
	_ =	sdelay $0x3  }
0x14e: {  	s0 =	simm.s32 @!p0 $0xE0  }
0x14f: {  	[tilespmem:v2+s0+$0x0], v1 =	vst.idx.ret.add.f32.msk @!p0 $0x1, v1  }
0x150: {  	[tilespmem:s2+$0xC0] =	vst.msk $0x1, v0  }
0x151: {  	v0 =	vld.msk [tilespmem:s4+$0xE0], $0x1;
	_ =	sdelay $0x4  }
0x152: {  	[tilespmem:s2+$0xE0] =	vst.msk $0x1, v0;
	s2 =	sadd.s32 $0x1, s2  }
.LBB3_19:
0x153: {  	s4 =	sadd.s32 $0x1, s4  }
0x154: {  	p0 =	sne.s32 s4, $0x20  }
.Ltmp14:
0x155: {  	_ = 	snop;
	(pc) =	sbr.rel @!p0 .LBB3_20-.Ltmp14, $1  }
0x156: {  	_ =	sdelay $0x3  }
.LBB3_12:
0x157: {  	v0 =	vld.msk [tilespmem:s4+$0xC0], $0x1;
	_ =	sdelay $0x4  }
0x158: {  	(v2sf) =	vpush v0, $0x0;
	_ =	sdelay $0xe  }
0x159: {  	s5 =	spop (v2sf)  }
0x15a: {  	p0 =	seq.s32 s5, $0xFFFFFFFF  }
.Ltmp15:
0x15b: {  	_ = 	snop;
	(pc) =	sbr.rel @p0 .LBB3_19-.Ltmp15, $1  }
0x15c: {  	_ =	sdelay $0x3  }
0x15d: {  	p0 =	slt.s32 s2, $0x1  }
.Ltmp16:
0x15e: {  	_ = 	snop;
	(pc) =	sbr.rel @p0 .LBB3_17-.Ltmp16, $1  }
0x15f: {  	_ =	sdelay $0x3  }
0x160: {  	s0 =	simm.s32 $0xC0;
	p0 =	por $0x0, $0x0  }
0x161: {  	v1 =	vld.msk @!p0 [tilespmem:s0+$0x0], $0x1;
	_ =	sdelay $0x4  }
0x162: {  	(v2sf) =	vpush @!p0 v1, $0x0;
	_ =	sdelay $0xd  }
0x163: {  	p2 =	sne.s32 s2, $0x1  }
.Ltmp17:
0x164: {  	s6 =	spop @!p0 (v2sf);
	(pc) =	sbr.rel @!p2 .LBB3_16-.Ltmp17, $4  }
0x165: {  	p1 =	seq.s32 @!p0 s5, s6  }
0x166: {  	s6 =	simm.s32 $0x0;
	p1 =	por !p1, p0  }
0x167: {  	s8 =	simm.s32 $0xFFFFFFFF;
	s6 =	simm.s32 @p1 $0xFFFFFFFF  }
0x168: {  	s7 =	simm.s32 $0x1;
	s6 =	smov.u32 @p0 s8  }
.LBB3_15:
0x169: {  	s8 =	smov.u32 s6;
	p0 =	sne.s32 s6, $0xFFFFFFFF  }
0x16a: {  	s0 =	sadd.s32 $0x1, s0;
	s6 =	smov.u32 s7;
	s7 =	sadd.s32 $0x1, s7  }
0x16b: {  	p1 =	sne.s32 s2, s7;
	v1 =	vld.msk @!p0 [tilespmem:s0+$0x0], $0x1;
	_ =	sdelay $0x4  }
0x16c: {  	(v2sf) =	vpush @!p0 v1, $0x0;
	_ =	sdelay $0xe  }
.Ltmp18:
0x16d: {  	s9 =	spop @!p0 (v2sf);
	(pc) =	sbr.rel @p1 .LBB3_15-.Ltmp18, $4  }
0x16e: {  	p2 =	seq.s32 @!p0 s5, s9  }
0x16f: {  	p2 =	por !p2, p0  }
0x170: {  	s6 =	simm.s32 @p2 $0xFFFFFFFF  }
0x171: {  	s6 =	smov.u32 @p0 s8  }
.LBB3_16:
0x172: {  	p0 =	sne.s32 s6, $0xFFFFFFFF  }
.Ltmp19:
0x173: {  	_ = 	snop;
	(pc) =	sbr.rel @!p0 .LBB3_17-.Ltmp19, $1  }
0x174: {  	_ =	sdelay $0x3  }
0x175: {  	v0 =	vld.msk [tilespmem:s4+$0xE0], $0x1;
	v1 =	vmov s6  }
.Ltmp20:
0x176: {  	_ = 	snop;
	(pc) =	sbr.rel .LBB3_19-.Ltmp20, $2  }
0x177: {  	_ =	sdelay $0x2  }
0x178: {  	[tilespmem:v1+s3+$0x0], v0 =	vst.idx.ret.add.f32.msk $0x1, v0  }
.LBB3_20:
0x179: {  	p0 =	slt.s32 s2, $0x1  }
.Ltmp21:
0x17a: {  	_ = 	snop;
	(pc) =	sbr.rel @p0 .LBB3_24-.Ltmp21, $3  }
0x17b: {  	_ =	sdelay $0x1  }
0x17c: {  	s0 =	simm.s32 $0x6  }
0x17d: {  	s3 =	simm.s32 $0x0;
	[sflag:s0] =	ssyncpa.u1 $0x1  }
0x17e: {  	s0 =	simm.s32 $0xC0  }
0x17f: {  	v0 =	vld.msk [tilespmem:s0+$0x0], $0x1;
	_ =	sdelay $0x4  }
0x180: {  	(v2sf) =	vpush v0, $0x0;
	_ =	sdelay $0xe  }
0x181: {  	s2 =	sadd.s32 $0xFFFFFFFF, s2;
	s4 =	spop (v2sf)  }
0x182: {  	p1 =	sne.s32 s2, $0x0;
	p0 =	sgt.u32 s4, $0x61A7FFF  }
.Ltmp22:
0x183: {  	s5 =	sshrl.u32 @!p0 s4, $0x3;
	(pc) =	sbr.rel @!p1 .LBB3_23-.Ltmp22, $4  }
0x184: {  	s0 =	simm.s32 $0xE0;
	s4 =	sand.u32 @!p0 $0x7, s4;
	s5 =	sadd.s32 @!p0 s1, s5  }
0x185: {  	[hbm4b:s5+s4] =	stream.linear.scatter @!p0 [tilespmem:s0], [sflag:$0x5], $0x1, $0x38;
	[tilespmem:$0xF030] =	vst v63  }
0x186: {  	s5 =	simm.s32 $0x0  }
0x187: {  	s4 =	simm.s32 $0xC1;
	s5 =	simm.s32 @!p0 $0x4  }
.LBB3_22:
0x188: {  	v0 =	vld.msk [tilespmem:s4+$0x0], $0x1;
	s2 =	sadd.s32 $0xFFFFFFFF, s2;
	s3 =	sadd.s32 s3, s5  }
0x189: {  	p0 =	sne.s32 s2, $0x0;
	_ =	sdelay $0x3  }
0x18a: {  	(v2sf) =	vpush v0, $0x0;
	_ =	sdelay $0xe  }
.Ltmp23:
0x18b: {  	s6 =	spop (v2sf);
	(pc) =	sbr.rel @p0 .LBB3_22-.Ltmp23, $4  }
0x18c: {  	s5 =	simm.s32 $0x0;
	p1 =	sgt.u32 s6, $0x61A7FFF  }
0x18d: {  	s0 =	sadd.s32 $0x1, s0;
	s5 =	simm.s32 @!p1 $0x4;
	s7 =	sshrl.u32 @!p1 s6, $0x3  }
0x18e: {  	s4 =	sadd.s32 $0x1, s4;
	s6 =	sand.u32 @!p1 $0x7, s6;
	s7 =	sadd.s32 @!p1 s1, s7  }
0x18f: {  	[hbm4b:s7+s6] =	stream.linear.scatter @!p1 [tilespmem:s0], [sflag:$0x5], $0x1, $0x38;
	[tilespmem:$0xF030] =	vst v63  }
.LBB3_23:
0x190: {  	s0 =	sadd.s32 s3, s5  }
0x191: {  	s3 =	sshrl.u32 s0, $0x2  }
.LBB3_24:
0x192: {  	s0 =	simm.s32 $0x5  }
0x193: {  	_ =	swait.ge [sflag:s0], s3  }
0x194: {  	s1 =	ssub.s32 $0x0, s3;
	[sflag:s0] =	ssyncset.done $0x0  }
0x195: {  	[sflag:s0] =	ssyncadd.s32 s1  }
0x196: {  	[sflag:s0] =	ssyncpa.u1 $0x1  }
0x197: {  	s29 =	simm.s32 $0x1;
	_ =	sfence  }
0x198: {  	s30 =	simm.s32 $0x2;
	[sflag:s29] =	ssyncpa.u1 $0x1  }
0x199: {  	[sflag:s30] =	ssyncpa.u1 $0x1  }
0x19a: {  	_ =	strace $0x90000056  }
0x19b: {  	[bflag:$0x2] =	sbarrier.arrive $0xFFFF  }
0x19c: {  	s31 =	rddreg [dreg:$0x1]  }
0x19d: {  	s0 =	sadd.s32 $0x100000, s31  }
0x19e: {  	[sflag:s0] =	ssyncadd.tile.s32 $0x1;
	_ =	shalt  }
.Lfunc_end3:
_tile_overlayer_lowered:
.L_overlay_start_3:
0x19f: {  	(tag) =	ssettag $0x3  }
0x1a0: {  	s0 =	rddreg [dreg:$0x0];
	s2 =	stileid.u32  }
0x1a1: {  	s1 =	rddreg [dreg:$0x1];
	p0 =	sne.s32 s2, $0x0  }
0x1a2: {  	s3 =	rddreg [dreg:$0x2];
	[bflag:$0x3] =	sbarrier.arrive $0xFFFF;
	s2 =	simm.s32 @!p0 $0x1C01  }
0x1a3: {  	[timem:s3], [sflag:s2] =	dma.local @!p0 [hbm:s0], s1  }
0x1a4: {  	s0 =	simm.s32 @!p0 $0x1  }
0x1a5: {  	_ =	swait.ge @!p0 [sflag:s0], s1  }
0x1a6: {  	s1 =	ssub.s32 @!p0 $0x0, s1;
	[sflag:s0] =	ssyncset.done @!p0 $0x0  }
0x1a7: {  	[sflag:s0] =	ssyncadd.s32 @!p0 s1  }
0x1a8: {  	[bflag:$0x3] =	sbarrier.arrive $0xFFFF  }
0x1a9: {  	_ =	shalt  }

// kernel: scatter_offload_async_start.5
scs
__scs_entry_jumppad:
0x0: {  	(pc) =	sbr.rel $0x88, $3  }
0x1: {  	(tag) =	ssettag $0x0;
	lr =	simm.s32 $0x1  }
0x2: {  	[smem:$0x3F97] =	sst lr;
	_ =	strace $0xD0000000  }
0x3: {  	_ = 	snop  }
0x4: {  	_ = 	snop  }
0x5: {  	_ = 	snop  }
0x6: {  	_ = 	snop  }
0x7: {  	_ = 	snop  }
__scs_overlays_trampoline_lowered:
0x8: {  	[smem:$0x3FA6] =	sst s0  }
0x9: {  	[smem:$0x3FA7] =	sst s1  }
0xa: {  	[smem:$0x3FA8] =	sst s2  }
0xb: {  	[smem:$0x3FA9] =	sst s3  }
0xc: {  	[smem:$0x3FAA] =	sst s4  }
0xd: {  	[smem:$0x3FAB] =	sst s5  }
0xe: {  	[smem:$0x3FAC] =	sst s6  }
0xf: {  	[smem:$0x3FAD] =	sst s7  }
0x10: {  	[smem:$0x3FAE] =	sst s8  }
0x11: {  	[smem:$0x3FAF] =	sst s9;
	s0 =	simm.s32 @!p0 $0x0  }
0x12: {  	s1 =	sld [smem:$0x3F95];
	s0 =	simm.s32 @p0 $0x1  }
0x13: {  	[smem:$0x3FB0] =	sst s0;
	s0 =	simm.s32 @!p1 $0x0  }
0x14: {  	s2 =	sld [smem:$0x3F94];
	s0 =	simm.s32 @p1 $0x1  }
0x15: {  	[smem:$0x3FB1] =	sst s0;
	s0 =	simm.s32 @!p2 $0x0  }
0x16: {  	s3 =	sld [smem:$0x3FDB];
	s0 =	simm.s32 @p2 $0x1  }
0x17: {  	s4 =	simm.s32 $0x1BF5;
	[smem:$0x3FB3] =	sst s0  }
0x18: {  	s0 =	sld [smem:$0x3F96];
	_ =	swait.ge [sflag:s4], $0x0  }
0x19: {  	s7 =	sld [smem:$0x3F97]  }
0x1a: {  	s8 =	sadd.s32 $0xFFFFE003, lr  }
0x1b: {  	s9 =	sadd.s32 $0xFFFFFEF7, lr;
	s5 =	simm.s32 $0xFFFFFFFF;
	p2 =	slt.u32 s8, $0xFFFFF086  }
0x1c: {  	p1 =	slt.u32 s9, $0xF7A;
	s5 =	simm.s32 @!p2 $0x0  }
0x1d: {  	s5 =	simm.s32 @p1 $0x1;
	p0 =	seq.s32 s7, s2  }
0x1e: {  	s7 =	smul.u32 @!p0 $0xF7A, s2;
	p2 =	seq.s32 @!p0 s5, $0x0  }
0x1f: {  	s9 =	smul.u32 $0xF7A, s1;
	s8 =	simm.s32 @!p0 $0x1BF5;
	p2 =	por !p2, p0  }
0x20: {  	[sflag:s8] =	ssyncset.s32 @!p0 $0xFFFFF086;
	s6 =	sadd.s32 @!p0 s3, s7;
	s7 =	simm.s32 @!p0 $0x108  }
0x21: {  	s3 =	sadd.s32 s3, s9;
	s6 =	sadd.s32 @!p0 $0x88, s6;
	s7 =	simm.s32 @p2 $0x1082  }
0x22: {  	[simem:s7], [sflag:s8] =	dma.local @!p0 [hbm:s6], $0xF7A  }
0x23: {  	s9 =	sor.u32 $0xD0000000, s2;
	s6 =	simm.s32 $0x108;
	_ =	swait.ge @!p0 [sflag:s8], $0x0  }
0x24: {  	s3 =	sadd.s32 $0x88, s3;
	s6 =	simm.s32 @!p1 $0x1082;
	[sflag:s4] =	ssyncset.s32 $0xFFFFF086  }
0x25: {  	[simem:s6], [sflag:s4] =	dma.local [hbm:s3], $0xF7A  }
0x26: {  	[smem:$0x3F97] =	sst s1;
	(tag) =	ssettag s2;
	_ =	strace s9  }
0x27: {  	s1 =	sld [smem:$0x3FA7]  }
0x28: {  	s2 =	sld [smem:$0x3FA8]  }
0x29: {  	s4 =	sld [smem:$0x3FAA]  }
0x2a: {  	p0 =	seq.s32 s5, $0x0;
	s5 =	sld [smem:$0x3FAB]  }
0x2b: {  	s6 =	sld [smem:$0x3FAC]  }
0x2c: {  	s7 =	sld [smem:$0x3FAD]  }
0x2d: {  	s3 =	simm.s32 $0x108;
	s8 =	sld [smem:$0x3FAE]  }
0x2e: {  	s3 =	simm.s32 @!p0 $0x1082;
	s9 =	sld [smem:$0x3FAF]  }
0x2f: {  	lr =	sadd.s32 s0, s3;
	s0 =	sld [smem:$0x3FA6]  }
0x30: {  	s3 =	sld [smem:$0x3FA9]  }
0x31: {  	[smem:$0x3FB2] =	sst s10  }
0x32: {  	s10 =	sld [smem:$0x3FB0];
	_ =	sdelay $0x3  }
0x33: {  	p0 =	seq.s32 s10, $0x1;
	s10 =	sld [smem:$0x3FB2];
	_ =	sdelay $0x3  }
0x34: {  	[smem:$0x3FB2] =	sst s10  }
0x35: {  	s10 =	sld [smem:$0x3FB1];
	_ =	sdelay $0x3  }
0x36: {  	p1 =	seq.s32 s10, $0x1;
	s10 =	sld [smem:$0x3FB2];
	_ =	sdelay $0x3  }
0x37: {  	[smem:$0x3FB2] =	sst s10  }
0x38: {  	s10 =	sld [smem:$0x3FB3]  }
0x39: {  	_ = 	snop;
	(pc) =	sbr.ind lr, $3  }
0x3a: {  	_ = 	snop  }
0x3b: {  	_ = 	snop  }
0x3c: {  	p2 =	seq.s32 s10, $0x1;
	s10 =	sld [smem:$0x3FB2]  }
0x3d: {  	_ =	shalt  }
0x3e: {  	_ =	shalt  }
0x3f: {  	_ =	shalt  }
0x40: {  	_ =	shalt  }
0x41: {  	_ =	shalt  }
0x42: {  	_ =	shalt  }
0x43: {  	_ =	shalt  }
0x44: {  	_ =	shalt  }
0x45: {  	_ =	shalt  }
0x46: {  	_ =	shalt  }
0x47: {  	_ =	shalt  }
0x48: {  	_ =	shalt  }
0x49: {  	_ =	shalt  }
0x4a: {  	_ =	shalt  }
0x4b: {  	_ =	shalt  }
0x4c: {  	_ =	shalt  }
0x4d: {  	_ =	shalt  }
0x4e: {  	_ =	shalt  }
0x4f: {  	_ =	shalt  }
0x50: {  	_ =	shalt  }
0x51: {  	_ =	shalt  }
0x52: {  	_ =	shalt  }
0x53: {  	_ =	shalt  }
0x54: {  	_ =	shalt  }
0x55: {  	_ =	shalt  }
0x56: {  	_ =	shalt  }
0x57: {  	_ =	shalt  }
0x58: {  	_ =	shalt  }
0x59: {  	_ =	shalt  }
0x5a: {  	_ =	shalt  }
0x5b: {  	_ =	shalt  }
0x5c: {  	_ =	shalt  }
0x5d: {  	_ =	shalt  }
0x5e: {  	_ =	shalt  }
0x5f: {  	_ =	shalt  }
0x60: {  	_ =	shalt  }
0x61: {  	_ =	shalt  }
0x62: {  	_ =	shalt  }
0x63: {  	_ =	shalt  }
0x64: {  	_ =	shalt  }
0x65: {  	_ =	shalt  }
0x66: {  	_ =	shalt  }
0x67: {  	_ =	shalt  }
0x68: {  	_ =	shalt  }
0x69: {  	_ =	shalt  }
0x6a: {  	_ =	shalt  }
0x6b: {  	_ =	shalt  }
0x6c: {  	_ =	shalt  }
0x6d: {  	_ =	shalt  }
0x6e: {  	_ =	shalt  }
0x6f: {  	_ =	shalt  }
0x70: {  	_ =	shalt  }
0x71: {  	_ =	shalt  }
0x72: {  	_ =	shalt  }
0x73: {  	_ =	shalt  }
0x74: {  	_ =	shalt  }
0x75: {  	_ =	shalt  }
0x76: {  	_ =	shalt  }
0x77: {  	_ =	shalt  }
0x78: {  	_ =	shalt  }
0x79: {  	_ =	shalt  }
0x7a: {  	_ =	shalt  }
0x7b: {  	_ =	shalt  }
0x7c: {  	_ =	shalt  }
0x7d: {  	_ =	shalt  }
0x7e: {  	_ =	shalt  }
0x7f: {  	_ =	shalt  }
0x80: {  	_ =	shalt  }
0x81: {  	_ =	shalt  }
0x82: {  	_ =	shalt  }
0x83: {  	_ =	shalt  }
0x84: {  	_ =	shalt  }
0x85: {  	_ =	shalt  }
0x86: {  	_ =	shalt  }
0x87: {  	_ =	shalt  }
.Lfunc_end0:
.L_simem_size_0:
called_computation.5_lowered:
.L_overlay_start_0:
0x88: {  	s0 =	sld [smem:$0x3FD9]  }
0x89: {  	s1 =	sld [smem:$0x3FFE];
	_ =	sdelay $0x3  }
0x8a: {  	s0 =	sadd.s32 s1, s0  }
0x8b: {  	[smem:$0x3FBE] =	sst s0  }
0x8c: {  	_ = 	snop  }
0x8d: {  	(tm) =	ssettm $0x1  }
0x8e: {  	s14 =	sld [smem:$0x3FFB];
	_ =	sdelay $0x3  }
0x8f: {  	_ =	strace s14  }
0x90: {  	s0 =	sld [smem:$0x3FFC];
	_ =	sdelay $0x3  }
0x91: {  	_ =	strace s0  }
0x92: {  	s0 =	sld [smem:$0x3FFD];
	_ =	sdelay $0x3  }
0x93: {  	_ =	strace s0  }
0x94: {  	_ =	strace $0x8FFFFFFF  }
0x95: {  	s15 =	sld [smem:$0x3FDB];
	_ =	sdelay $0x1  }
0x96: {  	s16 =	simm.s32 $_scs_section_size  }
0x97: {  	s2 =	simm.s32 $_size__tile_overlayer_lowered;
	s3 =	simm.s32 $_tile_overlayer_lowered  }
0x98: {  	s4 =	simm.s32 $0x1BFF;
	s17 =	sshll.u32 s3, $0x1;
	s1 =	sadd.s32 s16, s15  }
0x99: {  	s18 =	simm.s32 $0x0;
	s2 =	sshll.u32 s2, $0x1;
	s3 =	sadd.s32 s17, s1  }
0x9a: {  	[timem:s18], [sflag:s4] =	dma.local [hbm:s3], s2  }
0x9b: {  	_ =	swait.ge [sflag:s4], s2  }
0x9c: {  	s2 =	ssub.s32 $0x0, s2;
	[sflag:s4] =	ssyncset.done $0x0  }
0x9d: {  	[sflag:s4] =	ssyncadd.s32 s2;
	_ =	sdelay $0x1  }
0x9e: {  	s19 =	simm.s32 $0x1B8B  }
0x9f: {  	_ =	swait.ge [sflag:s19], $0x1  }
0xa0: {  	[sflag:s19] =	ssyncset.done $0x0  }
0xa1: {  	s21 =	simm.s32 $0x1B8E;
	s20 =	sld [smem:$0x3FFE];
	[sflag:s19] =	ssyncadd.s32 $0xFFFFFFFF  }
0xa2: {  	s22 =	simm.s32 $execute0_lowered;
	[smem:$0x3FD2] =	sst s21  }
0xa3: {  	s3 =	sshll.u32 s22, $0x1;
	_ =	strace $0x8000004C;
	[dreg:$0x1] =	wrdreg $0xFFFFFFFF  }
0xa4: {  	s23 =	simm.s32 $_size_execute0_lowered;
	s3 =	sadd.s32 s1, s3;
	[dreg:$0x0] =	wrdreg $0x0  }
0xa5: {  	s4 =	sshll.u32 s23, $0x1;
	[dreg:$0x2] =	wrdreg s3  }
0xa6: {  	[dreg:$0x3] =	wrdreg s4  }
0xa7: {  	[dreg:$0x4] =	wrdreg $0xC0  }
0xa8: {  	s24 =	simm.s32 $execute1_lowered;
	_ =	task [dreg:s18], $0x5FFFF  }
0xa9: {  	s3 =	sshll.u32 s24, $0x1;
	[dreg:$0x1] =	wrdreg $0xFFFFFFFF  }
0xaa: {  	s1 =	sadd.s32 s1, s3;
	[dreg:$0x0] =	wrdreg $0x60  }
0xab: {  	[dreg:$0x2] =	wrdreg s1  }
0xac: {  	[dreg:$0x3] =	wrdreg s20  }
0xad: {  	[dreg:$0x4] =	wrdreg $0x10  }
0xae: {  	_ =	task.clear_ibuf [dreg:s18], $0x5FFFF;
	_ =	strace $0x9000004C  }
0xaf: {  	s25 =	simm.s32 $0x10;
	_ =	strace $0x8000004E  }
0xb0: {  	_ =	swait.ge [sflag:s25], $0x1  }
0xb1: {  	[sflag:s25] =	ssyncadd.s32 $0xFFFFFFFF  }
0xb2: {  	_ =	strace $0x9000004E  }
0xb3: {  	_ =	strace $0x8000004F;
	[dreg:$0x1] =	wrdreg $0xFFFFFFFF  }
0xb4: {  	[dreg:$0x0] =	wrdreg $0x2030  }
0xb5: {  	[dreg:$0x2] =	wrdreg s20  }
0xb6: {  	[dreg:$0x3] =	wrdreg $0x11  }
0xb7: {  	_ =	task.clear_ibuf [dreg:s18], $0x4FFFF;
	_ =	strace $0x9000004F  }
0xb8: {  	s26 =	simm.s32 $0x11;
	_ =	strace $0x80000051  }
0xb9: {  	_ =	swait.ge [sflag:s26], $0x1  }
0xba: {  	[sflag:s26] =	ssyncadd.s32 $0xFFFFFFFF  }
0xbb: {  	_ =	strace $0x90000051  }
0xbc: {  	_ =	sfence  }
0xbd: {  	s28 =	sld [smem:$0x0];
	_ =	sdelay $0x1  }
0xbe: {  	s29 =	srdreg.scid  }
0xbf: {  	s30 =	sshll.u32 s29, $0xD;
	s31 =	sshrl.u32 s29, $0x2  }
0xc0: {  	s2 =	sand.u32 $0x1, s29;
	s3 =	sand.u32 $0x4000, s30;
	s1 =	sadd.s32 s31, s28  }
0xc1: {  	s2 =	sor.u32 s3, s2;
	s1 =	sshll.u32 s1, $0x11  }
0xc2: {  	s1 =	sor.u32 s1, s2  }
0xc3: {  	s1 =	sadd.s32 $0x8F2B, s1  }
0xc4: {  	[sflag:s1] =	ssyncadd.remote.s32 $0x1  }
0xc5: {  	_ =	sfence.sel $0xFFFF  }
0xc6: {  	[dreg:$0x0] =	wrdreg $0xFFFFFFFF;
	(pc) =	sbr.abs _section_cstart, $3  }
0xc7: {  	[dreg:$0x1] =	wrdreg $0xFFFFFFFF  }
0xc8: {  	_ =	task.clear_ibuf [dreg:s18], $0x2FFFF;
	_ =	strace $0x9FFFFFFF  }
0xc9: {  	(tm) =	ssettm $0x7FFFFFFF  }
tec
execute0_lowered:
.L_overlay_start_1:
0x0: {  	(tag) =	ssettag $0x1  }
0x1: {  	s3 =	rddreg [dreg:$0x0];
	s4 =	stileid.u32  }
0x2: {  	s5 =	rddreg [dreg:$0x1];
	s2 =	smul.u32 $0x3E80, s4  }
0x3: {  	s0 =	rddreg [dreg:$0x2];
	[bflag:$0x3] =	sbarrier.arrive $0xFFFF;
	s1 =	simm.s32 $_size_execute1_lowered  }
0x4: {  	s1 =	sshll.u32 s1, $0x1;
	p0 =	sne.s32 s4, $0x0;
	s6 =	ssub.s32 $0x61A8000, s2  }
0x5: {  	s4 =	simm.s32 @!p0 $0x1C3F;
	s7 =	simm.s32 @!p0 $0x4060;
	s8 =	smulhi.u32 $0x4189375, s6  }
0x6: {  	[timem:s7], [sflag:s4] =	dma.local @!p0 [hbm:s3], s1  }
0x7: {  	s30 =	sshrl.u32 s8, $0xC  }
0x8: {  	s31 =	simm.s32 $0x2;
	s8 =	smul.u32 $0x3E800, s30  }
.Ltmp0:
0x9: {  	s10 =	simm.s32 $0x0;
	s9 =	simm.s32 $0x0;
	(pc) =	sbr.rel .LBB2_1-.Ltmp0, $4  }
0xa: {  	s3 =	sadd.s32 $0x54B600, s5;
	p1 =	sne.s32 s6, s8;
	s6 =	simm.s32 $0x1  }
0xb: {  	s4 =	simm.s32 $0x1;
	_ =	strace $0x8000004D;
	s6 =	simm.s32 @!p1 $0x0  }
0xc: {  	s5 =	sadd.s32 $0x1180600, s5;
	[sflag:s4] =	ssyncpa.u1 $0x0;
	s6 =	sadd.s32 s6, s30  }
0xd: {  	[sflag:s31] =	ssyncpa.u1 $0x0;
	s8 =	smov.u32 s2;
	s7 =	sadd.s32 $0x1, s6  }
.LBB2_7:
0xe: {  	s12 =	sadd.s32 $0x3E800, s8  }
0xf: {  	p2 =	sgt.s32 s12, $0x61A7FFF  }
0x10: {  	s12 =	smov.u32 @p2 s2;
	p2 =	sne.s32 s9, s7  }
.Ltmp1:
0x11: {  	p1 =	slt.u32 s9, $0x2;
	(pc) =	sbr.rel @!p2 .LBB2_8-.Ltmp1, $4  }
0x12: {  	s11 =	simm.s32 @!p1 $0x2  }
0x13: {  	_ =	swait.ge @!p1 [sflag:s11], $0x3E80  }
0x14: {  	s13 =	sadd.s32 $0x1, s9;
	s10 =	smov.u32 s8;
	[sflag:s11] =	ssyncset.done @!p1 $0x0  }
0x15: {  	s9 =	smov.u32 s13;
	s8 =	smov.u32 s12;
	[sflag:s11] =	ssyncadd.s32 @!p1 $0xFFFFC180  }
.LBB2_1:
0x16: {  	p1 =	sge.u32 s9, s6  }
0x17: {  	s11 =	sxor.u32 @!p1 $0xFFFFFFFF, s9  }
0x18: {  	s11 =	sand.u32 @!p1 $0x1, s11  }
0x19: {  	s11 =	smul.u32 @!p1 $0xFA00, s11  }
0x1a: {  	s31 =	sadd.s32 $0xFFFFFFFF, s9;
	s12 =	sshrl.u32 @!p1 s8, $0x3  }
0x1b: {  	s13 =	sand.u32 @!p1 $0x7, s8;
	s12 =	sadd.s32 @!p1 s3, s12;
	s11 =	sshrl.u32 @!p1 s11, $0x2  }
0x1c: {  	[tilespmem:s11], [sflag:$0x1] =	stream.linear.gather @!p1 [hbm4b:s12+s13], $0x3E80, $0x38;
	[tilespmem:$0xFA00] =	vst v63  }
0x1d: {  	p1 =	sge.u32 s31, s6  }
.Ltmp2:
0x1e: {  	_ = 	snop;
	(pc) =	sbr.rel @p1 .LBB2_7-.Ltmp2, $1  }
0x1f: {  	_ =	sdelay $0x3  }
0x20: {  	s11 =	sand.u32 $0x1, s9  }
0x21: {  	_ =	swait.ge [sflag:s4], $0x3E80;
	s13 =	simm.s32 $0x3E80;
	p1 =	seq.s32 s11, $0x1  }
0x22: {  	[sflag:s4] =	ssyncset.done $0x0;
	s13 =	simm.s32 @!p1 $0x0  }
0x23: {  	[sflag:s4] =	ssyncadd.s32 $0xFFFFC180;
	s15 =	sadd.s32 $0x80, s13  }
0x24: {  	v0 =	vld [tilespmem:s15+$0x70]  }
0x25: {  	v1 =	vld [tilespmem:s15+$0xFFFFFF90]  }
0x26: {  	v2 =	vld [tilespmem:s15+$0xFFFFFFA0]  }
0x27: {  	v3 =	vld [tilespmem:s15+$0xFFFFFFB0]  }
0x28: {  	s11 =	sadd.s32 $0x7D80, s13;
	v4 =	vld [tilespmem:s15+$0xFFFFFFC0]  }
0x29: {  	v5 =	vld [tilespmem:s15+$0xFFFFFFD0];
	[tilespmem:s11+$0x70] =	vst v0  }
0x2a: {  	[tilespmem:s11+$0xFFFFFF90] =	vst v1;
	v0 =	vld [tilespmem:s15+$0xFFFFFFE0]  }
0x2b: {  	[tilespmem:s11+$0xFFFFFFA0] =	vst v2;
	v1 =	vld [tilespmem:s15+$0xFFFFFFF0]  }
0x2c: {  	[tilespmem:s11+$0xFFFFFFB0] =	vst v3;
	v2 =	vld [tilespmem:s15+$0x0]  }
0x2d: {  	[tilespmem:s11+$0xFFFFFFC0] =	vst v4;
	v3 =	vld [tilespmem:s15+$0x10]  }
0x2e: {  	[tilespmem:s11+$0xFFFFFFD0] =	vst v5;
	v5 =	vld [tilespmem:s15+$0x20]  }
0x2f: {  	[tilespmem:s11+$0xFFFFFFE0] =	vst v0;
	v0 =	vld [tilespmem:s15+$0x30]  }
0x30: {  	[tilespmem:s11+$0xFFFFFFF0] =	vst v1;
	v1 =	vld [tilespmem:s15+$0x40]  }
0x31: {  	[tilespmem:s11+$0x0] =	vst v2;
	v2 =	vld [tilespmem:s15+$0x50]  }
0x32: {  	s14 =	simm.s32 $0x0;
	[tilespmem:s11+$0x10] =	vst v3;
	v3 =	vld [tilespmem:s15+$0x60]  }
0x33: {  	s12 =	sadd.s32 $0x7D00, s13;
	s13 =	sshll.u32 s13, $0x2;
	v4 =	vld [tilespmem:s15+$0xFFFFFF80];
	[tilespmem:s11+$0x20] =	vst v5;
	s15 =	sadd.s32 $0x100, s15  }
.LBB2_3:
0x34: {  	v5 =	vld [tilespmem:s15+$0x70];
	s14 =	sadd.s32 $0x100, s14;
	[tilespmem:s11+$0x30] =	vst v0  }
0x35: {  	v0 =	vld [tilespmem:s15+$0xFFFFFF90];
	p1 =	slt.u32 s14, $0x3D00;
	[tilespmem:s11+$0x40] =	vst v1  }
0x36: {  	v1 =	vld [tilespmem:s15+$0xFFFFFFA0];
	[tilespmem:s11+$0x50] =	vst v2  }
0x37: {  	v2 =	vld [tilespmem:s15+$0xFFFFFFB0];
	[tilespmem:s11+$0x60] =	vst v3  }
0x38: {  	v3 =	vld [tilespmem:s15+$0xFFFFFFC0];
	[tilespmem:s11+$0xFFFFFF80] =	vst v4;
	s11 =	sadd.s32 $0x100, s11  }
0x39: {  	v4 =	vld [tilespmem:s15+$0xFFFFFFD0];
	[tilespmem:s11+$0x70] =	vst v5  }
0x3a: {  	[tilespmem:s11+$0xFFFFFF90] =	vst v0;
	v0 =	vld [tilespmem:s15+$0xFFFFFFE0]  }
0x3b: {  	[tilespmem:s11+$0xFFFFFFA0] =	vst v1;
	v1 =	vld [tilespmem:s15+$0xFFFFFFF0]  }
0x3c: {  	[tilespmem:s11+$0xFFFFFFB0] =	vst v2;
	v2 =	vld [tilespmem:s15+$0x0]  }
0x3d: {  	[tilespmem:s11+$0xFFFFFFC0] =	vst v3;
	v3 =	vld [tilespmem:s15+$0x10]  }
0x3e: {  	[tilespmem:s11+$0xFFFFFFD0] =	vst v4;
	v5 =	vld [tilespmem:s15+$0x20]  }
.Ltmp3:
0x3f: {  	[tilespmem:s11+$0xFFFFFFE0] =	vst v0;
	v0 =	vld [tilespmem:s15+$0x30];
	(pc) =	sbr.rel @p1 .LBB2_3-.Ltmp3, $4  }
0x40: {  	[tilespmem:s11+$0xFFFFFFF0] =	vst v1;
	v1 =	vld [tilespmem:s15+$0x40]  }
0x41: {  	[tilespmem:s11+$0x0] =	vst v2;
	v2 =	vld [tilespmem:s15+$0x50]  }
0x42: {  	[tilespmem:s11+$0x10] =	vst v3;
	v3 =	vld [tilespmem:s15+$0x60]  }
0x43: {  	v4 =	vld [tilespmem:s15+$0xFFFFFF80];
	[tilespmem:s11+$0x20] =	vst v5;
	s15 =	sadd.s32 $0x100, s15  }
0x44: {  	[tilespmem:s11+$0x30] =	vst v0  }
0x45: {  	[tilespmem:s11+$0x40] =	vst v1  }
0x46: {  	[tilespmem:s11+$0x50] =	vst v2  }
0x47: {  	s13 =	sshrl.u32 s13, $0x2;
	[tilespmem:s11+$0x60] =	vst v3  }
0x48: {  	s14 =	simm.s32 $0x3DF0;
	[tilespmem:s11+$0xFFFFFF80] =	vst v4;
	s11 =	sadd.s32 $0xBB00, s13;
	s13 =	sadd.s32 $0x3E00, s13  }
.LBB2_5:
0x49: {  	s14 =	sadd.s32 $0x10, s14  }
0x4a: {  	v0 =	vld [tilespmem:s13+$0x0];
	p1 =	slt.u32 s14, $0x3E70  }
.Ltmp4:
0x4b: {  	_ = 	snop;
	(pc) =	sbr.rel @p1 .LBB2_5-.Ltmp4, $2  }
0x4c: {  	_ =	sdelay $0x2  }
0x4d: {  	s13 =	sadd.s32 $0x10, s13;
	[tilespmem:s11+$0x0] =	vst v0;
	s11 =	sadd.s32 $0x10, s11  }
.Ltmp5:
0x4e: {  	(pc) =	sbr.rel .LBB2_7-.Ltmp5, $4  }
0x4f: {  	_ = 	snop  }
0x50: {  	s11 =	sshrl.u32 s10, $0x3  }
0x51: {  	s31 =	sand.u32 $0x7, s10;
	s11 =	sadd.s32 s5, s11  }
0x52: {  	[hbm4b:s11+s31] =	stream.linear.scatter [tilespmem:s12], [sflag:$0x2], $0x3E80, $0x38;
	[tilespmem:$0xFA00] =	vst v63  }
.LBB2_8:
0x53: {  	_ =	sfence.sel $0x180000  }
0x54: {  	s2 =	simm.s32 $0x1;
	[bflag:$0x0] =	sbarrier.arrive $0xFFFF  }
0x55: {  	s31 =	simm.s32 $0x2;
	[sflag:s2] =	ssyncpa.u1 $0x1  }
0x56: {  	[sflag:s31] =	ssyncpa.u1 $0x1  }
0x57: {  	_ =	strace $0x9000004D  }
0x58: {  	s0 =	sadd.s32 @!p0 $0x100000, s0;
	[bflag:$0x2] =	sbarrier.arrive $0xFFFF  }
0x59: {  	[sflag:s0] =	ssyncadd.tile.s32 @!p0 $0x1;
	s0 =	simm.s32 @!p0 $0x3F  }
0x5a: {  	_ =	swait.ge @!p0 [sflag:s0], s1  }
0x5b: {  	s1 =	ssub.s32 @!p0 $0x0, s1;
	[sflag:s0] =	ssyncset.done @!p0 $0x0  }
0x5c: {  	[sflag:s0] =	ssyncadd.s32 @!p0 s1  }
0x5d: {  	[bflag:$0x3] =	sbarrier.arrive $0xFFFF  }
0x5e: {  	_ =	shalt  }
.Lfunc_end2:
execute1_lowered:
.L_overlay_start_2:
0x5f: {  	(tag) =	ssettag $0x2  }
0x60: {  	s0 =	rddreg [dreg:$0x0]  }
0x61: {  	s6 =	stileid.u32;
	_ =	strace $0x80000050;
	s2 =	simm.s32 $0x1  }
0x62: {  	v1 =	vimm.s32 $0xFFFFFFFF;
	s1 =	smin.u32 s6, $0x9;
	[sflag:s2] =	ssyncpa.u1 $0x0  }
0x63: {  	s1 =	sadd.s32 s6, s1;
	[tilespmem:$0x10] =	vst v1  }
0x64: {  	v0 =	vimm.f32 $0.0e+00;
	p0 =	slt.u32 s6, $0x9;
	[tilespmem:$0x20] =	vst v1;
	s3 =	smul.u32 $0x1A90, s1;
	s1 =	simm.s32 $0x3520  }
0x65: {  	[tilespmem:$0x30] =	vst v0;
	s1 =	simm.s32 @!p0 $0x1A90  }
0x66: {  	[tilespmem:$0x40] =	vst v0;
	s1 =	sadd.s32 s1, s3  }
0x67: {  	[tilespmem:$0x50] =	vst v0;
	s4 =	smin.u32 s1, $0x29810  }
0x68: {  	s7 =	simm.s32 $0x2;
	[tilespmem:$0x60] =	vst v1;
	s9 =	ssub.s32 s4, s3  }
0x69: {  	s8 =	simm.s32 $0x8;
	s31 =	simm.s32 $0x9;
	[tilespmem:$0x70] =	vst v1;
	p0 =	sgt.s32 s9, $0x0  }
0x6a: {  	s16 =	simm.s32 $0x0;
	s17 =	simm.s32 $0xF0;
	[tilespmem:$0x80] =	vst v1;
	s9 =	simm.s32 @!p0 $0x0  }
0x6b: {  	s18 =	simm.s32 $0xFFFFFFFF;
	s19 =	simm.s32 $0xFFFFCBE0;
	v1 =	vimm.s32 $0x0;
	[tilespmem:$0xB0] =	vst v0;
	s5 =	smulhi.u32 $0x134679AD, s9  }
0x6c: {  	s20 =	simm.s32 $0xFFFFFFFE;
	s21 =	simm.s32 $0xF;
	s25 =	simm.s32 $0x0;
	[tilespmem:$0x90] =	vst v1  }
0x6d: {  	[tilespmem:$0xA0] =	vst v1;
	[sflag:s7] =	ssyncpa.u1 $0x0;
	s7 =	simm.s32 $0x7;
	s10 =	sshrl.u32 s5, $0x9  }
0x6e: {  	s24 =	simm.s32 $0x0;
	[sflag:s7] =	ssyncpa.u1 $0x0;
	s11 =	smul.u32 $0x1A90, s10  }
0x6f: {  	s14 =	sshllo.u32 s6, $0x1;
	[sflag:s8] =	ssyncpa.u1 $0x0;
	s23 =	smov.u32 s3  }
.Ltmp6:
0x70: {  	s1 =	sadd.s32 $0x1180600, s0;
	p0 =	sne.s32 s9, s11;
	(pc) =	sbr.rel .LBB3_1-.Ltmp6, $4  }
0x71: {  	s5 =	sadd.s32 $0x540E00, s0;
	s0 =	sadd.s32 $0x546200, s0;
	s2 =	simm.s32 @!p0 $0x0  }
0x72: {  	[sflag:s31] =	ssyncpa.u1 $0x0;
	[dreg:$0x2] =	wrdreg s0;
	s9 =	sadd.s32 s2, s10  }
0x73: {  	vm0 =	vmmov $0xffff;
	v2 =	vlaneseq.u32;
	p0 =	por $0x0, $0x0;
	s10 =	sshll.u32 s6, $0x1;
	s11 =	sadd.s32 $0x1, s9  }
0x74: {  	vm1 =	vmxor vm1, vm1;
	vm2 =	vmmov $0x1;
	vm3 =	vcmask $0x3F3C;
	s12 =	sadd.s32 $0x2, s9;
	s13 =	sor.u32 $0x81, s10;
	s15 =	sor.u32 $0x80, s10  }
.LBB3_9:
0x75: {  	p1 =	slt.u32 s24, $0x3  }
0x76: {  	s0 =	simm.s32 @!p1 $0x2  }
0x77: {  	_ =	swait.ge @!p1 [sflag:s0], $0x1A90  }
0x78: {  	[sflag:s0] =	ssyncset.done @!p1 $0x0  }
0x79: {  	[sflag:s0] =	ssyncadd.s32 @!p1 $0xFFFFE570;
	s0 =	simm.s32 @!p1 $0x9  }
0x7a: {  	_ =	swait.ge @!p1 [sflag:s0], $0x10  }
0x7b: {  	[sflag:s0] =	ssyncset.done @!p1 $0x0  }
0x7c: {  	[sflag:s0] =	ssyncadd.s32 @!p1 $0xFFFFFFF0;
	p1 =	sne.s32 s24, s12  }
.Ltmp7:
0x7d: {  	s2 =	sadd.s32 $0x1A90, s23;
	(pc) =	sbr.rel @!p1 .LBB3_10-.Ltmp7, $4  }
0x7e: {  	s6 =	smov.u32 s3;
	s31 =	sadd.s32 $0x1, s24;
	s17 =	sadd.s32 $0x1A90, s17  }
0x7f: {  	s18 =	sadd.s32 $0x1, s18;
	s25 =	smov.u32 s23;
	p2 =	slt.s32 s2, s4  }
0x80: {  	p0 =	por !p0, !p0;
	s19 =	sadd.s32 $0x1A90, s19;
	s6 =	smov.u32 @p2 s2  }
0x81: {  	s20 =	sadd.s32 $0x1, s20;
	s23 =	smov.u32 s6;
	s24 =	smov.u32 s31  }
.LBB3_1:
0x82: {  	p1 =	sge.u32 s24, s9  }
0x83: {  	s0 =	smulhi.u32 @!p1 $0xAAAAAAAB, s24;
	_ =	sdelay $0x1  }
0x84: {  	s0 =	sshrl.u32 @!p1 s0, $0x1  }
0x85: {  	s0 =	smul.u32 @!p1 $0x3, s0;
	_ =	sdelay $0x1  }
0x86: {  	s0 =	ssub.s32 @!p1 s24, s0  }
0x87: {  	s0 =	smul.u32 @!p1 $0x6A40, s0;
	_ =	sdelay $0x1  }
0x88: {  	s2 =	sshrl.u32 @!p1 s23, $0x3;
	s0 =	sshrl.u32 @!p1 s0, $0x2  }
0x89: {  	s22 =	sand.u32 @!p1 $0x7, s23;
	s2 =	sadd.s32 @!p1 s5, s2;
	s0 =	sadd.s32 @!p1 $0x100, s0  }
0x8a: {  	[tilespmem:s0], [sflag:$0x7] =	stream.linear.gather @!p1 [hbm4b:s2+s22], $0x1A90, $0x38;
	[tilespmem:$0xF030] =	vst v63  }
0x8b: {  	s0 =	sadd.s32 $0xFFFFFFFF, s24  }
0x8c: {  	p1 =	sge.u32 s0, s9  }
.Ltmp8:
0x8d: {  	_ = 	snop;
	(pc) =	sbr.rel @p1 .LBB3_5-.Ltmp8, $1  }
0x8e: {  	_ =	sdelay $0x3  }
0x8f: {  	s2 =	smulhi.u32 $0xAAAAAAAB, s0;
	_ =	sdelay $0x1  }
0x90: {  	s2 =	sshrl.u32 s2, $0x1  }
0x91: {  	s2 =	smul.u32 $0x3, s2;
	_ =	sdelay $0x1  }
0x92: {  	s2 =	ssub.s32 s0, s2  }
0x93: {  	s2 =	smul.u32 $0x6A40, s2  }
0x94: {  	_ =	swait.ge [sflag:s7], $0x1A90  }
0x95: {  	[sflag:s7] =	ssyncset.done $0x0;
	s2 =	sshrl.u32 s2, $0x2  }
0x96: {  	[sflag:s7] =	ssyncadd.s32 $0xFFFFE570;
	(ifvalue) =	ssetifvalue $0xFFFFFFFF;
	v3 =	vld.msk [tilespmem:s2+$0x100 ss:$0x1], $0xffff;
	_ =	sdelay $0x2  }
0x97: {  	s30 =	smulhi.u32 $0xAAAAAAAB, s18;
	p1 =	sne.s32 s24, $0x1  }
0x98: {  	v4 =	vimm.s32 @!p1 $0x0  }
0x99: {  	s2 =	sshrl.u32 s30, $0x1;
	v4 =	vperm.xlane @!p1 v3, v4  }
0x9a: {  	s22 =	sshll.u32 s24, $0x4;
	s2 =	smul.u32 $0xFFFEC140, s2;
	vm4 =	vlt.u32 v3, $0x61A8000  }
0x9b: {  	s22 =	sand.u32 $0x10, s22;
	v3 =	vnsel vm4, $0xFFFFFFFE, v3;
	vm4 =	vlt.u32 @!p1 v4, $0x61A8000  }
0x9c: {  	s2 =	sshra.s32 s2, $0x2;
	[tilespmem:s22+$0x60] =	vst v3;
	v3 =	vnsel @!p1 vm4, $0xFFFFFFFE, v4  }
0x9d: {  	s28 =	sadd.s32 s2, s17;
	[tilespmem:$0x80] =	vst @!p1 v3  }
0x9e: {  	v3 =	vld.msk [tilespmem:s28+$0x0 ss:$0x1], $0xffff;
	_ =	sdelay $0x4  }
0x9f: {  	(xrf1) =	vunique.msk.u32 $0xffff, v3;
	_ =	sdelay $0xd  }
0xa0: {  	v4 =	vimm.s32 $0xFFFFFFFF;
	v5, _, _ =	vpop (xrf1)  }
0xa1: {  	vm5 =	vne.s32 v3, v4;
	vm4 =	veq.s32 v5, v2  }
0xa2: {  	vm6 =	vlt.u32 v3, $0x61A8000;
	vm4 =	vmand vm5, vm4  }
0xa3: {  	vm4 =	vmand vm6, vm4  }
0xa4: {  	v4 =	vnsel vm4, $0xFFFFFFFF, v3  }
0xa5: {  	s31 =	sand.u32 $0x1, s0  }
0xa6: {  	s0 =	simm.s32 $0x1A90;
	p1 =	seq.s32 s31, $0x1  }
0xa7: {  	s0 =	simm.s32 @!p1 $0x0  }
0xa8: {  	s26 =	sadd.s32 $0x6B30, s0;
	(ifvalue) =	ssetifvalue $0xFFFFFFFF  }
0xa9: {  	v3 =	vperm.xlane v3, v1;
	[tilespmem:s26], [sflag:$0x8] =	stream.indirect_vreg.gather [hbm4b:s1+s16], $0x1, v4, vm0, $0x4038;
	v4 =	vnsel vm6, $0xFFFFFFFE, v4;
	[tilespmem:$0xF030] =	vst v63  }
0xaa: {  	s2 =	simm.s32 $0x0;
	s22 =	sadd.s32 $0xFFFFFFF0, s28;
	[tilespmem:s28+$0x0] =	vst v4  }
.LBB3_3:
0xab: {  	v4 =	vld.msk [tilespmem:s22+$0x0 ss:$0x1], $0xffff;
	s2 =	sadd.s32 $0x10, s2;
	v5 =	vmov v3;
	s28 =	smov.u32 s22  }
0xac: {  	p1 =	slt.u32 s2, $0x1A80;
	_ =	sdelay $0x4  }
0xad: {  	v3 =	vperm.xlane v4, v1;
	(xrf1) =	vunique.msk.u32 $0xffff, v4;
	_ =	sdelay $0xd  }
0xae: {  	v6, _, _ =	vpop (xrf1)  }
0xaf: {  	vm5 =	vne.s32 v4, v5;
	vm4 =	veq.s32 v6, v2  }
0xb0: {  	vm6 =	vlt.u32 v4, $0x61A8000;
	vm4 =	vmand vm5, vm4  }
0xb1: {  	vm4 =	vmand vm6, vm4  }
0xb2: {  	v4 =	vnsel vm4, $0xFFFFFFFF, v4  }
.Ltmp9:
0xb3: {  	v5 =	vnsel vm6, $0xFFFFFFFE, v4;
	(pc) =	sbr.rel @p1 .LBB3_3-.Ltmp9, $3  }
0xb4: {  	_ =	sdelay $0x1  }
0xb5: {  	s22 =	sadd.s32 $0xFFFFFFF0, s22;
	s26 =	sadd.s32 $0xFFFFFFF0, s26;
	(ifvalue) =	ssetifvalue $0xFFFFFFFF  }
0xb6: {  	[tilespmem:s26], [sflag:$0x8] =	stream.indirect_vreg.gather [hbm4b:s1+s16], $0x1, v4, vm0, $0x4038;
	[tilespmem:s28+$0x0] =	vst v5  }
0xb7: {  	s2 =	sshrl.u32 s25, $0x3;
	s6 =	rddreg [dreg:$0x2]  }
0xb8: {  	s0 =	sadd.s32 $0x85D0, s0;
	s2 =	sadd.s32 s6, s2  }
0xb9: {  	[tilespmem:s0], [sflag:$0x8] =	stream.linear.gather [hbm:s2], $0x1A90, $0x38;
	[tilespmem:$0xF030] =	vst v63  }
.LBB3_5:
0xba: {  	p1 =	slt.u32 s24, $0x2  }
0xbb: {  	p2 =	sge.u32 @!p1 s24, s12  }
0xbc: {  	p1 =	por p1, p2  }
.Ltmp10:
0xbd: {  	_ = 	snop;
	(pc) =	sbr.rel @p1 .LBB3_9-.Ltmp10, $1  }
0xbe: {  	_ =	sdelay $0x3  }
0xbf: {  	s0 =	sadd.s32 $0xFFFFFFFE, s24  }
0xc0: {  	s2 =	smulhi.u32 $0xAAAAAAAB, s0;
	_ =	sdelay $0x1  }
0xc1: {  	s2 =	sshrl.u32 s2, $0x1  }
0xc2: {  	s2 =	smul.u32 $0x3, s2;
	_ =	sdelay $0x1  }
0xc3: {  	s0 =	ssub.s32 s0, s2  }
0xc4: {  	_ =	swait.ge [sflag:s8], $0x3520;
	s0 =	smul.u32 $0x1A90, s0  }
0xc5: {  	p1 =	sne.s32 s24, s11;
	[sflag:s8] =	ssyncset.done $0x0  }
0xc6: {  	[sflag:s8] =	ssyncadd.s32 $0xFFFFCAE0;
	s2 =	sadd.s32 @!p1 $0x1B8F, s0  }
0xc7: {  	[spmem:s13] =	stream.linear.scatter @!p1 [tilespmem:s2], [sflag:$0x1], $0x1, $0x38;
	[tilespmem:$0xF030] =	vst v63  }
0xc8: {  	s2 =	simm.s32 @!p1 $0x1  }
0xc9: {  	_ =	swait.ge @!p1 [sflag:s2], $0x1  }
0xca: {  	s22 =	sshll.u32 s24, $0x4;
	[sflag:s2] =	ssyncset.done @!p1 $0x0  }
0xcb: {  	s25 =	sand.u32 $0x10, s22;
	[sflag:s2] =	ssyncadd.s32 @!p1 $0xFFFFFFFF  }
0xcc: {  	s2 =	sxor.u32 $0x10, s25;
	v4 =	vld [tilespmem:s25+$0x10]  }
0xcd: {  	v5 =	vld [tilespmem:s2+$0x60]  }
0xce: {  	v3 =	vld [tilespmem:$0x80];
	_ =	sdelay $0x2  }
0xcf: {  	(v2sf) =	vpush v4, $0x0  }
0xd0: {  	(v2sf) =	vpush v5, $0x0  }
0xd1: {  	(v2sf) =	vpush v3, $0x0;
	_ =	sdelay $0xc  }
0xd2: {  	s6 =	spop (v2sf)  }
0xd3: {  	s28 =	spop (v2sf)  }
0xd4: {  	s26 =	spop (v2sf)  }
0xd5: {  	p2 =	seq.s32 s6, s28;
	p3 =	seq.s32 s26, s6  }
0xd6: {  	p3 =	por p2, p3  }
0xd7: {  	s6 =	sand.u32 $0x1, s24;
	v4 =	vpsel p3, $0xFFFFFFFF, v4  }
0xd8: {  	s28 =	smul.u32 $0x1A90, s6;
	[tilespmem:s25+$0x10] =	vst.msk $0x1, v4  }
0xd9: {  	v4 =	vld [tilespmem:$0x30]  }
0xda: {  	v5 =	vld [tilespmem:s28+$0x85D0]  }
0xdb: {  	v6 =	vld [tilespmem:s25+$0x40];
	_ =	sdelay $0x3  }
0xdc: {  	vm4 =	vmmov vm1;
	v5 =	vadd.f32 v5, v4  }
0xdd: {  	vm5 =	vmmov vm2;
	vm4 =	vmmov @p2 vm2;
	v4 =	vadd.f32 v6, v4  }
0xde: {  	s22 =	sshll.u32 s6, $0x4;
	vm5 =	vmmov @p3 vm1;
	[tilespmem:s28+$0x85D0] =	vst.msk vm4, v5  }
0xdf: {  	[tilespmem:s22+$0xF010] =	vst.msk vm5, v4  }
0xe0: {  	v4 =	vld [tilespmem:s28+$0x6B30];
	_ =	sdelay $0x3  }
0xe1: {  	v5 =	vimm.f32 $0.0e+00  }
0xe2: {  	v4 =	vshift.insert v4, v5, s21  }
0xe3: {  	s29 =	sor.u32 $0x40, s2  }
0xe4: {  	[tilespmem:s29+$0x0] =	vst.msk $0x1, v4  }
0xe5: {  	[tilespmem:s28+$0x6B3F] =	vst.msk $0x1, v5  }
0xe6: {  	v4 =	vld [tilespmem:s0+$0x1B80];
	_ =	sdelay $0x1  }
0xe7: {  	s29 =	smulhi.u32 $0xAAAAAAAB, s20;
	s0 =	simm.s32 $0x1  }
0xe8: {  	s0 =	simm.s32 @!p0 $0x0  }
0xe9: {  	s29 =	sshrl.u32 s29, $0x1;
	s0 =	smul.u32 $0x6A40, s0  }
0xea: {  	s29 =	smul.u32 $0xFFFEC140, s29;
	v4 =	vshift.insert v4, v1, s21  }
0xeb: {  	s0 =	sshrl.u32 s0, $0x2  }
0xec: {  	s29 =	sshra.s32 s29, $0x2;
	s30 =	sadd.s32 $0x85D0, s0;
	[tilespmem:s2+$0x10] =	vst.msk $0x1, v4  }
0xed: {  	s6 =	sadd.s32 s29, s19;
	v6 =	vld [tilespmem:s30+$0x0]  }
0xee: {  	v7 =	vld [tilespmem:s6+$0x0];
	_ =	sdelay $0x3  }
0xef: {  	v5 =	vadd.f32 v6, v5  }
0xf0: {  	vm4 =	vne.s32 v7, $0xFFFFFFFF  }
0xf1: {  	(xrf2) =	vadd.seg.scan.f32 vm4, v5;
	_ =	sdelay $0x3  }
0xf2: {  	s31 =	sadd.s32 $0x50B0, s0;
	v5 =	vperm.xlane v4, v1  }
0xf3: {  	v6 =	vld [tilespmem:s31+$0x0]  }
0xf4: {  	vm5 =	veq.s32 v7, v3;
	vm6 =	veq.s32 v7, v5  }
0xf5: {  	vm7 =	vgt.u32 v7, $0xFFFFFFFD;
	vm6 =	vmor vm6, vm5  }
0xf6: {  	vm6 =	vmor vm6, vm7  }
0xf7: {  	v9 =	vld [tilespmem:$0xA0];
	v7 =	vsel vm6, $0xFFFFFFFF, v7  }
0xf8: {  	v10 =	vld [tilespmem:$0x90];
	v6 =	vsel vm5, $0x0, v6;
	v8, _, _ =	vpop (xrf2)  }
0xf9: {  	v6 =	vadd.f32 v8, v6  }
0xfa: {  	s0 =	sadd.s32 $0xBAF0, s0  }
0xfb: {  	vm4 =	vmand vm4, vm3;
	[tilespmem:s0+$0x0] =	vst v6;
	(ifvalue) =	ssetifvalue $0xFFFFFFFF  }
0xfc: {  	vm6 =	veq.s32 v9, $0x1;
	[hbm4b:s1+s16] =	stream.indirect_vreg.scatter [tilespmem:s0], [sflag:$0x2], $0x1, v7, vm0, $0x4038;
	v7 =	vsel vm4, $0x0, v8;
	[tilespmem:$0xF030] =	vst v63  }
0xfd: {  	s29 =	sadd.s32 $0xF010, s22;
	s22 =	sadd.s32 $0x10, s6;
	s2 =	simm.s32 $0x0;
	vm4 =	vmor vm6, vm5;
	v6 =	vsel vm5, v8, v10;
	v7 =	vshift.insert v7, v0, s21  }
.LBB3_7:
0xfe: {  	v8 =	vld [tilespmem:s22+$0x0];
	s30 =	sadd.s32 $0x10, s30  }
0xff: {  	s31 =	sadd.s32 $0x10, s31;
	v9 =	vld [tilespmem:s30+$0x0]  }
0x100: {  	s2 =	sadd.s32 $0x10, s2;
	v10 =	vld [tilespmem:s31+$0x0]  }
0x101: {  	p2 =	slt.u32 s2, $0x1A80;
	_ =	sdelay $0x2  }
0x102: {  	v7 =	vadd.f32 v9, v7  }
0x103: {  	vm5 =	vne.s32 v8, $0xFFFFFFFF  }
0x104: {  	vm6 =	vmand vm5, vm3;
	(xrf2) =	vadd.seg.scan.f32 vm5, v7;
	_ =	sdelay $0x5  }
0x105: {  	vm7 =	veq.s32 v8, v5;
	vm5 =	veq.s32 v8, v3  }
0x106: {  	vm8 =	vgt.u32 v8, $0xFFFFFFFD;
	vm4 =	vmor vm4, vm5;
	vm7 =	vmor vm7, vm5  }
0x107: {  	vm7 =	vmor vm7, vm8  }
0x108: {  	v8 =	vsel vm7, $0xFFFFFFFF, v8  }
.Ltmp11:
0x109: {  	v7 =	vsel vm5, $0x0, v10;
	v9, _, _ =	vpop (xrf2);
	(pc) =	sbr.rel @p2 .LBB3_7-.Ltmp11, $4  }
0x10a: {  	v6 =	vsel vm5, v9, v6;
	v10 =	vadd.f32 v9, v7;
	v7 =	vsel vm6, $0x0, v9  }
0x10b: {  	s0 =	sadd.s32 $0x10, s0;
	v7 =	vshift.insert v7, v0, s21  }
0x10c: {  	s22 =	sadd.s32 $0x10, s22;
	[tilespmem:s0+$0x0] =	vst v10;
	(ifvalue) =	ssetifvalue $0xFFFFFFFF  }
0x10d: {  	[hbm4b:s1+s16] =	stream.indirect_vreg.scatter [tilespmem:s0], [sflag:$0x2], $0x1, v8, vm0, $0x4038;
	[tilespmem:$0xF030] =	vst v63  }
0x10e: {  	v3 =	vld [tilespmem:s28+$0xD570];
	_ =	sdelay $0x4  }
0x10f: {  	v3 =	vshift.insert v3, v0, s21  }
0x110: {  	s0 =	simm.s32 $0x30  }
0x111: {  	[tilespmem:s0+$0x0] =	vst.msk $0x1, v3  }
0x112: {  	v3 =	vsel vm4, $0x1, v1;
	[tilespmem:$0x90] =	vst v6  }
0x113: {  	s0 =	sadd.s32 @!p1 $0xD57F, s28;
	[tilespmem:$0xA0] =	vst v3  }
0x114: {  	[spmem:s14] =	stream.linear.scatter @!p1 [tilespmem:s0], [sflag:$0x1], $0x1, $0x38;
	[tilespmem:$0xF030] =	vst v63  }
0x115: {  	s0 =	simm.s32 @!p1 $0x1  }
0x116: {  	v3 =	vmctz.xlane @!p1 vm4;
	_ =	swait.ge @!p1 [sflag:s0], $0x1  }
0x117: {  	(v2sf) =	vpush @!p1 v4, $0x0  }
0x118: {  	(v2sf) =	vpush @!p1 v3, $0x0;
	_ =	sdelay $0xd  }
0x119: {  	s2 =	spop @!p1 (v2sf)  }
0x11a: {  	s6 =	spop @!p1 (v2sf)  }
0x11b: {  	p2 =	sne.s32 @!p1 s26, s2;
	p3 =	slt.s32 @!p1 s6, $0xF  }
0x11c: {  	[sflag:s0] =	ssyncset.done @!p1 $0x0;
	p2 =	por p2, p1;
	p3 =	por !p3, p1  }
0x11d: {  	[sflag:s0] =	ssyncadd.s32 @!p1 $0xFFFFFFFF;
	v3 =	vimm.s32 @!p2 $0xFFFFFFFF;
	s6 =	simm.s32 @p3 $0xF  }
0x11e: {  	[tilespmem:$0x80] =	vst @!p2 v3;
	s2 =	sadd.s32 @!p1 $0x90, s6  }
0x11f: {  	[spmem:s10] =	stream.linear.scatter @!p1 [tilespmem:s2], [sflag:$0x1], $0x1, $0x38;
	[tilespmem:$0xF030] =	vst v63  }
0x120: {  	_ =	swait.ge @!p1 [sflag:s0], $0x1  }
0x121: {  	[sflag:s0] =	ssyncset.done @!p1 $0x0  }
0x122: {  	s2 =	simm.s32 @!p1 $0x80;
	[sflag:s0] =	ssyncadd.s32 @!p1 $0xFFFFFFFF  }
0x123: {  	[spmem:s15] =	stream.linear.scatter @!p1 [tilespmem:s2], [sflag:$0x1], $0x1, $0x38;
	[tilespmem:$0xF030] =	vst v63  }
0x124: {  	_ =	swait.ge @!p1 [sflag:s0], $0x1  }
0x125: {  	[sflag:s0] =	ssyncset.done @!p1 $0x0  }
0x126: {  	[sflag:s0] =	ssyncadd.s32 @!p1 $0xFFFFFFFF;
	(ifvalue) =	ssetifvalue $0xFFFFFFFF;
	v3 =	vld [tilespmem:s25+$0x10];
	_ =	sdelay $0x3  }
.Ltmp12:
0x127: {  	_ = 	snop;
	(pc) =	sbr.rel .LBB3_9-.Ltmp12, $3  }
0x128: {  	_ =	sdelay $0x1  }
0x129: {  	(ifvalue) =	ssetifvalue $0xFFFFFFFF  }
0x12a: {  	[hbm4b:s1+s16] =	stream.indirect_vreg.scatter [tilespmem:s29], [sflag:$0x9], $0x1, v3, vm0, $0x4038;
	[tilespmem:$0xF030] =	vst v63  }
.LBB3_10:
0x12b: {  	_ =	sfence.sel $0x180000  }
0x12c: {  	s0 =	simm.s32 $0x7;
	[bflag:$0x0] =	sbarrier.arrive $0xFFFF  }
0x12d: {  	s26 =	simm.s32 $0x8;
	[sflag:s0] =	ssyncpa.u1 $0x1  }
0x12e: {  	s28 =	simm.s32 $0x9;
	[sflag:s26] =	ssyncpa.u1 $0x1  }
0x12f: {  	[sflag:s28] =	ssyncpa.u1 $0x1  }
0x130: {  	_ =	sfence.stream.spmem  }
0x131: {  	s29 =	simm.s32 $0x3;
	[bflag:$0x0] =	sbarrier.arrive $0xFFFF  }
0x132: {  	s30 =	simm.s32 $0x4;
	[sflag:s29] =	ssyncpa.u1 $0x1  }
0x133: {  	s31 =	simm.s32 $0x3C;
	s2 =	stileid.u32;
	[sflag:s30] =	ssyncpa.u1 $0x1  }
0x134: {  	p0 =	sne.s32 s2, $0x0;
	[sflag:s31] =	ssyncpa.u1 $0x1  }
0x135: {  	s0 =	simm.s32 @p0 $0x1;
	_ =	sfence @p0  }
0x136: {  	[sflag:s0] =	ssyncpa.u1 @p0 $0x1;
	s0 =	simm.s32 @p0 $0x2  }
0x137: {  	[sflag:s0] =	ssyncpa.u1 @p0 $0x1  }
0x138: {  	_ =	strace @p0 $0x90000050  }
0x139: {  	[bflag:$0x2] =	sbarrier.arrive @p0 $0xFFFF  }
0x13a: {  	_ =	shalt @p0  }
.LBB3_11:
0x13b: {  	_ =	sfence.stream.spmem;
	s0 =	simm.s32 $0x5  }
0x13c: {  	s2 =	simm.s32 $0x80;
	s3 =	simm.s32 $0xC0;
	[sflag:s0] =	ssyncpa.u1 $0x0  }
0x13d: {  	[tilespmem:s3], [sflag:$0x5] =	stream.linear.gather [spmem:s2], $0x20, $0x38;
	[tilespmem:$0xF030] =	vst v63  }
0x13e: {  	s2 =	simm.s32 $0x0;
	s3 =	simm.s32 $0xE0  }
0x13f: {  	[tilespmem:s3], [sflag:$0x5] =	stream.linear.gather [spmem:s2], $0x20, $0x38;
	[tilespmem:$0xF030] =	vst v63  }
.Ltmp13:
0x140: {  	_ = 	snop;
	(pc) =	sbr.rel .LBB3_12-.Ltmp13, $4  }
0x141: {  	_ =	swait.ge [sflag:s0], $0x40  }
0x142: {  	[sflag:s0] =	ssyncset.done $0x0  }
0x143: {  	s31 =	simm.s32 $0x6;
	[sflag:s0] =	ssyncadd.s32 $0xFFFFFFC0  }
0x144: {  	s4 =	simm.s32 $0x0;
	[sflag:s31] =	ssyncpa.u1 $0x0  }
.LBB3_17:
0x145: {  	p0 =	sgt.u32 s5, $0x61A7FFF  }
0x146: {  	s0 =	sshrl.u32 @!p0 s5, $0x3  }
0x147: {  	s5 =	sand.u32 @!p0 $0x7, s5;
	s6 =	simm.s32 @!p0 $0xB0;
	s0 =	sadd.s32 @!p0 s1, s0  }
0x148: {  	[tilespmem:s6], [sflag:$0x6] =	stream.linear.gather @!p0 [hbm4b:s0+s5], $0x1, $0x38;
	[tilespmem:$0xF030] =	vst v63  }
0x149: {  	s0 =	simm.s32 @!p0 $0x6  }
0x14a: {  	_ =	swait.ge @!p0 [sflag:s0], $0x1  }
0x14b: {  	[sflag:s0] =	ssyncset.done @!p0 $0x0  }
0x14c: {  	[sflag:s0] =	ssyncadd.s32 @!p0 $0xFFFFFFFF  }
0x14d: {  	v2 =	vmov @!p0 s4;
	v1 =	vld.msk @!p0 [tilespmem:$0xB0], $0x1;
	_ =	sdelay $0x3  }
0x14e: {  	s0 =	simm.s32 @!p0 $0xE0  }
0x14f: {  	[tilespmem:v2+s0+$0x0], v1 =	vst.idx.ret.add.f32.msk @!p0 $0x1, v1  }
0x150: {  	[tilespmem:s2+$0xC0] =	vst.msk $0x1, v0  }
0x151: {  	v0 =	vld.msk [tilespmem:s4+$0xE0], $0x1;
	_ =	sdelay $0x4  }
0x152: {  	[tilespmem:s2+$0xE0] =	vst.msk $0x1, v0;
	s2 =	sadd.s32 $0x1, s2  }
.LBB3_19:
0x153: {  	s4 =	sadd.s32 $0x1, s4  }
0x154: {  	p0 =	sne.s32 s4, $0x20  }
.Ltmp14:
0x155: {  	_ = 	snop;
	(pc) =	sbr.rel @!p0 .LBB3_20-.Ltmp14, $1  }
0x156: {  	_ =	sdelay $0x3  }
.LBB3_12:
0x157: {  	v0 =	vld.msk [tilespmem:s4+$0xC0], $0x1;
	_ =	sdelay $0x4  }
0x158: {  	(v2sf) =	vpush v0, $0x0;
	_ =	sdelay $0xe  }
0x159: {  	s5 =	spop (v2sf)  }
0x15a: {  	p0 =	seq.s32 s5, $0xFFFFFFFF  }
.Ltmp15:
0x15b: {  	_ = 	snop;
	(pc) =	sbr.rel @p0 .LBB3_19-.Ltmp15, $1  }
0x15c: {  	_ =	sdelay $0x3  }
0x15d: {  	p0 =	slt.s32 s2, $0x1  }
.Ltmp16:
0x15e: {  	_ = 	snop;
	(pc) =	sbr.rel @p0 .LBB3_17-.Ltmp16, $1  }
0x15f: {  	_ =	sdelay $0x3  }
0x160: {  	s0 =	simm.s32 $0xC0;
	p0 =	por $0x0, $0x0  }
0x161: {  	v1 =	vld.msk @!p0 [tilespmem:s0+$0x0], $0x1;
	_ =	sdelay $0x4  }
0x162: {  	(v2sf) =	vpush @!p0 v1, $0x0;
	_ =	sdelay $0xd  }
0x163: {  	p2 =	sne.s32 s2, $0x1  }
.Ltmp17:
0x164: {  	s6 =	spop @!p0 (v2sf);
	(pc) =	sbr.rel @!p2 .LBB3_16-.Ltmp17, $4  }
0x165: {  	p1 =	seq.s32 @!p0 s5, s6  }
0x166: {  	s6 =	simm.s32 $0x0;
	p1 =	por !p1, p0  }
0x167: {  	s8 =	simm.s32 $0xFFFFFFFF;
	s6 =	simm.s32 @p1 $0xFFFFFFFF  }
0x168: {  	s7 =	simm.s32 $0x1;
	s6 =	smov.u32 @p0 s8  }
.LBB3_15:
0x169: {  	s8 =	smov.u32 s6;
	p0 =	sne.s32 s6, $0xFFFFFFFF  }
0x16a: {  	s0 =	sadd.s32 $0x1, s0;
	s6 =	smov.u32 s7;
	s7 =	sadd.s32 $0x1, s7  }
0x16b: {  	p1 =	sne.s32 s2, s7;
	v1 =	vld.msk @!p0 [tilespmem:s0+$0x0], $0x1;
	_ =	sdelay $0x4  }
0x16c: {  	(v2sf) =	vpush @!p0 v1, $0x0;
	_ =	sdelay $0xe  }
.Ltmp18:
0x16d: {  	s9 =	spop @!p0 (v2sf);
	(pc) =	sbr.rel @p1 .LBB3_15-.Ltmp18, $4  }
0x16e: {  	p2 =	seq.s32 @!p0 s5, s9  }
0x16f: {  	p2 =	por !p2, p0  }
0x170: {  	s6 =	simm.s32 @p2 $0xFFFFFFFF  }
0x171: {  	s6 =	smov.u32 @p0 s8  }
.LBB3_16:
0x172: {  	p0 =	sne.s32 s6, $0xFFFFFFFF  }
.Ltmp19:
0x173: {  	_ = 	snop;
	(pc) =	sbr.rel @!p0 .LBB3_17-.Ltmp19, $1  }
0x174: {  	_ =	sdelay $0x3  }
0x175: {  	v0 =	vld.msk [tilespmem:s4+$0xE0], $0x1;
	v1 =	vmov s6  }
.Ltmp20:
0x176: {  	_ = 	snop;
	(pc) =	sbr.rel .LBB3_19-.Ltmp20, $2  }
0x177: {  	_ =	sdelay $0x2  }
0x178: {  	[tilespmem:v1+s3+$0x0], v0 =	vst.idx.ret.add.f32.msk $0x1, v0  }
.LBB3_20:
0x179: {  	p0 =	slt.s32 s2, $0x1  }
.Ltmp21:
0x17a: {  	_ = 	snop;
	(pc) =	sbr.rel @p0 .LBB3_24-.Ltmp21, $3  }
0x17b: {  	_ =	sdelay $0x1  }
0x17c: {  	s0 =	simm.s32 $0x6  }
0x17d: {  	s3 =	simm.s32 $0x0;
	[sflag:s0] =	ssyncpa.u1 $0x1  }
0x17e: {  	s0 =	simm.s32 $0xC0  }
0x17f: {  	v0 =	vld.msk [tilespmem:s0+$0x0], $0x1;
	_ =	sdelay $0x4  }
0x180: {  	(v2sf) =	vpush v0, $0x0;
	_ =	sdelay $0xe  }
0x181: {  	s2 =	sadd.s32 $0xFFFFFFFF, s2;
	s4 =	spop (v2sf)  }
0x182: {  	p1 =	sne.s32 s2, $0x0;
	p0 =	sgt.u32 s4, $0x61A7FFF  }
.Ltmp22:
0x183: {  	s5 =	sshrl.u32 @!p0 s4, $0x3;
	(pc) =	sbr.rel @!p1 .LBB3_23-.Ltmp22, $4  }
0x184: {  	s0 =	simm.s32 $0xE0;
	s4 =	sand.u32 @!p0 $0x7, s4;
	s5 =	sadd.s32 @!p0 s1, s5  }
0x185: {  	[hbm4b:s5+s4] =	stream.linear.scatter @!p0 [tilespmem:s0], [sflag:$0x5], $0x1, $0x38;
	[tilespmem:$0xF030] =	vst v63  }
0x186: {  	s5 =	simm.s32 $0x0  }
0x187: {  	s4 =	simm.s32 $0xC1;
	s5 =	simm.s32 @!p0 $0x4  }
.LBB3_22:
0x188: {  	v0 =	vld.msk [tilespmem:s4+$0x0], $0x1;
	s2 =	sadd.s32 $0xFFFFFFFF, s2;
	s3 =	sadd.s32 s3, s5  }
0x189: {  	p0 =	sne.s32 s2, $0x0;
	_ =	sdelay $0x3  }
0x18a: {  	(v2sf) =	vpush v0, $0x0;
	_ =	sdelay $0xe  }
.Ltmp23:
0x18b: {  	s6 =	spop (v2sf);
	(pc) =	sbr.rel @p0 .LBB3_22-.Ltmp23, $4  }
0x18c: {  	s5 =	simm.s32 $0x0;
	p1 =	sgt.u32 s6, $0x61A7FFF  }
0x18d: {  	s0 =	sadd.s32 $0x1, s0;
	s5 =	simm.s32 @!p1 $0x4;
	s7 =	sshrl.u32 @!p1 s6, $0x3  }
0x18e: {  	s4 =	sadd.s32 $0x1, s4;
	s6 =	sand.u32 @!p1 $0x7, s6;
	s7 =	sadd.s32 @!p1 s1, s7  }
0x18f: {  	[hbm4b:s7+s6] =	stream.linear.scatter @!p1 [tilespmem:s0], [sflag:$0x5], $0x1, $0x38;
	[tilespmem:$0xF030] =	vst v63  }
.LBB3_23:
0x190: {  	s0 =	sadd.s32 s3, s5  }
0x191: {  	s3 =	sshrl.u32 s0, $0x2  }
.LBB3_24:
0x192: {  	s0 =	simm.s32 $0x5  }
0x193: {  	_ =	swait.ge [sflag:s0], s3  }
0x194: {  	s1 =	ssub.s32 $0x0, s3;
	[sflag:s0] =	ssyncset.done $0x0  }
0x195: {  	[sflag:s0] =	ssyncadd.s32 s1  }
0x196: {  	[sflag:s0] =	ssyncpa.u1 $0x1  }
0x197: {  	s29 =	simm.s32 $0x1;
	_ =	sfence  }
0x198: {  	s30 =	simm.s32 $0x2;
	[sflag:s29] =	ssyncpa.u1 $0x1  }
0x199: {  	[sflag:s30] =	ssyncpa.u1 $0x1  }
0x19a: {  	_ =	strace $0x90000050  }
0x19b: {  	[bflag:$0x2] =	sbarrier.arrive $0xFFFF  }
0x19c: {  	s31 =	rddreg [dreg:$0x1]  }
0x19d: {  	s0 =	sadd.s32 $0x100000, s31  }
0x19e: {  	[sflag:s0] =	ssyncadd.tile.s32 $0x1;
	_ =	shalt  }
.Lfunc_end3:
_tile_overlayer_lowered:
.L_overlay_start_3:
0x19f: {  	(tag) =	ssettag $0x3  }
0x1a0: {  	s0 =	rddreg [dreg:$0x0];
	s2 =	stileid.u32  }
0x1a1: {  	s1 =	rddreg [dreg:$0x1];
	p0 =	sne.s32 s2, $0x0  }
0x1a2: {  	s3 =	rddreg [dreg:$0x2];
	[bflag:$0x3] =	sbarrier.arrive $0xFFFF;
	s2 =	simm.s32 @!p0 $0x1C01  }
0x1a3: {  	[timem:s3], [sflag:s2] =	dma.local @!p0 [hbm:s0], s1  }
0x1a4: {  	s0 =	simm.s32 @!p0 $0x1  }
0x1a5: {  	_ =	swait.ge @!p0 [sflag:s0], s1  }
0x1a6: {  	s1 =	ssub.s32 @!p0 $0x0, s1;
	[sflag:s0] =	ssyncset.done @!p0 $0x0  }
0x1a7: {  	[sflag:s0] =	ssyncadd.s32 @!p0 s1  }
0x1a8: {  	[bflag:$0x3] =	sbarrier.arrive $0xFFFF  }
0x1a9: {  	_ =	shalt  }

// kernel: scatter_offload_async_start.6
scs
__scs_entry_jumppad:
0x0: {  	(pc) =	sbr.rel $0x88, $3  }
0x1: {  	(tag) =	ssettag $0x0;
	lr =	simm.s32 $0x1  }
0x2: {  	[smem:$0x3F97] =	sst lr;
	_ =	strace $0xD0000000  }
0x3: {  	_ = 	snop  }
0x4: {  	_ = 	snop  }
0x5: {  	_ = 	snop  }
0x6: {  	_ = 	snop  }
0x7: {  	_ = 	snop  }
__scs_overlays_trampoline_lowered:
0x8: {  	[smem:$0x3FA6] =	sst s0  }
0x9: {  	[smem:$0x3FA7] =	sst s1  }
0xa: {  	[smem:$0x3FA8] =	sst s2  }
0xb: {  	[smem:$0x3FA9] =	sst s3  }
0xc: {  	[smem:$0x3FAA] =	sst s4  }
0xd: {  	[smem:$0x3FAB] =	sst s5  }
0xe: {  	[smem:$0x3FAC] =	sst s6  }
0xf: {  	[smem:$0x3FAD] =	sst s7  }
0x10: {  	[smem:$0x3FAE] =	sst s8  }
0x11: {  	[smem:$0x3FAF] =	sst s9;
	s0 =	simm.s32 @!p0 $0x0  }
0x12: {  	s1 =	sld [smem:$0x3F95];
	s0 =	simm.s32 @p0 $0x1  }
0x13: {  	[smem:$0x3FB0] =	sst s0;
	s0 =	simm.s32 @!p1 $0x0  }
0x14: {  	s2 =	sld [smem:$0x3F94];
	s0 =	simm.s32 @p1 $0x1  }
0x15: {  	[smem:$0x3FB1] =	sst s0;
	s0 =	simm.s32 @!p2 $0x0  }
0x16: {  	s3 =	sld [smem:$0x3FDB];
	s0 =	simm.s32 @p2 $0x1  }
0x17: {  	s4 =	simm.s32 $0x1BF5;
	[smem:$0x3FB3] =	sst s0  }
0x18: {  	s0 =	sld [smem:$0x3F96];
	_ =	swait.ge [sflag:s4], $0x0  }
0x19: {  	s7 =	sld [smem:$0x3F97]  }
0x1a: {  	s8 =	sadd.s32 $0xFFFFE003, lr  }
0x1b: {  	s9 =	sadd.s32 $0xFFFFFEF7, lr;
	s5 =	simm.s32 $0xFFFFFFFF;
	p2 =	slt.u32 s8, $0xFFFFF086  }
0x1c: {  	p1 =	slt.u32 s9, $0xF7A;
	s5 =	simm.s32 @!p2 $0x0  }
0x1d: {  	s5 =	simm.s32 @p1 $0x1;
	p0 =	seq.s32 s7, s2  }
0x1e: {  	s7 =	smul.u32 @!p0 $0xF7A, s2;
	p2 =	seq.s32 @!p0 s5, $0x0  }
0x1f: {  	s9 =	smul.u32 $0xF7A, s1;
	s8 =	simm.s32 @!p0 $0x1BF5;
	p2 =	por !p2, p0  }
0x20: {  	[sflag:s8] =	ssyncset.s32 @!p0 $0xFFFFF086;
	s6 =	sadd.s32 @!p0 s3, s7;
	s7 =	simm.s32 @!p0 $0x108  }
0x21: {  	s3 =	sadd.s32 s3, s9;
	s6 =	sadd.s32 @!p0 $0x88, s6;
	s7 =	simm.s32 @p2 $0x1082  }
0x22: {  	[simem:s7], [sflag:s8] =	dma.local @!p0 [hbm:s6], $0xF7A  }
0x23: {  	s9 =	sor.u32 $0xD0000000, s2;
	s6 =	simm.s32 $0x108;
	_ =	swait.ge @!p0 [sflag:s8], $0x0  }
0x24: {  	s3 =	sadd.s32 $0x88, s3;
	s6 =	simm.s32 @!p1 $0x1082;
	[sflag:s4] =	ssyncset.s32 $0xFFFFF086  }
0x25: {  	[simem:s6], [sflag:s4] =	dma.local [hbm:s3], $0xF7A  }
0x26: {  	[smem:$0x3F97] =	sst s1;
	(tag) =	ssettag s2;
	_ =	strace s9  }
0x27: {  	s1 =	sld [smem:$0x3FA7]  }
0x28: {  	s2 =	sld [smem:$0x3FA8]  }
0x29: {  	s4 =	sld [smem:$0x3FAA]  }
0x2a: {  	p0 =	seq.s32 s5, $0x0;
	s5 =	sld [smem:$0x3FAB]  }
0x2b: {  	s6 =	sld [smem:$0x3FAC]  }
0x2c: {  	s7 =	sld [smem:$0x3FAD]  }
0x2d: {  	s3 =	simm.s32 $0x108;
	s8 =	sld [smem:$0x3FAE]  }
0x2e: {  	s3 =	simm.s32 @!p0 $0x1082;
	s9 =	sld [smem:$0x3FAF]  }
0x2f: {  	lr =	sadd.s32 s0, s3;
	s0 =	sld [smem:$0x3FA6]  }
0x30: {  	s3 =	sld [smem:$0x3FA9]  }
0x31: {  	[smem:$0x3FB2] =	sst s10  }
0x32: {  	s10 =	sld [smem:$0x3FB0];
	_ =	sdelay $0x3  }
0x33: {  	p0 =	seq.s32 s10, $0x1;
	s10 =	sld [smem:$0x3FB2];
	_ =	sdelay $0x3  }
0x34: {  	[smem:$0x3FB2] =	sst s10  }
0x35: {  	s10 =	sld [smem:$0x3FB1];
	_ =	sdelay $0x3  }
0x36: {  	p1 =	seq.s32 s10, $0x1;
	s10 =	sld [smem:$0x3FB2];
	_ =	sdelay $0x3  }
0x37: {  	[smem:$0x3FB2] =	sst s10  }
0x38: {  	s10 =	sld [smem:$0x3FB3]  }
0x39: {  	_ = 	snop;
	(pc) =	sbr.ind lr, $3  }
0x3a: {  	_ = 	snop  }
0x3b: {  	_ = 	snop  }
0x3c: {  	p2 =	seq.s32 s10, $0x1;
	s10 =	sld [smem:$0x3FB2]  }
0x3d: {  	_ =	shalt  }
0x3e: {  	_ =	shalt  }
0x3f: {  	_ =	shalt  }
0x40: {  	_ =	shalt  }
0x41: {  	_ =	shalt  }
0x42: {  	_ =	shalt  }
0x43: {  	_ =	shalt  }
0x44: {  	_ =	shalt  }
0x45: {  	_ =	shalt  }
0x46: {  	_ =	shalt  }
0x47: {  	_ =	shalt  }
0x48: {  	_ =	shalt  }
0x49: {  	_ =	shalt  }
0x4a: {  	_ =	shalt  }
0x4b: {  	_ =	shalt  }
0x4c: {  	_ =	shalt  }
0x4d: {  	_ =	shalt  }
0x4e: {  	_ =	shalt  }
0x4f: {  	_ =	shalt  }
0x50: {  	_ =	shalt  }
0x51: {  	_ =	shalt  }
0x52: {  	_ =	shalt  }
0x53: {  	_ =	shalt  }
0x54: {  	_ =	shalt  }
0x55: {  	_ =	shalt  }
0x56: {  	_ =	shalt  }
0x57: {  	_ =	shalt  }
0x58: {  	_ =	shalt  }
0x59: {  	_ =	shalt  }
0x5a: {  	_ =	shalt  }
0x5b: {  	_ =	shalt  }
0x5c: {  	_ =	shalt  }
0x5d: {  	_ =	shalt  }
0x5e: {  	_ =	shalt  }
0x5f: {  	_ =	shalt  }
0x60: {  	_ =	shalt  }
0x61: {  	_ =	shalt  }
0x62: {  	_ =	shalt  }
0x63: {  	_ =	shalt  }
0x64: {  	_ =	shalt  }
0x65: {  	_ =	shalt  }
0x66: {  	_ =	shalt  }
0x67: {  	_ =	shalt  }
0x68: {  	_ =	shalt  }
0x69: {  	_ =	shalt  }
0x6a: {  	_ =	shalt  }
0x6b: {  	_ =	shalt  }
0x6c: {  	_ =	shalt  }
0x6d: {  	_ =	shalt  }
0x6e: {  	_ =	shalt  }
0x6f: {  	_ =	shalt  }
0x70: {  	_ =	shalt  }
0x71: {  	_ =	shalt  }
0x72: {  	_ =	shalt  }
0x73: {  	_ =	shalt  }
0x74: {  	_ =	shalt  }
0x75: {  	_ =	shalt  }
0x76: {  	_ =	shalt  }
0x77: {  	_ =	shalt  }
0x78: {  	_ =	shalt  }
0x79: {  	_ =	shalt  }
0x7a: {  	_ =	shalt  }
0x7b: {  	_ =	shalt  }
0x7c: {  	_ =	shalt  }
0x7d: {  	_ =	shalt  }
0x7e: {  	_ =	shalt  }
0x7f: {  	_ =	shalt  }
0x80: {  	_ =	shalt  }
0x81: {  	_ =	shalt  }
0x82: {  	_ =	shalt  }
0x83: {  	_ =	shalt  }
0x84: {  	_ =	shalt  }
0x85: {  	_ =	shalt  }
0x86: {  	_ =	shalt  }
0x87: {  	_ =	shalt  }
.Lfunc_end0:
.L_simem_size_0:
called_computation.6_lowered:
.L_overlay_start_0:
0x88: {  	s0 =	sld [smem:$0x3FD9]  }
0x89: {  	s1 =	sld [smem:$0x3FFE];
	_ =	sdelay $0x3  }
0x8a: {  	s0 =	sadd.s32 s1, s0  }
0x8b: {  	[smem:$0x3FBE] =	sst s0  }
0x8c: {  	_ = 	snop  }
0x8d: {  	(tm) =	ssettm $0x1  }
0x8e: {  	s15 =	sld [smem:$0x3FFB];
	_ =	sdelay $0x3  }
0x8f: {  	_ =	strace s15  }
0x90: {  	s0 =	sld [smem:$0x3FFC];
	_ =	sdelay $0x3  }
0x91: {  	_ =	strace s0  }
0x92: {  	s0 =	sld [smem:$0x3FFD];
	_ =	sdelay $0x3  }
0x93: {  	_ =	strace s0  }
0x94: {  	_ =	strace $0x8FFFFFFF  }
0x95: {  	s16 =	sld [smem:$0x3FDB];
	_ =	sdelay $0x1  }
0x96: {  	s17 =	simm.s32 $_scs_section_size  }
0x97: {  	s2 =	simm.s32 $_size__tile_overlayer_lowered;
	s3 =	simm.s32 $_tile_overlayer_lowered  }
0x98: {  	s20 =	simm.s32 $0x1BFF;
	s19 =	sshll.u32 s3, $0x1;
	s0 =	sadd.s32 s17, s16  }
0x99: {  	s4 =	simm.s32 $0x0;
	s18 =	sshll.u32 s2, $0x1;
	s2 =	sadd.s32 s19, s0  }
0x9a: {  	[timem:s4], [sflag:s20] =	dma.local [hbm:s2], s18  }
0x9b: {  	_ =	swait.ge [sflag:s20], s18  }
0x9c: {  	s1 =	ssub.s32 $0x0, s18;
	[sflag:s20] =	ssyncset.done $0x0  }
0x9d: {  	[sflag:s20] =	ssyncadd.s32 s1;
	_ =	sdelay $0x1  }
0x9e: {  	s21 =	simm.s32 $0x1B8B  }
0x9f: {  	_ =	swait.ge [sflag:s21], $0x1  }
0xa0: {  	[sflag:s21] =	ssyncset.done $0x0  }
0xa1: {  	s23 =	simm.s32 $0x1B8E;
	s22 =	sld [smem:$0x3FFE];
	[sflag:s21] =	ssyncadd.s32 $0xFFFFFFFF  }
0xa2: {  	s24 =	simm.s32 $execute0_lowered;
	[smem:$0x3FD2] =	sst s23  }
0xa3: {  	s2 =	sshll.u32 s24, $0x1;
	_ =	strace $0x80000067;
	[dreg:$0x1] =	wrdreg $0xFFFFFFFF  }
0xa4: {  	s25 =	simm.s32 $_size_execute0_lowered;
	s0 =	sadd.s32 s0, s2;
	[dreg:$0x0] =	wrdreg $0x0  }
0xa5: {  	s2 =	sshll.u32 s25, $0x1;
	[dreg:$0x2] =	wrdreg s0  }
0xa6: {  	[dreg:$0x3] =	wrdreg s2  }
0xa7: {  	[dreg:$0x4] =	wrdreg $0xC0  }
0xa8: {  	_ =	task [dreg:s4], $0x5FFFF  }
0xa9: {  	[dreg:$0x1] =	wrdreg $0xFFFFFFFF  }
0xaa: {  	[dreg:$0x0] =	wrdreg $0x60  }
0xab: {  	[dreg:$0x2] =	wrdreg s22  }
0xac: {  	[dreg:$0x3] =	wrdreg $0x9  }
0xad: {  	_ =	task.clear_ibuf [dreg:s4], $0x4FFFF;
	_ =	strace $0x90000067  }
0xae: {  	s26 =	simm.s32 $0x9;
	_ =	strace $0x80000069  }
0xaf: {  	_ =	swait.ge [sflag:s26], $0x1  }
0xb0: {  	[sflag:s26] =	ssyncadd.s32 $0xFFFFFFFF  }
0xb1: {  	_ =	strace $0x90000069  }
0xb2: {  	_ =	sfence  }
0xb3: {  	s28 =	sld [smem:$0x0];
	_ =	sdelay $0x1  }
0xb4: {  	s29 =	srdreg.scid  }
0xb5: {  	s30 =	sshll.u32 s29, $0xD;
	s31 =	sshrl.u32 s29, $0x2  }
0xb6: {  	s1 =	sand.u32 $0x1, s29;
	s2 =	sand.u32 $0x4000, s30;
	s0 =	sadd.s32 s31, s28  }
0xb7: {  	s1 =	sor.u32 s2, s1;
	s0 =	sshll.u32 s0, $0x11  }
0xb8: {  	s0 =	sor.u32 s0, s1  }
0xb9: {  	s0 =	sadd.s32 $0x8F2B, s0  }
0xba: {  	[sflag:s0] =	ssyncadd.remote.s32 $0x1  }
0xbb: {  	_ =	sfence.sel $0xFFFF  }
0xbc: {  	[dreg:$0x0] =	wrdreg $0xFFFFFFFF;
	(pc) =	sbr.abs _section_cstart, $3  }
0xbd: {  	[dreg:$0x1] =	wrdreg $0xFFFFFFFF  }
0xbe: {  	_ =	task.clear_ibuf [dreg:s4], $0x2FFFF;
	_ =	strace $0x9FFFFFFF  }
0xbf: {  	(tm) =	ssettm $0x7FFFFFFF  }
tec
execute0_lowered:
.L_overlay_start_1:
0x0: {  	(tag) =	ssettag $0x1  }
0x1: {  	s0 =	rddreg [dreg:$0x0]  }
0x2: {  	s6 =	stileid.u32;
	_ =	strace $0x80000068;
	s2 =	simm.s32 $0x1  }
0x3: {  	v1 =	vimm.s32 $0xFFFFFFFF;
	s1 =	smin.u32 s6, $0x9;
	[sflag:s2] =	ssyncpa.u1 $0x0  }
0x4: {  	s1 =	sadd.s32 s6, s1;
	[tilespmem:$0x10] =	vst v1  }
0x5: {  	v0 =	vimm.f32 $0.0e+00;
	p0 =	slt.u32 s6, $0x9;
	[tilespmem:$0x20] =	vst v1;
	s3 =	smul.u32 $0x1A90, s1;
	s1 =	simm.s32 $0x3520  }
0x6: {  	[tilespmem:$0x30] =	vst v0;
	s1 =	simm.s32 @!p0 $0x1A90  }
0x7: {  	[tilespmem:$0x40] =	vst v0;
	s1 =	sadd.s32 s1, s3  }
0x8: {  	[tilespmem:$0x50] =	vst v0;
	s4 =	smin.u32 s1, $0x29810  }
0x9: {  	s7 =	simm.s32 $0x2;
	[tilespmem:$0x60] =	vst v1;
	s9 =	ssub.s32 s4, s3  }
0xa: {  	s8 =	simm.s32 $0x8;
	s31 =	simm.s32 $0x9;
	[tilespmem:$0x70] =	vst v1;
	p0 =	sgt.s32 s9, $0x0  }
0xb: {  	s16 =	simm.s32 $0x0;
	s17 =	simm.s32 $0xF0;
	[tilespmem:$0x80] =	vst v1;
	s9 =	simm.s32 @!p0 $0x0  }
0xc: {  	s18 =	simm.s32 $0xFFFFFFFF;
	s19 =	simm.s32 $0xFFFFCBE0;
	v1 =	vimm.s32 $0x0;
	[tilespmem:$0xB0] =	vst v0;
	s5 =	smulhi.u32 $0x134679AD, s9  }
0xd: {  	s20 =	simm.s32 $0xFFFFFFFE;
	s21 =	simm.s32 $0xF;
	s25 =	simm.s32 $0x0;
	[tilespmem:$0x90] =	vst v1  }
0xe: {  	[tilespmem:$0xA0] =	vst v1;
	[sflag:s7] =	ssyncpa.u1 $0x0;
	s7 =	simm.s32 $0x7;
	s10 =	sshrl.u32 s5, $0x9  }
0xf: {  	s24 =	simm.s32 $0x0;
	[sflag:s7] =	ssyncpa.u1 $0x0;
	s11 =	smul.u32 $0x1A90, s10  }
0x10: {  	s14 =	sshllo.u32 s6, $0x1;
	[sflag:s8] =	ssyncpa.u1 $0x0;
	s23 =	smov.u32 s3  }
.Ltmp0:
0x11: {  	s1 =	sadd.s32 $0x54B600, s0;
	p0 =	sne.s32 s9, s11;
	(pc) =	sbr.rel .LBB2_1-.Ltmp0, $4  }
0x12: {  	s5 =	sadd.s32 $0x52BE00, s0;
	s0 =	sadd.s32 $0x531200, s0;
	s2 =	simm.s32 @!p0 $0x0  }
0x13: {  	[sflag:s31] =	ssyncpa.u1 $0x0;
	[dreg:$0x2] =	wrdreg s0;
	s9 =	sadd.s32 s2, s10  }
0x14: {  	vm0 =	vmmov $0xffff;
	v2 =	vlaneseq.u32;
	p0 =	por $0x0, $0x0;
	s10 =	sshll.u32 s6, $0x1;
	s11 =	sadd.s32 $0x1, s9  }
0x15: {  	vm1 =	vmxor vm1, vm1;
	vm2 =	vmmov $0x1;
	vm3 =	vcmask $0x3F3C;
	s12 =	sadd.s32 $0x2, s9;
	s13 =	sor.u32 $0x81, s10;
	s15 =	sor.u32 $0x80, s10  }
.LBB2_9:
0x16: {  	p1 =	slt.u32 s24, $0x3  }
0x17: {  	s0 =	simm.s32 @!p1 $0x2  }
0x18: {  	_ =	swait.ge @!p1 [sflag:s0], $0x1A90  }
0x19: {  	[sflag:s0] =	ssyncset.done @!p1 $0x0  }
0x1a: {  	[sflag:s0] =	ssyncadd.s32 @!p1 $0xFFFFE570;
	s0 =	simm.s32 @!p1 $0x9  }
0x1b: {  	_ =	swait.ge @!p1 [sflag:s0], $0x10  }
0x1c: {  	[sflag:s0] =	ssyncset.done @!p1 $0x0  }
0x1d: {  	[sflag:s0] =	ssyncadd.s32 @!p1 $0xFFFFFFF0;
	p1 =	sne.s32 s24, s12  }
.Ltmp1:
0x1e: {  	s2 =	sadd.s32 $0x1A90, s23;
	(pc) =	sbr.rel @!p1 .LBB2_10-.Ltmp1, $4  }
0x1f: {  	s6 =	smov.u32 s3;
	s31 =	sadd.s32 $0x1, s24;
	s17 =	sadd.s32 $0x1A90, s17  }
0x20: {  	s18 =	sadd.s32 $0x1, s18;
	s25 =	smov.u32 s23;
	p2 =	slt.s32 s2, s4  }
0x21: {  	p0 =	por !p0, !p0;
	s19 =	sadd.s32 $0x1A90, s19;
	s6 =	smov.u32 @p2 s2  }
0x22: {  	s20 =	sadd.s32 $0x1, s20;
	s23 =	smov.u32 s6;
	s24 =	smov.u32 s31  }
.LBB2_1:
0x23: {  	p1 =	sge.u32 s24, s9  }
0x24: {  	s0 =	smulhi.u32 @!p1 $0xAAAAAAAB, s24;
	_ =	sdelay $0x1  }
0x25: {  	s0 =	sshrl.u32 @!p1 s0, $0x1  }
0x26: {  	s0 =	smul.u32 @!p1 $0x3, s0;
	_ =	sdelay $0x1  }
0x27: {  	s0 =	ssub.s32 @!p1 s24, s0  }
0x28: {  	s0 =	smul.u32 @!p1 $0x6A40, s0;
	_ =	sdelay $0x1  }
0x29: {  	s2 =	sshrl.u32 @!p1 s23, $0x3;
	s0 =	sshrl.u32 @!p1 s0, $0x2  }
0x2a: {  	s22 =	sand.u32 @!p1 $0x7, s23;
	s2 =	sadd.s32 @!p1 s5, s2;
	s0 =	sadd.s32 @!p1 $0x100, s0  }
0x2b: {  	[tilespmem:s0], [sflag:$0x7] =	stream.linear.gather @!p1 [hbm4b:s2+s22], $0x1A90, $0x38;
	[tilespmem:$0xF030] =	vst v63  }
0x2c: {  	s0 =	sadd.s32 $0xFFFFFFFF, s24  }
0x2d: {  	p1 =	sge.u32 s0, s9  }
.Ltmp2:
0x2e: {  	_ = 	snop;
	(pc) =	sbr.rel @p1 .LBB2_5-.Ltmp2, $1  }
0x2f: {  	_ =	sdelay $0x3  }
0x30: {  	s2 =	smulhi.u32 $0xAAAAAAAB, s0;
	_ =	sdelay $0x1  }
0x31: {  	s2 =	sshrl.u32 s2, $0x1  }
0x32: {  	s2 =	smul.u32 $0x3, s2;
	_ =	sdelay $0x1  }
0x33: {  	s2 =	ssub.s32 s0, s2  }
0x34: {  	s2 =	smul.u32 $0x6A40, s2  }
0x35: {  	_ =	swait.ge [sflag:s7], $0x1A90  }
0x36: {  	[sflag:s7] =	ssyncset.done $0x0;
	s2 =	sshrl.u32 s2, $0x2  }
0x37: {  	[sflag:s7] =	ssyncadd.s32 $0xFFFFE570;
	(ifvalue) =	ssetifvalue $0xFFFFFFFF;
	v3 =	vld.msk [tilespmem:s2+$0x100 ss:$0x1], $0xffff;
	_ =	sdelay $0x2  }
0x38: {  	s30 =	smulhi.u32 $0xAAAAAAAB, s18;
	p1 =	sne.s32 s24, $0x1  }
0x39: {  	v4 =	vimm.s32 @!p1 $0x0  }
0x3a: {  	s2 =	sshrl.u32 s30, $0x1;
	v4 =	vperm.xlane @!p1 v3, v4  }
0x3b: {  	s22 =	sshll.u32 s24, $0x4;
	s2 =	smul.u32 $0xFFFEC140, s2;
	vm4 =	vlt.u32 v3, $0x61A8000  }
0x3c: {  	s22 =	sand.u32 $0x10, s22;
	v3 =	vnsel vm4, $0xFFFFFFFE, v3;
	vm4 =	vlt.u32 @!p1 v4, $0x61A8000  }
0x3d: {  	s2 =	sshra.s32 s2, $0x2;
	[tilespmem:s22+$0x60] =	vst v3;
	v3 =	vnsel @!p1 vm4, $0xFFFFFFFE, v4  }
0x3e: {  	s28 =	sadd.s32 s2, s17;
	[tilespmem:$0x80] =	vst @!p1 v3  }
0x3f: {  	v3 =	vld.msk [tilespmem:s28+$0x0 ss:$0x1], $0xffff;
	_ =	sdelay $0x4  }
0x40: {  	(xrf1) =	vunique.msk.u32 $0xffff, v3;
	_ =	sdelay $0xd  }
0x41: {  	v4 =	vimm.s32 $0xFFFFFFFF;
	v5, _, _ =	vpop (xrf1)  }
0x42: {  	vm5 =	vne.s32 v3, v4;
	vm4 =	veq.s32 v5, v2  }
0x43: {  	vm6 =	vlt.u32 v3, $0x61A8000;
	vm4 =	vmand vm5, vm4  }
0x44: {  	vm4 =	vmand vm6, vm4  }
0x45: {  	v4 =	vnsel vm4, $0xFFFFFFFF, v3  }
0x46: {  	s31 =	sand.u32 $0x1, s0  }
0x47: {  	s0 =	simm.s32 $0x1A90;
	p1 =	seq.s32 s31, $0x1  }
0x48: {  	s0 =	simm.s32 @!p1 $0x0  }
0x49: {  	s26 =	sadd.s32 $0x6B30, s0;
	(ifvalue) =	ssetifvalue $0xFFFFFFFF  }
0x4a: {  	v3 =	vperm.xlane v3, v1;
	[tilespmem:s26], [sflag:$0x8] =	stream.indirect_vreg.gather [hbm4b:s1+s16], $0x1, v4, vm0, $0x4038;
	v4 =	vnsel vm6, $0xFFFFFFFE, v4;
	[tilespmem:$0xF030] =	vst v63  }
0x4b: {  	s2 =	simm.s32 $0x0;
	s22 =	sadd.s32 $0xFFFFFFF0, s28;
	[tilespmem:s28+$0x0] =	vst v4  }
.LBB2_3:
0x4c: {  	v4 =	vld.msk [tilespmem:s22+$0x0 ss:$0x1], $0xffff;
	s2 =	sadd.s32 $0x10, s2;
	v5 =	vmov v3;
	s28 =	smov.u32 s22  }
0x4d: {  	p1 =	slt.u32 s2, $0x1A80;
	_ =	sdelay $0x4  }
0x4e: {  	v3 =	vperm.xlane v4, v1;
	(xrf1) =	vunique.msk.u32 $0xffff, v4;
	_ =	sdelay $0xd  }
0x4f: {  	v6, _, _ =	vpop (xrf1)  }
0x50: {  	vm5 =	vne.s32 v4, v5;
	vm4 =	veq.s32 v6, v2  }
0x51: {  	vm6 =	vlt.u32 v4, $0x61A8000;
	vm4 =	vmand vm5, vm4  }
0x52: {  	vm4 =	vmand vm6, vm4  }
0x53: {  	v4 =	vnsel vm4, $0xFFFFFFFF, v4  }
.Ltmp3:
0x54: {  	v5 =	vnsel vm6, $0xFFFFFFFE, v4;
	(pc) =	sbr.rel @p1 .LBB2_3-.Ltmp3, $3  }
0x55: {  	_ =	sdelay $0x1  }
0x56: {  	s22 =	sadd.s32 $0xFFFFFFF0, s22;
	s26 =	sadd.s32 $0xFFFFFFF0, s26;
	(ifvalue) =	ssetifvalue $0xFFFFFFFF  }
0x57: {  	[tilespmem:s26], [sflag:$0x8] =	stream.indirect_vreg.gather [hbm4b:s1+s16], $0x1, v4, vm0, $0x4038;
	[tilespmem:s28+$0x0] =	vst v5  }
0x58: {  	s2 =	sshrl.u32 s25, $0x3;
	s6 =	rddreg [dreg:$0x2]  }
0x59: {  	s0 =	sadd.s32 $0x85D0, s0;
	s2 =	sadd.s32 s6, s2  }
0x5a: {  	[tilespmem:s0], [sflag:$0x8] =	stream.linear.gather [hbm:s2], $0x1A90, $0x38;
	[tilespmem:$0xF030] =	vst v63  }
.LBB2_5:
0x5b: {  	p1 =	slt.u32 s24, $0x2  }
0x5c: {  	p2 =	sge.u32 @!p1 s24, s12  }
0x5d: {  	p1 =	por p1, p2  }
.Ltmp4:
0x5e: {  	_ = 	snop;
	(pc) =	sbr.rel @p1 .LBB2_9-.Ltmp4, $1  }
0x5f: {  	_ =	sdelay $0x3  }
0x60: {  	s0 =	sadd.s32 $0xFFFFFFFE, s24  }
0x61: {  	s2 =	smulhi.u32 $0xAAAAAAAB, s0;
	_ =	sdelay $0x1  }
0x62: {  	s2 =	sshrl.u32 s2, $0x1  }
0x63: {  	s2 =	smul.u32 $0x3, s2;
	_ =	sdelay $0x1  }
0x64: {  	s0 =	ssub.s32 s0, s2  }
0x65: {  	_ =	swait.ge [sflag:s8], $0x3520;
	s0 =	smul.u32 $0x1A90, s0  }
0x66: {  	p1 =	sne.s32 s24, s11;
	[sflag:s8] =	ssyncset.done $0x0  }
0x67: {  	[sflag:s8] =	ssyncadd.s32 $0xFFFFCAE0;
	s2 =	sadd.s32 @!p1 $0x1B8F, s0  }
0x68: {  	[spmem:s13] =	stream.linear.scatter @!p1 [tilespmem:s2], [sflag:$0x1], $0x1, $0x38;
	[tilespmem:$0xF030] =	vst v63  }
0x69: {  	s2 =	simm.s32 @!p1 $0x1  }
0x6a: {  	_ =	swait.ge @!p1 [sflag:s2], $0x1  }
0x6b: {  	s22 =	sshll.u32 s24, $0x4;
	[sflag:s2] =	ssyncset.done @!p1 $0x0  }
0x6c: {  	s25 =	sand.u32 $0x10, s22;
	[sflag:s2] =	ssyncadd.s32 @!p1 $0xFFFFFFFF  }
0x6d: {  	s2 =	sxor.u32 $0x10, s25;
	v4 =	vld [tilespmem:s25+$0x10]  }
0x6e: {  	v5 =	vld [tilespmem:s2+$0x60]  }
0x6f: {  	v3 =	vld [tilespmem:$0x80];
	_ =	sdelay $0x2  }
0x70: {  	(v2sf) =	vpush v4, $0x0  }
0x71: {  	(v2sf) =	vpush v5, $0x0  }
0x72: {  	(v2sf) =	vpush v3, $0x0;
	_ =	sdelay $0xc  }
0x73: {  	s6 =	spop (v2sf)  }
0x74: {  	s28 =	spop (v2sf)  }
0x75: {  	s26 =	spop (v2sf)  }
0x76: {  	p2 =	seq.s32 s6, s28;
	p3 =	seq.s32 s26, s6  }
0x77: {  	p3 =	por p2, p3  }
0x78: {  	s6 =	sand.u32 $0x1, s24;
	v4 =	vpsel p3, $0xFFFFFFFF, v4  }
0x79: {  	s28 =	smul.u32 $0x1A90, s6;
	[tilespmem:s25+$0x10] =	vst.msk $0x1, v4  }
0x7a: {  	v4 =	vld [tilespmem:$0x30]  }
0x7b: {  	v5 =	vld [tilespmem:s28+$0x85D0]  }
0x7c: {  	v6 =	vld [tilespmem:s25+$0x40];
	_ =	sdelay $0x3  }
0x7d: {  	vm4 =	vmmov vm1;
	v5 =	vadd.f32 v5, v4  }
0x7e: {  	vm5 =	vmmov vm2;
	vm4 =	vmmov @p2 vm2;
	v4 =	vadd.f32 v6, v4  }
0x7f: {  	s22 =	sshll.u32 s6, $0x4;
	vm5 =	vmmov @p3 vm1;
	[tilespmem:s28+$0x85D0] =	vst.msk vm4, v5  }
0x80: {  	[tilespmem:s22+$0xF010] =	vst.msk vm5, v4  }
0x81: {  	v4 =	vld [tilespmem:s28+$0x6B30];
	_ =	sdelay $0x3  }
0x82: {  	v5 =	vimm.f32 $0.0e+00  }
0x83: {  	v4 =	vshift.insert v4, v5, s21  }
0x84: {  	s29 =	sor.u32 $0x40, s2  }
0x85: {  	[tilespmem:s29+$0x0] =	vst.msk $0x1, v4  }
0x86: {  	[tilespmem:s28+$0x6B3F] =	vst.msk $0x1, v5  }
0x87: {  	v4 =	vld [tilespmem:s0+$0x1B80];
	_ =	sdelay $0x1  }
0x88: {  	s29 =	smulhi.u32 $0xAAAAAAAB, s20;
	s0 =	simm.s32 $0x1  }
0x89: {  	s0 =	simm.s32 @!p0 $0x0  }
0x8a: {  	s29 =	sshrl.u32 s29, $0x1;
	s0 =	smul.u32 $0x6A40, s0  }
0x8b: {  	s29 =	smul.u32 $0xFFFEC140, s29;
	v4 =	vshift.insert v4, v1, s21  }
0x8c: {  	s0 =	sshrl.u32 s0, $0x2  }
0x8d: {  	s29 =	sshra.s32 s29, $0x2;
	s30 =	sadd.s32 $0x85D0, s0;
	[tilespmem:s2+$0x10] =	vst.msk $0x1, v4  }
0x8e: {  	s6 =	sadd.s32 s29, s19;
	v6 =	vld [tilespmem:s30+$0x0]  }
0x8f: {  	v7 =	vld [tilespmem:s6+$0x0];
	_ =	sdelay $0x3  }
0x90: {  	v5 =	vadd.f32 v6, v5  }
0x91: {  	vm4 =	vne.s32 v7, $0xFFFFFFFF  }
0x92: {  	(xrf2) =	vadd.seg.scan.f32 vm4, v5;
	_ =	sdelay $0x3  }
0x93: {  	s31 =	sadd.s32 $0x50B0, s0;
	v5 =	vperm.xlane v4, v1  }
0x94: {  	v6 =	vld [tilespmem:s31+$0x0]  }
0x95: {  	vm5 =	veq.s32 v7, v3;
	vm6 =	veq.s32 v7, v5  }
0x96: {  	vm7 =	vgt.u32 v7, $0xFFFFFFFD;
	vm6 =	vmor vm6, vm5  }
0x97: {  	vm6 =	vmor vm6, vm7  }
0x98: {  	v9 =	vld [tilespmem:$0xA0];
	v7 =	vsel vm6, $0xFFFFFFFF, v7  }
0x99: {  	v10 =	vld [tilespmem:$0x90];
	v6 =	vsel vm5, $0x0, v6;
	v8, _, _ =	vpop (xrf2)  }
0x9a: {  	v6 =	vadd.f32 v8, v6  }
0x9b: {  	s0 =	sadd.s32 $0xBAF0, s0  }
0x9c: {  	vm4 =	vmand vm4, vm3;
	[tilespmem:s0+$0x0] =	vst v6;
	(ifvalue) =	ssetifvalue $0xFFFFFFFF  }
0x9d: {  	vm6 =	veq.s32 v9, $0x1;
	[hbm4b:s1+s16] =	stream.indirect_vreg.scatter [tilespmem:s0], [sflag:$0x2], $0x1, v7, vm0, $0x4038;
	v7 =	vsel vm4, $0x0, v8;
	[tilespmem:$0xF030] =	vst v63  }
0x9e: {  	s29 =	sadd.s32 $0xF010, s22;
	s22 =	sadd.s32 $0x10, s6;
	s2 =	simm.s32 $0x0;
	vm4 =	vmor vm6, vm5;
	v6 =	vsel vm5, v8, v10;
	v7 =	vshift.insert v7, v0, s21  }
.LBB2_7:
0x9f: {  	v8 =	vld [tilespmem:s22+$0x0];
	s30 =	sadd.s32 $0x10, s30  }
0xa0: {  	s31 =	sadd.s32 $0x10, s31;
	v9 =	vld [tilespmem:s30+$0x0]  }
0xa1: {  	s2 =	sadd.s32 $0x10, s2;
	v10 =	vld [tilespmem:s31+$0x0]  }
0xa2: {  	p2 =	slt.u32 s2, $0x1A80;
	_ =	sdelay $0x2  }
0xa3: {  	v7 =	vadd.f32 v9, v7  }
0xa4: {  	vm5 =	vne.s32 v8, $0xFFFFFFFF  }
0xa5: {  	vm6 =	vmand vm5, vm3;
	(xrf2) =	vadd.seg.scan.f32 vm5, v7;
	_ =	sdelay $0x5  }
0xa6: {  	vm7 =	veq.s32 v8, v5;
	vm5 =	veq.s32 v8, v3  }
0xa7: {  	vm8 =	vgt.u32 v8, $0xFFFFFFFD;
	vm4 =	vmor vm4, vm5;
	vm7 =	vmor vm7, vm5  }
0xa8: {  	vm7 =	vmor vm7, vm8  }
0xa9: {  	v8 =	vsel vm7, $0xFFFFFFFF, v8  }
.Ltmp5:
0xaa: {  	v7 =	vsel vm5, $0x0, v10;
	v9, _, _ =	vpop (xrf2);
	(pc) =	sbr.rel @p2 .LBB2_7-.Ltmp5, $4  }
0xab: {  	v6 =	vsel vm5, v9, v6;
	v10 =	vadd.f32 v9, v7;
	v7 =	vsel vm6, $0x0, v9  }
0xac: {  	s0 =	sadd.s32 $0x10, s0;
	v7 =	vshift.insert v7, v0, s21  }
0xad: {  	s22 =	sadd.s32 $0x10, s22;
	[tilespmem:s0+$0x0] =	vst v10;
	(ifvalue) =	ssetifvalue $0xFFFFFFFF  }
0xae: {  	[hbm4b:s1+s16] =	stream.indirect_vreg.scatter [tilespmem:s0], [sflag:$0x2], $0x1, v8, vm0, $0x4038;
	[tilespmem:$0xF030] =	vst v63  }
0xaf: {  	v3 =	vld [tilespmem:s28+$0xD570];
	_ =	sdelay $0x4  }
0xb0: {  	v3 =	vshift.insert v3, v0, s21  }
0xb1: {  	s0 =	simm.s32 $0x30  }
0xb2: {  	[tilespmem:s0+$0x0] =	vst.msk $0x1, v3  }
0xb3: {  	v3 =	vsel vm4, $0x1, v1;
	[tilespmem:$0x90] =	vst v6  }
0xb4: {  	s0 =	sadd.s32 @!p1 $0xD57F, s28;
	[tilespmem:$0xA0] =	vst v3  }
0xb5: {  	[spmem:s14] =	stream.linear.scatter @!p1 [tilespmem:s0], [sflag:$0x1], $0x1, $0x38;
	[tilespmem:$0xF030] =	vst v63  }
0xb6: {  	s0 =	simm.s32 @!p1 $0x1  }
0xb7: {  	v3 =	vmctz.xlane @!p1 vm4;
	_ =	swait.ge @!p1 [sflag:s0], $0x1  }
0xb8: {  	(v2sf) =	vpush @!p1 v4, $0x0  }
0xb9: {  	(v2sf) =	vpush @!p1 v3, $0x0;
	_ =	sdelay $0xd  }
0xba: {  	s2 =	spop @!p1 (v2sf)  }
0xbb: {  	s6 =	spop @!p1 (v2sf)  }
0xbc: {  	p2 =	sne.s32 @!p1 s26, s2;
	p3 =	slt.s32 @!p1 s6, $0xF  }
0xbd: {  	[sflag:s0] =	ssyncset.done @!p1 $0x0;
	p2 =	por p2, p1;
	p3 =	por !p3, p1  }
0xbe: {  	[sflag:s0] =	ssyncadd.s32 @!p1 $0xFFFFFFFF;
	v3 =	vimm.s32 @!p2 $0xFFFFFFFF;
	s6 =	simm.s32 @p3 $0xF  }
0xbf: {  	[tilespmem:$0x80] =	vst @!p2 v3;
	s2 =	sadd.s32 @!p1 $0x90, s6  }
0xc0: {  	[spmem:s10] =	stream.linear.scatter @!p1 [tilespmem:s2], [sflag:$0x1], $0x1, $0x38;
	[tilespmem:$0xF030] =	vst v63  }
0xc1: {  	_ =	swait.ge @!p1 [sflag:s0], $0x1  }
0xc2: {  	[sflag:s0] =	ssyncset.done @!p1 $0x0  }
0xc3: {  	s2 =	simm.s32 @!p1 $0x80;
	[sflag:s0] =	ssyncadd.s32 @!p1 $0xFFFFFFFF  }
0xc4: {  	[spmem:s15] =	stream.linear.scatter @!p1 [tilespmem:s2], [sflag:$0x1], $0x1, $0x38;
	[tilespmem:$0xF030] =	vst v63  }
0xc5: {  	_ =	swait.ge @!p1 [sflag:s0], $0x1  }
0xc6: {  	[sflag:s0] =	ssyncset.done @!p1 $0x0  }
0xc7: {  	[sflag:s0] =	ssyncadd.s32 @!p1 $0xFFFFFFFF;
	(ifvalue) =	ssetifvalue $0xFFFFFFFF;
	v3 =	vld [tilespmem:s25+$0x10];
	_ =	sdelay $0x3  }
.Ltmp6:
0xc8: {  	_ = 	snop;
	(pc) =	sbr.rel .LBB2_9-.Ltmp6, $3  }
0xc9: {  	_ =	sdelay $0x1  }
0xca: {  	(ifvalue) =	ssetifvalue $0xFFFFFFFF  }
0xcb: {  	[hbm4b:s1+s16] =	stream.indirect_vreg.scatter [tilespmem:s29], [sflag:$0x9], $0x1, v3, vm0, $0x4038;
	[tilespmem:$0xF030] =	vst v63  }
.LBB2_10:
0xcc: {  	_ =	sfence.sel $0x180000  }
0xcd: {  	s0 =	simm.s32 $0x7;
	[bflag:$0x0] =	sbarrier.arrive $0xFFFF  }
0xce: {  	s26 =	simm.s32 $0x8;
	[sflag:s0] =	ssyncpa.u1 $0x1  }
0xcf: {  	s28 =	simm.s32 $0x9;
	[sflag:s26] =	ssyncpa.u1 $0x1  }
0xd0: {  	[sflag:s28] =	ssyncpa.u1 $0x1  }
0xd1: {  	_ =	sfence.stream.spmem  }
0xd2: {  	s29 =	simm.s32 $0x3;
	[bflag:$0x0] =	sbarrier.arrive $0xFFFF  }
0xd3: {  	s30 =	simm.s32 $0x4;
	[sflag:s29] =	ssyncpa.u1 $0x1  }
0xd4: {  	s31 =	simm.s32 $0x3C;
	s2 =	stileid.u32;
	[sflag:s30] =	ssyncpa.u1 $0x1  }
0xd5: {  	p0 =	sne.s32 s2, $0x0;
	[sflag:s31] =	ssyncpa.u1 $0x1  }
0xd6: {  	s0 =	simm.s32 @p0 $0x1;
	_ =	sfence @p0  }
0xd7: {  	[sflag:s0] =	ssyncpa.u1 @p0 $0x1;
	s0 =	simm.s32 @p0 $0x2  }
0xd8: {  	[sflag:s0] =	ssyncpa.u1 @p0 $0x1  }
0xd9: {  	_ =	strace @p0 $0x90000068  }
0xda: {  	[bflag:$0x2] =	sbarrier.arrive @p0 $0xFFFF  }
0xdb: {  	_ =	shalt @p0  }
.LBB2_11:
0xdc: {  	_ =	sfence.stream.spmem;
	s0 =	simm.s32 $0x5  }
0xdd: {  	s2 =	simm.s32 $0x80;
	s3 =	simm.s32 $0xC0;
	[sflag:s0] =	ssyncpa.u1 $0x0  }
0xde: {  	[tilespmem:s3], [sflag:$0x5] =	stream.linear.gather [spmem:s2], $0x20, $0x38;
	[tilespmem:$0xF030] =	vst v63  }
0xdf: {  	s2 =	simm.s32 $0x0;
	s3 =	simm.s32 $0xE0  }
0xe0: {  	[tilespmem:s3], [sflag:$0x5] =	stream.linear.gather [spmem:s2], $0x20, $0x38;
	[tilespmem:$0xF030] =	vst v63  }
.Ltmp7:
0xe1: {  	_ = 	snop;
	(pc) =	sbr.rel .LBB2_12-.Ltmp7, $4  }
0xe2: {  	_ =	swait.ge [sflag:s0], $0x40  }
0xe3: {  	[sflag:s0] =	ssyncset.done $0x0  }
0xe4: {  	s31 =	simm.s32 $0x6;
	[sflag:s0] =	ssyncadd.s32 $0xFFFFFFC0  }
0xe5: {  	s4 =	simm.s32 $0x0;
	[sflag:s31] =	ssyncpa.u1 $0x0  }
.LBB2_17:
0xe6: {  	p0 =	sgt.u32 s5, $0x61A7FFF  }
0xe7: {  	s0 =	sshrl.u32 @!p0 s5, $0x3  }
0xe8: {  	s5 =	sand.u32 @!p0 $0x7, s5;
	s6 =	simm.s32 @!p0 $0xB0;
	s0 =	sadd.s32 @!p0 s1, s0  }
0xe9: {  	[tilespmem:s6], [sflag:$0x6] =	stream.linear.gather @!p0 [hbm4b:s0+s5], $0x1, $0x38;
	[tilespmem:$0xF030] =	vst v63  }
0xea: {  	s0 =	simm.s32 @!p0 $0x6  }
0xeb: {  	_ =	swait.ge @!p0 [sflag:s0], $0x1  }
0xec: {  	[sflag:s0] =	ssyncset.done @!p0 $0x0  }
0xed: {  	[sflag:s0] =	ssyncadd.s32 @!p0 $0xFFFFFFFF  }
0xee: {  	v2 =	vmov @!p0 s4;
	v1 =	vld.msk @!p0 [tilespmem:$0xB0], $0x1;
	_ =	sdelay $0x3  }
0xef: {  	s0 =	simm.s32 @!p0 $0xE0  }
0xf0: {  	[tilespmem:v2+s0+$0x0], v1 =	vst.idx.ret.add.f32.msk @!p0 $0x1, v1  }
0xf1: {  	[tilespmem:s2+$0xC0] =	vst.msk $0x1, v0  }
0xf2: {  	v0 =	vld.msk [tilespmem:s4+$0xE0], $0x1;
	_ =	sdelay $0x4  }
0xf3: {  	[tilespmem:s2+$0xE0] =	vst.msk $0x1, v0;
	s2 =	sadd.s32 $0x1, s2  }
.LBB2_19:
0xf4: {  	s4 =	sadd.s32 $0x1, s4  }
0xf5: {  	p0 =	sne.s32 s4, $0x20  }
.Ltmp8:
0xf6: {  	_ = 	snop;
	(pc) =	sbr.rel @!p0 .LBB2_20-.Ltmp8, $1  }
0xf7: {  	_ =	sdelay $0x3  }
.LBB2_12:
0xf8: {  	v0 =	vld.msk [tilespmem:s4+$0xC0], $0x1;
	_ =	sdelay $0x4  }
0xf9: {  	(v2sf) =	vpush v0, $0x0;
	_ =	sdelay $0xe  }
0xfa: {  	s5 =	spop (v2sf)  }
0xfb: {  	p0 =	seq.s32 s5, $0xFFFFFFFF  }
.Ltmp9:
0xfc: {  	_ = 	snop;
	(pc) =	sbr.rel @p0 .LBB2_19-.Ltmp9, $1  }
0xfd: {  	_ =	sdelay $0x3  }
0xfe: {  	p0 =	slt.s32 s2, $0x1  }
.Ltmp10:
0xff: {  	_ = 	snop;
	(pc) =	sbr.rel @p0 .LBB2_17-.Ltmp10, $1  }
0x100: {  	_ =	sdelay $0x3  }
0x101: {  	s0 =	simm.s32 $0xC0;
	p0 =	por $0x0, $0x0  }
0x102: {  	v1 =	vld.msk @!p0 [tilespmem:s0+$0x0], $0x1;
	_ =	sdelay $0x4  }
0x103: {  	(v2sf) =	vpush @!p0 v1, $0x0;
	_ =	sdelay $0xd  }
0x104: {  	p2 =	sne.s32 s2, $0x1  }
.Ltmp11:
0x105: {  	s6 =	spop @!p0 (v2sf);
	(pc) =	sbr.rel @!p2 .LBB2_16-.Ltmp11, $4  }
0x106: {  	p1 =	seq.s32 @!p0 s5, s6  }
0x107: {  	s6 =	simm.s32 $0x0;
	p1 =	por !p1, p0  }
0x108: {  	s8 =	simm.s32 $0xFFFFFFFF;
	s6 =	simm.s32 @p1 $0xFFFFFFFF  }
0x109: {  	s7 =	simm.s32 $0x1;
	s6 =	smov.u32 @p0 s8  }
.LBB2_15:
0x10a: {  	s8 =	smov.u32 s6;
	p0 =	sne.s32 s6, $0xFFFFFFFF  }
0x10b: {  	s0 =	sadd.s32 $0x1, s0;
	s6 =	smov.u32 s7;
	s7 =	sadd.s32 $0x1, s7  }
0x10c: {  	p1 =	sne.s32 s2, s7;
	v1 =	vld.msk @!p0 [tilespmem:s0+$0x0], $0x1;
	_ =	sdelay $0x4  }
0x10d: {  	(v2sf) =	vpush @!p0 v1, $0x0;
	_ =	sdelay $0xe  }
.Ltmp12:
0x10e: {  	s9 =	spop @!p0 (v2sf);
	(pc) =	sbr.rel @p1 .LBB2_15-.Ltmp12, $4  }
0x10f: {  	p2 =	seq.s32 @!p0 s5, s9  }
0x110: {  	p2 =	por !p2, p0  }
0x111: {  	s6 =	simm.s32 @p2 $0xFFFFFFFF  }
0x112: {  	s6 =	smov.u32 @p0 s8  }
.LBB2_16:
0x113: {  	p0 =	sne.s32 s6, $0xFFFFFFFF  }
.Ltmp13:
0x114: {  	_ = 	snop;
	(pc) =	sbr.rel @!p0 .LBB2_17-.Ltmp13, $1  }
0x115: {  	_ =	sdelay $0x3  }
0x116: {  	v0 =	vld.msk [tilespmem:s4+$0xE0], $0x1;
	v1 =	vmov s6  }
.Ltmp14:
0x117: {  	_ = 	snop;
	(pc) =	sbr.rel .LBB2_19-.Ltmp14, $2  }
0x118: {  	_ =	sdelay $0x2  }
0x119: {  	[tilespmem:v1+s3+$0x0], v0 =	vst.idx.ret.add.f32.msk $0x1, v0  }
.LBB2_20:
0x11a: {  	p0 =	slt.s32 s2, $0x1  }
.Ltmp15:
0x11b: {  	_ = 	snop;
	(pc) =	sbr.rel @p0 .LBB2_24-.Ltmp15, $3  }
0x11c: {  	_ =	sdelay $0x1  }
0x11d: {  	s0 =	simm.s32 $0x6  }
0x11e: {  	s3 =	simm.s32 $0x0;
	[sflag:s0] =	ssyncpa.u1 $0x1  }
0x11f: {  	s0 =	simm.s32 $0xC0  }
0x120: {  	v0 =	vld.msk [tilespmem:s0+$0x0], $0x1;
	_ =	sdelay $0x4  }
0x121: {  	(v2sf) =	vpush v0, $0x0;
	_ =	sdelay $0xe  }
0x122: {  	s2 =	sadd.s32 $0xFFFFFFFF, s2;
	s4 =	spop (v2sf)  }
0x123: {  	p1 =	sne.s32 s2, $0x0;
	p0 =	sgt.u32 s4, $0x61A7FFF  }
.Ltmp16:
0x124: {  	s5 =	sshrl.u32 @!p0 s4, $0x3;
	(pc) =	sbr.rel @!p1 .LBB2_23-.Ltmp16, $4  }
0x125: {  	s0 =	simm.s32 $0xE0;
	s4 =	sand.u32 @!p0 $0x7, s4;
	s5 =	sadd.s32 @!p0 s1, s5  }
0x126: {  	[hbm4b:s5+s4] =	stream.linear.scatter @!p0 [tilespmem:s0], [sflag:$0x5], $0x1, $0x38;
	[tilespmem:$0xF030] =	vst v63  }
0x127: {  	s5 =	simm.s32 $0x0  }
0x128: {  	s4 =	simm.s32 $0xC1;
	s5 =	simm.s32 @!p0 $0x4  }
.LBB2_22:
0x129: {  	v0 =	vld.msk [tilespmem:s4+$0x0], $0x1;
	s2 =	sadd.s32 $0xFFFFFFFF, s2;
	s3 =	sadd.s32 s3, s5  }
0x12a: {  	p0 =	sne.s32 s2, $0x0;
	_ =	sdelay $0x3  }
0x12b: {  	(v2sf) =	vpush v0, $0x0;
	_ =	sdelay $0xe  }
.Ltmp17:
0x12c: {  	s6 =	spop (v2sf);
	(pc) =	sbr.rel @p0 .LBB2_22-.Ltmp17, $4  }
0x12d: {  	s5 =	simm.s32 $0x0;
	p1 =	sgt.u32 s6, $0x61A7FFF  }
0x12e: {  	s0 =	sadd.s32 $0x1, s0;
	s5 =	simm.s32 @!p1 $0x4;
	s7 =	sshrl.u32 @!p1 s6, $0x3  }
0x12f: {  	s4 =	sadd.s32 $0x1, s4;
	s6 =	sand.u32 @!p1 $0x7, s6;
	s7 =	sadd.s32 @!p1 s1, s7  }
0x130: {  	[hbm4b:s7+s6] =	stream.linear.scatter @!p1 [tilespmem:s0], [sflag:$0x5], $0x1, $0x38;
	[tilespmem:$0xF030] =	vst v63  }
.LBB2_23:
0x131: {  	s0 =	sadd.s32 s3, s5  }
0x132: {  	s3 =	sshrl.u32 s0, $0x2  }
.LBB2_24:
0x133: {  	s0 =	simm.s32 $0x5  }
0x134: {  	_ =	swait.ge [sflag:s0], s3  }
0x135: {  	s1 =	ssub.s32 $0x0, s3;
	[sflag:s0] =	ssyncset.done $0x0  }
0x136: {  	[sflag:s0] =	ssyncadd.s32 s1  }
0x137: {  	[sflag:s0] =	ssyncpa.u1 $0x1  }
0x138: {  	s29 =	simm.s32 $0x1;
	_ =	sfence  }
0x139: {  	s30 =	simm.s32 $0x2;
	[sflag:s29] =	ssyncpa.u1 $0x1  }
0x13a: {  	[sflag:s30] =	ssyncpa.u1 $0x1  }
0x13b: {  	_ =	strace $0x90000068  }
0x13c: {  	[bflag:$0x2] =	sbarrier.arrive $0xFFFF  }
0x13d: {  	s31 =	rddreg [dreg:$0x1]  }
0x13e: {  	s0 =	sadd.s32 $0x100000, s31  }
0x13f: {  	[sflag:s0] =	ssyncadd.tile.s32 $0x1;
	_ =	shalt  }
.Lfunc_end2:
_tile_overlayer_lowered:
.L_overlay_start_2:
0x140: {  	(tag) =	ssettag $0x2  }
0x141: {  	s0 =	rddreg [dreg:$0x0];
	s2 =	stileid.u32  }
0x142: {  	s1 =	rddreg [dreg:$0x1];
	p0 =	sne.s32 s2, $0x0  }
0x143: {  	s3 =	rddreg [dreg:$0x2];
	[bflag:$0x3] =	sbarrier.arrive $0xFFFF;
	s2 =	simm.s32 @!p0 $0x1C01  }
0x144: {  	[timem:s3], [sflag:s2] =	dma.local @!p0 [hbm:s0], s1  }
0x145: {  	s0 =	simm.s32 @!p0 $0x1  }
0x146: {  	_ =	swait.ge @!p0 [sflag:s0], s1  }
0x147: {  	s1 =	ssub.s32 @!p0 $0x0, s1;
	[sflag:s0] =	ssyncset.done @!p0 $0x0  }
0x148: {  	[sflag:s0] =	ssyncadd.s32 @!p0 s1  }
0x149: {  	[bflag:$0x3] =	sbarrier.arrive $0xFFFF  }
0x14a: {  	_ =	shalt  }

// kernel: scatter_offload_async_start
scs
__scs_entry_jumppad:
0x0: {  	(pc) =	sbr.rel $0x88, $3  }
0x1: {  	(tag) =	ssettag $0x0;
	lr =	simm.s32 $0x1  }
0x2: {  	[smem:$0x3F97] =	sst lr;
	_ =	strace $0xD0000000  }
0x3: {  	_ = 	snop  }
0x4: {  	_ = 	snop  }
0x5: {  	_ = 	snop  }
0x6: {  	_ = 	snop  }
0x7: {  	_ = 	snop  }
__scs_overlays_trampoline_lowered:
0x8: {  	[smem:$0x3FA6] =	sst s0  }
0x9: {  	[smem:$0x3FA7] =	sst s1  }
0xa: {  	[smem:$0x3FA8] =	sst s2  }
0xb: {  	[smem:$0x3FA9] =	sst s3  }
0xc: {  	[smem:$0x3FAA] =	sst s4  }
0xd: {  	[smem:$0x3FAB] =	sst s5  }
0xe: {  	[smem:$0x3FAC] =	sst s6  }
0xf: {  	[smem:$0x3FAD] =	sst s7  }
0x10: {  	[smem:$0x3FAE] =	sst s8  }
0x11: {  	[smem:$0x3FAF] =	sst s9;
	s0 =	simm.s32 @!p0 $0x0  }
0x12: {  	s1 =	sld [smem:$0x3F95];
	s0 =	simm.s32 @p0 $0x1  }
0x13: {  	[smem:$0x3FB0] =	sst s0;
	s0 =	simm.s32 @!p1 $0x0  }
0x14: {  	s2 =	sld [smem:$0x3F94];
	s0 =	simm.s32 @p1 $0x1  }
0x15: {  	[smem:$0x3FB1] =	sst s0;
	s0 =	simm.s32 @!p2 $0x0  }
0x16: {  	s3 =	sld [smem:$0x3FDB];
	s0 =	simm.s32 @p2 $0x1  }
0x17: {  	s4 =	simm.s32 $0x1BF5;
	[smem:$0x3FB3] =	sst s0  }
0x18: {  	s0 =	sld [smem:$0x3F96];
	_ =	swait.ge [sflag:s4], $0x0  }
0x19: {  	s7 =	sld [smem:$0x3F97]  }
0x1a: {  	s8 =	sadd.s32 $0xFFFFE003, lr  }
0x1b: {  	s9 =	sadd.s32 $0xFFFFFEF7, lr;
	s5 =	simm.s32 $0xFFFFFFFF;
	p2 =	slt.u32 s8, $0xFFFFF086  }
0x1c: {  	p1 =	slt.u32 s9, $0xF7A;
	s5 =	simm.s32 @!p2 $0x0  }
0x1d: {  	s5 =	simm.s32 @p1 $0x1;
	p0 =	seq.s32 s7, s2  }
0x1e: {  	s7 =	smul.u32 @!p0 $0xF7A, s2;
	p2 =	seq.s32 @!p0 s5, $0x0  }
0x1f: {  	s9 =	smul.u32 $0xF7A, s1;
	s8 =	simm.s32 @!p0 $0x1BF5;
	p2 =	por !p2, p0  }
0x20: {  	[sflag:s8] =	ssyncset.s32 @!p0 $0xFFFFF086;
	s6 =	sadd.s32 @!p0 s3, s7;
	s7 =	simm.s32 @!p0 $0x108  }
0x21: {  	s3 =	sadd.s32 s3, s9;
	s6 =	sadd.s32 @!p0 $0x88, s6;
	s7 =	simm.s32 @p2 $0x1082  }
0x22: {  	[simem:s7], [sflag:s8] =	dma.local @!p0 [hbm:s6], $0xF7A  }
0x23: {  	s9 =	sor.u32 $0xD0000000, s2;
	s6 =	simm.s32 $0x108;
	_ =	swait.ge @!p0 [sflag:s8], $0x0  }
0x24: {  	s3 =	sadd.s32 $0x88, s3;
	s6 =	simm.s32 @!p1 $0x1082;
	[sflag:s4] =	ssyncset.s32 $0xFFFFF086  }
0x25: {  	[simem:s6], [sflag:s4] =	dma.local [hbm:s3], $0xF7A  }
0x26: {  	[smem:$0x3F97] =	sst s1;
	(tag) =	ssettag s2;
	_ =	strace s9  }
0x27: {  	s1 =	sld [smem:$0x3FA7]  }
0x28: {  	s2 =	sld [smem:$0x3FA8]  }
0x29: {  	s4 =	sld [smem:$0x3FAA]  }
0x2a: {  	p0 =	seq.s32 s5, $0x0;
	s5 =	sld [smem:$0x3FAB]  }
0x2b: {  	s6 =	sld [smem:$0x3FAC]  }
0x2c: {  	s7 =	sld [smem:$0x3FAD]  }
0x2d: {  	s3 =	simm.s32 $0x108;
	s8 =	sld [smem:$0x3FAE]  }
0x2e: {  	s3 =	simm.s32 @!p0 $0x1082;
	s9 =	sld [smem:$0x3FAF]  }
0x2f: {  	lr =	sadd.s32 s0, s3;
	s0 =	sld [smem:$0x3FA6]  }
0x30: {  	s3 =	sld [smem:$0x3FA9]  }
0x31: {  	[smem:$0x3FB2] =	sst s10  }
0x32: {  	s10 =	sld [smem:$0x3FB0];
	_ =	sdelay $0x3  }
0x33: {  	p0 =	seq.s32 s10, $0x1;
	s10 =	sld [smem:$0x3FB2];
	_ =	sdelay $0x3  }
0x34: {  	[smem:$0x3FB2] =	sst s10  }
0x35: {  	s10 =	sld [smem:$0x3FB1];
	_ =	sdelay $0x3  }
0x36: {  	p1 =	seq.s32 s10, $0x1;
	s10 =	sld [smem:$0x3FB2];
	_ =	sdelay $0x3  }
0x37: {  	[smem:$0x3FB2] =	sst s10  }
0x38: {  	s10 =	sld [smem:$0x3FB3]  }
0x39: {  	_ = 	snop;
	(pc) =	sbr.ind lr, $3  }
0x3a: {  	_ = 	snop  }
0x3b: {  	_ = 	snop  }
0x3c: {  	p2 =	seq.s32 s10, $0x1;
	s10 =	sld [smem:$0x3FB2]  }
0x3d: {  	_ =	shalt  }
0x3e: {  	_ =	shalt  }
0x3f: {  	_ =	shalt  }
0x40: {  	_ =	shalt  }
0x41: {  	_ =	shalt  }
0x42: {  	_ =	shalt  }
0x43: {  	_ =	shalt  }
0x44: {  	_ =	shalt  }
0x45: {  	_ =	shalt  }
0x46: {  	_ =	shalt  }
0x47: {  	_ =	shalt  }
0x48: {  	_ =	shalt  }
0x49: {  	_ =	shalt  }
0x4a: {  	_ =	shalt  }
0x4b: {  	_ =	shalt  }
0x4c: {  	_ =	shalt  }
0x4d: {  	_ =	shalt  }
0x4e: {  	_ =	shalt  }
0x4f: {  	_ =	shalt  }
0x50: {  	_ =	shalt  }
0x51: {  	_ =	shalt  }
0x52: {  	_ =	shalt  }
0x53: {  	_ =	shalt  }
0x54: {  	_ =	shalt  }
0x55: {  	_ =	shalt  }
0x56: {  	_ =	shalt  }
0x57: {  	_ =	shalt  }
0x58: {  	_ =	shalt  }
0x59: {  	_ =	shalt  }
0x5a: {  	_ =	shalt  }
0x5b: {  	_ =	shalt  }
0x5c: {  	_ =	shalt  }
0x5d: {  	_ =	shalt  }
0x5e: {  	_ =	shalt  }
0x5f: {  	_ =	shalt  }
0x60: {  	_ =	shalt  }
0x61: {  	_ =	shalt  }
0x62: {  	_ =	shalt  }
0x63: {  	_ =	shalt  }
0x64: {  	_ =	shalt  }
0x65: {  	_ =	shalt  }
0x66: {  	_ =	shalt  }
0x67: {  	_ =	shalt  }
0x68: {  	_ =	shalt  }
0x69: {  	_ =	shalt  }
0x6a: {  	_ =	shalt  }
0x6b: {  	_ =	shalt  }
0x6c: {  	_ =	shalt  }
0x6d: {  	_ =	shalt  }
0x6e: {  	_ =	shalt  }
0x6f: {  	_ =	shalt  }
0x70: {  	_ =	shalt  }
0x71: {  	_ =	shalt  }
0x72: {  	_ =	shalt  }
0x73: {  	_ =	shalt  }
0x74: {  	_ =	shalt  }
0x75: {  	_ =	shalt  }
0x76: {  	_ =	shalt  }
0x77: {  	_ =	shalt  }
0x78: {  	_ =	shalt  }
0x79: {  	_ =	shalt  }
0x7a: {  	_ =	shalt  }
0x7b: {  	_ =	shalt  }
0x7c: {  	_ =	shalt  }
0x7d: {  	_ =	shalt  }
0x7e: {  	_ =	shalt  }
0x7f: {  	_ =	shalt  }
0x80: {  	_ =	shalt  }
0x81: {  	_ =	shalt  }
0x82: {  	_ =	shalt  }
0x83: {  	_ =	shalt  }
0x84: {  	_ =	shalt  }
0x85: {  	_ =	shalt  }
0x86: {  	_ =	shalt  }
0x87: {  	_ =	shalt  }
.Lfunc_end0:
.L_simem_size_0:
called_computation_lowered:
.L_overlay_start_0:
0x88: {  	s0 =	sld [smem:$0x3FD9]  }
0x89: {  	s1 =	sld [smem:$0x3FFE];
	_ =	sdelay $0x3  }
0x8a: {  	s0 =	sadd.s32 s1, s0  }
0x8b: {  	[smem:$0x3FBE] =	sst s0  }
0x8c: {  	_ = 	snop  }
0x8d: {  	s0 =	sld [smem:$0x3FD0];
	(tm) =	ssettm $0x1  }
0x8e: {  	s16 =	sld [smem:$0x3FFB];
	_ =	sdelay $0x3  }
0x8f: {  	_ =	strace s16  }
0x90: {  	s1 =	sld [smem:$0x3FFC];
	_ =	sdelay $0x3  }
0x91: {  	_ =	strace s1  }
0x92: {  	s1 =	sld [smem:$0x3FFD];
	_ =	sdelay $0x3  }
0x93: {  	_ =	strace s1  }
0x94: {  	_ =	strace $0x8FFFFFFF  }
0x95: {  	s17 =	sld [smem:$0x3FDB];
	_ =	sdelay $0x1  }
0x96: {  	s2 =	simm.s32 $_scs_section_size  }
0x97: {  	s3 =	simm.s32 $_size__tile_overlayer_lowered;
	s4 =	simm.s32 $_tile_overlayer_lowered  }
0x98: {  	s20 =	simm.s32 $0x1BFF;
	s19 =	sshll.u32 s4, $0x1;
	s1 =	sadd.s32 s2, s17  }
0x99: {  	s5 =	simm.s32 $0x0;
	s18 =	sshll.u32 s3, $0x1;
	s3 =	sadd.s32 s19, s1  }
0x9a: {  	[timem:s5], [sflag:s20] =	dma.local [hbm:s3], s18  }
0x9b: {  	_ =	swait.ge [sflag:s20], s18  }
0x9c: {  	s2 =	ssub.s32 $0x0, s18;
	[sflag:s20] =	ssyncset.done $0x0  }
0x9d: {  	[sflag:s20] =	ssyncadd.s32 s2;
	_ =	sdelay $0x1  }
0x9e: {  	s21 =	simm.s32 $0x1B8B  }
0x9f: {  	_ =	swait.ge [sflag:s21], $0x1  }
0xa0: {  	[sflag:s21] =	ssyncset.done $0x0  }
0xa1: {  	s23 =	simm.s32 $0x1B8E;
	s22 =	sld [smem:$0x3FFE];
	[sflag:s21] =	ssyncadd.s32 $0xFFFFFFFF  }
0xa2: {  	s24 =	simm.s32 $execute0_lowered;
	[smem:$0x3FD2] =	sst s23  }
0xa3: {  	s3 =	sshll.u32 s24, $0x1;
	_ =	strace $0x80000049;
	[dreg:$0x1] =	wrdreg $0xFFFFFFFF  }
0xa4: {  	s25 =	simm.s32 $_size_execute0_lowered;
	s1 =	sadd.s32 s1, s3;
	[dreg:$0x0] =	wrdreg $0x0  }
0xa5: {  	s3 =	sshll.u32 s25, $0x1;
	[dreg:$0x2] =	wrdreg s1  }
0xa6: {  	[dreg:$0x3] =	wrdreg s3  }
0xa7: {  	[dreg:$0x4] =	wrdreg $0xC0  }
0xa8: {  	_ =	task [dreg:s5], $0x5FFFF  }
0xa9: {  	[dreg:$0x1] =	wrdreg $0xFFFFFFFF  }
0xaa: {  	[dreg:$0x0] =	wrdreg $0x60  }
0xab: {  	[dreg:$0x2] =	wrdreg s0  }
0xac: {  	[dreg:$0x3] =	wrdreg s22  }
0xad: {  	[dreg:$0x4] =	wrdreg $0x9  }
0xae: {  	_ =	task.clear_ibuf [dreg:s5], $0x5FFFF;
	_ =	strace $0x90000049  }
0xaf: {  	s26 =	simm.s32 $0x9;
	_ =	strace $0x8000004B  }
0xb0: {  	_ =	swait.ge [sflag:s26], $0x1  }
0xb1: {  	[sflag:s26] =	ssyncadd.s32 $0xFFFFFFFF  }
0xb2: {  	_ =	strace $0x9000004B  }
0xb3: {  	_ =	sfence  }
0xb4: {  	s28 =	sld [smem:$0x0];
	_ =	sdelay $0x1  }
0xb5: {  	s29 =	srdreg.scid  }
0xb6: {  	s30 =	sshll.u32 s29, $0xD;
	s31 =	sshrl.u32 s29, $0x2  }
0xb7: {  	s2 =	sand.u32 $0x4000, s30;
	s1 =	sand.u32 $0x1, s29;
	s0 =	sadd.s32 s31, s28  }
0xb8: {  	s1 =	sor.u32 s2, s1;
	s0 =	sshll.u32 s0, $0x11  }
0xb9: {  	s0 =	sor.u32 s0, s1  }
0xba: {  	s0 =	sadd.s32 $0x8F2B, s0  }
0xbb: {  	[sflag:s0] =	ssyncadd.remote.s32 $0x1  }
0xbc: {  	_ =	sfence.sel $0xFFFF  }
0xbd: {  	[dreg:$0x0] =	wrdreg $0xFFFFFFFF;
	(pc) =	sbr.abs _section_cstart, $3  }
0xbe: {  	[dreg:$0x1] =	wrdreg $0xFFFFFFFF  }
0xbf: {  	_ =	task.clear_ibuf [dreg:s5], $0x2FFFF;
	_ =	strace $0x9FFFFFFF  }
0xc0: {  	(tm) =	ssettm $0x7FFFFFFF  }
0xc1: {  	_ =	shalt  }
tec
execute0_lowered:
.L_overlay_start_1:
0x0: {  	(tag) =	ssettag $0x1  }
0x1: {  	s1 =	rddreg [dreg:$0x0]  }
0x2: {  	s8 =	rddreg [dreg:$0x1];
	_ =	strace $0x8000004A;
	s11 =	simm.s32 $0x1  }
0x3: {  	v0 =	vimm.s32 $0x0;
	[sflag:s11] =	ssyncpa.u1 $0x0  }
0x4: {  	[tilespmem:$0x28] =	vst v0  }
0x5: {  	[tilespmem:$0x38] =	vst v0  }
0x6: {  	[tilespmem:$0x48] =	vst v0  }
0x7: {  	[tilespmem:$0x58] =	vst v0  }
0x8: {  	[tilespmem:$0x68] =	vst v0  }
0x9: {  	[tilespmem:$0x78] =	vst v0  }
0xa: {  	[tilespmem:$0x88] =	vst v0  }
0xb: {  	[tilespmem:$0x98] =	vst v0  }
0xc: {  	[tilespmem:$0xA8] =	vst v0  }
0xd: {  	[tilespmem:$0xB8] =	vst v0  }
0xe: {  	[tilespmem:$0xC8] =	vst v0  }
0xf: {  	[tilespmem:$0xD8] =	vst v0  }
0x10: {  	[tilespmem:$0xE8] =	vst v0  }
0x11: {  	[tilespmem:$0xF8] =	vst v0  }
0x12: {  	[tilespmem:$0x108] =	vst v0  }
0x13: {  	[tilespmem:$0x118] =	vst v0  }
0x14: {  	[tilespmem:$0x128] =	vst v0  }
0x15: {  	[tilespmem:$0x138] =	vst v0  }
0x16: {  	[tilespmem:$0x148] =	vst v0  }
0x17: {  	[tilespmem:$0x158] =	vst v0  }
0x18: {  	[tilespmem:$0x168] =	vst v0  }
0x19: {  	[tilespmem:$0x178] =	vst v0  }
0x1a: {  	[tilespmem:$0x188] =	vst v0  }
0x1b: {  	[tilespmem:$0x198] =	vst v0  }
0x1c: {  	[tilespmem:$0x1A8] =	vst v0  }
0x1d: {  	[tilespmem:$0x1B8] =	vst v0  }
0x1e: {  	[tilespmem:$0x1C8] =	vst v0  }
0x1f: {  	[tilespmem:$0x1D8] =	vst v0  }
0x20: {  	[tilespmem:$0x1E8] =	vst v0  }
0x21: {  	[tilespmem:$0x1F8] =	vst v0  }
0x22: {  	[tilespmem:$0x208] =	vst v0  }
0x23: {  	[tilespmem:$0x218] =	vst v0  }
0x24: {  	[tilespmem:$0x228] =	vst v0  }
0x25: {  	[tilespmem:$0x238] =	vst v0  }
0x26: {  	[tilespmem:$0x248] =	vst v0  }
0x27: {  	[tilespmem:$0x258] =	vst v0  }
0x28: {  	[tilespmem:$0x268] =	vst v0  }
0x29: {  	[tilespmem:$0x278] =	vst v0  }
0x2a: {  	[tilespmem:$0x288] =	vst v0  }
0x2b: {  	[tilespmem:$0x298] =	vst v0  }
0x2c: {  	[tilespmem:$0x2A8] =	vst v0  }
0x2d: {  	[tilespmem:$0x2B8] =	vst v0  }
0x2e: {  	[tilespmem:$0x2C8] =	vst v0  }
0x2f: {  	[tilespmem:$0x2D8] =	vst v0  }
0x30: {  	[tilespmem:$0x2E8] =	vst v0  }
0x31: {  	[tilespmem:$0x2F8] =	vst v0  }
0x32: {  	[tilespmem:$0x308] =	vst v0  }
0x33: {  	[tilespmem:$0x318] =	vst v0  }
0x34: {  	[tilespmem:$0x328] =	vst v0  }
0x35: {  	[tilespmem:$0x338] =	vst v0  }
0x36: {  	[tilespmem:$0x348] =	vst v0  }
0x37: {  	[tilespmem:$0x358] =	vst v0  }
0x38: {  	[tilespmem:$0x368] =	vst v0  }
0x39: {  	[tilespmem:$0x378] =	vst v0  }
0x3a: {  	[tilespmem:$0x388] =	vst v0  }
0x3b: {  	[tilespmem:$0x398] =	vst v0  }
0x3c: {  	[tilespmem:$0x3A8] =	vst v0  }
0x3d: {  	[tilespmem:$0x3B8] =	vst v0  }
0x3e: {  	[tilespmem:$0x3C8] =	vst v0  }
0x3f: {  	[tilespmem:$0x3D8] =	vst v0  }
0x40: {  	[tilespmem:$0x3E8] =	vst v0  }
0x41: {  	[tilespmem:$0x3F8] =	vst v0  }
0x42: {  	[tilespmem:$0x408] =	vst v0  }
0x43: {  	[tilespmem:$0x418] =	vst v0  }
0x44: {  	[tilespmem:$0x428] =	vst v0  }
0x45: {  	[tilespmem:$0x438] =	vst v0  }
0x46: {  	[tilespmem:$0x448] =	vst v0  }
0x47: {  	[tilespmem:$0x458] =	vst v0  }
0x48: {  	[tilespmem:$0x468] =	vst v0  }
0x49: {  	[tilespmem:$0x478] =	vst v0  }
0x4a: {  	[tilespmem:$0x488] =	vst v0  }
0x4b: {  	[tilespmem:$0x498] =	vst v0  }
0x4c: {  	[tilespmem:$0x4A8] =	vst v0  }
0x4d: {  	[tilespmem:$0x4B8] =	vst v0  }
0x4e: {  	[tilespmem:$0x4C8] =	vst v0  }
0x4f: {  	[tilespmem:$0x4D8] =	vst v0  }
0x50: {  	[tilespmem:$0x4E8] =	vst v0  }
0x51: {  	[tilespmem:$0x4F8] =	vst v0  }
0x52: {  	[tilespmem:$0x508] =	vst v0  }
0x53: {  	[tilespmem:$0x518] =	vst v0  }
0x54: {  	[tilespmem:$0x528] =	vst v0  }
0x55: {  	[tilespmem:$0x538] =	vst v0  }
0x56: {  	[tilespmem:$0x548] =	vst v0  }
0x57: {  	[tilespmem:$0x558] =	vst v0  }
0x58: {  	[tilespmem:$0x568] =	vst v0  }
0x59: {  	[tilespmem:$0x578] =	vst v0  }
0x5a: {  	[tilespmem:$0x588] =	vst v0  }
0x5b: {  	[tilespmem:$0x598] =	vst v0  }
0x5c: {  	[tilespmem:$0x5A8] =	vst v0  }
0x5d: {  	[tilespmem:$0x5B8] =	vst v0  }
0x5e: {  	[tilespmem:$0x5C8] =	vst v0  }
0x5f: {  	[tilespmem:$0x5D8] =	vst v0  }
0x60: {  	[tilespmem:$0x5E8] =	vst v0  }
0x61: {  	[tilespmem:$0x5F8] =	vst v0  }
0x62: {  	[tilespmem:$0x608] =	vst v0  }
0x63: {  	[tilespmem:$0x618] =	vst v0  }
0x64: {  	[tilespmem:$0x628] =	vst v0  }
0x65: {  	[tilespmem:$0x638] =	vst v0  }
0x66: {  	[tilespmem:$0x648] =	vst v0  }
0x67: {  	[tilespmem:$0x658] =	vst v0  }
0x68: {  	[tilespmem:$0x668] =	vst v0  }
0x69: {  	[tilespmem:$0x678] =	vst v0  }
0x6a: {  	[tilespmem:$0x688] =	vst v0  }
0x6b: {  	[tilespmem:$0x698] =	vst v0  }
0x6c: {  	[tilespmem:$0x6A8] =	vst v0  }
0x6d: {  	[tilespmem:$0x6B8] =	vst v0  }
0x6e: {  	[tilespmem:$0x6C8] =	vst v0  }
0x6f: {  	[tilespmem:$0x6D8] =	vst v0  }
0x70: {  	[tilespmem:$0x6E8] =	vst v0  }
0x71: {  	[tilespmem:$0x6F8] =	vst v0  }
0x72: {  	[tilespmem:$0x708] =	vst v0  }
0x73: {  	[tilespmem:$0x718] =	vst v0  }
0x74: {  	[tilespmem:$0x728] =	vst v0  }
0x75: {  	[tilespmem:$0x738] =	vst v0  }
0x76: {  	[tilespmem:$0x748] =	vst v0  }
0x77: {  	[tilespmem:$0x758] =	vst v0  }
0x78: {  	[tilespmem:$0x768] =	vst v0  }
0x79: {  	[tilespmem:$0x778] =	vst v0  }
0x7a: {  	[tilespmem:$0x788] =	vst v0  }
0x7b: {  	[tilespmem:$0x798] =	vst v0  }
0x7c: {  	[tilespmem:$0x7A8] =	vst v0  }
0x7d: {  	[tilespmem:$0x7B8] =	vst v0  }
0x7e: {  	[tilespmem:$0x7C8] =	vst v0  }
0x7f: {  	[tilespmem:$0x7D8] =	vst v0  }
0x80: {  	[tilespmem:$0x7E8] =	vst v0  }
0x81: {  	[tilespmem:$0x7F8] =	vst v0  }
0x82: {  	[tilespmem:$0x808] =	vst v0  }
0x83: {  	[tilespmem:$0x818] =	vst v0  }
0x84: {  	[tilespmem:$0x828] =	vst v0  }
0x85: {  	[tilespmem:$0x838] =	vst v0  }
0x86: {  	[tilespmem:$0x848] =	vst v0  }
0x87: {  	[tilespmem:$0x858] =	vst v0  }
0x88: {  	[tilespmem:$0x868] =	vst v0  }
0x89: {  	[tilespmem:$0x878] =	vst v0  }
0x8a: {  	[tilespmem:$0x888] =	vst v0  }
0x8b: {  	[tilespmem:$0x898] =	vst v0  }
0x8c: {  	[tilespmem:$0x8A8] =	vst v0  }
0x8d: {  	[tilespmem:$0x8B8] =	vst v0  }
0x8e: {  	[tilespmem:$0x8C8] =	vst v0  }
0x8f: {  	[tilespmem:$0x8D8] =	vst v0  }
0x90: {  	[tilespmem:$0x8E8] =	vst v0  }
0x91: {  	[tilespmem:$0x8F8] =	vst v0  }
0x92: {  	[tilespmem:$0x908] =	vst v0  }
0x93: {  	[tilespmem:$0x918] =	vst v0  }
0x94: {  	[tilespmem:$0x928] =	vst v0  }
0x95: {  	[tilespmem:$0x938] =	vst v0  }
0x96: {  	[tilespmem:$0x948] =	vst v0  }
0x97: {  	[tilespmem:$0x958] =	vst v0  }
0x98: {  	[tilespmem:$0x968] =	vst v0  }
0x99: {  	[tilespmem:$0x978] =	vst v0  }
0x9a: {  	[tilespmem:$0x988] =	vst v0  }
0x9b: {  	[tilespmem:$0x998] =	vst v0  }
0x9c: {  	[tilespmem:$0x9A8] =	vst v0  }
0x9d: {  	[tilespmem:$0x9B8] =	vst v0  }
0x9e: {  	[tilespmem:$0x9C8] =	vst v0  }
0x9f: {  	[tilespmem:$0x9D8] =	vst v0  }
0xa0: {  	[tilespmem:$0x9E8] =	vst v0  }
0xa1: {  	[tilespmem:$0x9F8] =	vst v0  }
0xa2: {  	[tilespmem:$0xA08] =	vst v0  }
0xa3: {  	[tilespmem:$0xA18] =	vst v0  }
0xa4: {  	[tilespmem:$0xA28] =	vst v0  }
0xa5: {  	[tilespmem:$0xA38] =	vst v0  }
0xa6: {  	[tilespmem:$0xA48] =	vst v0  }
0xa7: {  	[tilespmem:$0xA58] =	vst v0  }
0xa8: {  	[tilespmem:$0xA68] =	vst v0  }
0xa9: {  	[tilespmem:$0xA78] =	vst v0  }
0xaa: {  	[tilespmem:$0xA88] =	vst v0  }
0xab: {  	[tilespmem:$0xA98] =	vst v0  }
0xac: {  	[tilespmem:$0xAA8] =	vst v0  }
0xad: {  	[tilespmem:$0xAB8] =	vst v0  }
0xae: {  	[tilespmem:$0xAC8] =	vst v0  }
0xaf: {  	[tilespmem:$0xAD8] =	vst v0  }
0xb0: {  	[tilespmem:$0xAE8] =	vst v0  }
0xb1: {  	[tilespmem:$0xAF8] =	vst v0  }
0xb2: {  	[tilespmem:$0xB08] =	vst v0  }
0xb3: {  	[tilespmem:$0xB18] =	vst v0  }
0xb4: {  	[tilespmem:$0xB28] =	vst v0  }
0xb5: {  	[tilespmem:$0xB38] =	vst v0  }
0xb6: {  	[tilespmem:$0xB48] =	vst v0  }
0xb7: {  	[tilespmem:$0xB58] =	vst v0  }
0xb8: {  	[tilespmem:$0xB68] =	vst v0  }
0xb9: {  	[tilespmem:$0xB78] =	vst v0  }
0xba: {  	[tilespmem:$0xB88] =	vst v0  }
0xbb: {  	[tilespmem:$0xB98] =	vst v0  }
0xbc: {  	[tilespmem:$0xBA8] =	vst v0  }
0xbd: {  	[tilespmem:$0xBB8] =	vst v0  }
0xbe: {  	[tilespmem:$0xBC8] =	vst v0  }
0xbf: {  	[tilespmem:$0xBD8] =	vst v0  }
0xc0: {  	[tilespmem:$0xBE8] =	vst v0  }
0xc1: {  	[tilespmem:$0xBF8] =	vst v0  }
0xc2: {  	[tilespmem:$0xC08] =	vst v0  }
0xc3: {  	[tilespmem:$0xC18] =	vst v0  }
0xc4: {  	[tilespmem:$0xC28] =	vst v0  }
0xc5: {  	[tilespmem:$0xC38] =	vst v0  }
0xc6: {  	[tilespmem:$0xC48] =	vst v0  }
0xc7: {  	[tilespmem:$0xC58] =	vst v0  }
0xc8: {  	[tilespmem:$0xC68] =	vst v0  }
0xc9: {  	[tilespmem:$0xC78] =	vst v0  }
0xca: {  	[tilespmem:$0xC88] =	vst v0  }
0xcb: {  	[tilespmem:$0xC98] =	vst v0  }
0xcc: {  	[tilespmem:$0xCA8] =	vst v0  }
0xcd: {  	[tilespmem:$0xCB8] =	vst v0  }
0xce: {  	[tilespmem:$0xCC8] =	vst v0  }
0xcf: {  	[tilespmem:$0xCD8] =	vst v0  }
0xd0: {  	[tilespmem:$0xCE8] =	vst v0  }
0xd1: {  	[tilespmem:$0xCF8] =	vst v0  }
0xd2: {  	[tilespmem:$0xD08] =	vst v0  }
0xd3: {  	[tilespmem:$0xD18] =	vst v0  }
0xd4: {  	[tilespmem:$0xD28] =	vst v0  }
0xd5: {  	[tilespmem:$0xD38] =	vst v0  }
0xd6: {  	[tilespmem:$0xD48] =	vst v0  }
0xd7: {  	[tilespmem:$0xD58] =	vst v0  }
0xd8: {  	[tilespmem:$0xD68] =	vst v0  }
0xd9: {  	[tilespmem:$0xD78] =	vst v0  }
0xda: {  	[tilespmem:$0xD88] =	vst v0  }
0xdb: {  	[tilespmem:$0xD98] =	vst v0  }
0xdc: {  	[tilespmem:$0xDA8] =	vst v0  }
0xdd: {  	[tilespmem:$0xDB8] =	vst v0  }
0xde: {  	[tilespmem:$0xDC8] =	vst v0  }
0xdf: {  	[tilespmem:$0xDD8] =	vst v0  }
0xe0: {  	[tilespmem:$0xDE8] =	vst v0  }
0xe1: {  	[tilespmem:$0xDF8] =	vst v0  }
0xe2: {  	[tilespmem:$0xE08] =	vst v0  }
0xe3: {  	[tilespmem:$0xE18] =	vst v0  }
0xe4: {  	[tilespmem:$0xE28] =	vst v0  }
0xe5: {  	[tilespmem:$0xE38] =	vst v0  }
0xe6: {  	[tilespmem:$0xE48] =	vst v0  }
0xe7: {  	[tilespmem:$0xE58] =	vst v0  }
0xe8: {  	[tilespmem:$0xE68] =	vst v0  }
0xe9: {  	[tilespmem:$0xE78] =	vst v0  }
0xea: {  	[tilespmem:$0xE88] =	vst v0  }
0xeb: {  	[tilespmem:$0xE98] =	vst v0  }
0xec: {  	[tilespmem:$0xEA8] =	vst v0  }
0xed: {  	[tilespmem:$0xEB8] =	vst v0  }
0xee: {  	[tilespmem:$0xEC8] =	vst v0  }
0xef: {  	[tilespmem:$0xED8] =	vst v0  }
0xf0: {  	[tilespmem:$0xEE8] =	vst v0  }
0xf1: {  	[tilespmem:$0xEF8] =	vst v0  }
0xf2: {  	[tilespmem:$0xF08] =	vst v0  }
0xf3: {  	[tilespmem:$0xF18] =	vst v0  }
0xf4: {  	[tilespmem:$0xF28] =	vst v0  }
0xf5: {  	[tilespmem:$0xF38] =	vst v0  }
0xf6: {  	[tilespmem:$0xF48] =	vst v0  }
0xf7: {  	[tilespmem:$0xF58] =	vst v0  }
0xf8: {  	[tilespmem:$0xF68] =	vst v0  }
0xf9: {  	[tilespmem:$0xF78] =	vst v0  }
0xfa: {  	[tilespmem:$0xF88] =	vst v0  }
0xfb: {  	[tilespmem:$0xF98] =	vst v0  }
0xfc: {  	[tilespmem:$0xFA8] =	vst v0  }
0xfd: {  	[tilespmem:$0xFB8] =	vst v0  }
0xfe: {  	[tilespmem:$0xFC8] =	vst v0  }
0xff: {  	[tilespmem:$0xFD8] =	vst v0  }
0x100: {  	[tilespmem:$0xFE8] =	vst v0  }
0x101: {  	[tilespmem:$0xFF8] =	vst v0  }
0x102: {  	[tilespmem:$0x1008] =	vst v0  }
0x103: {  	[tilespmem:$0x10D8] =	vst v0  }
0x104: {  	[tilespmem:$0x1B28] =	vst v0  }
0x105: {  	[tilespmem:$0x1B18] =	vst v0  }
0x106: {  	[tilespmem:$0x1B08] =	vst v0  }
0x107: {  	[tilespmem:$0x1AF8] =	vst v0  }
0x108: {  	[tilespmem:$0x1AE8] =	vst v0  }
0x109: {  	[tilespmem:$0x1AD8] =	vst v0  }
0x10a: {  	[tilespmem:$0x1AC8] =	vst v0  }
0x10b: {  	[tilespmem:$0x1AB8] =	vst v0  }
0x10c: {  	[tilespmem:$0x1AA8] =	vst v0  }
0x10d: {  	[tilespmem:$0x1A98] =	vst v0  }
0x10e: {  	[tilespmem:$0x1A88] =	vst v0  }
0x10f: {  	[tilespmem:$0x1A78] =	vst v0  }
0x110: {  	[tilespmem:$0x1A68] =	vst v0  }
0x111: {  	[tilespmem:$0x1A58] =	vst v0  }
0x112: {  	[tilespmem:$0x1A48] =	vst v0  }
0x113: {  	[tilespmem:$0x1A38] =	vst v0  }
0x114: {  	[tilespmem:$0x1A28] =	vst v0  }
0x115: {  	[tilespmem:$0x1A18] =	vst v0  }
0x116: {  	[tilespmem:$0x1A08] =	vst v0  }
0x117: {  	[tilespmem:$0x19F8] =	vst v0  }
0x118: {  	[tilespmem:$0x19E8] =	vst v0  }
0x119: {  	[tilespmem:$0x19D8] =	vst v0  }
0x11a: {  	[tilespmem:$0x19C8] =	vst v0  }
0x11b: {  	[tilespmem:$0x19B8] =	vst v0  }
0x11c: {  	[tilespmem:$0x19A8] =	vst v0  }
0x11d: {  	[tilespmem:$0x1998] =	vst v0  }
0x11e: {  	[tilespmem:$0x1988] =	vst v0  }
0x11f: {  	[tilespmem:$0x1978] =	vst v0  }
0x120: {  	[tilespmem:$0x1968] =	vst v0  }
0x121: {  	[tilespmem:$0x1958] =	vst v0  }
0x122: {  	[tilespmem:$0x1948] =	vst v0  }
0x123: {  	[tilespmem:$0x1938] =	vst v0  }
0x124: {  	[tilespmem:$0x1928] =	vst v0  }
0x125: {  	[tilespmem:$0x1918] =	vst v0  }
0x126: {  	[tilespmem:$0x1908] =	vst v0  }
0x127: {  	[tilespmem:$0x18F8] =	vst v0  }
0x128: {  	[tilespmem:$0x18E8] =	vst v0  }
0x129: {  	[tilespmem:$0x18D8] =	vst v0  }
0x12a: {  	[tilespmem:$0x18C8] =	vst v0  }
0x12b: {  	[tilespmem:$0x18B8] =	vst v0  }
0x12c: {  	[tilespmem:$0x18A8] =	vst v0  }
0x12d: {  	[tilespmem:$0x1898] =	vst v0  }
0x12e: {  	[tilespmem:$0x1888] =	vst v0  }
0x12f: {  	[tilespmem:$0x1878] =	vst v0  }
0x130: {  	[tilespmem:$0x1868] =	vst v0  }
0x131: {  	[tilespmem:$0x1858] =	vst v0  }
0x132: {  	[tilespmem:$0x1848] =	vst v0  }
0x133: {  	[tilespmem:$0x1838] =	vst v0  }
0x134: {  	[tilespmem:$0x1828] =	vst v0  }
0x135: {  	[tilespmem:$0x1818] =	vst v0  }
0x136: {  	[tilespmem:$0x1808] =	vst v0  }
0x137: {  	[tilespmem:$0x17F8] =	vst v0  }
0x138: {  	[tilespmem:$0x17E8] =	vst v0  }
0x139: {  	[tilespmem:$0x17D8] =	vst v0  }
0x13a: {  	[tilespmem:$0x17C8] =	vst v0  }
0x13b: {  	[tilespmem:$0x17B8] =	vst v0  }
0x13c: {  	[tilespmem:$0x17A8] =	vst v0  }
0x13d: {  	[tilespmem:$0x1798] =	vst v0  }
0x13e: {  	[tilespmem:$0x1788] =	vst v0  }
0x13f: {  	[tilespmem:$0x1778] =	vst v0  }
0x140: {  	[tilespmem:$0x1768] =	vst v0  }
0x141: {  	[tilespmem:$0x1758] =	vst v0  }
0x142: {  	[tilespmem:$0x1748] =	vst v0  }
0x143: {  	[tilespmem:$0x1738] =	vst v0  }
0x144: {  	[tilespmem:$0x1728] =	vst v0  }
0x145: {  	[tilespmem:$0x1718] =	vst v0  }
0x146: {  	[tilespmem:$0x1708] =	vst v0  }
0x147: {  	[tilespmem:$0x16F8] =	vst v0  }
0x148: {  	[tilespmem:$0x16E8] =	vst v0  }
0x149: {  	[tilespmem:$0x16D8] =	vst v0  }
0x14a: {  	[tilespmem:$0x16C8] =	vst v0  }
0x14b: {  	[tilespmem:$0x16B8] =	vst v0  }
0x14c: {  	[tilespmem:$0x16A8] =	vst v0  }
0x14d: {  	[tilespmem:$0x1698] =	vst v0  }
0x14e: {  	[tilespmem:$0x1688] =	vst v0  }
0x14f: {  	[tilespmem:$0x1678] =	vst v0  }
0x150: {  	[tilespmem:$0x1668] =	vst v0  }
0x151: {  	[tilespmem:$0x1658] =	vst v0  }
0x152: {  	[tilespmem:$0x1648] =	vst v0  }
0x153: {  	[tilespmem:$0x1638] =	vst v0  }
0x154: {  	[tilespmem:$0x1628] =	vst v0  }
0x155: {  	[tilespmem:$0x1618] =	vst v0  }
0x156: {  	[tilespmem:$0x1608] =	vst v0  }
0x157: {  	[tilespmem:$0x15F8] =	vst v0  }
0x158: {  	[tilespmem:$0x15E8] =	vst v0  }
0x159: {  	[tilespmem:$0x15D8] =	vst v0  }
0x15a: {  	[tilespmem:$0x15C8] =	vst v0  }
0x15b: {  	[tilespmem:$0x15B8] =	vst v0  }
0x15c: {  	[tilespmem:$0x15A8] =	vst v0  }
0x15d: {  	[tilespmem:$0x1598] =	vst v0  }
0x15e: {  	[tilespmem:$0x1588] =	vst v0  }
0x15f: {  	[tilespmem:$0x1578] =	vst v0  }
0x160: {  	[tilespmem:$0x1568] =	vst v0  }
0x161: {  	[tilespmem:$0x1558] =	vst v0  }
0x162: {  	[tilespmem:$0x1548] =	vst v0  }
0x163: {  	[tilespmem:$0x1538] =	vst v0  }
0x164: {  	[tilespmem:$0x1528] =	vst v0  }
0x165: {  	[tilespmem:$0x1518] =	vst v0  }
0x166: {  	[tilespmem:$0x1508] =	vst v0  }
0x167: {  	[tilespmem:$0x14F8] =	vst v0  }
0x168: {  	[tilespmem:$0x14E8] =	vst v0  }
0x169: {  	[tilespmem:$0x14D8] =	vst v0  }
0x16a: {  	[tilespmem:$0x14C8] =	vst v0  }
0x16b: {  	[tilespmem:$0x14B8] =	vst v0  }
0x16c: {  	[tilespmem:$0x14A8] =	vst v0  }
0x16d: {  	[tilespmem:$0x1498] =	vst v0  }
0x16e: {  	[tilespmem:$0x1488] =	vst v0  }
0x16f: {  	[tilespmem:$0x1478] =	vst v0  }
0x170: {  	[tilespmem:$0x1468] =	vst v0  }
0x171: {  	[tilespmem:$0x1458] =	vst v0  }
0x172: {  	[tilespmem:$0x1448] =	vst v0  }
0x173: {  	[tilespmem:$0x1438] =	vst v0  }
0x174: {  	[tilespmem:$0x1428] =	vst v0  }
0x175: {  	[tilespmem:$0x1418] =	vst v0  }
0x176: {  	[tilespmem:$0x1408] =	vst v0  }
0x177: {  	[tilespmem:$0x13F8] =	vst v0  }
0x178: {  	[tilespmem:$0x13E8] =	vst v0  }
0x179: {  	[tilespmem:$0x13D8] =	vst v0  }
0x17a: {  	[tilespmem:$0x13C8] =	vst v0  }
0x17b: {  	[tilespmem:$0x13B8] =	vst v0  }
0x17c: {  	[tilespmem:$0x13A8] =	vst v0  }
0x17d: {  	[tilespmem:$0x1398] =	vst v0  }
0x17e: {  	[tilespmem:$0x1388] =	vst v0  }
0x17f: {  	[tilespmem:$0x1378] =	vst v0  }
0x180: {  	[tilespmem:$0x1368] =	vst v0  }
0x181: {  	[tilespmem:$0x1358] =	vst v0  }
0x182: {  	[tilespmem:$0x1348] =	vst v0  }
0x183: {  	[tilespmem:$0x1338] =	vst v0  }
0x184: {  	[tilespmem:$0x1328] =	vst v0  }
0x185: {  	[tilespmem:$0x1318] =	vst v0  }
0x186: {  	[tilespmem:$0x1308] =	vst v0  }
0x187: {  	[tilespmem:$0x12F8] =	vst v0  }
0x188: {  	[tilespmem:$0x12E8] =	vst v0  }
0x189: {  	[tilespmem:$0x12D8] =	vst v0  }
0x18a: {  	[tilespmem:$0x12C8] =	vst v0  }
0x18b: {  	[tilespmem:$0x12B8] =	vst v0  }
0x18c: {  	[tilespmem:$0x12A8] =	vst v0  }
0x18d: {  	[tilespmem:$0x1298] =	vst v0  }
0x18e: {  	[tilespmem:$0x1288] =	vst v0  }
0x18f: {  	[tilespmem:$0x1278] =	vst v0  }
0x190: {  	[tilespmem:$0x1268] =	vst v0  }
0x191: {  	[tilespmem:$0x1258] =	vst v0  }
0x192: {  	[tilespmem:$0x1248] =	vst v0  }
0x193: {  	[tilespmem:$0x1238] =	vst v0  }
0x194: {  	[tilespmem:$0x1228] =	vst v0  }
0x195: {  	[tilespmem:$0x1218] =	vst v0  }
0x196: {  	[tilespmem:$0x1208] =	vst v0  }
0x197: {  	[tilespmem:$0x11F8] =	vst v0  }
0x198: {  	[tilespmem:$0x11E8] =	vst v0  }
0x199: {  	[tilespmem:$0x11D8] =	vst v0  }
0x19a: {  	[tilespmem:$0x11C8] =	vst v0  }
0x19b: {  	[tilespmem:$0x11B8] =	vst v0  }
0x19c: {  	[tilespmem:$0x11A8] =	vst v0  }
0x19d: {  	[tilespmem:$0x1198] =	vst v0  }
0x19e: {  	[tilespmem:$0x1188] =	vst v0  }
0x19f: {  	[tilespmem:$0x1178] =	vst v0  }
0x1a0: {  	[tilespmem:$0x1168] =	vst v0  }
0x1a1: {  	[tilespmem:$0x1158] =	vst v0  }
0x1a2: {  	[tilespmem:$0x1148] =	vst v0  }
0x1a3: {  	[tilespmem:$0x1138] =	vst v0  }
0x1a4: {  	[tilespmem:$0x1128] =	vst v0  }
0x1a5: {  	[tilespmem:$0x1118] =	vst v0  }
0x1a6: {  	s2 =	stileid.u32;
	[tilespmem:$0x1108] =	vst v0  }
0x1a7: {  	s0 =	smul.u32 $0x18, s2;
	[tilespmem:$0x10F8] =	vst v0  }
0x1a8: {  	s3 =	smin.u32 s2, $0xA;
	[tilespmem:$0x10E8] =	vst v0  }
0x1a9: {  	[tilespmem:$0x10B8] =	vst v0;
	s0 =	sadd.s32 s3, s0  }
0x1aa: {  	s4 =	simm.s32 $0x2A30;
	p0 =	slt.u32 s2, $0xA;
	[tilespmem:$0x10C8] =	vst v0;
	s3 =	smul.u32 $0x1B0, s0  }
0x1ab: {  	s4 =	simm.s32 @!p0 $0x2880;
	[tilespmem:$0x10A8] =	vst v0  }
0x1ac: {  	[tilespmem:$0x1038] =	vst v0;
	s0 =	sadd.s32 s4, s3  }
0x1ad: {  	[tilespmem:$0x1098] =	vst v0;
	s4 =	smin.u32 s0, $0x29810  }
0x1ae: {  	[tilespmem:$0x1088] =	vst v0;
	s0 =	ssub.s32 s4, s3  }
0x1af: {  	s5 =	simm.s32 $0x2;
	[tilespmem:$0x1078] =	vst v0;
	p0 =	sgt.s32 s0, $0x0  }
0x1b0: {  	s29 =	simm.s32 $0x7;
	s13 =	simm.s32 $0x8;
	[tilespmem:$0x1068] =	vst v0;
	s0 =	simm.s32 @!p0 $0x0  }
0x1b1: {  	s30 =	simm.s32 $0x9;
	p4 =	por $0x0, $0x0;
	[tilespmem:$0x1058] =	vst v0;
	s6 =	smulhi.u32 $0x4BDA12F7, s0  }
0x1b2: {  	s14 =	simm.s32 $0xA;
	s18 =	simm.s32 $0x0;
	s15 =	simm.s32 $0x0;
	[tilespmem:$0x1048] =	vst v0  }
0x1b3: {  	s17 =	simm.s32 $0x0;
	s7 =	sadd.s32 $0x28E800, s8;
	[tilespmem:$0x1028] =	vst v0;
	s12 =	sshrl.u32 s6, $0x7  }
0x1b4: {  	s31 =	sshll.u32 s2, $0x5;
	[tilespmem:$0x1018] =	vst v0;
	[sflag:s5] =	ssyncpa.u1 $0x0;
	v0 =	vimm.s32 $0xFFFFFFFF;
	s10 =	smul.u32 $0x1B0, s12  }
.Ltmp0:
0x1b5: {  	s5 =	sadd.s32 $0x531200, s8;
	[tilespmem:$0x3648] =	vst v0;
	[sflag:s29] =	ssyncpa.u1 $0x0;
	(pc) =	sbr.rel .LBB2_1-.Ltmp0, $4  }
0x1b6: {  	[dreg:$0x3] =	wrdreg s31;
	[sflag:s13] =	ssyncpa.u1 $0x0;
	p0 =	sne.s32 s0, s10  }
0x1b7: {  	s13 =	simm.s32 $0x0;
	[sflag:s30] =	ssyncpa.u1 $0x0;
	s11 =	simm.s32 @!p0 $0x0  }
0x1b8: {  	s16 =	smov.u32 s3;
	[dreg:$0x4] =	wrdreg s3;
	s11 =	sadd.s32 s11, s12  }
0x1b9: {  	v0 =	vlaneseq.u32;
	s6 =	sadd.s32 $0x52BE00, s8;
	p0 =	por $0x1, $0x1;
	s8 =	sadd.s32 $0x1, s11  }
.LBB2_18:
0x1ba: {  	s0 =	simm.s32 $0x2  }
0x1bb: {  	_ =	swait.ge [sflag:s0], $0x0  }
0x1bc: {  	[sflag:s0] =	ssyncset.done $0x0;
	s0 =	simm.s32 $0x0  }
.LBB2_19:
0x1bd: {  	_ =	swait.ge [sflag:s14], s0  }
0x1be: {  	s31 =	ssub.s32 $0x0, s0;
	v1 =	vmov s20;
	vm0 =	veq.s32 v0, $0x0;
	[sflag:s14] =	ssyncset.done $0x0  }
0x1bf: {  	vm15 =	veq.s32 v0, $0x2;
	v1 =	vsel vm0, s24, v1;
	[sflag:s14] =	ssyncadd.s32 s31  }
0x1c0: {  	v1 =	vsel vm15, s18, v1;
	[sflag:s14] =	ssyncpa.u1 $0x1  }
0x1c1: {  	[tilespmem:$0x3648] =	vst v1  }
.LBB2_20:
0x1c2: {  	s0 =	sadd.s32 $0x1B0, s16  }
0x1c3: {  	s2 =	smov.u32 s3;
	p1 =	slt.s32 s0, s4  }
0x1c4: {  	s2 =	smov.u32 @p1 s0;
	p1 =	sne.s32 s17, s8  }
.Ltmp1:
0x1c5: {  	_ = 	snop;
	(pc) =	sbr.rel @!p1 .LBB2_21-.Ltmp1, $4  }
0x1c6: {  	_ = 	snop  }
0x1c7: {  	s18 =	smov.u32 s15  }
0x1c8: {  	s31 =	sadd.s32 $0x1, s17;
	s15 =	smov.u32 s16;
	p0 =	por !p0, !p0  }
0x1c9: {  	p4 =	por !p4, !p4;
	s17 =	smov.u32 s31;
	s16 =	smov.u32 s2  }
.LBB2_1:
0x1ca: {  	p2 =	sge.u32 s17, s11  }
0x1cb: {  	s0 =	smulhi.u32 @!p2 $0xAAAAAAAB, s17  }
0x1cc: {  	s19 =	smov.u32 s16;
	p3 =	sgt.s32 @!p2 s16, $0x29660  }
0x1cd: {  	s20 =	sshra.s32 @!p2 s16, $0x1F;
	p3 =	por !p3, p2;
	s0 =	sshrl.u32 @!p2 s0, $0x1  }
0x1ce: {  	s20 =	sand.u32 @!p2 s20, s16;
	s19 =	simm.s32 @p3 $0x29660;
	s0 =	smul.u32 @!p2 $0x3, s0  }
0x1cf: {  	s19 =	ssub.s32 @!p2 s19, s20  }
0x1d0: {  	s19 =	sadd.s32 @!p2 $0xFFFD69A0, s19;
	s0 =	ssub.s32 @!p2 s17, s0  }
0x1d1: {  	s20 =	sshll.u32 @!p2 s19, $0x2;
	p3 =	sgt.s32 @!p2 s19, $0x1AF;
	s0 =	smul.u32 @!p2 $0x6C0, s0  }
0x1d2: {  	s21 =	sand.u32 @!p2 $0x7, s16;
	s19 =	ssub.s32 @!p2 $0x6C0, s20;
	p3 =	por !p3, p2  }
0x1d3: {  	s20 =	sshrl.u32 @!p2 s16, $0x3;
	s19 =	sshrl.u32 @!p2 s19, $0x2;
	s0 =	sshrl.u32 @!p2 s0, $0x2  }
0x1d4: {  	s20 =	sadd.s32 @!p2 s5, s20;
	s19 =	simm.s32 @!p3 $0x0;
	s0 =	sadd.s32 @!p2 $0x3878, s0  }
0x1d5: {  	[tilespmem:s0], [sflag:$0x8] =	stream.linear.gather @!p2 [hbm4b:s20+s21], s19, $0x38;
	[tilespmem:$0x1F0E8] =	vst v63  }
0x1d6: {  	s20 =	sadd.s32 $0xFFFFFFFF, s17  }
0x1d7: {  	p2 =	sge.u32 s20, s11  }
0x1d8: {  	p3 =	sgt.s32 @!p2 s15, $0x29660  }
0x1d9: {  	s0 =	smov.u32 s15;
	s19 =	sshra.s32 @!p2 s15, $0x1F;
	p3 =	por !p3, p2  }
0x1da: {  	s19 =	sand.u32 @!p2 s19, s15;
	s0 =	simm.s32 @p3 $0x29660  }
0x1db: {  	s0 =	ssub.s32 @!p2 s0, s19  }
0x1dc: {  	s0 =	sadd.s32 @!p2 $0xFFFD69A0, s0  }
0x1dd: {  	s19 =	sshll.u32 @!p2 s0, $0x2  }
0x1de: {  	p3 =	sgt.s32 @!p2 s0, $0x1AF;
	s0 =	ssub.s32 @!p2 $0x6C0, s19  }
0x1df: {  	p3 =	por !p3, p2;
	s0 =	sshrl.u32 @!p2 s0, $0x2  }
0x1e0: {  	s21 =	simm.s32 @!p2 $0x8;
	s19 =	sand.u32 @!p2 $0x1, s20;
	s0 =	simm.s32 @!p3 $0x0  }
0x1e1: {  	s19 =	smul.u32 @!p2 $0x6C0, s19;
	_ =	swait.ge @!p2 [sflag:s21], s0  }
0x1e2: {  	s22 =	ssub.s32 @!p2 $0x0, s0;
	[sflag:s21] =	ssyncset.done @!p2 $0x0  }
0x1e3: {  	s19 =	sshrl.u32 @!p2 s19, $0x2;
	[sflag:s21] =	ssyncadd.s32 @!p2 s22;
	s21 =	sshrl.u32 @!p2 s15, $0x3  }
0x1e4: {  	s19 =	sadd.s32 @!p2 $0x3D88, s19;
	s22 =	sand.u32 @!p2 $0x7, s15;
	s21 =	sadd.s32 @!p2 s6, s21  }
0x1e5: {  	[tilespmem:s19], [sflag:$0x9] =	stream.linear.gather @!p2 [hbm4b:s21+s22], s0, $0x38;
	[tilespmem:$0x1F0E8] =	vst v63  }
0x1e6: {  	s19 =	ssub.s32 @!p2 $0x29810, s15  }
0x1e7: {  	p3 =	slt.s32 @!p2 s19, $0x1  }
0x1e8: {  	p3 =	por p2, p3  }
.Ltmp2:
0x1e9: {  	_ = 	snop;
	(pc) =	sbr.rel @p3 .LBB2_7-.Ltmp2, $1  }
0x1ea: {  	_ =	sdelay $0x3  }
0x1eb: {  	s0 =	smulhi.u32 $0xAAAAAAAB, s20;
	_ =	sdelay $0x1  }
0x1ec: {  	s0 =	sshrl.u32 s0, $0x1  }
0x1ed: {  	s0 =	smul.u32 $0x3, s0;
	_ =	sdelay $0x1  }
0x1ee: {  	s0 =	ssub.s32 s20, s0  }
0x1ef: {  	s21 =	simm.s32 $0x1;
	s0 =	smul.u32 $0x6C0, s0  }
.Ltmp3:
0x1f0: {  	s21 =	simm.s32 @!p0 $0x0;
	(pc) =	sbr.rel .LBB2_4-.Ltmp3, $4  }
0x1f1: {  	s31 =	smul.u32 $0x36000, s21  }
0x1f2: {  	p3 =	slt.s32 @!p2 s19, $0x1B0;
	s0 =	sshrl.u32 s0, $0x2  }
0x1f3: {  	p2 =	por !p3, p2;
	s20 =	sshrl.u32 s31, $0x2;
	s0 =	sadd.s32 $0x3878, s0  }
0x1f4: {  	s19 =	simm.s32 @p2 $0x1B0;
	s21 =	simm.s32 $0x0;
	s20 =	sadd.s32 $0x40E8, s20;
	v1 =	vmov s0  }
.LBB2_3:
0x1f5: {  	p2 =	sge.s32 s21, s19  }
.Ltmp4:
0x1f6: {  	_ = 	snop;
	(pc) =	sbr.rel @p2 .LBB2_7-.Ltmp4, $2  }
0x1f7: {  	_ =	sdelay $0x2  }
0x1f8: {  	s20 =	sadd.s32 $0x800, s20  }
.LBB2_4:
0x1f9: {  	p2 =	sle.s32 s19, s21  }
.Ltmp5:
0x1fa: {  	_ = 	snop;
	(pc) =	sbr.rel @p2 .LBB2_3-.Ltmp5, $2  }
0x1fb: {  	_ =	sdelay $0x2  }
0x1fc: {  	s22 =	smov.u32 s21;
	s21 =	sadd.s32 $0x10, s21  }
0x1fd: {  	s0 =	ssub.s32 s19, s22  }
0x1fe: {  	p2 =	slt.s32 s0, $0x10  }
0x1ff: {  	s0 =	simm.s32 @!p2 $0x10  }
0x200: {  	v2 =	vmov s0  }
0x201: {  	vm0 =	vgt.s32 v2, v0;
	_ =	sdelay $0x5  }
0x202: {  	v2 =	vld.idx.msk [tilespmem:v1+s22+$0x0 ss:$0x1], vm0;
	_ =	sdelay $0x2  }
0x203: {  	s23 =	smov.u32 s19;
	p2 =	slt.s32 s21, s19  }
0x204: {  	s24 =	smov.u32 s20;
	s25 =	simm.s32 $0x0;
	s23 =	smov.u32 @p2 s21  }
.LBB2_6:
0x205: {  	(v2sf) =	vpush v2, s25;
	_ =	sdelay $0xc  }
0x206: {  	s25 =	sadd.s32 $0x1, s25  }
0x207: {  	s31 =	sadd.s32 s25, s22  }
0x208: {  	p2 =	slt.s32 s31, s23;
	s0 =	spop (v2sf)  }
.Ltmp6:
0x209: {  	s0 =	sshll.u32 s0, $0x4;
	(pc) =	sbr.rel @p2 .LBB2_6-.Ltmp6, $4  }
0x20a: {  	s0 =	sand.u32 $0x1FFFFFF0, s0  }
0x20b: {  	s0 =	sadd.s32 s7, s0  }
0x20c: {  	[tilespmem:s24], [sflag:$0x7] =	stream.linear.gather [hbm4b:s0+s13], $0x4, $0x38;
	[tilespmem:$0x1F0E8] =	vst v63  }
0x20d: {  	s24 =	sadd.s32 $0x80, s24  }
.Ltmp7:
0x20e: {  	_ = 	snop;
	(pc) =	sbr.rel .LBB2_3-.Ltmp7, $1  }
0x20f: {  	_ =	sdelay $0x3  }
.LBB2_7:
0x210: {  	p2 =	slt.u32 s17, $0x2  }
.Ltmp8:
0x211: {  	_ = 	snop;
	(pc) =	sbr.rel @p2 .LBB2_20-.Ltmp8, $1  }
0x212: {  	_ =	sdelay $0x3  }
0x213: {  	p2 =	sgt.s32 s18, $0x29660;
	s0 =	smov.u32 s18  }
0x214: {  	s19 =	sshra.s32 s18, $0x1F;
	s20 =	ssub.s32 $0x29810, s18;
	s0 =	simm.s32 @!p2 $0x29660  }
0x215: {  	s19 =	sand.u32 s19, s18;
	p2 =	slt.s32 s20, $0x1B0;
	s21 =	smov.u32 s20  }
0x216: {  	s0 =	ssub.s32 s0, s19;
	s21 =	simm.s32 @!p2 $0x1B0  }
0x217: {  	s0 =	sadd.s32 $0xFFFD69A0, s0;
	s26 =	sshll.u32 s21, $0x2  }
0x218: {  	s2 =	simm.s32 $0x7;
	s28 =	sshll.u32 s0, $0x2;
	s19 =	sand.u32 $0x3FFFFFFC, s26  }
0x219: {  	p2 =	sgt.s32 s0, $0x1AF;
	s29 =	ssub.s32 $0x6C0, s28;
	_ =	swait.ge [sflag:s2], s19  }
0x21a: {  	s19 =	ssub.s32 $0x0, s19;
	[sflag:s2] =	ssyncset.done $0x0;
	s0 =	sshrl.u32 s29, $0x2  }
0x21b: {  	s30 =	simm.s32 $0x9;
	[sflag:s2] =	ssyncadd.s32 s19;
	s0 =	simm.s32 @p2 $0x0  }
0x21c: {  	_ =	swait.ge [sflag:s30], s0  }
0x21d: {  	s0 =	ssub.s32 $0x0, s0;
	[sflag:s30] =	ssyncset.done $0x0  }
0x21e: {  	[sflag:s30] =	ssyncadd.s32 s0  }
0x21f: {  	v1 =	vld [tilespmem:$0x3648];
	_ =	sdelay $0x4  }
0x220: {  	(v2sf) =	vpush v1, $0x0  }
0x221: {  	(v2sf) =	vpush v1, $0x1  }
0x222: {  	(v2sf) =	vpush v1, $0x2;
	_ =	sdelay $0x3  }
0x223: {  	s0 =	sadd.s32 $0x1B0, s18  }
0x224: {  	p2 =	slt.s32 s4, s0  }
0x225: {  	s0 =	smov.u32 @p2 s4;
	p2 =	sgt.s32 s20, $0x0  }
0x226: {  	s22 =	ssub.s32 s0, s18;
	s20 =	simm.s32 @!p2 $0x0  }
0x227: {  	p2 =	slt.s32 s20, s22  }
0x228: {  	s22 =	smov.u32 @p2 s20  }
0x229: {  	s21 =	simm.s32 $0x1;
	p2 =	slt.s32 s22, $0x1  }
.Ltmp9:
0x22a: {  	s21 =	simm.s32 @!p4 $0x0;
	(pc) =	sbr.rel @p2 .LBB2_12-.Ltmp9, $4  }
0x22b: {  	s31 =	smul.u32 $0x6C0, s21  }
0x22c: {  	s23 =	spop (v2sf)  }
0x22d: {  	s0 =	sshrl.u32 s31, $0x2;
	s25 =	spop (v2sf)  }
0x22e: {  	s19 =	sadd.s32 $0x3D88, s0;
	s18 =	spop (v2sf)  }
0x22f: {  	s0 =	smin.u32 s22, $0x10  }
0x230: {  	v1 =	vmov s0  }
0x231: {  	p3 =	sgt.s32 s22, $0x10;
	vm1 =	vgt.u32 v1, v0  }
.Ltmp10:
0x232: {  	_ = 	snop;
	(pc) =	sbr.rel @!p3 .LBB2_11-.Ltmp10, $2  }
0x233: {  	_ =	sdelay $0x2  }
0x234: {  	s24 =	simm.s32 $0x10;
	s26 =	sadd.s32 $0xFFFFFFF0, s22;
	s20 =	smov.u32 s19;
	vm0 =	vmmov vm1  }
.LBB2_10:
0x235: {  	s0 =	smin.u32 s26, $0x10;
	s24 =	sadd.s32 $0x10, s24;
	v1 =	vld.msk [tilespmem:s20+$0x0 ss:$0x1], vm1  }
0x236: {  	v2 =	vmov s0;
	p3 =	slt.s32 s24, s22  }
0x237: {  	vm1 =	vgt.u32 v2, v0  }
.Ltmp11:
0x238: {  	(pc) =	sbr.rel @p3 .LBB2_10-.Ltmp11, $3  }
0x239: {  	_ =	sdelay $0x1  }
0x23a: {  	v1 =	vshll.u32 v1, $0x4  }
0x23b: {  	s26 =	sadd.s32 $0xFFFFFFF0, s26;
	[tilespmem:s20+$0x0] =	vst.msk vm0, v1;
	s20 =	sadd.s32 $0x10, s20;
	vm0 =	vmmov vm1  }
.LBB2_11:
0x23c: {  	_ =	sdelay $0x4  }
0x23d: {  	v1 =	vld.msk [tilespmem:s20+$0x0 ss:$0x1], vm1;
	_ =	sdelay $0x4  }
0x23e: {  	v1 =	vshll.u32 v1, $0x4  }
0x23f: {  	[tilespmem:s20+$0x0] =	vst.msk vm0, v1  }
.LBB2_12:
0x240: {  	s0 =	sand.u32 $0x1, s17  }
0x241: {  	s0 =	smul.u32 $0x1B0, s0  }
0x242: {  	p3 =	sne.s32 s25, $0xFFFFFFFF  }
0x243: {  	v1 =	vld.msk @!p3 [tilespmem:s0+$0x3D88], $0x1;
	_ =	sdelay $0x4  }
0x244: {  	(v2sf) =	vpush @!p3 v1, $0x0;
	_ =	sdelay $0xc  }
.Ltmp12:
0x245: {  	_ = 	snop;
	(pc) =	sbr.rel @p2 .LBB2_18-.Ltmp12, $4  }
0x246: {  	_ = 	snop  }
0x247: {  	s24 =	spop @!p3 (v2sf)  }
0x248: {  	s18 =	simm.s32 @!p3 $0x0;
	s20 =	smov.u32 s24  }
0x249: {  	[sflag:s14] =	ssyncpa.u1 $0x0;
	s24 =	smov.u32 @p3 s23;
	s20 =	smov.u32 @p3 s25  }
0x24a: {  	v1 =	vld.msk [tilespmem:s19+$0x0], $0x1;
	_ =	sdelay $0x4  }
0x24b: {  	(v2sf) =	vpush v1, $0x0;
	_ =	sdelay $0xd  }
0x24c: {  	s0 =	simm.s32 @!p4 $0x0  }
0x24d: {  	s26 =	smul.u32 $0x36000, s21;
	s25 =	ssub.s32 $0x0, s22;
	s28 =	spop (v2sf)  }
0x24e: {  	s0 =	simm.s32 @p4 $0x1;
	s23 =	sadd.s32 $0x1, s25;
	p2 =	seq.s32 s24, s28  }
0x24f: {  	[smem:$0x7FD] =	sst s0;
	s0 =	sshrl.u32 s26, $0x2;
	p3 =	sgt.s32 @!p2 s24, $0x0  }
0x250: {  	s21 =	sadd.s32 $0x40E8, s0;
	s0 =	smov.u32 s24;
	p3 =	por !p3, p2  }
0x251: {  	s0 =	simm.s32 @p3 $0x0;
	p3 =	seq.s32 s23, $0x0  }
.Ltmp13:
0x252: {  	_ = 	snop;
	(pc) =	sbr.rel @p3 .LBB2_15-.Ltmp13, $4  }
0x253: {  	s3 =	smov.u32 s8;
	s12 =	smov.u32 s5;
	s8 =	smov.u32 s6  }
0x254: {  	s22 =	simm.s32 $0x0;
	s29 =	simm.s32 @!p2 $0x1;
	s0 =	smin.u32 @!p2 s0, $0x270FF  }
0x255: {  	s30 =	simm.s32 @!p2 $0x1B38;
	s29 =	smov.u32 @p2 s22;
	s26 =	sand.u32 @!p2 $0x3FFF8, s0  }
0x256: {  	s31 =	sand.u32 @!p2 $0x7, s0;
	s0 =	sadd.s32 @!p2 s1, s26;
	s26 =	sadd.s32 $0x1, s19  }
.LBB2_14:
0x257: {  	s2 =	smov.u32 s29  }
0x258: {  	[tilespmem:s30], [sflag:$0x2] =	stream.linear.gather @!p2 [hbm4b:s0+s31], $0x4, $0x38;
	[tilespmem:$0x1F0E8] =	vst v63  }
0x259: {  	s23 =	sadd.s32 $0x1, s23;
	s0 =	smov.u32 s28;
	v1 =	vld.msk [tilespmem:s26+$0x0], $0x1  }
0x25a: {  	p3 =	seq.s32 s23, $0x0;
	_ =	sdelay $0x3  }
0x25b: {  	(v2sf) =	vpush v1, $0x0;
	_ =	sdelay $0xe  }
0x25c: {  	s28 =	spop (v2sf)  }
0x25d: {  	p2 =	seq.s32 s0, s28  }
0x25e: {  	p4 =	sgt.s32 @!p2 s0, $0x0;
	s30 =	sshll.u32 @!p2 s29, $0x6;
	s29 =	sadd.s32 @!p2 $0x1, s29  }
.Ltmp14:
0x25f: {  	p4 =	por !p4, p2;
	s30 =	sshra.s32 @!p2 s30, $0x2;
	(pc) =	sbr.rel @!p3 .LBB2_14-.Ltmp14, $4  }
0x260: {  	s29 =	smov.u32 @p2 s2;
	s0 =	simm.s32 @p4 $0x0;
	s30 =	sadd.s32 @!p2 $0x1B38, s30  }
0x261: {  	s0 =	smin.u32 @!p2 s0, $0x270FF  }
0x262: {  	s2 =	sand.u32 @!p2 $0x3FFF8, s0;
	s31 =	sand.u32 @!p2 $0x7, s0  }
0x263: {  	s26 =	sadd.s32 $0x1, s26;
	s0 =	sadd.s32 @!p2 s1, s2  }
.LBB2_15:
0x264: {  	[tilespmem:s30], [sflag:$0x2] =	stream.linear.gather @!p2 [hbm4b:s0+s31], $0x4, $0x38;
	[tilespmem:$0x1F0E8] =	vst v63  }
0x265: {  	s31 =	sshll.u32 s29, $0x2  }
0x266: {  	s2 =	simm.s32 $0x2;
	s0 =	sand.u32 $0x3FFFFFFC, s31  }
0x267: {  	_ =	swait.ge [sflag:s2], s0  }
0x268: {  	s0 =	ssub.s32 $0x0, s0;
	[sflag:s2] =	ssyncset.done $0x0  }
0x269: {  	[sflag:s2] =	ssyncadd.s32 s0  }
0x26a: {  	v1 =	vld.msk [tilespmem:s19+$0x0], $0x1;
	_ =	sdelay $0x4  }
0x26b: {  	(v2sf) =	vpush v1, $0x0;
	_ =	sdelay $0xe  }
0x26c: {  	s23 =	spop (v2sf)  }
0x26d: {  	p2 =	sne.s32 s24, s23  }
0x26e: {  	p4 =	sne.s32 @p2 s24, s20  }
0x26f: {  	p3 =	por !p4, !p2  }
0x270: {  	s0 =	simm.s32 @!p3 $0x0  }
0x271: {  	v1 =	vld.msk @!p3 [tilespmem:s0+$0x1B38], $0xf  }
0x272: {  	p5 =	sgt.u32 @!p3 s24, $0x270FF  }
0x273: {  	s2 =	sshll.u32 @!p3 s18, $0x6;
	p6 =	por @p2 p5, !p4  }
0x274: {  	s2 =	sshra.s32 @!p3 s2, $0x2;
	p1 =	por p6, !p2;
	p6 =	por p4, !p2  }
0x275: {  	s26 =	sadd.s32 @!p3 $0x28, s2;
	s28 =	sand.u32 @!p1 $0x3FFF8, s24;
	s29 =	sshll.u32 @!p6 s18, $0x6  }
0x276: {  	s24 =	sand.u32 @!p1 $0x7, s24;
	[tilespmem:s2+$0x28] =	vst.add.f32.msk @!p3 $0xf, v1;
	s2 =	sadd.s32 @!p1 s1, s28;
	s28 =	sshra.s32 @!p6 s29, $0x2  }
0x277: {  	[hbm4b:s2+s24] =	stream.linear.scatter @!p1 [tilespmem:s26], [sflag:$0xA], $0x4, $0x38;
	[tilespmem:$0x1F0E8] =	vst v63  }
0x278: {  	s0 =	rddreg [dreg:$0x3];
	s2 =	sadd.s32 @!p6 $0x28, s28;
	s24 =	simm.s32 @!p6 $0x1  }
0x279: {  	[spmem:s0] =	stream.linear.scatter @!p6 [tilespmem:s2], [sflag:$0x1], $0x4, $0x38;
	[tilespmem:$0x1F0E8] =	vst v63  }
0x27a: {  	s0 =	sadd.s32 @p2 $0x1, s18;
	_ =	swait.ge @!p6 [sflag:s24], $0x4  }
0x27b: {  	s2 =	sshrl.u32 @p2 s0, $0x4;
	[sflag:s24] =	ssyncset.done @!p6 $0x0  }
0x27c: {  	s2 =	smulhi.u32 @p2 $0x97B425F, s2;
	[sflag:s24] =	ssyncadd.s32 @!p6 $0xFFFFFFFC  }
0x27d: {  	s24 =	sadd.s32 $0x1, s25;
	v1 =	vld.msk @p2 [tilespmem:s21+$0x0], $0xf  }
0x27e: {  	p1 =	por @p2 !p5, !p4;
	s2 =	smul.u32 @p2 $0x1B0, s2;
	p4 =	seq.s32 s24, $0x0  }
.Ltmp15:
0x27f: {  	p1 =	por !p1, !p2;
	s25 =	simm.s32 @!p3 $0x0;
	(pc) =	sbr.rel @p4 .LBB2_17-.Ltmp15, $4  }
0x280: {  	s26 =	sshll.u32 @!p2 s18, $0x6;
	s25 =	simm.s32 @!p1 $0x10;
	s0 =	ssub.s32 @p2 s0, s2  }
0x281: {  	s26 =	sshra.s32 @!p2 s26, $0x2;
	s28 =	sadd.s32 @!p3 $0x0, s25;
	s29 =	sshll.u32 @p2 s0, $0x4  }
0x282: {  	s25 =	simm.s32 $0x0;
	s2 =	simm.s32 @p2 $0x1;
	s28 =	smov.u32 @p3 s22;
	[tilespmem:s29+$0x28] =	vst.msk @p2 $0xf, v1  }
0x283: {  	s18 =	smov.u32 @p2 s0;
	s25 =	smov.u32 @p2 s28;
	s22 =	smov.u32 @p2 s2;
	v1 =	vld.msk @!p2 [tilespmem:s21+$0x0], $0xf  }
.LBB2_16:
0x284: {  	_ =	sdelay $0x3  }
0x285: {  	s19 =	sadd.s32 $0x1, s19;
	[tilespmem:s26+$0x28] =	vst.add.f32.msk @!p2 $0xf, v1  }
0x286: {  	v1 =	vld.msk [tilespmem:s19+$0x0], $0x1;
	_ =	sdelay $0x4  }
0x287: {  	(v2sf) =	vpush v1, $0x0;
	_ =	sdelay $0xe  }
0x288: {  	s0 =	smov.u32 s23;
	s23 =	spop (v2sf)  }
0x289: {  	p2 =	sne.s32 s0, s23  }
0x28a: {  	p5 =	sne.s32 @p2 s0, s20  }
0x28b: {  	p4 =	por !p5, !p2  }
0x28c: {  	s30 =	sshll.u32 @!p4 s22, $0x6  }
0x28d: {  	s30 =	sshra.s32 @!p4 s30, $0x2  }
0x28e: {  	p1 =	sgt.u32 @!p4 s0, $0x270FF;
	v1 =	vld.msk @!p4 [tilespmem:s30+$0x1B38], $0xf  }
0x28f: {  	s31 =	sshll.u32 @!p4 s18, $0x6;
	p6 =	por @p2 p1, !p5;
	p1 =	por @p2 !p1, !p5  }
0x290: {  	s5 =	simm.s32 @!p4 $0x0;
	s31 =	sshra.s32 @!p4 s31, $0x2;
	p1 =	por !p1, !p2  }
0x291: {  	p5 =	por p5, !p2;
	s5 =	simm.s32 @!p1 $0x10;
	p1 =	por p6, !p2  }
0x292: {  	s30 =	sadd.s32 @!p4 $0x28, s31;
	s6 =	sshll.u32 @!p5 s18, $0x6;
	s10 =	sand.u32 @!p1 $0x3FFF8, s0  }
0x293: {  	s6 =	sshra.s32 @!p5 s6, $0x2;
	s0 =	sand.u32 @!p1 $0x7, s0;
	s10 =	sadd.s32 @!p1 s1, s10;
	[tilespmem:s31+$0x28] =	vst.add.f32.msk @!p4 $0xf, v1  }
0x294: {  	[hbm4b:s10+s0] =	stream.linear.scatter @!p1 [tilespmem:s30], [sflag:$0xA], $0x4, $0x38;
	[tilespmem:$0x1F0E8] =	vst v63  }
0x295: {  	s2 =	rddreg [dreg:$0x3];
	s0 =	sadd.s32 @!p5 $0x28, s6;
	s6 =	simm.s32 @!p5 $0x1  }
0x296: {  	[spmem:s2] =	stream.linear.scatter @!p5 [tilespmem:s0], [sflag:$0x1], $0x4, $0x38;
	[tilespmem:$0x1F0E8] =	vst v63  }
0x297: {  	s28 =	sadd.s32 @p2 $0x1, s18;
	_ =	swait.ge @!p5 [sflag:s6], $0x4  }
0x298: {  	s29 =	sshrl.u32 @p2 s28, $0x4;
	[sflag:s6] =	ssyncset.done @!p5 $0x0  }
0x299: {  	s21 =	sadd.s32 $0x80, s21;
	s29 =	smulhi.u32 @p2 $0x97B425F, s29;
	[sflag:s6] =	ssyncadd.s32 @!p5 $0xFFFFFFFC  }
0x29a: {  	s24 =	sadd.s32 $0x1, s24;
	v1 =	vld.msk @p2 [tilespmem:s21+$0x0], $0xf  }
0x29b: {  	p3 =	seq.s32 s24, $0x0;
	s29 =	smul.u32 @p2 $0x1B0, s29  }
.Ltmp16:
0x29c: {  	_ = 	snop;
	(pc) =	sbr.rel @!p3 .LBB2_16-.Ltmp16, $4  }
0x29d: {  	s28 =	ssub.s32 @p2 s28, s29  }
0x29e: {  	s26 =	sshll.u32 @!p2 s18, $0x6;
	s5 =	sadd.s32 @!p4 s5, s25;
	s10 =	sshll.u32 @p2 s28, $0x4  }
0x29f: {  	s9 =	sadd.s32 @p2 $0x1, s22;
	s26 =	sshra.s32 @!p2 s26, $0x2;
	s5 =	smov.u32 @p4 s25;
	[tilespmem:s10+$0x28] =	vst.msk @p2 $0xf, v1  }
0x2a0: {  	s22 =	smov.u32 @p2 s9;
	s18 =	smov.u32 @p2 s28;
	s25 =	smov.u32 @p2 s5;
	v1 =	vld.msk @!p2 [tilespmem:s21+$0x0], $0xf  }
.LBB2_17:
.Ltmp17:
0x2a1: {  	_ = 	snop;
	(pc) =	sbr.rel .LBB2_19-.Ltmp17, $4  }
0x2a2: {  	s2 =	sld [smem:$0x7FD]  }
0x2a3: {  	s0 =	sshrl.u32 s25, $0x2  }
0x2a4: {  	s24 =	smov.u32 s23;
	s6 =	smov.u32 s8;
	s5 =	smov.u32 s12  }
0x2a5: {  	s8 =	smov.u32 s3;
	s3 =	rddreg [dreg:$0x4];
	p4 =	seq.s32 s2, $0x1;
	[tilespmem:s26+$0x28] =	vst.add.f32.msk @!p2 $0xf, v1  }
.LBB2_21:
0x2a6: {  	_ =	sfence.sel $0x180000  }
0x2a7: {  	s0 =	simm.s32 $0x7;
	[bflag:$0x0] =	sbarrier.arrive $0xFFFF  }
0x2a8: {  	s25 =	simm.s32 $0x8;
	[sflag:s0] =	ssyncpa.u1 $0x1  }
0x2a9: {  	s26 =	simm.s32 $0x9;
	[sflag:s25] =	ssyncpa.u1 $0x1  }
0x2aa: {  	s28 =	simm.s32 $0x2;
	[sflag:s26] =	ssyncpa.u1 $0x1  }
0x2ab: {  	[sflag:s28] =	ssyncpa.u1 $0x1  }
0x2ac: {  	v0 =	vld [tilespmem:$0x3648];
	_ =	sdelay $0x4  }
0x2ad: {  	(v2sf) =	vpush v0, $0x0  }
0x2ae: {  	(v2sf) =	vpush v0, $0x1;
	_ =	sdelay $0x1  }
0x2af: {  	(v2sf) =	vpush v0, $0x2;
	_ =	sdelay $0xb  }
0x2b0: {  	s0 =	spop (v2sf)  }
0x2b1: {  	s2 =	spop (v2sf)  }
0x2b2: {  	s3 =	smov.u32 s0;
	p0 =	sne.s32 s0, s2  }
0x2b3: {  	s4 =	spop (v2sf);
	s3 =	simm.s32 @!p0 $0xFFFFFFFF  }
0x2b4: {  	v2 =	vimm.s32 $0x1;
	v3 =	vlaneseq.u32;
	p0 =	seq.s32 s4, $0xFFFFFFFF;
	v1 =	vmov s3  }
0x2b5: {  	s7 =	stileid.u32;
	v0 =	vperm.xlane v0, v2;
	p1 =	sne.s32 @!p0 s0, s2;
	v1 =	vperm.xlane v1, v3  }
0x2b6: {  	vm0 =	vcmask $0x3F04;
	s6 =	simm.s32 $0x3648;
	s0 =	simm.s32 @!p0 $0x1;
	p1 =	por !p1, p0  }
0x2b7: {  	s3 =	sshll.u32 s7, $0x1;
	s2 =	sshll.u32 @!p0 s4, $0x6;
	s0 =	simm.s32 @p1 $0x0;
	v0 =	vsel vm0, v1, v0  }
0x2b8: {  	s5 =	sor.u32 $0x200, s3;
	s2 =	sshra.s32 @!p0 s2, $0x2;
	s0 =	sor.u32 @!p0 s0, s3;
	[tilespmem:$0x3648] =	vst v0  }
0x2b9: {  	[spmem:s5] =	stream.linear.scatter [tilespmem:s6], [sflag:$0x1], $0x2, $0x38;
	[tilespmem:$0x1F0E8] =	vst v63  }
0x2ba: {  	s2 =	sadd.s32 @!p0 $0x28, s2;
	s0 =	sshll.u32 @!p0 s0, $0x4  }
0x2bb: {  	[spmem:s0] =	stream.linear.scatter @!p0 [tilespmem:s2], [sflag:$0x1], $0x10, $0x38;
	[tilespmem:$0x1F0E8] =	vst v63  }
0x2bc: {  	s0 =	simm.s32 @!p0 $0x12  }
0x2bd: {  	s3 =	simm.s32 $0x1;
	s0 =	simm.s32 @p0 $0x2  }
0x2be: {  	_ =	swait.ge [sflag:s3], s0  }
0x2bf: {  	s0 =	ssub.s32 $0x0, s0;
	[sflag:s3] =	ssyncset.done $0x0  }
0x2c0: {  	[sflag:s3] =	ssyncadd.s32 s0  }
0x2c1: {  	_ =	sfence.stream.spmem  }
0x2c2: {  	s29 =	simm.s32 $0x3;
	[bflag:$0x0] =	sbarrier.arrive $0xFFFF  }
0x2c3: {  	s30 =	simm.s32 $0x4;
	[sflag:s29] =	ssyncpa.u1 $0x1  }
0x2c4: {  	s31 =	simm.s32 $0x3C;
	[sflag:s30] =	ssyncpa.u1 $0x1  }
0x2c5: {  	p0 =	sne.s32 s7, $0x0;
	[sflag:s31] =	ssyncpa.u1 $0x1  }
0x2c6: {  	_ =	sfence @p0  }
0x2c7: {  	[sflag:s3] =	ssyncpa.u1 @p0 $0x1  }
0x2c8: {  	_ =	strace @p0 $0x9000004A  }
0x2c9: {  	[bflag:$0x2] =	sbarrier.arrive @p0 $0xFFFF  }
0x2ca: {  	_ =	shalt @p0  }
.LBB2_22:
0x2cb: {  	_ =	sfence.stream.spmem;
	s0 =	simm.s32 $0x5  }
0x2cc: {  	s2 =	simm.s32 $0x200;
	s3 =	simm.s32 $0x3658;
	[sflag:s0] =	ssyncpa.u1 $0x0  }
0x2cd: {  	[tilespmem:s3], [sflag:$0x5] =	stream.linear.gather [spmem:s2], $0x20, $0x38;
	[tilespmem:$0x1F0E8] =	vst v63  }
0x2ce: {  	s30 =	simm.s32 $0x3678;
	s2 =	simm.s32 $0x0  }
0x2cf: {  	[tilespmem:s30], [sflag:$0x5] =	stream.linear.gather [spmem:s2], $0x200, $0x38;
	[tilespmem:$0x1F0E8] =	vst v63  }
.Ltmp18:
0x2d0: {  	_ = 	snop;
	(pc) =	sbr.rel .LBB2_23-.Ltmp18, $4  }
0x2d1: {  	_ =	swait.ge [sflag:s0], $0x220  }
0x2d2: {  	[sflag:s0] =	ssyncset.done $0x0  }
0x2d3: {  	s31 =	simm.s32 $0x6;
	[sflag:s0] =	ssyncadd.s32 $0xFFFFFDE0  }
0x2d4: {  	s3 =	simm.s32 $0x0;
	[sflag:s31] =	ssyncpa.u1 $0x0  }
.LBB2_28:
0x2d5: {  	p0 =	slt.u32 s4, $0x27100  }
0x2d6: {  	s0 =	sand.u32 @p0 $0x3FFF8, s4  }
0x2d7: {  	s4 =	sand.u32 @p0 $0x7, s4;
	s5 =	simm.s32 @p0 $0x3638;
	s0 =	sadd.s32 @p0 s1, s0  }
0x2d8: {  	[tilespmem:s5], [sflag:$0x6] =	stream.linear.gather @p0 [hbm4b:s0+s4], $0x4, $0x38;
	[tilespmem:$0x1F0E8] =	vst v63  }
0x2d9: {  	s0 =	simm.s32 @p0 $0x6  }
0x2da: {  	_ =	swait.ge @p0 [sflag:s0], $0x4  }
0x2db: {  	[sflag:s0] =	ssyncset.done @p0 $0x0  }
0x2dc: {  	[sflag:s0] =	ssyncadd.s32 @p0 $0xFFFFFFFC  }
0x2dd: {  	v1 =	vld @p0 [tilespmem:$0x3638];
	_ =	sdelay $0x2  }
0x2de: {  	s0 =	sshll.u32 @p0 s3, $0x6  }
0x2df: {  	s5 =	sshll.u32 @!p0 s3, $0x6;
	s4 =	sshrl.u32 @p0 s0, $0x2  }
0x2e0: {  	s5 =	smov.u32 @p0 s0;
	[tilespmem:s4+$0x3678] =	vst.add.f32.msk @p0 $0xffff, v1  }
0x2e1: {  	s0 =	sshrl.u32 s5, $0x2;
	[tilespmem:s2+$0x3658] =	vst.msk $0x1, v0  }
0x2e2: {  	v0 =	vld [tilespmem:s0+$0x3678];
	_ =	sdelay $0x2  }
0x2e3: {  	s31 =	sshll.u32 s2, $0x6  }
0x2e4: {  	s0 =	sshra.s32 s31, $0x2  }
0x2e5: {  	s2 =	sadd.s32 $0x1, s2;
	[tilespmem:s0+$0x3678] =	vst v0  }
.LBB2_30:
0x2e6: {  	s3 =	sadd.s32 $0x1, s3  }
0x2e7: {  	p0 =	sne.s32 s3, $0x20  }
.Ltmp19:
0x2e8: {  	_ = 	snop;
	(pc) =	sbr.rel @!p0 .LBB2_31-.Ltmp19, $1  }
0x2e9: {  	_ =	sdelay $0x3  }
.LBB2_23:
0x2ea: {  	v0 =	vld.msk [tilespmem:s3+$0x3658], $0x1;
	_ =	sdelay $0x4  }
0x2eb: {  	(v2sf) =	vpush v0, $0x0;
	_ =	sdelay $0xe  }
0x2ec: {  	s4 =	spop (v2sf)  }
0x2ed: {  	p0 =	seq.s32 s4, $0xFFFFFFFF  }
.Ltmp20:
0x2ee: {  	_ = 	snop;
	(pc) =	sbr.rel @p0 .LBB2_30-.Ltmp20, $1  }
0x2ef: {  	_ =	sdelay $0x3  }
0x2f0: {  	p0 =	slt.s32 s2, $0x1  }
.Ltmp21:
0x2f1: {  	_ = 	snop;
	(pc) =	sbr.rel @p0 .LBB2_28-.Ltmp21, $1  }
0x2f2: {  	_ =	sdelay $0x3  }
0x2f3: {  	s5 =	simm.s32 $0x3658;
	p0 =	por $0x0, $0x0  }
0x2f4: {  	v1 =	vld.msk @!p0 [tilespmem:s5+$0x0], $0x1;
	_ =	sdelay $0x4  }
0x2f5: {  	(v2sf) =	vpush @!p0 v1, $0x0;
	_ =	sdelay $0xd  }
0x2f6: {  	p2 =	sne.s32 s2, $0x1  }
.Ltmp22:
0x2f7: {  	s0 =	spop @!p0 (v2sf);
	(pc) =	sbr.rel @!p2 .LBB2_27-.Ltmp22, $4  }
0x2f8: {  	p1 =	seq.s32 @!p0 s4, s0  }
0x2f9: {  	s6 =	simm.s32 $0x0;
	p1 =	por !p1, p0  }
0x2fa: {  	s0 =	simm.s32 $0xFFFFFFFF;
	s6 =	simm.s32 @p1 $0xFFFFFFFF  }
0x2fb: {  	s7 =	simm.s32 $0x1;
	s6 =	smov.u32 @p0 s0  }
.LBB2_26:
0x2fc: {  	s0 =	smov.u32 s6;
	p0 =	sne.s32 s6, $0xFFFFFFFF  }
0x2fd: {  	s5 =	sadd.s32 $0x1, s5;
	s6 =	smov.u32 s7;
	s7 =	sadd.s32 $0x1, s7  }
0x2fe: {  	p1 =	sne.s32 s2, s7;
	v1 =	vld.msk @!p0 [tilespmem:s5+$0x0], $0x1;
	_ =	sdelay $0x4  }
0x2ff: {  	(v2sf) =	vpush @!p0 v1, $0x0;
	_ =	sdelay $0xe  }
.Ltmp23:
0x300: {  	s8 =	spop @!p0 (v2sf);
	(pc) =	sbr.rel @p1 .LBB2_26-.Ltmp23, $4  }
0x301: {  	p2 =	seq.s32 @!p0 s4, s8  }
0x302: {  	p2 =	por !p2, p0  }
0x303: {  	s6 =	simm.s32 @p2 $0xFFFFFFFF  }
0x304: {  	s6 =	smov.u32 @p0 s0  }
.LBB2_27:
0x305: {  	p0 =	sne.s32 s6, $0xFFFFFFFF  }
.Ltmp24:
0x306: {  	_ = 	snop;
	(pc) =	sbr.rel @!p0 .LBB2_28-.Ltmp24, $1  }
0x307: {  	_ =	sdelay $0x3  }
0x308: {  	s0 =	sshll.u32 s3, $0x4  }
0x309: {  	s0 =	sand.u32 $0x3FFFFFF0, s0  }
0x30a: {  	v0 =	vld [tilespmem:s0+$0x3678]  }
.Ltmp25:
0x30b: {  	_ = 	snop;
	(pc) =	sbr.rel .LBB2_30-.Ltmp25, $4  }
0x30c: {  	_ = 	snop  }
0x30d: {  	s31 =	sshll.u32 s6, $0x6  }
0x30e: {  	s0 =	sshra.s32 s31, $0x2  }
0x30f: {  	[tilespmem:s0+$0x3678] =	vst.add.f32.msk $0xffff, v0  }
.LBB2_31:
0x310: {  	p0 =	slt.s32 s2, $0x1  }
.Ltmp26:
0x311: {  	_ = 	snop;
	(pc) =	sbr.rel @p0 .LBB2_35-.Ltmp26, $3  }
0x312: {  	_ =	sdelay $0x1  }
0x313: {  	s0 =	simm.s32 $0x6  }
0x314: {  	s3 =	simm.s32 $0x0;
	[sflag:s0] =	ssyncpa.u1 $0x1  }
0x315: {  	s0 =	simm.s32 $0x3658  }
0x316: {  	v0 =	vld.msk [tilespmem:s0+$0x0], $0x1;
	_ =	sdelay $0x4  }
0x317: {  	(v2sf) =	vpush v0, $0x0;
	_ =	sdelay $0xd  }
0x318: {  	s2 =	sadd.s32 $0xFFFFFFFF, s2  }
0x319: {  	p1 =	sne.s32 s2, $0x0;
	s0 =	spop (v2sf)  }
.Ltmp27:
0x31a: {  	p0 =	sgt.u32 s0, $0x270FF;
	(pc) =	sbr.rel @!p1 .LBB2_34-.Ltmp27, $4  }
0x31b: {  	s4 =	simm.s32 $0x3678;
	s5 =	sand.u32 @!p0 $0x3FFF8, s0  }
0x31c: {  	s6 =	simm.s32 $0x0;
	s0 =	sand.u32 @!p0 $0x7, s0;
	s5 =	sadd.s32 @!p0 s1, s5  }
0x31d: {  	[hbm4b:s5+s0] =	stream.linear.scatter @!p0 [tilespmem:s4], [sflag:$0x5], $0x4, $0x38;
	[tilespmem:$0x1F0E8] =	vst v63  }
0x31e: {  	s6 =	simm.s32 @!p0 $0x10;
	s5 =	simm.s32 $0x3659  }
.LBB2_33:
0x31f: {  	v0 =	vld.msk [tilespmem:s5+$0x0], $0x1;
	s2 =	sadd.s32 $0xFFFFFFFF, s2;
	s3 =	sadd.s32 s3, s6  }
0x320: {  	p0 =	sne.s32 s2, $0x0;
	_ =	sdelay $0x3  }
0x321: {  	(v2sf) =	vpush v0, $0x0;
	_ =	sdelay $0xe  }
.Ltmp28:
0x322: {  	s0 =	spop (v2sf);
	(pc) =	sbr.rel @p0 .LBB2_33-.Ltmp28, $4  }
0x323: {  	s6 =	simm.s32 $0x0;
	p1 =	sgt.u32 s0, $0x270FF  }
0x324: {  	s4 =	sadd.s32 $0x10, s4;
	s6 =	simm.s32 @!p1 $0x10;
	s7 =	sand.u32 @!p1 $0x3FFF8, s0  }
0x325: {  	s5 =	sadd.s32 $0x1, s5;
	s0 =	sand.u32 @!p1 $0x7, s0;
	s7 =	sadd.s32 @!p1 s1, s7  }
0x326: {  	[hbm4b:s7+s0] =	stream.linear.scatter @!p1 [tilespmem:s4], [sflag:$0x5], $0x4, $0x38;
	[tilespmem:$0x1F0E8] =	vst v63  }
.LBB2_34:
0x327: {  	s0 =	sadd.s32 s3, s6  }
0x328: {  	s3 =	sshrl.u32 s0, $0x2  }
.LBB2_35:
0x329: {  	s0 =	simm.s32 $0x5  }
0x32a: {  	_ =	swait.ge [sflag:s0], s3  }
0x32b: {  	s1 =	ssub.s32 $0x0, s3;
	[sflag:s0] =	ssyncset.done $0x0  }
0x32c: {  	[sflag:s0] =	ssyncadd.s32 s1  }
0x32d: {  	[sflag:s0] =	ssyncpa.u1 $0x1  }
0x32e: {  	s30 =	simm.s32 $0x1;
	_ =	sfence  }
0x32f: {  	[sflag:s30] =	ssyncpa.u1 $0x1  }
0x330: {  	_ =	strace $0x9000004A  }
0x331: {  	[bflag:$0x2] =	sbarrier.arrive $0xFFFF  }
0x332: {  	s31 =	rddreg [dreg:$0x2]  }
0x333: {  	s0 =	sadd.s32 $0x100000, s31  }
0x334: {  	[sflag:s0] =	ssyncadd.tile.s32 $0x1;
	_ =	shalt  }
.Lfunc_end2:
_tile_overlayer_lowered:
.L_overlay_start_2:
0x335: {  	(tag) =	ssettag $0x2  }
0x336: {  	s0 =	rddreg [dreg:$0x0];
	s2 =	stileid.u32  }
0x337: {  	s1 =	rddreg [dreg:$0x1];
	p0 =	sne.s32 s2, $0x0  }
0x338: {  	s3 =	rddreg [dreg:$0x2];
	[bflag:$0x3] =	sbarrier.arrive $0xFFFF;
	s2 =	simm.s32 @!p0 $0x1C01  }
0x339: {  	[timem:s3], [sflag:s2] =	dma.local @!p0 [hbm:s0], s1  }
0x33a: {  	s0 =	simm.s32 @!p0 $0x1  }
0x33b: {  	_ =	swait.ge @!p0 [sflag:s0], s1  }
0x33c: {  	s1 =	ssub.s32 @!p0 $0x0, s1;
	[sflag:s0] =	ssyncset.done @!p0 $0x0  }
0x33d: {  	[sflag:s0] =	ssyncadd.s32 @!p0 s1  }
0x33e: {  	[bflag:$0x3] =	sbarrier.arrive $0xFFFF  }
0x33f: {  	_ =	shalt  }

// kernel: sparse-core-data-format-call.1.cloned.1.call-start
scs
called_computation.8_lowered:
.L_overlay_start_0:
0x0: {  	s1 =	sld [smem:$0x3FD9]  }
0x1: {  	s2 =	sld [smem:$0x3FFE];
	_ =	sdelay $0x1  }
0x2: {  	s3 =	srdreg.scid  }
0x3: {  	s0 =	sand.u32 $0x1, s3  }
0x4: {  	s17 =	sshll.u32 s0, $0xA;
	s1 =	sadd.s32 s2, s1  }
0x5: {  	s1 =	sadd.s32 s1, s17  }
0x6: {  	[smem:$0x3FBE] =	sst s1  }
0x7: {  	_ = 	snop  }
0x8: {  	(tm) =	ssettm $0x1  }
0x9: {  	s18 =	sld [smem:$0x3FFB];
	_ =	sdelay $0x3  }
0xa: {  	_ =	strace s18  }
0xb: {  	s1 =	sld [smem:$0x3FFC];
	_ =	sdelay $0x3  }
0xc: {  	_ =	strace s1  }
0xd: {  	s1 =	sld [smem:$0x3FFD];
	_ =	sdelay $0x3  }
0xe: {  	_ =	strace s1  }
0xf: {  	_ =	strace $0x8FFFFFFF  }
0x10: {  	s19 =	sld [smem:$0x3FDB];
	_ =	sdelay $0x1  }
0x11: {  	s20 =	simm.s32 $_scs_section_size  }
0x12: {  	s4 =	simm.s32 $_size__tile_overlayer_lowered;
	s5 =	simm.s32 $_tile_overlayer_lowered  }
0x13: {  	s23 =	simm.s32 $0x1BFF;
	s22 =	sshll.u32 s5, $0x1;
	s1 =	sadd.s32 s20, s19  }
0x14: {  	s6 =	simm.s32 $0x0;
	s21 =	sshll.u32 s4, $0x1;
	s4 =	sadd.s32 s22, s1  }
0x15: {  	[timem:s6], [sflag:s23] =	dma.local [hbm:s4], s21  }
0x16: {  	_ =	swait.ge [sflag:s23], s21  }
0x17: {  	s2 =	ssub.s32 $0x0, s21;
	[sflag:s23] =	ssyncset.done $0x0  }
0x18: {  	[sflag:s23] =	ssyncadd.s32 s2;
	_ =	sdelay $0x1  }
0x19: {  	s24 =	simm.s32 $0x1B8B  }
0x1a: {  	_ =	swait.ge [sflag:s24], $0x1  }
0x1b: {  	[sflag:s24] =	ssyncset.done $0x0  }
0x1c: {  	s26 =	simm.s32 $0x1B8E;
	s25 =	sld [smem:$0x3FFE];
	[sflag:s24] =	ssyncadd.s32 $0xFFFFFFFF  }
0x1d: {  	s27 =	simm.s32 $execute0_lowered;
	[smem:$0x3FD2] =	sst s26  }
0x1e: {  	s4 =	sshll.u32 s27, $0x1;
	_ =	strace $0x80000046;
	[dreg:$0x1] =	wrdreg $0xFFFFFFFF  }
0x1f: {  	s28 =	simm.s32 $_size_execute0_lowered;
	s1 =	sadd.s32 s1, s4;
	[dreg:$0x0] =	wrdreg $0x0  }
0x20: {  	s4 =	sshll.u32 s28, $0x1;
	[dreg:$0x2] =	wrdreg s1  }
0x21: {  	[dreg:$0x3] =	wrdreg s4  }
0x22: {  	[dreg:$0x4] =	wrdreg $0xC0  }
0x23: {  	_ =	task [dreg:s6], $0x5FFFF  }
0x24: {  	[dreg:$0x1] =	wrdreg $0xFFFFFFFF  }
0x25: {  	[dreg:$0x0] =	wrdreg $0x60  }
0x26: {  	[dreg:$0x2] =	wrdreg s25  }
0x27: {  	[dreg:$0x3] =	wrdreg $0x12  }
0x28: {  	_ =	task.clear_ibuf [dreg:s6], $0x4FFFF;
	_ =	strace $0x90000046  }
0x29: {  	s29 =	simm.s32 $0x12;
	_ =	strace $0x80000048  }
0x2a: {  	_ =	swait.ge [sflag:s29], $0x1  }
0x2b: {  	[sflag:s29] =	ssyncadd.s32 $0xFFFFFFFF  }
0x2c: {  	_ =	strace $0x90000048  }
0x2d: {  	_ =	sfence  }
0x2e: {  	s30 =	sld [smem:$0x0];
	_ =	sdelay $0x2  }
0x2f: {  	s31 =	sshll.u32 s3, $0xD;
	s3 =	sshrl.u32 s3, $0x2  }
0x30: {  	s2 =	sand.u32 $0x4000, s31;
	s1 =	sadd.s32 s3, s30  }
0x31: {  	s0 =	sor.u32 s2, s0;
	s1 =	sshll.u32 s1, $0x11  }
0x32: {  	s0 =	sor.u32 s1, s0  }
0x33: {  	s0 =	sadd.s32 $0x8F2B, s0  }
0x34: {  	[sflag:s0] =	ssyncadd.remote.s32 $0x1  }
0x35: {  	_ =	sfence.sel $0xFFFF  }
0x36: {  	[dreg:$0x0] =	wrdreg $0xFFFFFFFF;
	(pc) =	sbr.abs _section_cstart, $3  }
0x37: {  	[dreg:$0x1] =	wrdreg $0xFFFFFFFF  }
0x38: {  	_ =	task.clear_ibuf [dreg:s6], $0x2FFFF;
	_ =	strace $0x9FFFFFFF  }
0x39: {  	(tm) =	ssettm $0x7FFFFFFF  }
tec
execute0_lowered:
.L_overlay_start_1:
0x0: {  	(tag) =	ssettag $0x1  }
0x1: {  	s0 =	stileid.u32  }
0x2: {  	s1 =	srdreg.scid;
	s4 =	rddreg [dreg:$0x0];
	s9 =	simm.s32 $0x2  }
0x3: {  	s18 =	simm.s32 $0x0;
	p0 =	por $0x0, $0x0;
	s10 =	simm.s32 $0x800  }
0x4: {  	s19 =	simm.s32 $0x0;
	s20 =	simm.s32 $0x0;
	s11 =	simm.s32 $0x0  }
0x5: {  	s12 =	simm.s32 $0x0;
	s13 =	simm.s32 $0x0;
	s17 =	simm.s32 $0x0  }
0x6: {  	s2 =	sshll.u32 s0, $0x5;
	s3 =	sshll.u32 s0, $0x4;
	s1 =	sshll.u32 s1, $0x8  }
0x7: {  	s8 =	sand.u32 $0x3, s0;
	s2 =	sand.u32 $0x80, s2;
	s1 =	sor.u32 s3, s1  }
0x8: {  	s16 =	smov.u32 s8;
	s3 =	sand.u32 $0x180, s1;
	s31 =	ssub.s32 $0x100, s2  }
0x9: {  	s5 =	sshrl.u32 s31, $0x7;
	s6 =	ssub.s32 $0x2700, s3;
	s7 =	sshrl.u32 s31, $0x8  }
.Ltmp0:
0xa: {  	s5 =	sand.u32 $0x1, s5;
	s6 =	sshrl.u32 s6, $0x9;
	(pc) =	sbr.rel .LBB1_1-.Ltmp0, $4  }
0xb: {  	s1 =	rddreg [dreg:$0x1];
	s7 =	sadd.s32 s7, s5;
	s6 =	sadd.s32 $0x1, s6  }
0xc: {  	_ =	strace $0x80000047;
	s5 =	simm.s32 $0x1;
	s6 =	smul.u32 s7, s6  }
0xd: {  	s15 =	smov.u32 s2;
	s14 =	smov.u32 s3;
	[sflag:s5] =	ssyncpa.u1 $0x0  }
0xe: {  	s7 =	sadd.s32 $0x138800, s4;
	[sflag:s9] =	ssyncpa.u1 $0x0;
	s9 =	sadd.s32 $0x1, s6  }
.LBB1_4:
0xf: {  	s26 =	sshll.u32 s11, $0x8;
	s27 =	sshll.u32 s12, $0x3;
	s28 =	sshll.u32 s11, $0x7  }
0x10: {  	p1 =	sgt.s32 s13, $0x3;
	s29 =	smov.u32 s13;
	s25 =	sshra.s32 s25, $0x2  }
0x11: {  	p2 =	sgt.s32 s12, $0x80;
	s26 =	sand.u32 $0xFFFFF800, s26;
	s27 =	sand.u32 $0xFFFFFC00, s27  }
0x12: {  	s30 =	sand.u32 $0x300, s28;
	s29 =	simm.s32 @!p1 $0x3;
	s26 =	sadd.s32 s27, s26  }
0x13: {  	s24 =	sadd.s32 s25, s24;
	s26 =	sor.u32 s30, s26;
	s30 =	sshra.s32 s13, $0x1F  }
0x14: {  	s28 =	sand.u32 $0x80, s28;
	s26 =	sshrl.u32 s26, $0x8;
	s30 =	sand.u32 s30, s13  }
0x15: {  	s31 =	smulhi.u32 $0x1A36E3, s26;
	s27 =	ssub.s32 s29, s30;
	s30 =	smov.u32 s12  }
0x16: {  	s29 =	sadd.s32 $0xFFFFFFFD, s27;
	s30 =	simm.s32 @!p2 $0x80;
	p2 =	sgt.s32 s11, $0x2690  }
0x17: {  	v5 =	vld [tilespmem:s22+$0xFFFFFFD0];
	[tilespmem:s23+$0x2040 ss:$0x81] =	vst.msk $0xffff, v4;
	s27 =	ssub.s32 $0x4, s27;
	s25 =	sshrl.u32 s31, $0x2;
	s31 =	sshra.s32 s12, $0x1F  }
0x18: {  	v58 =	vld [tilespmem:s22+$0xFFFFFFE0];
	[tilespmem:s23+$0x2850 ss:$0x81] =	vst.msk $0xffff, v3;
	p1 =	sgt.s32 s29, $0x0;
	s29 =	sand.u32 s31, s12;
	s31 =	smov.u32 s11  }
0x19: {  	v59 =	vld [tilespmem:s22+$0xFFFFFFF0];
	[tilespmem:s23+$0x3060 ss:$0x81] =	vst.msk $0xffff, v2;
	s27 =	simm.s32 @p1 $0x0;
	s29 =	ssub.s32 s30, s29;
	s30 =	sshra.s32 s11, $0x1F  }
0x1a: {  	[tilespmem:s23+$0x0 ss:$0x81] =	vst.msk $0xffff, v1;
	v60 =	vld [tilespmem:s22+$0x0];
	s25 =	smul.u32 $0x2710, s25;
	s31 =	simm.s32 @!p2 $0x2690;
	s30 =	sand.u32 s30, s11  }
0x1b: {  	v61 =	vld [tilespmem:s22+$0x10];
	[tilespmem:s24+$0x3870 ss:$0x81] =	vst.msk $0xffff, v0;
	s23 =	ssub.s32 s31, s30;
	s31 =	sadd.s32 $0xFFFFFF80, s29;
	s29 =	ssub.s32 $0x100, s29  }
0x1c: {  	v62 =	vld [tilespmem:s22+$0x20];
	[tilespmem:s24+$0x810 ss:$0x81] =	vst.msk $0xffff, v5;
	s30 =	sand.u32 $0x78, s12;
	p1 =	sgt.s32 s31, $0x7F;
	s31 =	sadd.s32 $0xFFFFD970, s23  }
0x1d: {  	v63 =	vld [tilespmem:s22+$0xFFFFFFC0];
	[tilespmem:s24+$0x1020 ss:$0x81] =	vst.msk $0xffff, v58;
	p2 =	sgt.s32 s31, $0x7F;
	s29 =	simm.s32 @p1 $0x0;
	s31 =	smul.u32 $0x4E200, s13  }
0x1e: {  	[tilespmem:s24+$0x1830 ss:$0x81] =	vst.msk $0xffff, v59;
	s23 =	ssub.s32 $0x2710, s23;
	s22 =	sor.u32 s30, s28;
	s27 =	smul.u32 s27, s29  }
0x1f: {  	[tilespmem:s24+$0x2040 ss:$0x81] =	vst.msk $0xffff, v60;
	s25 =	ssub.s32 s26, s25;
	s22 =	sshrl.u32 s22, $0x3;
	s23 =	simm.s32 @p2 $0x0  }
0x20: {  	[tilespmem:s24+$0x2850 ss:$0x81] =	vst.msk $0xffff, v61;
	s29 =	sand.u32 $0x7, s12;
	s28 =	sadd.s32 s4, s31;
	s23 =	smul.u32 s23, s27  }
0x21: {  	[tilespmem:s24+$0x3060 ss:$0x81] =	vst.msk $0xffff, v62;
	s25 =	sshll.u32 s25, $0x5;
	s30 =	sshll.u32 s29, $0x12;
	s22 =	sadd.s32 s22, s28  }
0x22: {  	[tilespmem:s24+$0x0 ss:$0x81] =	vst.msk $0xffff, v63;
	s31 =	sor.u32 $0x400, s30;
	s22 =	sadd.s32 s25, s22;
	s23 =	sand.u32 $0x3FFFFFFF, s23  }
0x23: {  	[hbm4b:s22+s31] =	stream.strided.scatter [tilespmem:s21], [sflag:$0x2], s23, s10, s31, $0x20;
	[tilespmem:$0x10100] =	vst v63  }
.LBB1_5:
0x24: {  	p1 =	slt.u32 s17, $0x2  }
0x25: {  	p2 =	sgt.s32 @!p1 s20, $0x3  }
0x26: {  	s21 =	smov.u32 s20;
	s22 =	sshra.s32 @!p1 s20, $0x1F;
	p2 =	por !p2, p1  }
0x27: {  	s20 =	sand.u32 @!p1 s22, s20;
	s21 =	simm.s32 @p2 $0x3  }
0x28: {  	p3 =	sgt.s32 @!p1 s19, $0x80;
	s20 =	ssub.s32 @!p1 s21, s20  }
0x29: {  	p3 =	por !p3, p1;
	s22 =	sshra.s32 @!p1 s19, $0x1F;
	s21 =	sadd.s32 @!p1 $0xFFFFFFFD, s20  }
0x2a: {  	s20 =	ssub.s32 @!p1 $0x4, s20;
	p2 =	sgt.s32 @!p1 s21, $0x0;
	s21 =	smov.u32 s19  }
0x2b: {  	s19 =	sand.u32 @!p1 s22, s19;
	s21 =	simm.s32 @p3 $0x80;
	p3 =	sgt.s32 @!p1 s18, $0x2690  }
0x2c: {  	s22 =	smov.u32 s18;
	p2 =	por !p2, p1;
	p3 =	por !p3, p1  }
0x2d: {  	s19 =	ssub.s32 @!p1 s21, s19;
	s21 =	sshra.s32 @!p1 s18, $0x1F;
	s20 =	simm.s32 @!p2 $0x0  }
0x2e: {  	s22 =	simm.s32 @p3 $0x2690;
	s18 =	sand.u32 @!p1 s21, s18;
	s21 =	sadd.s32 @!p1 $0xFFFFFF80, s19  }
0x2f: {  	s19 =	ssub.s32 @!p1 $0x100, s19;
	s18 =	ssub.s32 @!p1 s22, s18;
	p2 =	sgt.s32 @!p1 s21, $0x7F  }
0x30: {  	s22 =	smov.u32 s15;
	s21 =	sadd.s32 @!p1 $0xFFFFD970, s18;
	p2 =	por !p2, p1  }
0x31: {  	s18 =	ssub.s32 @!p1 $0x2710, s18;
	p3 =	sgt.s32 @!p1 s21, $0x7F;
	s19 =	simm.s32 @!p2 $0x0  }
0x32: {  	s21 =	sadd.s32 $0x200, s14;
	p2 =	por !p3, p1;
	s19 =	smul.u32 @!p1 s20, s19  }
0x33: {  	s20 =	sadd.s32 $0x100, s15;
	s18 =	simm.s32 @!p2 $0x0;
	p2 =	sgt.s32 s21, $0x270F  }
0x34: {  	s23 =	smov.u32 s16;
	s22 =	smov.u32 @p2 s20  }
0x35: {  	s18 =	smul.u32 @!p1 s18, s19;
	s19 =	sadd.s32 $0x4, s16;
	p3 =	sgt.s32 s22, $0xFF  }
0x36: {  	p0 =	por !p0, !p0;
	s24 =	simm.s32 @!p1 $0x2;
	s23 =	smov.u32 @p3 s19  }
0x37: {  	s21 =	smov.u32 @p2 s3;
	s20 =	smov.u32 s13;
	p2 =	sgt.s32 s23, $0x3  }
0x38: {  	s13 =	smov.u32 s16;
	s23 =	smov.u32 @p2 s8;
	p2 =	sne.s32 s17, s9  }
.Ltmp1:
0x39: {  	s18 =	sand.u32 @!p1 $0x3FFFFFFF, s18;
	s22 =	smov.u32 @p3 s2;
	(pc) =	sbr.rel @!p2 .LBB1_6-.Ltmp1, $4  }
0x3a: {  	s19 =	smov.u32 s12;
	s12 =	smov.u32 s15;
	_ =	swait.ge @!p1 [sflag:s24], s18  }
0x3b: {  	s25 =	ssub.s32 @!p1 $0x0, s18;
	s18 =	smov.u32 s11;
	s11 =	smov.u32 s14  }
0x3c: {  	s14 =	smov.u32 s21;
	s15 =	smov.u32 s22;
	[sflag:s24] =	ssyncset.done @!p1 $0x0  }
0x3d: {  	s17 =	sadd.s32 $0x1, s17;
	[sflag:s24] =	ssyncadd.s32 @!p1 s25;
	s16 =	smov.u32 s23  }
.LBB1_1:
0x3e: {  	p1 =	sge.u32 s17, s6  }
0x3f: {  	s21 =	sshrl.u32 @!p1 s15, $0x3  }
0x40: {  	s22 =	sshll.u32 @!p1 s14, $0x3;
	s21 =	smul.u32 @!p1 $0x13C00, s21  }
0x41: {  	s23 =	sshll.u32 @!p1 s15, $0x7;
	s22 =	sand.u32 @!p1 $0xFFFFFC00, s22  }
0x42: {  	s21 =	sadd.s32 @!p1 s21, s22;
	s22 =	sand.u32 @!p1 $0x380, s23  }
0x43: {  	s23 =	sand.u32 @!p1 $0x7F, s14;
	s21 =	sor.u32 @!p1 s22, s21  }
0x44: {  	s22 =	sor.u32 @!p1 s23, s21  }
0x45: {  	s23 =	smulhi.u32 @!p1 $0xCF6474A9, s22  }
0x46: {  	s21 =	smulhi.u32 @!p1 $0xCF6474A9, s21  }
0x47: {  	s23 =	sshrl.u32 @!p1 s23, $0xD  }
0x48: {  	s31 =	sadd.s32 $0xFFFFFFFF, s17;
	s21 =	sshrl.u32 @!p1 s21, $0xD;
	s23 =	smul.u32 @!p1 $0x2780, s23  }
0x49: {  	s24 =	sxor.u32 @!p1 $0xFFFFFFFF, s17;
	s25 =	smul.u32 @!p1 $0x4F000, s16;
	s21 =	sand.u32 @!p1 $0xFF, s21  }
0x4a: {  	s24 =	sshll.u32 @!p1 s24, $0xE;
	s21 =	smul.u32 @!p1 $0x4F0, s21;
	s22 =	ssub.s32 @!p1 s22, s23  }
0x4b: {  	s23 =	sand.u32 @!p1 $0x4000, s24;
	s24 =	sadd.s32 @!p1 s7, s25;
	s25 =	sand.u32 @!p1 $0x7, s22  }
0x4c: {  	s22 =	sshrl.u32 @!p1 s22, $0x3;
	s21 =	sadd.s32 @!p1 s21, s24;
	s24 =	sshll.u32 @!p1 s25, $0x12  }
0x4d: {  	s21 =	sadd.s32 @!p1 s22, s21;
	s22 =	sor.u32 @!p1 $0x400, s24;
	s24 =	simm.s32 @!p1 $0x13C00  }
0x4e: {  	[tilespmem:s23], [sflag:$0x1] =	stream.strided.gather @!p1 [hbm4b:s21+s22], $0x4000, s24, s22, $0x38;
	[tilespmem:$0x10100] =	vst v63  }
0x4f: {  	p1 =	sge.u32 s31, s6  }
.Ltmp2:
0x50: {  	_ = 	snop;
	(pc) =	sbr.rel @p1 .LBB1_5-.Ltmp2, $1  }
0x51: {  	_ =	sdelay $0x3  }
0x52: {  	s21 =	simm.s32 $0x1  }
0x53: {  	_ =	swait.ge [sflag:s5], $0x4000;
	s21 =	simm.s32 @!p0 $0x0  }
0x54: {  	[sflag:s5] =	ssyncset.done $0x0;
	s22 =	sshll.u32 s21, $0xE  }
0x55: {  	[sflag:s5] =	ssyncadd.s32 $0xFFFFC000;
	s22 =	sor.u32 $0x40, s22  }
0x56: {  	s21 =	smul.u32 $0x10200, s21;
	v0 =	vld [tilespmem:s22+$0x30]  }
0x57: {  	v1 =	vld [tilespmem:s22+$0xFFFFFFD0]  }
0x58: {  	s21 =	sshrl.u32 s21, $0x2;
	v5 =	vld [tilespmem:s22+$0xFFFFFFE0]  }
0x59: {  	v6 =	vld [tilespmem:s22+$0xFFFFFFF0];
	s24 =	sor.u32 $0x8000, s21  }
0x5a: {  	s31 =	sand.u32 $0x1, s17;
	v4 =	vld [tilespmem:s22+$0x0];
	s23 =	sadd.s32 $0x0, s24  }
0x5b: {  	v3 =	vld [tilespmem:s22+$0x10];
	s21 =	smul.u32 $0x10200, s31;
	[tilespmem:s23+$0x3870 ss:$0x81] =	vst.msk $0xffff, v0  }
0x5c: {  	v2 =	vld [tilespmem:s22+$0x20];
	[tilespmem:s23+$0x810 ss:$0x81] =	vst.msk $0xffff, v1  }
0x5d: {  	s21 =	sshrl.u32 s21, $0x2;
	v1 =	vld [tilespmem:s22+$0xFFFFFFC0];
	[tilespmem:s23+$0x1020 ss:$0x81] =	vst.msk $0xffff, v5;
	s22 =	sadd.s32 $0x80, s22  }
0x5e: {  	s25 =	simm.s32 $0x4;
	s26 =	simm.s32 $0x8;
	s21 =	sor.u32 $0x8000, s21;
	[tilespmem:s23+$0x1830 ss:$0x81] =	vst.msk $0xffff, v6;
	v0 =	vld [tilespmem:s22+$0x30]  }
.LBB1_3:
0x5f: {  	p1 =	sne.s32 s26, $0x1FC;
	v5 =	vld [tilespmem:s22+$0xFFFFFFD0];
	[tilespmem:s23+$0x2040 ss:$0x81] =	vst.msk $0xffff, v4  }
0x60: {  	v6 =	vld [tilespmem:s22+$0xFFFFFFE0];
	[tilespmem:s23+$0x2850 ss:$0x81] =	vst.msk $0xffff, v3  }
0x61: {  	s27 =	sshra.s32 s25, $0x2;
	s25 =	smov.u32 s26;
	v7 =	vld [tilespmem:s22+$0xFFFFFFF0];
	[tilespmem:s23+$0x3060 ss:$0x81] =	vst.msk $0xffff, v2  }
.Ltmp3:
0x62: {  	v4 =	vld [tilespmem:s22+$0x0];
	[tilespmem:s23+$0x0 ss:$0x81] =	vst.msk $0xffff, v1;
	s23 =	sadd.s32 s27, s24;
	(pc) =	sbr.rel @p1 .LBB1_3-.Ltmp3, $4  }
0x63: {  	v3 =	vld [tilespmem:s22+$0x10];
	[tilespmem:s23+$0x3870 ss:$0x81] =	vst.msk $0xffff, v0  }
0x64: {  	[tilespmem:s23+$0x810 ss:$0x81] =	vst.msk $0xffff, v5;
	v2 =	vld [tilespmem:s22+$0x20]  }
0x65: {  	v1 =	vld [tilespmem:s22+$0xFFFFFFC0];
	[tilespmem:s23+$0x1020 ss:$0x81] =	vst.msk $0xffff, v6;
	s22 =	sadd.s32 $0x80, s22  }
0x66: {  	s26 =	sadd.s32 $0x4, s26;
	v0 =	vld [tilespmem:s22+$0x30];
	[tilespmem:s23+$0x1830 ss:$0x81] =	vst.msk $0xffff, v7  }
.Ltmp4:
0x67: {  	_ = 	snop;
	(pc) =	sbr.rel .LBB1_4-.Ltmp4, $1  }
0x68: {  	_ =	sdelay $0x3  }
.LBB1_6:
0x69: {  	_ =	sfence.sel $0x180000  }
0x6a: {  	s2 =	simm.s32 $0x1;
	[bflag:$0x0] =	sbarrier.arrive $0xFFFF  }
0x6b: {  	s31 =	simm.s32 $0x2;
	[sflag:s2] =	ssyncpa.u1 $0x1  }
0x6c: {  	[sflag:s31] =	ssyncpa.u1 $0x1  }
0x6d: {  	p0 =	sne.s32 s0, $0x0;
	_ =	strace $0x90000047  }
0x6e: {  	s0 =	sadd.s32 @!p0 $0x100000, s1;
	[bflag:$0x2] =	sbarrier.arrive $0xFFFF  }
0x6f: {  	[sflag:s0] =	ssyncadd.tile.s32 @!p0 $0x1;
	_ =	shalt  }
.Lfunc_end1:
_tile_overlayer_lowered:
.L_overlay_start_2:
0x70: {  	(tag) =	ssettag $0x2  }
0x71: {  	s0 =	rddreg [dreg:$0x0];
	s2 =	stileid.u32  }
0x72: {  	s1 =	rddreg [dreg:$0x1];
	p0 =	sne.s32 s2, $0x0  }
0x73: {  	s3 =	rddreg [dreg:$0x2];
	[bflag:$0x3] =	sbarrier.arrive $0xFFFF;
	s2 =	simm.s32 @!p0 $0x1C01  }
0x74: {  	[timem:s3], [sflag:s2] =	dma.local @!p0 [hbm:s0], s1  }
0x75: {  	s0 =	simm.s32 @!p0 $0x1  }
0x76: {  	_ =	swait.ge @!p0 [sflag:s0], s1  }
0x77: {  	s1 =	ssub.s32 @!p0 $0x0, s1;
	[sflag:s0] =	ssyncset.done @!p0 $0x0  }
0x78: {  	[sflag:s0] =	ssyncadd.s32 @!p0 s1  }
0x79: {  	[bflag:$0x3] =	sbarrier.arrive $0xFFFF  }
0x7a: {  	_ =	shalt  }

// kernel: sparse-core-data-format-call.cloned.1.call-start
scs
called_computation.7_lowered:
.L_overlay_start_0:
0x0: {  	s1 =	sld [smem:$0x3FD9]  }
0x1: {  	s2 =	sld [smem:$0x3FFE];
	_ =	sdelay $0x1  }
0x2: {  	s3 =	srdreg.scid  }
0x3: {  	s0 =	sand.u32 $0x1, s3  }
0x4: {  	s17 =	sshll.u32 s0, $0xA;
	s1 =	sadd.s32 s2, s1  }
0x5: {  	s1 =	sadd.s32 s1, s17  }
0x6: {  	[smem:$0x3FBE] =	sst s1  }
0x7: {  	_ = 	snop  }
0x8: {  	(tm) =	ssettm $0x1  }
0x9: {  	s18 =	sld [smem:$0x3FFB];
	_ =	sdelay $0x3  }
0xa: {  	_ =	strace s18  }
0xb: {  	s1 =	sld [smem:$0x3FFC];
	_ =	sdelay $0x3  }
0xc: {  	_ =	strace s1  }
0xd: {  	s1 =	sld [smem:$0x3FFD];
	_ =	sdelay $0x3  }
0xe: {  	_ =	strace s1  }
0xf: {  	_ =	strace $0x8FFFFFFF  }
0x10: {  	s19 =	sld [smem:$0x3FDB];
	_ =	sdelay $0x1  }
0x11: {  	s20 =	simm.s32 $_scs_section_size  }
0x12: {  	s4 =	simm.s32 $_size__tile_overlayer_lowered;
	s5 =	simm.s32 $_tile_overlayer_lowered  }
0x13: {  	s23 =	simm.s32 $0x1BFF;
	s22 =	sshll.u32 s5, $0x1;
	s1 =	sadd.s32 s20, s19  }
0x14: {  	s6 =	simm.s32 $0x0;
	s21 =	sshll.u32 s4, $0x1;
	s4 =	sadd.s32 s22, s1  }
0x15: {  	[timem:s6], [sflag:s23] =	dma.local [hbm:s4], s21  }
0x16: {  	_ =	swait.ge [sflag:s23], s21  }
0x17: {  	s2 =	ssub.s32 $0x0, s21;
	[sflag:s23] =	ssyncset.done $0x0  }
0x18: {  	[sflag:s23] =	ssyncadd.s32 s2;
	_ =	sdelay $0x1  }
0x19: {  	s24 =	simm.s32 $0x1B8B  }
0x1a: {  	_ =	swait.ge [sflag:s24], $0x1  }
0x1b: {  	[sflag:s24] =	ssyncset.done $0x0  }
0x1c: {  	s26 =	simm.s32 $0x1B8E;
	s25 =	sld [smem:$0x3FFE];
	[sflag:s24] =	ssyncadd.s32 $0xFFFFFFFF  }
0x1d: {  	s27 =	simm.s32 $execute0_lowered;
	[smem:$0x3FD2] =	sst s26  }
0x1e: {  	s4 =	sshll.u32 s27, $0x1;
	_ =	strace $0x80000064;
	[dreg:$0x1] =	wrdreg $0xFFFFFFFF  }
0x1f: {  	s28 =	simm.s32 $_size_execute0_lowered;
	s1 =	sadd.s32 s1, s4;
	[dreg:$0x0] =	wrdreg $0x0  }
0x20: {  	s4 =	sshll.u32 s28, $0x1;
	[dreg:$0x2] =	wrdreg s1  }
0x21: {  	[dreg:$0x3] =	wrdreg s4  }
0x22: {  	[dreg:$0x4] =	wrdreg $0xC0  }
0x23: {  	_ =	task [dreg:s6], $0x5FFFF  }
0x24: {  	[dreg:$0x1] =	wrdreg $0xFFFFFFFF  }
0x25: {  	[dreg:$0x0] =	wrdreg $0x60  }
0x26: {  	[dreg:$0x2] =	wrdreg s25  }
0x27: {  	[dreg:$0x3] =	wrdreg $0x9  }
0x28: {  	_ =	task.clear_ibuf [dreg:s6], $0x4FFFF;
	_ =	strace $0x90000064  }
0x29: {  	s29 =	simm.s32 $0x9;
	_ =	strace $0x80000066  }
0x2a: {  	_ =	swait.ge [sflag:s29], $0x1  }
0x2b: {  	[sflag:s29] =	ssyncadd.s32 $0xFFFFFFFF  }
0x2c: {  	_ =	strace $0x90000066  }
0x2d: {  	_ =	sfence  }
0x2e: {  	s30 =	sld [smem:$0x0];
	_ =	sdelay $0x2  }
0x2f: {  	s31 =	sshll.u32 s3, $0xD;
	s3 =	sshrl.u32 s3, $0x2  }
0x30: {  	s2 =	sand.u32 $0x4000, s31;
	s1 =	sadd.s32 s3, s30  }
0x31: {  	s0 =	sor.u32 s2, s0;
	s1 =	sshll.u32 s1, $0x11  }
0x32: {  	s0 =	sor.u32 s1, s0  }
0x33: {  	s0 =	sadd.s32 $0x8F2B, s0  }
0x34: {  	[sflag:s0] =	ssyncadd.remote.s32 $0x1  }
0x35: {  	_ =	sfence.sel $0xFFFF  }
0x36: {  	[dreg:$0x0] =	wrdreg $0xFFFFFFFF;
	(pc) =	sbr.abs _section_cstart, $3  }
0x37: {  	[dreg:$0x1] =	wrdreg $0xFFFFFFFF  }
0x38: {  	_ =	task.clear_ibuf [dreg:s6], $0x2FFFF;
	_ =	strace $0x9FFFFFFF  }
0x39: {  	(tm) =	ssettm $0x7FFFFFFF  }
tec
execute0_lowered:
.L_overlay_start_1:
0x0: {  	(tag) =	ssettag $0x1  }
0x1: {  	s0 =	srdreg.scid  }
0x2: {  	s0 =	sshll.u32 s0, $0x4  }
0x3: {  	s1 =	stileid.u32;
	s0 =	sand.u32 $0x10, s0  }
0x4: {  	s2 =	rddreg [dreg:$0x0];
	s0 =	sor.u32 s1, s0  }
0x5: {  	_ =	strace $0x80000065;
	s3 =	simm.s32 $0x1;
	s4 =	sshll.u32 s0, $0x1  }
0x6: {  	s6 =	simm.s32 $0x2;
	s12 =	simm.s32 $0x0;
	s0 =	ssub.s32 $0x4E2, s4  }
0x7: {  	s13 =	simm.s32 $0x0;
	[sflag:s3] =	ssyncpa.u1 $0x0;
	s31 =	sand.u32 $0x3E, s0  }
.Ltmp0:
0x8: {  	s1 =	simm.s32 $0x1;
	p0 =	sne.s32 s31, $0x0;
	(pc) =	sbr.rel .LBB1_1-.Ltmp0, $4  }
0x9: {  	s5 =	sadd.s32 $0x138800, s2;
	s0 =	sshrl.u32 s0, $0x6;
	s1 =	simm.s32 @!p0 $0x0  }
0xa: {  	[sflag:s6] =	ssyncpa.u1 $0x0;
	[dreg:$0x3] =	wrdreg s5;
	s6 =	sadd.s32 s1, s0  }
0xb: {  	s10 =	simm.s32 $0x0;
	[dreg:$0x2] =	wrdreg s4;
	s7 =	sadd.s32 $0x1, s6  }
0xc: {  	s11 =	simm.s32 $0x0;
	s9 =	smov.u32 s4;
	[dreg:$0x4] =	wrdreg s7  }
.LBB1_9:
0xd: {  	s0 =	sadd.s32 $0x40, s9  }
0xe: {  	s2 =	sadd.s32 $0x4, s10;
	s3 =	smov.u32 s10;
	p1 =	sgt.s32 s0, $0x4E1  }
0xf: {  	s3 =	smov.u32 @p1 s2  }
0x10: {  	s0 =	smov.u32 @p1 s4;
	p1 =	sgt.s32 s3, $0x3  }
0x11: {  	s3 =	simm.s32 @p1 $0x0;
	p1 =	sne.s32 s11, s7  }
.Ltmp1:
0x12: {  	p0 =	slt.u32 s11, $0x2;
	(pc) =	sbr.rel @!p1 .LBB1_10-.Ltmp1, $4  }
0x13: {  	s1 =	simm.s32 @!p0 $0x2  }
0x14: {  	s12 =	smov.u32 s9;
	_ =	swait.ge @!p0 [sflag:s1], $0x4000  }
0x15: {  	s13 =	smov.u32 s10;
	[sflag:s1] =	ssyncset.done @!p0 $0x0;
	s9 =	smov.u32 s0  }
0x16: {  	s11 =	sadd.s32 $0x1, s11;
	[sflag:s1] =	ssyncadd.s32 @!p0 $0xFFFFC000;
	s10 =	smov.u32 s3  }
.LBB1_1:
0x17: {  	p0 =	sge.u32 s11, s6  }
0x18: {  	s1 =	smul.u32 @!p0 $0x4E200, s10  }
0x19: {  	s31 =	sadd.s32 $0xFFFFFFFF, s11;
	s0 =	sxor.u32 @!p0 $0xFFFFFFFF, s11;
	s8 =	sshll.u32 @!p0 s9, $0x8  }
0x1a: {  	s14 =	simm.s32 @!p0 $0x271000;
	s0 =	sshll.u32 @!p0 s0, $0xE;
	s1 =	sadd.s32 @!p0 s5, s1  }
0x1b: {  	s0 =	sand.u32 @!p0 $0x4000, s0;
	s1 =	sadd.s32 @!p0 s8, s1;
	s8 =	simm.s32 @!p0 $0x1000  }
0x1c: {  	[tilespmem:s0], [sflag:$0x1] =	stream.strided.gather @!p0 [hbm4b:s1+s8], $0x4000, s14, s8, $0x38;
	[tilespmem:$0x10000] =	vst v63  }
0x1d: {  	p0 =	sge.u32 s31, s6  }
.Ltmp2:
0x1e: {  	_ = 	snop;
	(pc) =	sbr.rel @p0 .LBB1_9-.Ltmp2, $1  }
0x1f: {  	_ =	sdelay $0x3  }
0x20: {  	s1 =	simm.s32 $0x1  }
0x21: {  	s0 =	sshll.u32 s11, $0xE;
	_ =	swait.ge [sflag:s1], $0x4000  }
0x22: {  	s15 =	sand.u32 $0x4000, s0;
	[sflag:s1] =	ssyncset.done $0x0  }
0x23: {  	s16 =	simm.s32 $0x0;
	s14 =	sor.u32 $0x8000, s15;
	[sflag:s1] =	ssyncadd.s32 $0xFFFFC000  }
.LBB1_3:
0x24: {  	s0 =	sshll.u32 s16, $0xC;
	s1 =	sshll.u32 s16, $0xB  }
0x25: {  	p1 =	por $0x1, $0x1;
	s0 =	sand.u32 $0x3FFFF000, s0;
	s31 =	sand.u32 $0x3FFFF800, s1  }
0x26: {  	s17 =	sadd.s32 s0, s15;
	s18 =	sadd.s32 s31, s14;
	s0 =	simm.s32 $0x0  }
.LBB1_4:
0x27: {  	s0 =	sshll.u32 s0, $0xD  }
0x28: {  	s8 =	simm.s32 $0x410;
	s2 =	simm.s32 $0x470;
	s21 =	simm.s32 $0x460  }
0x29: {  	s4 =	simm.s32 $0x450;
	p0 =	por p1, p1;
	s1 =	sand.u32 $0x3FFFE000, s0  }
0x2a: {  	s0 =	sshra.s32 s0, $0x2;
	s24 =	sand.u32 $0x700, s8;
	s25 =	sand.u32 $0x90, s8  }
0x2b: {  	s3 =	sand.u32 $0xF0, s2;
	s8 =	sand.u32 $0x700, s2;
	s19 =	sadd.s32 s1, s18  }
0x2c: {  	s5 =	sand.u32 $0xE0, s21;
	s20 =	sadd.s32 s0, s17;
	s26 =	sadd.s32 s24, s19  }
0x2d: {  	s1 =	sadd.s32 s24, s20;
	s23 =	sadd.s32 s8, s20;
	s8 =	sadd.s32 s8, s19  }
0x2e: {  	s24 =	sand.u32 $0x700, s21;
	s21 =	simm.s32 $0x420;
	s22 =	sadd.s32 s25, s26  }
0x2f: {  	s0 =	sadd.s32 s25, s1;
	s2 =	sadd.s32 s3, s23;
	s23 =	sadd.s32 s3, s8  }
0x30: {  	s7 =	sadd.s32 s24, s19;
	s25 =	sand.u32 $0x700, s4;
	s26 =	sadd.s32 s24, s20  }
0x31: {  	s1 =	sand.u32 $0xD0, s4;
	s30 =	sand.u32 $0xA0, s21;
	s24 =	sadd.s32 s5, s7  }
0x32: {  	s3 =	sadd.s32 s25, s19;
	s4 =	sadd.s32 s5, s26;
	s5 =	simm.s32 $0x440  }
0x33: {  	s7 =	sadd.s32 s25, s20;
	s25 =	sadd.s32 s1, s3;
	s3 =	sand.u32 $0xC0, s5  }
0x34: {  	s8 =	sand.u32 $0x700, s5;
	s28 =	sadd.s32 s1, s7;
	s5 =	simm.s32 $0x430  }
0x35: {  	s7 =	sadd.s32 s8, s20;
	s8 =	sadd.s32 s8, s19;
	s27 =	sand.u32 $0x700, s5  }
0x36: {  	s29 =	sadd.s32 s3, s7;
	s26 =	sadd.s32 s3, s8;
	s3 =	sand.u32 $0xB0, s5  }
0x37: {  	v0 =	vld [tilespmem:s0+$0x0];
	s5 =	sadd.s32 s27, s19;
	s7 =	sand.u32 $0x700, s21;
	s31 =	sadd.s32 s27, s20  }
0x38: {  	v2 =	vld [tilespmem:s2+$0x0];
	s8 =	simm.s32 $0x0;
	s21 =	simm.s32 $0x490;
	s27 =	sadd.s32 s3, s5  }
0x39: {  	v1 =	vld [tilespmem:s4+$0x0];
	s1 =	sadd.s32 s7, s19;
	s31 =	sadd.s32 s3, s31;
	s0 =	sadd.s32 s7, s20  }
.LBB1_5:
0x3a: {  	p1 =	sne.s32 s21, $0x790;
	s2 =	sand.u32 $0x300, s8;
	s1 =	sadd.s32 s30, s1;
	v3 =	vld [tilespmem:s28+$0x0]  }
0x3b: {  	s4 =	sadd.s32 s2, s20;
	s28 =	sadd.s32 s2, s19;
	s2 =	sor.u32 $0x400, s2;
	v4 =	vld [tilespmem:s29+$0x0]  }
0x3c: {  	s8 =	sand.u32 $0x80, s8;
	s0 =	sadd.s32 s30, s0;
	s29 =	sadd.s32 s2, s20;
	[tilespmem:s22+$0x0] =	vst v0;
	v0 =	vld [tilespmem:s31+$0x0]  }
0x3d: {  	s30 =	sor.u32 $0x20, s8;
	s22 =	sor.u32 $0x10, s8;
	s29 =	sadd.s32 s8, s29;
	v5 =	vld [tilespmem:s0+$0x0];
	[tilespmem:s23+$0x0] =	vst v2  }
0x3e: {  	s31 =	sor.u32 $0x50, s8;
	s0 =	sor.u32 $0x30, s8;
	s23 =	sor.u32 $0x40, s8;
	v2 =	vld [tilespmem:s29+$0x0];
	[tilespmem:s24+$0x0] =	vst v1  }
0x3f: {  	s5 =	sor.u32 $0x70, s8;
	s24 =	sadd.s32 s8, s4;
	s29 =	sor.u32 $0x60, s8;
	[tilespmem:s25+$0x0] =	vst v3  }
0x40: {  	s7 =	sadd.s32 s0, s4;
	s25 =	sadd.s32 s30, s4;
	v1 =	vld [tilespmem:s24+$0x0];
	s24 =	sadd.s32 s22, s4;
	[tilespmem:s26+$0x0] =	vst v4  }
0x41: {  	s2 =	sadd.s32 s2, s19;
	s26 =	sadd.s32 s31, s4;
	v3 =	vld [tilespmem:s24+$0x0];
	s24 =	sadd.s32 s23, s4;
	[tilespmem:s27+$0x0] =	vst v0  }
0x42: {  	s2 =	sadd.s32 s8, s2;
	v0 =	vld [tilespmem:s25+$0x0];
	s25 =	sadd.s32 s29, s4;
	s4 =	sadd.s32 s5, s4;
	[tilespmem:s1+$0x0] =	vst v5  }
0x43: {  	s27 =	sadd.s32 s30, s28;
	s1 =	sadd.s32 s8, s28;
	s8 =	sadd.s32 s22, s28;
	v4 =	vld [tilespmem:s7+$0x0];
	[tilespmem:s2+$0x0] =	vst v2  }
0x44: {  	s0 =	sadd.s32 s0, s28;
	s2 =	sadd.s32 s23, s28;
	s7 =	sadd.s32 s31, s28;
	v2 =	vld [tilespmem:s24+$0x0]  }
0x45: {  	s22 =	sand.u32 $0x700, s21;
	s5 =	sadd.s32 s5, s28;
	[tilespmem:s1+$0x0] =	vst v1;
	v1 =	vld [tilespmem:s26+$0x0];
	s1 =	sadd.s32 s29, s28  }
0x46: {  	s23 =	sand.u32 $0x90, s21;
	s24 =	sadd.s32 s22, s19;
	[tilespmem:s8+$0x0] =	vst v3;
	v3 =	vld [tilespmem:s25+$0x0];
	s8 =	sadd.s32 s22, s20  }
0x47: {  	s22 =	sadd.s32 s23, s24;
	s24 =	sadd.s32 $0x60, s21;
	[tilespmem:s27+$0x0] =	vst v0;
	v0 =	vld [tilespmem:s4+$0x0];
	s4 =	sadd.s32 s23, s8  }
0x48: {  	s8 =	sand.u32 $0xF0, s24;
	s23 =	sand.u32 $0x700, s24;
	[tilespmem:s0+$0x0] =	vst v4;
	s0 =	sadd.s32 $0x50, s21  }
0x49: {  	s24 =	sadd.s32 s23, s20;
	s23 =	sadd.s32 s23, s19;
	[tilespmem:s2+$0x0] =	vst v2;
	s2 =	sand.u32 $0x700, s0  }
0x4a: {  	s3 =	sadd.s32 s8, s24;
	s23 =	sadd.s32 s8, s23;
	s0 =	sand.u32 $0xE0, s0;
	[tilespmem:s7+$0x0] =	vst v1  }
0x4b: {  	s7 =	sadd.s32 $0x40, s21;
	s8 =	sadd.s32 s2, s19;
	s2 =	sadd.s32 s2, s20;
	[tilespmem:s1+$0x0] =	vst v3  }
0x4c: {  	s1 =	sand.u32 $0x700, s7;
	s24 =	sadd.s32 s0, s8;
	s2 =	sadd.s32 s0, s2;
	[tilespmem:s5+$0x0] =	vst v0  }
0x4d: {  	s0 =	sadd.s32 $0x30, s21;
	s5 =	sand.u32 $0xD0, s7;
	s7 =	sadd.s32 s1, s19  }
0x4e: {  	s1 =	sadd.s32 s1, s20;
	s25 =	sadd.s32 s5, s7;
	s7 =	sand.u32 $0xC0, s0  }
0x4f: {  	s0 =	sand.u32 $0x700, s0;
	s28 =	sadd.s32 s5, s1;
	s1 =	sadd.s32 $0x20, s21  }
0x50: {  	s5 =	sadd.s32 s0, s20;
	s0 =	sadd.s32 s0, s19;
	s8 =	sand.u32 $0x700, s1  }
.Ltmp3:
0x51: {  	s29 =	sadd.s32 s7, s5;
	s26 =	sadd.s32 s7, s0;
	(pc) =	sbr.rel @p1 .LBB1_5-.Ltmp3, $4  }
0x52: {  	s0 =	sadd.s32 $0x10, s21;
	s5 =	sand.u32 $0xB0, s1;
	s1 =	sadd.s32 s8, s19  }
0x53: {  	s7 =	sadd.s32 s8, s20;
	s27 =	sadd.s32 s5, s1;
	v0 =	vld [tilespmem:s4+$0x0];
	s4 =	sand.u32 $0x700, s0  }
0x54: {  	s30 =	sand.u32 $0xA0, s0;
	s31 =	sadd.s32 s5, s7;
	s1 =	sadd.s32 s4, s19;
	v2 =	vld [tilespmem:s3+$0x0]  }
0x55: {  	s8 =	sadd.s32 $0xFFFFFBF0, s21;
	s21 =	sadd.s32 $0x80, s21;
	s0 =	sadd.s32 s4, s20;
	v1 =	vld [tilespmem:s2+$0x0]  }
0x56: {  	v3 =	vld [tilespmem:s28+$0x0]  }
0x57: {  	s2 =	sand.u32 $0x300, s8;
	v4 =	vld [tilespmem:s29+$0x0];
	s4 =	sand.u32 $0x80, s8  }
0x58: {  	s0 =	sadd.s32 s30, s0;
	v54 =	vld [tilespmem:s31+$0x0];
	s7 =	sadd.s32 s2, s20;
	s8 =	sor.u32 $0x20, s4;
	[tilespmem:s22+$0x0] =	vst v0  }
0x59: {  	s3 =	sor.u32 $0x400, s2;
	v5 =	vld [tilespmem:s0+$0x0];
	s28 =	sor.u32 $0x30, s4;
	s21 =	sadd.s32 s8, s7;
	[tilespmem:s23+$0x0] =	vst v2  }
0x5a: {  	s5 =	sadd.s32 s3, s20;
	s29 =	sadd.s32 s28, s7;
	v58 =	vld [tilespmem:s21+$0x0];
	[tilespmem:s24+$0x0] =	vst v1  }
0x5b: {  	s1 =	sadd.s32 s30, s1;
	s5 =	sadd.s32 s4, s5;
	v59 =	vld [tilespmem:s29+$0x0];
	[tilespmem:s25+$0x0] =	vst v3  }
0x5c: {  	s2 =	sadd.s32 s2, s19;
	s23 =	sor.u32 $0x10, s4;
	v55 =	vld [tilespmem:s5+$0x0];
	s24 =	sadd.s32 s4, s7;
	[tilespmem:s26+$0x0] =	vst v4  }
0x5d: {  	s3 =	sadd.s32 s3, s19;
	s5 =	sor.u32 $0x40, s4;
	v56 =	vld [tilespmem:s24+$0x0];
	s25 =	sadd.s32 s23, s7;
	[tilespmem:s27+$0x0] =	vst v54  }
0x5e: {  	s19 =	sor.u32 $0x50, s4;
	s8 =	sadd.s32 s8, s2;
	s30 =	sadd.s32 s5, s7;
	v57 =	vld [tilespmem:s25+$0x0];
	[tilespmem:s1+$0x0] =	vst v5  }
0x5f: {  	s31 =	sor.u32 $0x60, s4;
	s28 =	sadd.s32 s28, s2;
	s24 =	sadd.s32 s19, s7;
	v60 =	vld [tilespmem:s30+$0x0];
	[tilespmem:s8+$0x0] =	vst v58  }
0x60: {  	s3 =	sadd.s32 s4, s3;
	s26 =	sor.u32 $0x70, s4;
	s27 =	sadd.s32 s31, s7;
	v61 =	vld [tilespmem:s24+$0x0];
	[tilespmem:s28+$0x0] =	vst v59  }
0x61: {  	s25 =	sadd.s32 s4, s2;
	s7 =	sadd.s32 s26, s7;
	v62 =	vld [tilespmem:s27+$0x0];
	[tilespmem:s3+$0x0] =	vst v55  }
0x62: {  	s0 =	sadd.s32 s23, s2;
	v63 =	vld [tilespmem:s7+$0x0];
	[tilespmem:s25+$0x0] =	vst v56  }
.Ltmp4:
0x63: {  	s29 =	sadd.s32 s5, s2;
	[tilespmem:s0+$0x0] =	vst v57;
	(pc) =	sbr.rel @p0 .LBB1_4-.Ltmp4, $4  }
0x64: {  	s30 =	sadd.s32 s19, s2;
	[tilespmem:s29+$0x0] =	vst v60  }
0x65: {  	s1 =	sadd.s32 s31, s2;
	[tilespmem:s30+$0x0] =	vst v61  }
0x66: {  	s31 =	sadd.s32 s26, s2;
	[tilespmem:s1+$0x0] =	vst v62  }
0x67: {  	p1 =	por $0x0, $0x0;
	s0 =	simm.s32 $0x1;
	[tilespmem:s31+$0x0] =	vst v63  }
0x68: {  	s16 =	sadd.s32 $0x1, s16  }
0x69: {  	p0 =	sne.s32 s16, $0x4  }
.Ltmp5:
0x6a: {  	_ = 	snop;
	(pc) =	sbr.rel @p0 .LBB1_3-.Ltmp5, $1  }
0x6b: {  	_ =	sdelay $0x3  }
.Ltmp6:
0x6c: {  	s2 =	rddreg [dreg:$0x0];
	(pc) =	sbr.rel .LBB1_9-.Ltmp6, $4  }
0x6d: {  	s0 =	sshll.u32 s13, $0x8;
	s4 =	rddreg [dreg:$0x2]  }
0x6e: {  	s1 =	sshll.u32 s12, $0xA;
	s5 =	rddreg [dreg:$0x3];
	s0 =	sadd.s32 s2, s0  }
0x6f: {  	s31 =	simm.s32 $0x0;
	s7 =	rddreg [dreg:$0x4];
	s0 =	sadd.s32 s1, s0  }
0x70: {  	[hbm4b:s0+s31] =	stream.linear.scatter [tilespmem:s14], [sflag:$0x2], $0x4000, $0x38;
	[tilespmem:$0x10000] =	vst v63  }
.LBB1_10:
0x71: {  	_ =	sfence.sel $0x180000  }
0x72: {  	s0 =	simm.s32 $0x1;
	[bflag:$0x0] =	sbarrier.arrive $0xFFFF  }
0x73: {  	s30 =	simm.s32 $0x2;
	[sflag:s0] =	ssyncpa.u1 $0x1  }
0x74: {  	[sflag:s30] =	ssyncpa.u1 $0x1  }
0x75: {  	_ =	strace $0x90000065  }
0x76: {  	s31 =	stileid.u32;
	[bflag:$0x2] =	sbarrier.arrive $0xFFFF  }
0x77: {  	p0 =	sne.s32 s31, $0x0;
	s0 =	rddreg [dreg:$0x1]  }
0x78: {  	s0 =	sadd.s32 @!p0 $0x100000, s0  }
0x79: {  	[sflag:s0] =	ssyncadd.tile.s32 @!p0 $0x1;
	_ =	shalt  }
.Lfunc_end1:
_tile_overlayer_lowered:
.L_overlay_start_2:
0x7a: {  	(tag) =	ssettag $0x2  }
0x7b: {  	s0 =	rddreg [dreg:$0x0];
	s2 =	stileid.u32  }
0x7c: {  	s1 =	rddreg [dreg:$0x1];
	p0 =	sne.s32 s2, $0x0  }
0x7d: {  	s3 =	rddreg [dreg:$0x2];
	[bflag:$0x3] =	sbarrier.arrive $0xFFFF;
	s2 =	simm.s32 @!p0 $0x1C01  }
0x7e: {  	[timem:s3], [sflag:s2] =	dma.local @!p0 [hbm:s0], s1  }
0x7f: {  	s0 =	simm.s32 @!p0 $0x1  }
0x80: {  	_ =	swait.ge @!p0 [sflag:s0], s1  }
0x81: {  	s1 =	ssub.s32 @!p0 $0x0, s1;
	[sflag:s0] =	ssyncset.done @!p0 $0x0  }
0x82: {  	[sflag:s0] =	ssyncadd.s32 @!p0 s1  }
0x83: {  	[bflag:$0x3] =	sbarrier.arrive $0xFFFF  }
0x84: {  	_ =	shalt  }

</sc_bundles>
